<compile_context>
chip_gen: v7x
topology: tpu7x:2x2x1
jax: 0.10.2.dev20260603
libtpu: 0.0.44.dev20260713+nightly
codegen_flags: <defaults>
</compile_context>

<pallas_src>
import functools

import jax
import jax.numpy as jnp
from jax import lax
from jax.experimental import pallas as pl
from jax.experimental.pallas import tpu as pltpu
from jax.experimental.pallas import tpu_sc as plsc

N = 10000
E = 320000
D = 128

NC = 2
NS = 16
NW = NC * NS
EPW = E // NW
K = 80
CPW = EPW // K
KF = 96
CPF = 105
EPWF = KF * CPF
EF = NW * EPWF
NPAD = 10112
RPS = NPAD // NS


@functools.lru_cache(maxsize=None)
def _build_sc_kernels():
    mesh = plsc.VectorSubcoreMesh(
        core_axis_name="c", subcore_axis_name="s",
        num_cores=NC, num_subcores=NS)

    @functools.partial(
        pl.kernel,
        out_type=jax.ShapeDtypeStruct((NC * 3 * NPAD,), jnp.float32),
        mesh=mesh,
        scratch_types=[
            pltpu.VMEM((K,), jnp.float32),
            [pltpu.VMEM((K,), jnp.int32) for _ in range(6)],
            pltpu.VMEM((RPS,), jnp.float32),
            pltpu.SemaphoreType.DMA,
            pltpu.VMEM_SHARED((NPAD,), jnp.float32),
            pltpu.VMEM_SHARED((NPAD,), jnp.float32),
            pltpu.VMEM_SHARED((NPAD,), jnp.float32),
        ],
    )
    def sc_degrees(dst_g, node, hedge, ones_hbm, z1_hbm, out,
                   ones_v, idx, bounce, sems, acc0, acc1, acc2):
        cid = lax.axis_index("c")
        sid = lax.axis_index("s")
        wid = cid * NS + sid
        row0 = sid * RPS
        pltpu.sync_copy(z1_hbm.at[pl.ds(row0, RPS)], bounce)
        for acc in (acc0, acc1, acc2):
            pltpu.sync_copy(bounce, acc.at[pl.ds(row0, RPS)])
        pltpu.sync_copy(ones_hbm, ones_v)
        plsc.subcore_barrier()

        def drain3(j):
            for _ in range(3):
                pltpu.make_async_copy(z1_hbm.at[pl.ds(0, K)], ones_v,
                                      sems).wait()

        def chunk(j, carry):
            for u in range(2):
                i = 2 * j + u
                o = 3 * u
                base = pl.multiple_of(wid * EPW + i * K, 8)

                @pl.when(i >= 2)
                def _():
                    drain3(i - 2)
                pltpu.sync_copy(dst_g.at[pl.ds(base, K)], idx[o])
                pltpu.sync_copy(node.at[pl.ds(base, K)], idx[o + 1])
                pltpu.sync_copy(hedge.at[pl.ds(base, K)], idx[o + 2])
                pltpu.async_copy(ones_v, acc0.at[idx[o]], sems, add=True)
                pltpu.async_copy(ones_v, acc1.at[idx[o + 1]], sems, add=True)
                pltpu.async_copy(ones_v, acc2.at[idx[o + 2]], sems, add=True)
            return carry

        lax.fori_loop(0, CPW // 2, chunk, 0)
        drain3(CPW - 3)
        base = pl.multiple_of(wid * EPW + (CPW - 1) * K, 8)
        pltpu.sync_copy(dst_g.at[pl.ds(base, K)], idx[0])
        pltpu.sync_copy(node.at[pl.ds(base, K)], idx[1])
        pltpu.sync_copy(hedge.at[pl.ds(base, K)], idx[2])
        pltpu.async_copy(ones_v, acc0.at[idx[0]], sems, add=True)
        pltpu.async_copy(ones_v, acc1.at[idx[1]], sems, add=True)
        pltpu.async_copy(ones_v, acc2.at[idx[2]], sems, add=True)
        drain3(CPW - 2)
        drain3(CPW - 1)
        plsc.subcore_barrier()
        for a, acc in enumerate((acc0, acc1, acc2)):
            pltpu.sync_copy(acc.at[pl.ds(row0, RPS)], bounce)
            dst_off = pl.multiple_of(cid * 3 * NPAD + a * NPAD + row0, 8)
            pltpu.sync_copy(bounce, out.at[pl.ds(dst_off, RPS)])

    @functools.partial(
        pl.kernel,
        out_type=jax.ShapeDtypeStruct((NC, NPAD, D), jnp.float32),
        mesh=mesh,
        scratch_types=[
            pltpu.VMEM((KF,), jnp.int32),
            pltpu.VMEM((KF,), jnp.int32),
            pltpu.VMEM((KF,), jnp.int32),
            pltpu.VMEM((KF,), jnp.int32),
            pltpu.VMEM((KF, D), jnp.float32),
            pltpu.VMEM((KF, D), jnp.float32),
            pltpu.SemaphoreType.DMA,
            pltpu.SemaphoreType.DMA,
            pltpu.VMEM_SHARED((NPAD, D), jnp.float32),
        ],
    )
    def sc_segsum(table, src, dst, z128_hbm, out,
                  s0, d0, s1, d1, rows0, rows1, semg, sems, acc):
        cid = lax.axis_index("c")
        sid = lax.axis_index("s")
        wid = cid * NS + sid
        row0 = sid * RPS
        pltpu.sync_copy(z128_hbm.at[pl.ds(row0, RPS)], acc.at[pl.ds(row0, RPS)])
        plsc.subcore_barrier()

        def drain_scat(buf):
            pltpu.make_async_copy(z128_hbm.at[pl.ds(0, KF)], buf, sems).wait()

        def load_idx(i, sv, dv):
            base = pl.multiple_of(wid * EPWF + i * KF, 8)
            pltpu.sync_copy(src.at[pl.ds(base, KF)], sv)
            pltpu.sync_copy(dst.at[pl.ds(base, KF)], dv)

        load_idx(0, s0, d0)

        def pair(j, carry):
            i0 = 2 * j
            g0 = pltpu.async_copy(table.at[s0], rows0, semg)

            @pl.when(j > 0)
            def _():
                drain_scat(rows1)
            load_idx(i0 + 1, s1, d1)
            g0.wait()
            pltpu.async_copy(rows0, acc.at[d0], sems, add=True)

            g1 = pltpu.async_copy(table.at[s1], rows1, semg)
            drain_scat(rows0)
            load_idx(i0 + 2, s0, d0)
            g1.wait()
            pltpu.async_copy(rows1, acc.at[d1], sems, add=True)
            return carry

        lax.fori_loop(0, CPF // 2, pair, 0)
        pltpu.async_copy(table.at[s0], rows0, semg).wait()
        drain_scat(rows1)
        pltpu.sync_copy(rows0, acc.at[d0], add=True)
        plsc.subcore_barrier()
        pltpu.sync_copy(acc.at[pl.ds(row0, RPS)], out.at[cid, pl.ds(row0, RPS)])

    return sc_degrees, sc_segsum


def _sc_degrees(dst_g, node, hedge, ones1, z1):
    flat = _build_sc_kernels()[0](dst_g, node, hedge, ones1, z1)
    return flat.reshape(NC, 3, NPAD, 1)


def _sc_segsum(table, src, dst, z128):
    src_p = jnp.concatenate([src, jnp.zeros((EF - E,), jnp.int32)])
    dst_p = jnp.concatenate([dst, jnp.full((EF - E,), N, jnp.int32)])
    return _build_sc_kernels()[1](table, src_p, dst_p, z128)



RB = 2000


def _scalars_body(degp_ref, out_ref):
    d = degp_ref[0, 0] + degp_ref[1, 0] + 1.0
    out_ref[0] = lax.rsqrt(d)
    dn = degp_ref[0, 1] + degp_ref[1, 1]
    out_ref[1] = jnp.where(dn > 0, 1.0 / dn, 0.0)
    be = degp_ref[0, 2] + degp_ref[1, 2]
    out_ref[2] = jnp.where(be > 0, 1.0 / be, 0.0)


def _tc_scalars(degp):
    return pl.pallas_call(
        _scalars_body,
        out_shape=jax.ShapeDtypeStruct((3, NPAD, 1), jnp.float32),
    )(degp)


def _xw_body(x_ref, wg_ref, wh_ref, dis_ref, og_ref, oh_ref):
    xb = x_ref[...]
    og_ref[...] = jnp.dot(xb, wg_ref[...],
                          preferred_element_type=jnp.float32) * dis_ref[...]
    oh_ref[...] = jnp.dot(xb, wh_ref[...], preferred_element_type=jnp.float32)


def _tc_xw(x, Wg, Wh, dis):
    return pl.pallas_call(
        _xw_body,
        grid=(N // RB,),
        in_specs=[
            pl.BlockSpec((RB, D), lambda i: (i, 0)),
            pl.BlockSpec((D, D), lambda i: (0, 0)),
            pl.BlockSpec((D, D), lambda i: (0, 0)),
            pl.BlockSpec((RB, 1), lambda i: (i, 0)),
        ],
        out_specs=[
            pl.BlockSpec((RB, D), lambda i: (i, 0)),
            pl.BlockSpec((RB, D), lambda i: (i, 0)),
        ],
        out_shape=[
            jax.ShapeDtypeStruct((N, D), jnp.float32),
            jax.ShapeDtypeStruct((N, D), jnp.float32),
        ],
    )(x, Wg, Wh, dis)


def _rowscale_body(acc_ref, s_ref, o_ref):
    o_ref[...] = (acc_ref[0] + acc_ref[1]) * s_ref[...]


def _tc_rowscale(acc, s):
    return pl.pallas_call(
        _rowscale_body,
        grid=(N // RB,),
        in_specs=[
            pl.BlockSpec((NC, RB, D), lambda i: (0, i, 0)),
            pl.BlockSpec((RB, 1), lambda i: (i, 0)),
        ],
        out_specs=pl.BlockSpec((RB, D), lambda i: (i, 0)),
        out_shape=jax.ShapeDtypeStruct((N, D), jnp.float32),
    )(acc, s)


def _ln(x, g, b):
    mu = jnp.mean(x, axis=-1, keepdims=True)
    var = jnp.mean((x - mu) ** 2, axis=-1, keepdims=True)
    return (x - mu) / jnp.sqrt(var + 1e-5) * g + b


def _make_post(with_extra, with_next, scale_next):

    def body(*refs):
        i = 0
        acc_ref = refs[i]; i += 1
        extra_ref = None
        if with_extra:
            extra_ref = refs[i]; i += 1
        s_ref = refs[i]; i += 1
        b_ref = refs[i]; i += 1
        g_ref = refs[i]; i += 1
        lb_ref = refs[i]; i += 1
        wn_ref = None
        if with_next:
            wn_ref = refs[i]; i += 1
        o_ref = refs[i]
        t = acc_ref[0] + acc_ref[1]
        if with_extra:
            t = t + extra_ref[...]
        t = t * s_ref[...] + b_ref[...]
        t = jax.nn.relu(_ln(t, g_ref[...], lb_ref[...]))
        if with_next:
            t = jnp.dot(t, wn_ref[...], preferred_element_type=jnp.float32)
            if scale_next:
                t = t * s_ref[...]
        o_ref[...] = t

    def call(acc, extra, s, bias, ln_g, ln_b, Wn):
        args = [acc]
        specs = [pl.BlockSpec((NC, RB, D), lambda i: (0, i, 0))]
        if with_extra:
            args.append(extra)
            specs.append(pl.BlockSpec((RB, D), lambda i: (i, 0)))
        args += [s, bias.reshape(1, D), ln_g.reshape(1, D), ln_b.reshape(1, D)]
        specs += [
            pl.BlockSpec((RB, 1), lambda i: (i, 0)),
            pl.BlockSpec((1, D), lambda i: (0, 0)),
            pl.BlockSpec((1, D), lambda i: (0, 0)),
            pl.BlockSpec((1, D), lambda i: (0, 0)),
        ]
        if with_next:
            args.append(Wn)
            specs.append(pl.BlockSpec((D, D), lambda i: (0, 0)))
        return pl.pallas_call(
            body,
            grid=(N // RB,),
            in_specs=specs,
            out_specs=pl.BlockSpec((RB, D), lambda i: (i, 0)),
            out_shape=jax.ShapeDtypeStruct((N, D), jnp.float32),
        )(*args)

    return call


_gcn_post1 = _make_post(with_extra=True, with_next=True, scale_next=True)
_gcn_post2 = _make_post(with_extra=True, with_next=False, scale_next=False)
_hgc_post1 = _make_post(with_extra=False, with_next=True, scale_next=False)
_hgc_post2 = _make_post(with_extra=False, with_next=False, scale_next=False)


def _final_body(h1_ref, h2_ref, w1_ref, b1_ref, w2_ref, b2_ref, o_ref):
    h = (h1_ref[...] + h2_ref[...]) * 0.5
    t = jax.nn.relu(jnp.dot(h, w1_ref[...],
                            preferred_element_type=jnp.float32) + b1_ref[...])
    o_ref[...] = jnp.dot(t, w2_ref[...],
                         preferred_element_type=jnp.float32) + b2_ref[...]


def _tc_final(h1, h2, Wp1, bp1, Wp2, bp2):
    return pl.pallas_call(
        _final_body,
        grid=(N // RB,),
        in_specs=[
            pl.BlockSpec((RB, D), lambda i: (i, 0)),
            pl.BlockSpec((RB, D), lambda i: (i, 0)),
            pl.BlockSpec((D, D), lambda i: (0, 0)),
            pl.BlockSpec((1, D), lambda i: (0, 0)),
            pl.BlockSpec((D, D), lambda i: (0, 0)),
            pl.BlockSpec((1, D), lambda i: (0, 0)),
        ],
        out_specs=pl.BlockSpec((RB, D), lambda i: (i, 0)),
        out_shape=jax.ShapeDtypeStruct((N, D), jnp.float32),
    )(h1, h2, Wp1, bp1.reshape(1, D), Wp2, bp2.reshape(1, D))



def kernel(x, edge_index, hyperedge_index, W_g1, b_g1, W_g2, b_g2,
           W_h1, b_h1, W_h2, b_h2, ln1_g, ln1_b, ln2_g, ln2_b,
           Wp1, bp1, Wp2, bp2):
    src_g = edge_index[0]
    dst_g = edge_index[1]
    node = hyperedge_index[0]
    hedge = hyperedge_index[1]


    ones1 = jnp.ones((K,), jnp.float32)
    z1 = jnp.zeros((NPAD,), jnp.float32)
    z128 = jnp.zeros((NPAD, D), jnp.float32)

    degp = _sc_degrees(dst_g, node, hedge, ones1, z1)
    scal = _tc_scalars(degp)
    dis, dinv, binv = scal[0], scal[1], scal[2]

    xws1, xwh1 = _tc_xw(x, W_g1, W_h1, dis)

    accg1 = _sc_segsum(xws1, src_g, dst_g, z128)
    xws2 = _gcn_post1(accg1, xws1, dis, b_g1, ln1_g, ln1_b, W_g2)
    accg2 = _sc_segsum(xws2, src_g, dst_g, z128)
    h1 = _gcn_post2(accg2, xws2, dis, b_g2, ln1_g, ln1_b, None)

    acch1 = _sc_segsum(xwh1, node, hedge, z128)
    he1 = _tc_rowscale(acch1, binv)
    accn1 = _sc_segsum(he1, hedge, node, z128)
    xwh2 = _hgc_post1(accn1, None, dinv, b_h1, ln2_g, ln2_b, W_h2)
    acch2 = _sc_segsum(xwh2, node, hedge, z128)
    he2 = _tc_rowscale(acch2, binv)
    accn2 = _sc_segsum(he2, hedge, node, z128)
    h2 = _hgc_post2(accn2, None, dinv, b_h2, ln2_g, ln2_b, None)

    return _tc_final(h1, h2, Wp1, bp1, Wp2, bp2)

# --- scband reference (transcript-rebuilt; emitter-appended) ---
"""Pipeline reference for scband-hgclencoder-55997783605349 (READ-ONLY COPY).

The authoritative reference and input builder live on the scoring server;
editing this copy changes nothing except your own understanding.
"""

import jax, jax.numpy as jnp
import numpy as np

N = 10000
E = 320000
D_IN = 128
D_H = 128
D_OUT = 128


def _gcn(x, edge_index, W, b):
    # PyG GCNConv: add self-loops, symmetric normalization, scatter-add aggregation
    src = jnp.concatenate([edge_index[0], jnp.arange(N, dtype=edge_index.dtype)])
    dst = jnp.concatenate([edge_index[1], jnp.arange(N, dtype=edge_index.dtype)])
    xw = x @ W
    deg = jax.ops.segment_sum(jnp.ones(src.shape[0], dtype=xw.dtype), dst, num_segments=N)
    dis = jnp.where(deg > 0, 1.0 / jnp.sqrt(deg), 0.0)
    norm = dis[src] * dis[dst]
    out = jax.ops.segment_sum(xw[src] * norm[:, None], dst, num_segments=N)
    return out + b


def _hgc(x, hyperedge_index, W, b):
    # PyG HypergraphConv (no attention): X' = D^-1 H B^-1 H^T X Theta + bias
    node = hyperedge_index[0]
    hedge = hyperedge_index[1]
    xw = x @ W
    ones = jnp.ones(node.shape[0], dtype=xw.dtype)
    Dn = jax.ops.segment_sum(ones, node, num_segments=N)
    Dinv = jnp.where(Dn > 0, 1.0 / Dn, 0.0)
    Be = jax.ops.segment_sum(ones, hedge, num_segments=N)
    Binv = jnp.where(Be > 0, 1.0 / Be, 0.0)
    # aggregate node features into hyperedges, scaled by B^-1 at the target hyperedge
    he = jax.ops.segment_sum(xw[node] * Binv[hedge][:, None], hedge, num_segments=N)
    # aggregate hyperedge features back to nodes, scaled by D^-1 at the target node
    out = Dinv[:, None] * jax.ops.segment_sum(he[hedge], node, num_segments=N)
    return out + b


def _ln(x, g, b):
    mu = jnp.mean(x, axis=-1, keepdims=True)
    var = jnp.var(x, axis=-1, keepdims=True)
    return (x - mu) / jnp.sqrt(var + 1e-5) * g + b


def setup_inputs(seed: int = 0) -> dict:
    key = jax.random.key(seed)
    ks = jax.random.split(key, 20)
    x = jax.random.normal(ks[0], (N, D_IN), dtype=jnp.float32)
    edge_index = jax.random.randint(ks[1], (2, E), 0, N, dtype=jnp.int32)
    hyperedge_index = jax.random.randint(ks[2], (2, E), 0, N, dtype=jnp.int32)
    s = 0.05
    W_g1 = jax.random.normal(ks[3], (D_IN, D_H), jnp.float32) * s
    b_g1 = jnp.zeros((D_H,), jnp.float32)
    W_g2 = jax.random.normal(ks[4], (D_H, D_H), jnp.float32) * s
    b_g2 = jnp.zeros((D_H,), jnp.float32)
    W_h1 = jax.random.normal(ks[5], (D_IN, D_H), jnp.float32) * s
    b_h1 = jnp.zeros((D_H,), jnp.float32)
    W_h2 = jax.random.normal(ks[6], (D_H, D_H), jnp.float32) * s
    b_h2 = jnp.zeros((D_H,), jnp.float32)
    ln1_g = jnp.ones((D_H,), jnp.float32)
    ln1_b = jnp.zeros((D_H,), jnp.float32)
    ln2_g = jnp.ones((D_H,), jnp.float32)
    ln2_b = jnp.zeros((D_H,), jnp.float32)
    Wp1 = jax.random.normal(ks[7], (D_H, D_OUT), jnp.float32) * s
    bp1 = jnp.zeros((D_OUT,), jnp.float32)
    Wp2 = jax.random.normal(ks[8], (D_OUT, D_OUT), jnp.float32) * s
    bp2 = jnp.zeros((D_OUT,), jnp.float32)
    return {"x": x, "edge_index": edge_index, "hyperedge_index": hyperedge_index,
            "W_g1": W_g1, "b_g1": b_g1, "W_g2": W_g2, "b_g2": b_g2,
            "W_h1": W_h1, "b_h1": b_h1, "W_h2": W_h2, "b_h2": b_h2,
            "ln1_g": ln1_g, "ln1_b": ln1_b, "ln2_g": ln2_g, "ln2_b": ln2_b,
            "Wp1": Wp1, "bp1": bp1, "Wp2": Wp2, "bp2": bp2}


def reference(x, edge_index, hyperedge_index, W_g1, b_g1, W_g2, b_g2, W_h1, b_h1, W_h2, b_h2, ln1_g, ln1_b, ln2_g, ln2_b, Wp1, bp1, Wp2, bp2):
    h1 = jax.nn.relu(_ln(_gcn(x, edge_index, W_g1, b_g1), ln1_g, ln1_b))
    h1 = jax.nn.relu(_ln(_gcn(h1, edge_index, W_g2, b_g2), ln1_g, ln1_b))
    h2 = jax.nn.relu(_ln(_hgc(x, hyperedge_index, W_h1, b_h1), ln2_g, ln2_b))
    h2 = jax.nn.relu(_ln(_hgc(h2, hyperedge_index, W_h2, b_h2), ln2_g, ln2_b))
    h = (h1 + h2) / 2.0
    return jax.nn.relu(h @ Wp1 + bp1) @ Wp2 + bp2

if __name__ == "__main__":
    import jax
    _d = setup_inputs()
    print(jax.jit(kernel)(*tuple(_d.values())))

</pallas_src>

<mosaic_0001>
#map = affine_map<(d0, d1) -> (0)>
module attributes {stable_mosaic.version = 14 : i64} {
  func.func @sc_degrees(%arg0: i32, %arg1: i32, %arg2: memref<320000xi32, #tpu.memory_space<hbm>>, %arg3: memref<320000xi32, #tpu.memory_space<hbm>>, %arg4: memref<320000xi32, #tpu.memory_space<hbm>>, %arg5: memref<80xf32, #tpu.memory_space<hbm>>, %arg6: memref<10112xf32, #tpu.memory_space<hbm>>, %arg7: memref<60672xf32, #tpu.memory_space<hbm>>, %arg8: memref<80xf32, #tpu.memory_space<vmem>>, %arg9: memref<80xi32, #tpu.memory_space<vmem>>, %arg10: memref<80xi32, #tpu.memory_space<vmem>>, %arg11: memref<80xi32, #tpu.memory_space<vmem>>, %arg12: memref<80xi32, #tpu.memory_space<vmem>>, %arg13: memref<80xi32, #tpu.memory_space<vmem>>, %arg14: memref<80xi32, #tpu.memory_space<vmem>>, %arg15: memref<632xf32, #tpu.memory_space<vmem>>, %arg16: memref<!tpu.dma_semaphore, #tpu.memory_space<semaphore_mem>>, %arg17: memref<10112xf32, #tpu.memory_space<vmem_shared>>, %arg18: memref<10112xf32, #tpu.memory_space<vmem_shared>>, %arg19: memref<10112xf32, #tpu.memory_space<vmem_shared>>) attributes {dimension_semantics = [#tpu.dimension_semantics<core_parallel>, #tpu.dimension_semantics<subcore_parallel>], iteration_bounds = array<i64: 2, 16>, scalar_prefetch = 0 : i64, scratch_operands = 12 : i64, tpu.core_type = #tpu.core_type<sc_vector_subcore>, window_params = [{transform_indices = #map}, {transform_indices = #map}, {transform_indices = #map}, {transform_indices = #map}, {transform_indices = #map}, {transform_indices = #map}]} {
    %mul3A = arith.constant 16 : i32
    %mul3A_0 = arith.muli %arg0, %mul3A : i32
    %add3A = arith.addi %mul3A_0, %arg1 : i32
    %mul3A_1 = arith.constant 632 : i32
    %mul3A_2 = arith.muli %arg1, %mul3A_1 : i32
    "tpu.region"() ({
      %run_scoped3A = tpu.sem_alloc : memref<!tpu.dma_semaphore, #tpu.memory_space<semaphore_mem>>
      %dma_start3A_77 = tpu.memref_slice %arg6[%mul3A_2] : memref<10112xf32, #tpu.memory_space<hbm>> -> memref<632xf32, #tpu.memory_space<hbm>>
      %dma_start3A_78 = tpu.memref_slice %arg6[%mul3A_2] : memref<10112xf32, #tpu.memory_space<hbm>> -> memref<632xf32, #tpu.memory_space<hbm>>
      tpu.enqueue_dma source(%dma_start3A_78 : memref<632xf32, #tpu.memory_space<hbm>>) target(%arg15 : memref<632xf32, #tpu.memory_space<vmem>>) target_semaphore(%run_scoped3A : memref<!tpu.dma_semaphore, #tpu.memory_space<semaphore_mem>>)
      %dma_wait3A_79 = tpu.memref_slice %arg6[%mul3A_2] : memref<10112xf32, #tpu.memory_space<hbm>> -> memref<632xf32, #tpu.memory_space<hbm>>
      %dma_wait3A_80 = tpu.memref_slice %arg6[%mul3A_2] : memref<10112xf32, #tpu.memory_space<hbm>> -> memref<632xf32, #tpu.memory_space<hbm>>
      tpu.wait_dma2 semaphore(%run_scoped3A : memref<!tpu.dma_semaphore, #tpu.memory_space<semaphore_mem>>) src(%dma_wait3A_80 : memref<632xf32, #tpu.memory_space<hbm>>) dst(%arg15 : memref<632xf32, #tpu.memory_space<vmem>>)
      tpu.yield
    }) : () -> ()
    "tpu.region"() ({
      %run_scoped3A = tpu.sem_alloc : memref<!tpu.dma_semaphore, #tpu.memory_space<semaphore_mem>>
      %dma_start3A_77 = tpu.memref_slice %arg17[%mul3A_2] : memref<10112xf32, #tpu.memory_space<vmem_shared>> -> memref<632xf32, #tpu.memory_space<vmem_shared>>
      %dma_start3A_78 = tpu.memref_slice %arg17[%mul3A_2] : memref<10112xf32, #tpu.memory_space<vmem_shared>> -> memref<632xf32, #tpu.memory_space<vmem_shared>>
      tpu.enqueue_dma source(%arg15 : memref<632xf32, #tpu.memory_space<vmem>>) target(%dma_start3A_78 : memref<632xf32, #tpu.memory_space<vmem_shared>>) target_semaphore(%run_scoped3A : memref<!tpu.dma_semaphore, #tpu.memory_space<semaphore_mem>>)
      %dma_wait3A_79 = tpu.memref_slice %arg17[%mul3A_2] : memref<10112xf32, #tpu.memory_space<vmem_shared>> -> memref<632xf32, #tpu.memory_space<vmem_shared>>
      %dma_wait3A_80 = tpu.memref_slice %arg17[%mul3A_2] : memref<10112xf32, #tpu.memory_space<vmem_shared>> -> memref<632xf32, #tpu.memory_space<vmem_shared>>
      tpu.wait_dma2 semaphore(%run_scoped3A : memref<!tpu.dma_semaphore, #tpu.memory_space<semaphore_mem>>) src(%arg15 : memref<632xf32, #tpu.memory_space<vmem>>) dst(%dma_wait3A_80 : memref<632xf32, #tpu.memory_space<vmem_shared>>)
      tpu.yield
    }) : () -> ()
    "tpu.region"() ({
      %run_scoped3A = tpu.sem_alloc : memref<!tpu.dma_semaphore, #tpu.memory_space<semaphore_mem>>
      %dma_start3A_77 = tpu.memref_slice %arg18[%mul3A_2] : memref<10112xf32, #tpu.memory_space<vmem_shared>> -> memref<632xf32, #tpu.memory_space<vmem_shared>>
      %dma_start3A_78 = tpu.memref_slice %arg18[%mul3A_2] : memref<10112xf32, #tpu.memory_space<vmem_shared>> -> memref<632xf32, #tpu.memory_space<vmem_shared>>
      tpu.enqueue_dma source(%arg15 : memref<632xf32, #tpu.memory_space<vmem>>) target(%dma_start3A_78 : memref<632xf32, #tpu.memory_space<vmem_shared>>) target_semaphore(%run_scoped3A : memref<!tpu.dma_semaphore, #tpu.memory_space<semaphore_mem>>)
      %dma_wait3A_79 = tpu.memref_slice %arg18[%mul3A_2] : memref<10112xf32, #tpu.memory_space<vmem_shared>> -> memref<632xf32, #tpu.memory_space<vmem_shared>>
      %dma_wait3A_80 = tpu.memref_slice %arg18[%mul3A_2] : memref<10112xf32, #tpu.memory_space<vmem_shared>> -> memref<632xf32, #tpu.memory_space<vmem_shared>>
      tpu.wait_dma2 semaphore(%run_scoped3A : memref<!tpu.dma_semaphore, #tpu.memory_space<semaphore_mem>>) src(%arg15 : memref<632xf32, #tpu.memory_space<vmem>>) dst(%dma_wait3A_80 : memref<632xf32, #tpu.memory_space<vmem_shared>>)
      tpu.yield
    }) : () -> ()
    "tpu.region"() ({
      %run_scoped3A = tpu.sem_alloc : memref<!tpu.dma_semaphore, #tpu.memory_space<semaphore_mem>>
      %dma_start3A_77 = tpu.memref_slice %arg19[%mul3A_2] : memref<10112xf32, #tpu.memory_space<vmem_shared>> -> memref<632xf32, #tpu.memory_space<vmem_shared>>
      %dma_start3A_78 = tpu.memref_slice %arg19[%mul3A_2] : memref<10112xf32, #tpu.memory_space<vmem_shared>> -> memref<632xf32, #tpu.memory_space<vmem_shared>>
      tpu.enqueue_dma source(%arg15 : memref<632xf32, #tpu.memory_space<vmem>>) target(%dma_start3A_78 : memref<632xf32, #tpu.memory_space<vmem_shared>>) target_semaphore(%run_scoped3A : memref<!tpu.dma_semaphore, #tpu.memory_space<semaphore_mem>>)
      %dma_wait3A_79 = tpu.memref_slice %arg19[%mul3A_2] : memref<10112xf32, #tpu.memory_space<vmem_shared>> -> memref<632xf32, #tpu.memory_space<vmem_shared>>
      %dma_wait3A_80 = tpu.memref_slice %arg19[%mul3A_2] : memref<10112xf32, #tpu.memory_space<vmem_shared>> -> memref<632xf32, #tpu.memory_space<vmem_shared>>
      tpu.wait_dma2 semaphore(%run_scoped3A : memref<!tpu.dma_semaphore, #tpu.memory_space<semaphore_mem>>) src(%arg15 : memref<632xf32, #tpu.memory_space<vmem>>) dst(%dma_wait3A_80 : memref<632xf32, #tpu.memory_space<vmem_shared>>)
      tpu.yield
    }) : () -> ()
    "tpu.region"() ({
      %run_scoped3A = tpu.sem_alloc : memref<!tpu.dma_semaphore, #tpu.memory_space<semaphore_mem>>
      tpu.enqueue_dma source(%arg5 : memref<80xf32, #tpu.memory_space<hbm>>) target(%arg8 : memref<80xf32, #tpu.memory_space<vmem>>) target_semaphore(%run_scoped3A : memref<!tpu.dma_semaphore, #tpu.memory_space<semaphore_mem>>)
      tpu.wait_dma2 semaphore(%run_scoped3A : memref<!tpu.dma_semaphore, #tpu.memory_space<semaphore_mem>>) src(%arg5 : memref<80xf32, #tpu.memory_space<hbm>>) dst(%arg8 : memref<80xf32, #tpu.memory_space<vmem>>)
      tpu.yield
    }) : () -> ()
    %barrier3A = arith.constant 0 : index
    tpu.barrier barrier_id(%barrier3A)
    %scan3A = arith.constant 0 : i32
    %scan3A_3 = arith.constant 0 : i32
    %scan3A_4 = arith.constant 62 : i32
    %scan3A_5 = arith.addi %scan3A_3, %scan3A_4 : i32
    %scan3A_6 = arith.constant 1 : i32
    scf.for %scan3A_77 = %scan3A_3 to %scan3A_5 step %scan3A_6  : i32 {
      %mul3A_78 = arith.constant 2 : i32
      %mul3A_79 = arith.muli %mul3A_78, %scan3A_77 : i32
      %add3A_80 = arith.constant 0 : i32
      %add3A_81 = arith.addi %mul3A_79, %add3A_80 : i32
      %mul3A_82 = arith.constant 10000 : i32
      %mul3A_83 = arith.muli %add3A, %mul3A_82 : i32
      %mul3A_84 = arith.constant 80 : i32
      %mul3A_85 = arith.muli %add3A_81, %mul3A_84 : i32
      %add3A_86 = arith.addi %mul3A_83, %mul3A_85 : i32
      %multiple_of3A_87 = tpu.assume_multiple %add3A_86, 8 : i32
      %ge3A = arith.constant 2 : i32
      %ge3A_88 = arith.cmpi sge, %add3A_81, %ge3A : i32
      %convert_element_type3A = arith.extui %ge3A_88 : i1 to i32
      %cond3A = arith.constant 0 : i32
      %cond3A_89 = arith.cmpi ne, %convert_element_type3A, %cond3A : i32
      scf.if %cond3A_89 {
        %sub3A = arith.constant 2 : i32
        %sub3A_117 = arith.subi %add3A_81, %sub3A : i32
        %dma_wait3A_118 = arith.constant 0 : i32
        %dma_wait3A_119 = tpu.memref_slice %arg6[%dma_wait3A_118] : memref<10112xf32, #tpu.memory_space<hbm>> -> memref<80xf32, #tpu.memory_space<hbm>>
        %dma_wait3A_120 = arith.constant 0 : i32
        %dma_wait3A_121 = tpu.memref_slice %arg6[%dma_wait3A_120] : memref<10112xf32, #tpu.memory_space<hbm>> -> memref<80xf32, #tpu.memory_space<hbm>>
        tpu.wait_dma2 semaphore(%arg16 : memref<!tpu.dma_semaphore, #tpu.memory_space<semaphore_mem>>) src(%dma_wait3A_121 : memref<80xf32, #tpu.memory_space<hbm>>) dst(%arg8 : memref<80xf32, #tpu.memory_space<vmem>>)
        %dma_wait3A_122 = arith.constant 0 : i32
        %dma_wait3A_123 = tpu.memref_slice %arg6[%dma_wait3A_122] : memref<10112xf32, #tpu.memory_space<hbm>> -> memref<80xf32, #tpu.memory_space<hbm>>
        %dma_wait3A_124 = arith.constant 0 : i32
        %dma_wait3A_125 = tpu.memref_slice %arg6[%dma_wait3A_124] : memref<10112xf32, #tpu.memory_space<hbm>> -> memref<80xf32, #tpu.memory_space<hbm>>
        tpu.wait_dma2 semaphore(%arg16 : memref<!tpu.dma_semaphore, #tpu.memory_space<semaphore_mem>>) src(%dma_wait3A_125 : memref<80xf32, #tpu.memory_space<hbm>>) dst(%arg8 : memref<80xf32, #tpu.memory_space<vmem>>)
        %dma_wait3A_126 = arith.constant 0 : i32
        %dma_wait3A_127 = tpu.memref_slice %arg6[%dma_wait3A_126] : memref<10112xf32, #tpu.memory_space<hbm>> -> memref<80xf32, #tpu.memory_space<hbm>>
        %dma_wait3A_128 = arith.constant 0 : i32
        %dma_wait3A_129 = tpu.memref_slice %arg6[%dma_wait3A_128] : memref<10112xf32, #tpu.memory_space<hbm>> -> memref<80xf32, #tpu.memory_space<hbm>>
        tpu.wait_dma2 semaphore(%arg16 : memref<!tpu.dma_semaphore, #tpu.memory_space<semaphore_mem>>) src(%dma_wait3A_129 : memref<80xf32, #tpu.memory_space<hbm>>) dst(%arg8 : memref<80xf32, #tpu.memory_space<vmem>>)
      } else {
      }
      "tpu.region"() ({
        %run_scoped3A = tpu.sem_alloc : memref<!tpu.dma_semaphore, #tpu.memory_space<semaphore_mem>>
        %dma_start3A_117 = tpu.memref_slice %arg2[%multiple_of3A_87] : memref<320000xi32, #tpu.memory_space<hbm>> -> memref<80xi32, #tpu.memory_space<hbm>>
        %dma_start3A_118 = tpu.memref_slice %arg2[%multiple_of3A_87] : memref<320000xi32, #tpu.memory_space<hbm>> -> memref<80xi32, #tpu.memory_space<hbm>>
        tpu.enqueue_dma source(%dma_start3A_118 : memref<80xi32, #tpu.memory_space<hbm>>) target(%arg9 : memref<80xi32, #tpu.memory_space<vmem>>) target_semaphore(%run_scoped3A : memref<!tpu.dma_semaphore, #tpu.memory_space<semaphore_mem>>)
        %dma_wait3A_119 = tpu.memref_slice %arg2[%multiple_of3A_87] : memref<320000xi32, #tpu.memory_space<hbm>> -> memref<80xi32, #tpu.memory_space<hbm>>
        %dma_wait3A_120 = tpu.memref_slice %arg2[%multiple_of3A_87] : memref<320000xi32, #tpu.memory_space<hbm>> -> memref<80xi32, #tpu.memory_space<hbm>>
        tpu.wait_dma2 semaphore(%run_scoped3A : memref<!tpu.dma_semaphore, #tpu.memory_space<semaphore_mem>>) src(%dma_wait3A_120 : memref<80xi32, #tpu.memory_space<hbm>>) dst(%arg9 : memref<80xi32, #tpu.memory_space<vmem>>)
        tpu.yield
      }) : () -> ()
      "tpu.region"() ({
        %run_scoped3A = tpu.sem_alloc : memref<!tpu.dma_semaphore, #tpu.memory_space<semaphore_mem>>
        %dma_start3A_117 = tpu.memref_slice %arg3[%multiple_of3A_87] : memref<320000xi32, #tpu.memory_space<hbm>> -> memref<80xi32, #tpu.memory_space<hbm>>
        %dma_start3A_118 = tpu.memref_slice %arg3[%multiple_of3A_87] : memref<320000xi32, #tpu.memory_space<hbm>> -> memref<80xi32, #tpu.memory_space<hbm>>
        tpu.enqueue_dma source(%dma_start3A_118 : memref<80xi32, #tpu.memory_space<hbm>>) target(%arg10 : memref<80xi32, #tpu.memory_space<vmem>>) target_semaphore(%run_scoped3A : memref<!tpu.dma_semaphore, #tpu.memory_space<semaphore_mem>>)
        %dma_wait3A_119 = tpu.memref_slice %arg3[%multiple_of3A_87] : memref<320000xi32, #tpu.memory_space<hbm>> -> memref<80xi32, #tpu.memory_space<hbm>>
        %dma_wait3A_120 = tpu.memref_slice %arg3[%multiple_of3A_87] : memref<320000xi32, #tpu.memory_space<hbm>> -> memref<80xi32, #tpu.memory_space<hbm>>
        tpu.wait_dma2 semaphore(%run_scoped3A : memref<!tpu.dma_semaphore, #tpu.memory_space<semaphore_mem>>) src(%dma_wait3A_120 : memref<80xi32, #tpu.memory_space<hbm>>) dst(%arg10 : memref<80xi32, #tpu.memory_space<vmem>>)
        tpu.yield
      }) : () -> ()
      "tpu.region"() ({
        %run_scoped3A = tpu.sem_alloc : memref<!tpu.dma_semaphore, #tpu.memory_space<semaphore_mem>>
        %dma_start3A_117 = tpu.memref_slice %arg4[%multiple_of3A_87] : memref<320000xi32, #tpu.memory_space<hbm>> -> memref<80xi32, #tpu.memory_space<hbm>>
        %dma_start3A_118 = tpu.memref_slice %arg4[%multiple_of3A_87] : memref<320000xi32, #tpu.memory_space<hbm>> -> memref<80xi32, #tpu.memory_space<hbm>>
        tpu.enqueue_dma source(%dma_start3A_118 : memref<80xi32, #tpu.memory_space<hbm>>) target(%arg11 : memref<80xi32, #tpu.memory_space<vmem>>) target_semaphore(%run_scoped3A : memref<!tpu.dma_semaphore, #tpu.memory_space<semaphore_mem>>)
        %dma_wait3A_119 = tpu.memref_slice %arg4[%multiple_of3A_87] : memref<320000xi32, #tpu.memory_space<hbm>> -> memref<80xi32, #tpu.memory_space<hbm>>
        %dma_wait3A_120 = tpu.memref_slice %arg4[%multiple_of3A_87] : memref<320000xi32, #tpu.memory_space<hbm>> -> memref<80xi32, #tpu.memory_space<hbm>>
        tpu.wait_dma2 semaphore(%run_scoped3A : memref<!tpu.dma_semaphore, #tpu.memory_space<semaphore_mem>>) src(%dma_wait3A_120 : memref<80xi32, #tpu.memory_space<hbm>>) dst(%arg11 : memref<80xi32, #tpu.memory_space<vmem>>)
        tpu.yield
      }) : () -> ()
      %dma_start3A_90 = arith.constant 0 : i32
      %dma_start3A_91 = tpu.memref_slice %arg17[%dma_start3A_90] : memref<10112xf32, #tpu.memory_space<vmem_shared>> -> memref<10112xf32, #tpu.memory_space<vmem_shared>>
      tpu.enqueue_indirect_dma source(%arg8 : memref<80xf32, #tpu.memory_space<vmem>>) target(%dma_start3A_91 : memref<10112xf32, #tpu.memory_space<vmem_shared>>) offsets(%arg9 : memref<80xi32, #tpu.memory_space<vmem>>) semaphore(%arg16 : memref<!tpu.dma_semaphore, #tpu.memory_space<semaphore_mem>>) {add = true}
      %dma_start3A_92 = arith.constant 0 : i32
      %dma_start3A_93 = tpu.memref_slice %arg18[%dma_start3A_92] : memref<10112xf32, #tpu.memory_space<vmem_shared>> -> memref<10112xf32, #tpu.memory_space<vmem_shared>>
      tpu.enqueue_indirect_dma source(%arg8 : memref<80xf32, #tpu.memory_space<vmem>>) target(%dma_start3A_93 : memref<10112xf32, #tpu.memory_space<vmem_shared>>) offsets(%arg10 : memref<80xi32, #tpu.memory_space<vmem>>) semaphore(%arg16 : memref<!tpu.dma_semaphore, #tpu.memory_space<semaphore_mem>>) {add = true}
      %dma_start3A_94 = arith.constant 0 : i32
      %dma_start3A_95 = tpu.memref_slice %arg19[%dma_start3A_94] : memref<10112xf32, #tpu.memory_space<vmem_shared>> -> memref<10112xf32, #tpu.memory_space<vmem_shared>>
      tpu.enqueue_indirect_dma source(%arg8 : memref<80xf32, #tpu.memory_space<vmem>>) target(%dma_start3A_95 : memref<10112xf32, #tpu.memory_space<vmem_shared>>) offsets(%arg11 : memref<80xi32, #tpu.memory_space<vmem>>) semaphore(%arg16 : memref<!tpu.dma_semaphore, #tpu.memory_space<semaphore_mem>>) {add = true}
      %mul3A_96 = arith.constant 2 : i32
      %mul3A_97 = arith.muli %mul3A_96, %scan3A_77 : i32
      %add3A_98 = arith.constant 1 : i32
      %add3A_99 = arith.addi %mul3A_97, %add3A_98 : i32
      %mul3A_100 = arith.constant 10000 : i32
      %mul3A_101 = arith.muli %add3A, %mul3A_100 : i32
      %mul3A_102 = arith.constant 80 : i32
      %mul3A_103 = arith.muli %add3A_99, %mul3A_102 : i32
      %add3A_104 = arith.addi %mul3A_101, %mul3A_103 : i32
      %multiple_of3A_105 = tpu.assume_multiple %add3A_104, 8 : i32
      %ge3A_106 = arith.constant 2 : i32
      %ge3A_107 = arith.cmpi sge, %add3A_99, %ge3A_106 : i32
      %convert_element_type3A_108 = arith.extui %ge3A_107 : i1 to i32
      %cond3A_109 = arith.constant 0 : i32
      %cond3A_110 = arith.cmpi ne, %convert_element_type3A_108, %cond3A_109 : i32
      scf.if %cond3A_110 {
        %sub3A = arith.constant 2 : i32
        %sub3A_117 = arith.subi %add3A_99, %sub3A : i32
        %dma_wait3A_118 = arith.constant 0 : i32
        %dma_wait3A_119 = tpu.memref_slice %arg6[%dma_wait3A_118] : memref<10112xf32, #tpu.memory_space<hbm>> -> memref<80xf32, #tpu.memory_space<hbm>>
        %dma_wait3A_120 = arith.constant 0 : i32
        %dma_wait3A_121 = tpu.memref_slice %arg6[%dma_wait3A_120] : memref<10112xf32, #tpu.memory_space<hbm>> -> memref<80xf32, #tpu.memory_space<hbm>>
        tpu.wait_dma2 semaphore(%arg16 : memref<!tpu.dma_semaphore, #tpu.memory_space<semaphore_mem>>) src(%dma_wait3A_121 : memref<80xf32, #tpu.memory_space<hbm>>) dst(%arg8 : memref<80xf32, #tpu.memory_space<vmem>>)
        %dma_wait3A_122 = arith.constant 0 : i32
        %dma_wait3A_123 = tpu.memref_slice %arg6[%dma_wait3A_122] : memref<10112xf32, #tpu.memory_space<hbm>> -> memref<80xf32, #tpu.memory_space<hbm>>
        %dma_wait3A_124 = arith.constant 0 : i32
        %dma_wait3A_125 = tpu.memref_slice %arg6[%dma_wait3A_124] : memref<10112xf32, #tpu.memory_space<hbm>> -> memref<80xf32, #tpu.memory_space<hbm>>
        tpu.wait_dma2 semaphore(%arg16 : memref<!tpu.dma_semaphore, #tpu.memory_space<semaphore_mem>>) src(%dma_wait3A_125 : memref<80xf32, #tpu.memory_space<hbm>>) dst(%arg8 : memref<80xf32, #tpu.memory_space<vmem>>)
        %dma_wait3A_126 = arith.constant 0 : i32
        %dma_wait3A_127 = tpu.memref_slice %arg6[%dma_wait3A_126] : memref<10112xf32, #tpu.memory_space<hbm>> -> memref<80xf32, #tpu.memory_space<hbm>>
        %dma_wait3A_128 = arith.constant 0 : i32
        %dma_wait3A_129 = tpu.memref_slice %arg6[%dma_wait3A_128] : memref<10112xf32, #tpu.memory_space<hbm>> -> memref<80xf32, #tpu.memory_space<hbm>>
        tpu.wait_dma2 semaphore(%arg16 : memref<!tpu.dma_semaphore, #tpu.memory_space<semaphore_mem>>) src(%dma_wait3A_129 : memref<80xf32, #tpu.memory_space<hbm>>) dst(%arg8 : memref<80xf32, #tpu.memory_space<vmem>>)
      } else {
      }
      "tpu.region"() ({
        %run_scoped3A = tpu.sem_alloc : memref<!tpu.dma_semaphore, #tpu.memory_space<semaphore_mem>>
        %dma_start3A_117 = tpu.memref_slice %arg2[%multiple_of3A_105] : memref<320000xi32, #tpu.memory_space<hbm>> -> memref<80xi32, #tpu.memory_space<hbm>>
        %dma_start3A_118 = tpu.memref_slice %arg2[%multiple_of3A_105] : memref<320000xi32, #tpu.memory_space<hbm>> -> memref<80xi32, #tpu.memory_space<hbm>>
        tpu.enqueue_dma source(%dma_start3A_118 : memref<80xi32, #tpu.memory_space<hbm>>) target(%arg12 : memref<80xi32, #tpu.memory_space<vmem>>) target_semaphore(%run_scoped3A : memref<!tpu.dma_semaphore, #tpu.memory_space<semaphore_mem>>)
        %dma_wait3A_119 = tpu.memref_slice %arg2[%multiple_of3A_105] : memref<320000xi32, #tpu.memory_space<hbm>> -> memref<80xi32, #tpu.memory_space<hbm>>
        %dma_wait3A_120 = tpu.memref_slice %arg2[%multiple_of3A_105] : memref<320000xi32, #tpu.memory_space<hbm>> -> memref<80xi32, #tpu.memory_space<hbm>>
        tpu.wait_dma2 semaphore(%run_scoped3A : memref<!tpu.dma_semaphore, #tpu.memory_space<semaphore_mem>>) src(%dma_wait3A_120 : memref<80xi32, #tpu.memory_space<hbm>>) dst(%arg12 : memref<80xi32, #tpu.memory_space<vmem>>)
        tpu.yield
      }) : () -> ()
      "tpu.region"() ({
        %run_scoped3A = tpu.sem_alloc : memref<!tpu.dma_semaphore, #tpu.memory_space<semaphore_mem>>
        %dma_start3A_117 = tpu.memref_slice %arg3[%multiple_of3A_105] : memref<320000xi32, #tpu.memory_space<hbm>> -> memref<80xi32, #tpu.memory_space<hbm>>
        %dma_start3A_118 = tpu.memref_slice %arg3[%multiple_of3A_105] : memref<320000xi32, #tpu.memory_space<hbm>> -> memref<80xi32, #tpu.memory_space<hbm>>
        tpu.enqueue_dma source(%dma_start3A_118 : memref<80xi32, #tpu.memory_space<hbm>>) target(%arg13 : memref<80xi32, #tpu.memory_space<vmem>>) target_semaphore(%run_scoped3A : memref<!tpu.dma_semaphore, #tpu.memory_space<semaphore_mem>>)
        %dma_wait3A_119 = tpu.memref_slice %arg3[%multiple_of3A_105] : memref<320000xi32, #tpu.memory_space<hbm>> -> memref<80xi32, #tpu.memory_space<hbm>>
        %dma_wait3A_120 = tpu.memref_slice %arg3[%multiple_of3A_105] : memref<320000xi32, #tpu.memory_space<hbm>> -> memref<80xi32, #tpu.memory_space<hbm>>
        tpu.wait_dma2 semaphore(%run_scoped3A : memref<!tpu.dma_semaphore, #tpu.memory_space<semaphore_mem>>) src(%dma_wait3A_120 : memref<80xi32, #tpu.memory_space<hbm>>) dst(%arg13 : memref<80xi32, #tpu.memory_space<vmem>>)
        tpu.yield
      }) : () -> ()
      "tpu.region"() ({
        %run_scoped3A = tpu.sem_alloc : memref<!tpu.dma_semaphore, #tpu.memory_space<semaphore_mem>>
        %dma_start3A_117 = tpu.memref_slice %arg4[%multiple_of3A_105] : memref<320000xi32, #tpu.memory_space<hbm>> -> memref<80xi32, #tpu.memory_space<hbm>>
        %dma_start3A_118 = tpu.memref_slice %arg4[%multiple_of3A_105] : memref<320000xi32, #tpu.memory_space<hbm>> -> memref<80xi32, #tpu.memory_space<hbm>>
        tpu.enqueue_dma source(%dma_start3A_118 : memref<80xi32, #tpu.memory_space<hbm>>) target(%arg14 : memref<80xi32, #tpu.memory_space<vmem>>) target_semaphore(%run_scoped3A : memref<!tpu.dma_semaphore, #tpu.memory_space<semaphore_mem>>)
        %dma_wait3A_119 = tpu.memref_slice %arg4[%multiple_of3A_105] : memref<320000xi32, #tpu.memory_space<hbm>> -> memref<80xi32, #tpu.memory_space<hbm>>
        %dma_wait3A_120 = tpu.memref_slice %arg4[%multiple_of3A_105] : memref<320000xi32, #tpu.memory_space<hbm>> -> memref<80xi32, #tpu.memory_space<hbm>>
        tpu.wait_dma2 semaphore(%run_scoped3A : memref<!tpu.dma_semaphore, #tpu.memory_space<semaphore_mem>>) src(%dma_wait3A_120 : memref<80xi32, #tpu.memory_space<hbm>>) dst(%arg14 : memref<80xi32, #tpu.memory_space<vmem>>)
        tpu.yield
      }) : () -> ()
      %dma_start3A_111 = arith.constant 0 : i32
      %dma_start3A_112 = tpu.memref_slice %arg17[%dma_start3A_111] : memref<10112xf32, #tpu.memory_space<vmem_shared>> -> memref<10112xf32, #tpu.memory_space<vmem_shared>>
      tpu.enqueue_indirect_dma source(%arg8 : memref<80xf32, #tpu.memory_space<vmem>>) target(%dma_start3A_112 : memref<10112xf32, #tpu.memory_space<vmem_shared>>) offsets(%arg12 : memref<80xi32, #tpu.memory_space<vmem>>) semaphore(%arg16 : memref<!tpu.dma_semaphore, #tpu.memory_space<semaphore_mem>>) {add = true}
      %dma_start3A_113 = arith.constant 0 : i32
      %dma_start3A_114 = tpu.memref_slice %arg18[%dma_start3A_113] : memref<10112xf32, #tpu.memory_space<vmem_shared>> -> memref<10112xf32, #tpu.memory_space<vmem_shared>>
      tpu.enqueue_indirect_dma source(%arg8 : memref<80xf32, #tpu.memory_space<vmem>>) target(%dma_start3A_114 : memref<10112xf32, #tpu.memory_space<vmem_shared>>) offsets(%arg13 : memref<80xi32, #tpu.memory_space<vmem>>) semaphore(%arg16 : memref<!tpu.dma_semaphore, #tpu.memory_space<semaphore_mem>>) {add = true}
      %dma_start3A_115 = arith.constant 0 : i32
      %dma_start3A_116 = tpu.memref_slice %arg19[%dma_start3A_115] : memref<10112xf32, #tpu.memory_space<vmem_shared>> -> memref<10112xf32, #tpu.memory_space<vmem_shared>>
      tpu.enqueue_indirect_dma source(%arg8 : memref<80xf32, #tpu.memory_space<vmem>>) target(%dma_start3A_116 : memref<10112xf32, #tpu.memory_space<vmem_shared>>) offsets(%arg14 : memref<80xi32, #tpu.memory_space<vmem>>) semaphore(%arg16 : memref<!tpu.dma_semaphore, #tpu.memory_space<semaphore_mem>>) {add = true}
    }
    %scan3A_7 = arith.constant 62 : i32
    %dma_wait3A = arith.constant 0 : i32
    %dma_wait3A_8 = tpu.memref_slice %arg6[%dma_wait3A] : memref<10112xf32, #tpu.memory_space<hbm>> -> memref<80xf32, #tpu.memory_space<hbm>>
    %dma_wait3A_9 = arith.constant 0 : i32
    %dma_wait3A_10 = tpu.memref_slice %arg6[%dma_wait3A_9] : memref<10112xf32, #tpu.memory_space<hbm>> -> memref<80xf32, #tpu.memory_space<hbm>>
    tpu.wait_dma2 semaphore(%arg16 : memref<!tpu.dma_semaphore, #tpu.memory_space<semaphore_mem>>) src(%dma_wait3A_10 : memref<80xf32, #tpu.memory_space<hbm>>) dst(%arg8 : memref<80xf32, #tpu.memory_space<vmem>>)
    %dma_wait3A_11 = arith.constant 0 : i32
    %dma_wait3A_12 = tpu.memref_slice %arg6[%dma_wait3A_11] : memref<10112xf32, #tpu.memory_space<hbm>> -> memref<80xf32, #tpu.memory_space<hbm>>
    %dma_wait3A_13 = arith.constant 0 : i32
    %dma_wait3A_14 = tpu.memref_slice %arg6[%dma_wait3A_13] : memref<10112xf32, #tpu.memory_space<hbm>> -> memref<80xf32, #tpu.memory_space<hbm>>
    tpu.wait_dma2 semaphore(%arg16 : memref<!tpu.dma_semaphore, #tpu.memory_space<semaphore_mem>>) src(%dma_wait3A_14 : memref<80xf32, #tpu.memory_space<hbm>>) dst(%arg8 : memref<80xf32, #tpu.memory_space<vmem>>)
    %dma_wait3A_15 = arith.constant 0 : i32
    %dma_wait3A_16 = tpu.memref_slice %arg6[%dma_wait3A_15] : memref<10112xf32, #tpu.memory_space<hbm>> -> memref<80xf32, #tpu.memory_space<hbm>>
    %dma_wait3A_17 = arith.constant 0 : i32
    %dma_wait3A_18 = tpu.memref_slice %arg6[%dma_wait3A_17] : memref<10112xf32, #tpu.memory_space<hbm>> -> memref<80xf32, #tpu.memory_space<hbm>>
    tpu.wait_dma2 semaphore(%arg16 : memref<!tpu.dma_semaphore, #tpu.memory_space<semaphore_mem>>) src(%dma_wait3A_18 : memref<80xf32, #tpu.memory_space<hbm>>) dst(%arg8 : memref<80xf32, #tpu.memory_space<vmem>>)
    %mul3A_19 = arith.constant 10000 : i32
    %mul3A_20 = arith.muli %add3A, %mul3A_19 : i32
    %add3A_21 = arith.constant 9920 : i32
    %add3A_22 = arith.addi %mul3A_20, %add3A_21 : i32
    %multiple_of3A = tpu.assume_multiple %add3A_22, 8 : i32
    "tpu.region"() ({
      %run_scoped3A = tpu.sem_alloc : memref<!tpu.dma_semaphore, #tpu.memory_space<semaphore_mem>>
      %dma_start3A_77 = tpu.memref_slice %arg2[%multiple_of3A] : memref<320000xi32, #tpu.memory_space<hbm>> -> memref<80xi32, #tpu.memory_space<hbm>>
      %dma_start3A_78 = tpu.memref_slice %arg2[%multiple_of3A] : memref<320000xi32, #tpu.memory_space<hbm>> -> memref<80xi32, #tpu.memory_space<hbm>>
      tpu.enqueue_dma source(%dma_start3A_78 : memref<80xi32, #tpu.memory_space<hbm>>) target(%arg9 : memref<80xi32, #tpu.memory_space<vmem>>) target_semaphore(%run_scoped3A : memref<!tpu.dma_semaphore, #tpu.memory_space<semaphore_mem>>)
      %dma_wait3A_79 = tpu.memref_slice %arg2[%multiple_of3A] : memref<320000xi32, #tpu.memory_space<hbm>> -> memref<80xi32, #tpu.memory_space<hbm>>
      %dma_wait3A_80 = tpu.memref_slice %arg2[%multiple_of3A] : memref<320000xi32, #tpu.memory_space<hbm>> -> memref<80xi32, #tpu.memory_space<hbm>>
      tpu.wait_dma2 semaphore(%run_scoped3A : memref<!tpu.dma_semaphore, #tpu.memory_space<semaphore_mem>>) src(%dma_wait3A_80 : memref<80xi32, #tpu.memory_space<hbm>>) dst(%arg9 : memref<80xi32, #tpu.memory_space<vmem>>)
      tpu.yield
    }) : () -> ()
    "tpu.region"() ({
      %run_scoped3A = tpu.sem_alloc : memref<!tpu.dma_semaphore, #tpu.memory_space<semaphore_mem>>
      %dma_start3A_77 = tpu.memref_slice %arg3[%multiple_of3A] : memref<320000xi32, #tpu.memory_space<hbm>> -> memref<80xi32, #tpu.memory_space<hbm>>
      %dma_start3A_78 = tpu.memref_slice %arg3[%multiple_of3A] : memref<320000xi32, #tpu.memory_space<hbm>> -> memref<80xi32, #tpu.memory_space<hbm>>
      tpu.enqueue_dma source(%dma_start3A_78 : memref<80xi32, #tpu.memory_space<hbm>>) target(%arg10 : memref<80xi32, #tpu.memory_space<vmem>>) target_semaphore(%run_scoped3A : memref<!tpu.dma_semaphore, #tpu.memory_space<semaphore_mem>>)
      %dma_wait3A_79 = tpu.memref_slice %arg3[%multiple_of3A] : memref<320000xi32, #tpu.memory_space<hbm>> -> memref<80xi32, #tpu.memory_space<hbm>>
      %dma_wait3A_80 = tpu.memref_slice %arg3[%multiple_of3A] : memref<320000xi32, #tpu.memory_space<hbm>> -> memref<80xi32, #tpu.memory_space<hbm>>
      tpu.wait_dma2 semaphore(%run_scoped3A : memref<!tpu.dma_semaphore, #tpu.memory_space<semaphore_mem>>) src(%dma_wait3A_80 : memref<80xi32, #tpu.memory_space<hbm>>) dst(%arg10 : memref<80xi32, #tpu.memory_space<vmem>>)
      tpu.yield
    }) : () -> ()
    "tpu.region"() ({
      %run_scoped3A = tpu.sem_alloc : memref<!tpu.dma_semaphore, #tpu.memory_space<semaphore_mem>>
      %dma_start3A_77 = tpu.memref_slice %arg4[%multiple_of3A] : memref<320000xi32, #tpu.memory_space<hbm>> -> memref<80xi32, #tpu.memory_space<hbm>>
      %dma_start3A_78 = tpu.memref_slice %arg4[%multiple_of3A] : memref<320000xi32, #tpu.memory_space<hbm>> -> memref<80xi32, #tpu.memory_space<hbm>>
      tpu.enqueue_dma source(%dma_start3A_78 : memref<80xi32, #tpu.memory_space<hbm>>) target(%arg11 : memref<80xi32, #tpu.memory_space<vmem>>) target_semaphore(%run_scoped3A : memref<!tpu.dma_semaphore, #tpu.memory_space<semaphore_mem>>)
      %dma_wait3A_79 = tpu.memref_slice %arg4[%multiple_of3A] : memref<320000xi32, #tpu.memory_space<hbm>> -> memref<80xi32, #tpu.memory_space<hbm>>
      %dma_wait3A_80 = tpu.memref_slice %arg4[%multiple_of3A] : memref<320000xi32, #tpu.memory_space<hbm>> -> memref<80xi32, #tpu.memory_space<hbm>>
      tpu.wait_dma2 semaphore(%run_scoped3A : memref<!tpu.dma_semaphore, #tpu.memory_space<semaphore_mem>>) src(%dma_wait3A_80 : memref<80xi32, #tpu.memory_space<hbm>>) dst(%arg11 : memref<80xi32, #tpu.memory_space<vmem>>)
      tpu.yield
    }) : () -> ()
    %dma_start3A = arith.constant 0 : i32
    %dma_start3A_23 = tpu.memref_slice %arg17[%dma_start3A] : memref<10112xf32, #tpu.memory_space<vmem_shared>> -> memref<10112xf32, #tpu.memory_space<vmem_shared>>
    tpu.enqueue_indirect_dma source(%arg8 : memref<80xf32, #tpu.memory_space<vmem>>) target(%dma_start3A_23 : memref<10112xf32, #tpu.memory_space<vmem_shared>>) offsets(%arg9 : memref<80xi32, #tpu.memory_space<vmem>>) semaphore(%arg16 : memref<!tpu.dma_semaphore, #tpu.memory_space<semaphore_mem>>) {add = true}
    %dma_start3A_24 = arith.constant 0 : i32
    %dma_start3A_25 = tpu.memref_slice %arg18[%dma_start3A_24] : memref<10112xf32, #tpu.memory_space<vmem_shared>> -> memref<10112xf32, #tpu.memory_space<vmem_shared>>
    tpu.enqueue_indirect_dma source(%arg8 : memref<80xf32, #tpu.memory_space<vmem>>) target(%dma_start3A_25 : memref<10112xf32, #tpu.memory_space<vmem_shared>>) offsets(%arg10 : memref<80xi32, #tpu.memory_space<vmem>>) semaphore(%arg16 : memref<!tpu.dma_semaphore, #tpu.memory_space<semaphore_mem>>) {add = true}
    %dma_start3A_26 = arith.constant 0 : i32
    %dma_start3A_27 = tpu.memref_slice %arg19[%dma_start3A_26] : memref<10112xf32, #tpu.memory_space<vmem_shared>> -> memref<10112xf32, #tpu.memory_space<vmem_shared>>
    tpu.enqueue_indirect_dma source(%arg8 : memref<80xf32, #tpu.memory_space<vmem>>) target(%dma_start3A_27 : memref<10112xf32, #tpu.memory_space<vmem_shared>>) offsets(%arg11 : memref<80xi32, #tpu.memory_space<vmem>>) semaphore(%arg16 : memref<!tpu.dma_semaphore, #tpu.memory_space<semaphore_mem>>) {add = true}
    %dma_wait3A_28 = arith.constant 0 : i32
    %dma_wait3A_29 = tpu.memref_slice %arg6[%dma_wait3A_28] : memref<10112xf32, #tpu.memory_space<hbm>> -> memref<80xf32, #tpu.memory_space<hbm>>
    %dma_wait3A_30 = arith.constant 0 : i32
    %dma_wait3A_31 = tpu.memref_slice %arg6[%dma_wait3A_30] : memref<10112xf32, #tpu.memory_space<hbm>> -> memref<80xf32, #tpu.memory_space<hbm>>
    tpu.wait_dma2 semaphore(%arg16 : memref<!tpu.dma_semaphore, #tpu.memory_space<semaphore_mem>>) src(%dma_wait3A_31 : memref<80xf32, #tpu.memory_space<hbm>>) dst(%arg8 : memref<80xf32, #tpu.memory_space<vmem>>)
    %dma_wait3A_32 = arith.constant 0 : i32
    %dma_wait3A_33 = tpu.memref_slice %arg6[%dma_wait3A_32] : memref<10112xf32, #tpu.memory_space<hbm>> -> memref<80xf32, #tpu.memory_space<hbm>>
    %dma_wait3A_34 = arith.constant 0 : i32
    %dma_wait3A_35 = tpu.memref_slice %arg6[%dma_wait3A_34] : memref<10112xf32, #tpu.memory_space<hbm>> -> memref<80xf32, #tpu.memory_space<hbm>>
    tpu.wait_dma2 semaphore(%arg16 : memref<!tpu.dma_semaphore, #tpu.memory_space<semaphore_mem>>) src(%dma_wait3A_35 : memref<80xf32, #tpu.memory_space<hbm>>) dst(%arg8 : memref<80xf32, #tpu.memory_space<vmem>>)
    %dma_wait3A_36 = arith.constant 0 : i32
    %dma_wait3A_37 = tpu.memref_slice %arg6[%dma_wait3A_36] : memref<10112xf32, #tpu.memory_space<hbm>> -> memref<80xf32, #tpu.memory_space<hbm>>
    %dma_wait3A_38 = arith.constant 0 : i32
    %dma_wait3A_39 = tpu.memref_slice %arg6[%dma_wait3A_38] : memref<10112xf32, #tpu.memory_space<hbm>> -> memref<80xf32, #tpu.memory_space<hbm>>
    tpu.wait_dma2 semaphore(%arg16 : memref<!tpu.dma_semaphore, #tpu.memory_space<semaphore_mem>>) src(%dma_wait3A_39 : memref<80xf32, #tpu.memory_space<hbm>>) dst(%arg8 : memref<80xf32, #tpu.memory_space<vmem>>)
    %dma_wait3A_40 = arith.constant 0 : i32
    %dma_wait3A_41 = tpu.memref_slice %arg6[%dma_wait3A_40] : memref<10112xf32, #tpu.memory_space<hbm>> -> memref<80xf32, #tpu.memory_space<hbm>>
    %dma_wait3A_42 = arith.constant 0 : i32
    %dma_wait3A_43 = tpu.memref_slice %arg6[%dma_wait3A_42] : memref<10112xf32, #tpu.memory_space<hbm>> -> memref<80xf32, #tpu.memory_space<hbm>>
    tpu.wait_dma2 semaphore(%arg16 : memref<!tpu.dma_semaphore, #tpu.memory_space<semaphore_mem>>) src(%dma_wait3A_43 : memref<80xf32, #tpu.memory_space<hbm>>) dst(%arg8 : memref<80xf32, #tpu.memory_space<vmem>>)
    %dma_wait3A_44 = arith.constant 0 : i32
    %dma_wait3A_45 = tpu.memref_slice %arg6[%dma_wait3A_44] : memref<10112xf32, #tpu.memory_space<hbm>> -> memref<80xf32, #tpu.memory_space<hbm>>
    %dma_wait3A_46 = arith.constant 0 : i32
    %dma_wait3A_47 = tpu.memref_slice %arg6[%dma_wait3A_46] : memref<10112xf32, #tpu.memory_space<hbm>> -> memref<80xf32, #tpu.memory_space<hbm>>
    tpu.wait_dma2 semaphore(%arg16 : memref<!tpu.dma_semaphore, #tpu.memory_space<semaphore_mem>>) src(%dma_wait3A_47 : memref<80xf32, #tpu.memory_space<hbm>>) dst(%arg8 : memref<80xf32, #tpu.memory_space<vmem>>)
    %dma_wait3A_48 = arith.constant 0 : i32
    %dma_wait3A_49 = tpu.memref_slice %arg6[%dma_wait3A_48] : memref<10112xf32, #tpu.memory_space<hbm>> -> memref<80xf32, #tpu.memory_space<hbm>>
    %dma_wait3A_50 = arith.constant 0 : i32
    %dma_wait3A_51 = tpu.memref_slice %arg6[%dma_wait3A_50] : memref<10112xf32, #tpu.memory_space<hbm>> -> memref<80xf32, #tpu.memory_space<hbm>>
    tpu.wait_dma2 semaphore(%arg16 : memref<!tpu.dma_semaphore, #tpu.memory_space<semaphore_mem>>) src(%dma_wait3A_51 : memref<80xf32, #tpu.memory_space<hbm>>) dst(%arg8 : memref<80xf32, #tpu.memory_space<vmem>>)
    %barrier3A_52 = arith.constant 0 : index
    tpu.barrier barrier_id(%barrier3A_52)
    "tpu.region"() ({
      %run_scoped3A = tpu.sem_alloc : memref<!tpu.dma_semaphore, #tpu.memory_space<semaphore_mem>>
      %dma_start3A_77 = tpu.memref_slice %arg17[%mul3A_2] : memref<10112xf32, #tpu.memory_space<vmem_shared>> -> memref<632xf32, #tpu.memory_space<vmem_shared>>
      %dma_start3A_78 = tpu.memref_slice %arg17[%mul3A_2] : memref<10112xf32, #tpu.memory_space<vmem_shared>> -> memref<632xf32, #tpu.memory_space<vmem_shared>>
      tpu.enqueue_dma source(%dma_start3A_78 : memref<632xf32, #tpu.memory_space<vmem_shared>>) target(%arg15 : memref<632xf32, #tpu.memory_space<vmem>>) target_semaphore(%run_scoped3A : memref<!tpu.dma_semaphore, #tpu.memory_space<semaphore_mem>>)
      %dma_wait3A_79 = tpu.memref_slice %arg17[%mul3A_2] : memref<10112xf32, #tpu.memory_space<vmem_shared>> -> memref<632xf32, #tpu.memory_space<vmem_shared>>
      %dma_wait3A_80 = tpu.memref_slice %arg17[%mul3A_2] : memref<10112xf32, #tpu.memory_space<vmem_shared>> -> memref<632xf32, #tpu.memory_space<vmem_shared>>
      tpu.wait_dma2 semaphore(%run_scoped3A : memref<!tpu.dma_semaphore, #tpu.memory_space<semaphore_mem>>) src(%dma_wait3A_80 : memref<632xf32, #tpu.memory_space<vmem_shared>>) dst(%arg15 : memref<632xf32, #tpu.memory_space<vmem>>)
      tpu.yield
    }) : () -> ()
    %mul3A_53 = arith.constant 3 : i32
    %mul3A_54 = arith.muli %arg0, %mul3A_53 : i32
    %mul3A_55 = arith.constant 10112 : i32
    %mul3A_56 = arith.muli %mul3A_54, %mul3A_55 : i32
    %add3A_57 = arith.constant 0 : i32
    %add3A_58 = arith.addi %mul3A_56, %add3A_57 : i32
    %add3A_59 = arith.addi %add3A_58, %mul3A_2 : i32
    %multiple_of3A_60 = tpu.assume_multiple %add3A_59, 8 : i32
    "tpu.region"() ({
      %run_scoped3A = tpu.sem_alloc : memref<!tpu.dma_semaphore, #tpu.memory_space<semaphore_mem>>
      %dma_start3A_77 = tpu.memref_slice %arg7[%multiple_of3A_60] : memref<60672xf32, #tpu.memory_space<hbm>> -> memref<632xf32, #tpu.memory_space<hbm>>
      %dma_start3A_78 = tpu.memref_slice %arg7[%multiple_of3A_60] : memref<60672xf32, #tpu.memory_space<hbm>> -> memref<632xf32, #tpu.memory_space<hbm>>
      tpu.enqueue_dma source(%arg15 : memref<632xf32, #tpu.memory_space<vmem>>) target(%dma_start3A_78 : memref<632xf32, #tpu.memory_space<hbm>>) target_semaphore(%run_scoped3A : memref<!tpu.dma_semaphore, #tpu.memory_space<semaphore_mem>>)
      %dma_wait3A_79 = tpu.memref_slice %arg7[%multiple_of3A_60] : memref<60672xf32, #tpu.memory_space<hbm>> -> memref<632xf32, #tpu.memory_space<hbm>>
      %dma_wait3A_80 = tpu.memref_slice %arg7[%multiple_of3A_60] : memref<60672xf32, #tpu.memory_space<hbm>> -> memref<632xf32, #tpu.memory_space<hbm>>
      tpu.wait_dma2 semaphore(%run_scoped3A : memref<!tpu.dma_semaphore, #tpu.memory_space<semaphore_mem>>) src(%arg15 : memref<632xf32, #tpu.memory_space<vmem>>) dst(%dma_wait3A_80 : memref<632xf32, #tpu.memory_space<hbm>>)
      tpu.yield
    }) : () -> ()
    "tpu.region"() ({
      %run_scoped3A = tpu.sem_alloc : memref<!tpu.dma_semaphore, #tpu.memory_space<semaphore_mem>>
      %dma_start3A_77 = tpu.memref_slice %arg18[%mul3A_2] : memref<10112xf32, #tpu.memory_space<vmem_shared>> -> memref<632xf32, #tpu.memory_space<vmem_shared>>
      %dma_start3A_78 = tpu.memref_slice %arg18[%mul3A_2] : memref<10112xf32, #tpu.memory_space<vmem_shared>> -> memref<632xf32, #tpu.memory_space<vmem_shared>>
      tpu.enqueue_dma source(%dma_start3A_78 : memref<632xf32, #tpu.memory_space<vmem_shared>>) target(%arg15 : memref<632xf32, #tpu.memory_space<vmem>>) target_semaphore(%run_scoped3A : memref<!tpu.dma_semaphore, #tpu.memory_space<semaphore_mem>>)
      %dma_wait3A_79 = tpu.memref_slice %arg18[%mul3A_2] : memref<10112xf32, #tpu.memory_space<vmem_shared>> -> memref<632xf32, #tpu.memory_space<vmem_shared>>
      %dma_wait3A_80 = tpu.memref_slice %arg18[%mul3A_2] : memref<10112xf32, #tpu.memory_space<vmem_shared>> -> memref<632xf32, #tpu.memory_space<vmem_shared>>
      tpu.wait_dma2 semaphore(%run_scoped3A : memref<!tpu.dma_semaphore, #tpu.memory_space<semaphore_mem>>) src(%dma_wait3A_80 : memref<632xf32, #tpu.memory_space<vmem_shared>>) dst(%arg15 : memref<632xf32, #tpu.memory_space<vmem>>)
      tpu.yield
    }) : () -> ()
    %mul3A_61 = arith.constant 3 : i32
    %mul3A_62 = arith.muli %arg0, %mul3A_61 : i32
    %mul3A_63 = arith.constant 10112 : i32
    %mul3A_64 = arith.muli %mul3A_62, %mul3A_63 : i32
    %add3A_65 = arith.constant 10112 : i32
    %add3A_66 = arith.addi %mul3A_64, %add3A_65 : i32
    %add3A_67 = arith.addi %add3A_66, %mul3A_2 : i32
    %multiple_of3A_68 = tpu.assume_multiple %add3A_67, 8 : i32
    "tpu.region"() ({
      %run_scoped3A = tpu.sem_alloc : memref<!tpu.dma_semaphore, #tpu.memory_space<semaphore_mem>>
      %dma_start3A_77 = tpu.memref_slice %arg7[%multiple_of3A_68] : memref<60672xf32, #tpu.memory_space<hbm>> -> memref<632xf32, #tpu.memory_space<hbm>>
      %dma_start3A_78 = tpu.memref_slice %arg7[%multiple_of3A_68] : memref<60672xf32, #tpu.memory_space<hbm>> -> memref<632xf32, #tpu.memory_space<hbm>>
      tpu.enqueue_dma source(%arg15 : memref<632xf32, #tpu.memory_space<vmem>>) target(%dma_start3A_78 : memref<632xf32, #tpu.memory_space<hbm>>) target_semaphore(%run_scoped3A : memref<!tpu.dma_semaphore, #tpu.memory_space<semaphore_mem>>)
      %dma_wait3A_79 = tpu.memref_slice %arg7[%multiple_of3A_68] : memref<60672xf32, #tpu.memory_space<hbm>> -> memref<632xf32, #tpu.memory_space<hbm>>
      %dma_wait3A_80 = tpu.memref_slice %arg7[%multiple_of3A_68] : memref<60672xf32, #tpu.memory_space<hbm>> -> memref<632xf32, #tpu.memory_space<hbm>>
      tpu.wait_dma2 semaphore(%run_scoped3A : memref<!tpu.dma_semaphore, #tpu.memory_space<semaphore_mem>>) src(%arg15 : memref<632xf32, #tpu.memory_space<vmem>>) dst(%dma_wait3A_80 : memref<632xf32, #tpu.memory_space<hbm>>)
      tpu.yield
    }) : () -> ()
    "tpu.region"() ({
      %run_scoped3A = tpu.sem_alloc : memref<!tpu.dma_semaphore, #tpu.memory_space<semaphore_mem>>
      %dma_start3A_77 = tpu.memref_slice %arg19[%mul3A_2] : memref<10112xf32, #tpu.memory_space<vmem_shared>> -> memref<632xf32, #tpu.memory_space<vmem_shared>>
      %dma_start3A_78 = tpu.memref_slice %arg19[%mul3A_2] : memref<10112xf32, #tpu.memory_space<vmem_shared>> -> memref<632xf32, #tpu.memory_space<vmem_shared>>
      tpu.enqueue_dma source(%dma_start3A_78 : memref<632xf32, #tpu.memory_space<vmem_shared>>) target(%arg15 : memref<632xf32, #tpu.memory_space<vmem>>) target_semaphore(%run_scoped3A : memref<!tpu.dma_semaphore, #tpu.memory_space<semaphore_mem>>)
      %dma_wait3A_79 = tpu.memref_slice %arg19[%mul3A_2] : memref<10112xf32, #tpu.memory_space<vmem_shared>> -> memref<632xf32, #tpu.memory_space<vmem_shared>>
      %dma_wait3A_80 = tpu.memref_slice %arg19[%mul3A_2] : memref<10112xf32, #tpu.memory_space<vmem_shared>> -> memref<632xf32, #tpu.memory_space<vmem_shared>>
      tpu.wait_dma2 semaphore(%run_scoped3A : memref<!tpu.dma_semaphore, #tpu.memory_space<semaphore_mem>>) src(%dma_wait3A_80 : memref<632xf32, #tpu.memory_space<vmem_shared>>) dst(%arg15 : memref<632xf32, #tpu.memory_space<vmem>>)
      tpu.yield
    }) : () -> ()
    %mul3A_69 = arith.constant 3 : i32
    %mul3A_70 = arith.muli %arg0, %mul3A_69 : i32
    %mul3A_71 = arith.constant 10112 : i32
    %mul3A_72 = arith.muli %mul3A_70, %mul3A_71 : i32
    %add3A_73 = arith.constant 20224 : i32
    %add3A_74 = arith.addi %mul3A_72, %add3A_73 : i32
    %add3A_75 = arith.addi %add3A_74, %mul3A_2 : i32
    %multiple_of3A_76 = tpu.assume_multiple %add3A_75, 8 : i32
    "tpu.region"() ({
      %run_scoped3A = tpu.sem_alloc : memref<!tpu.dma_semaphore, #tpu.memory_space<semaphore_mem>>
      %dma_start3A_77 = tpu.memref_slice %arg7[%multiple_of3A_76] : memref<60672xf32, #tpu.memory_space<hbm>> -> memref<632xf32, #tpu.memory_space<hbm>>
      %dma_start3A_78 = tpu.memref_slice %arg7[%multiple_of3A_76] : memref<60672xf32, #tpu.memory_space<hbm>> -> memref<632xf32, #tpu.memory_space<hbm>>
      tpu.enqueue_dma source(%arg15 : memref<632xf32, #tpu.memory_space<vmem>>) target(%dma_start3A_78 : memref<632xf32, #tpu.memory_space<hbm>>) target_semaphore(%run_scoped3A : memref<!tpu.dma_semaphore, #tpu.memory_space<semaphore_mem>>)
      %dma_wait3A_79 = tpu.memref_slice %arg7[%multiple_of3A_76] : memref<60672xf32, #tpu.memory_space<hbm>> -> memref<632xf32, #tpu.memory_space<hbm>>
      %dma_wait3A_80 = tpu.memref_slice %arg7[%multiple_of3A_76] : memref<60672xf32, #tpu.memory_space<hbm>> -> memref<632xf32, #tpu.memory_space<hbm>>
      tpu.wait_dma2 semaphore(%run_scoped3A : memref<!tpu.dma_semaphore, #tpu.memory_space<semaphore_mem>>) src(%arg15 : memref<632xf32, #tpu.memory_space<vmem>>) dst(%dma_wait3A_80 : memref<632xf32, #tpu.memory_space<hbm>>)
      tpu.yield
    }) : () -> ()
    return
  }
}

#map = affine_map<(d0, d1) -> (0, 0)>
#map1 = affine_map<(d0, d1) -> (0)>
#map2 = affine_map<(d0, d1) -> (0, 0, 0)>
module attributes {stable_mosaic.version = 14 : i64} {
  func.func @sc_segsum(%arg0: i32, %arg1: i32, %arg2: memref<10000x128xf32, #tpu.memory_space<hbm>>, %arg3: memref<322560xi32, #tpu.memory_space<hbm>>, %arg4: memref<322560xi32, #tpu.memory_space<hbm>>, %arg5: memref<10112x128xf32, #tpu.memory_space<hbm>>, %arg6: memref<2x10112x128xf32, #tpu.memory_space<hbm>>, %arg7: memref<96xi32, #tpu.memory_space<vmem>>, %arg8: memref<96xi32, #tpu.memory_space<vmem>>, %arg9: memref<96xi32, #tpu.memory_space<vmem>>, %arg10: memref<96xi32, #tpu.memory_space<vmem>>, %arg11: memref<96x128xf32, #tpu.memory_space<vmem>>, %arg12: memref<96x128xf32, #tpu.memory_space<vmem>>, %arg13: memref<!tpu.dma_semaphore, #tpu.memory_space<semaphore_mem>>, %arg14: memref<!tpu.dma_semaphore, #tpu.memory_space<semaphore_mem>>, %arg15: memref<10112x128xf32, #tpu.memory_space<vmem_shared>>) attributes {dimension_semantics = [#tpu.dimension_semantics<core_parallel>, #tpu.dimension_semantics<subcore_parallel>], iteration_bounds = array<i64: 2, 16>, scalar_prefetch = 0 : i64, scratch_operands = 9 : i64, tpu.core_type = #tpu.core_type<sc_vector_subcore>, window_params = [{transform_indices = #map}, {transform_indices = #map1}, {transform_indices = #map1}, {transform_indices = #map}, {transform_indices = #map2}]} {
    %mul3A = arith.constant 16 : i32
    %mul3A_0 = arith.muli %arg0, %mul3A : i32
    %add3A = arith.addi %mul3A_0, %arg1 : i32
    %mul3A_1 = arith.constant 632 : i32
    %mul3A_2 = arith.muli %arg1, %mul3A_1 : i32
    "tpu.region"() ({
      %run_scoped3A = tpu.sem_alloc : memref<!tpu.dma_semaphore, #tpu.memory_space<semaphore_mem>>
      %dma_start3A_23 = arith.constant 0 : i32
      %dma_start3A_24 = tpu.memref_slice %arg15[%mul3A_2, %dma_start3A_23] : memref<10112x128xf32, #tpu.memory_space<vmem_shared>> -> memref<632x128xf32, #tpu.memory_space<vmem_shared>>
      %dma_start3A_25 = arith.constant 0 : i32
      %dma_start3A_26 = tpu.memref_slice %arg5[%mul3A_2, %dma_start3A_25] : memref<10112x128xf32, #tpu.memory_space<hbm>> -> memref<632x128xf32, #tpu.memory_space<hbm>>
      tpu.enqueue_dma source(%dma_start3A_26 : memref<632x128xf32, #tpu.memory_space<hbm>>) target(%dma_start3A_24 : memref<632x128xf32, #tpu.memory_space<vmem_shared>>) target_semaphore(%run_scoped3A : memref<!tpu.dma_semaphore, #tpu.memory_space<semaphore_mem>>)
      %dma_wait3A_27 = arith.constant 0 : i32
      %dma_wait3A_28 = tpu.memref_slice %arg15[%mul3A_2, %dma_wait3A_27] : memref<10112x128xf32, #tpu.memory_space<vmem_shared>> -> memref<632x128xf32, #tpu.memory_space<vmem_shared>>
      %dma_wait3A_29 = arith.constant 0 : i32
      %dma_wait3A_30 = tpu.memref_slice %arg5[%mul3A_2, %dma_wait3A_29] : memref<10112x128xf32, #tpu.memory_space<hbm>> -> memref<632x128xf32, #tpu.memory_space<hbm>>
      tpu.wait_dma2 semaphore(%run_scoped3A : memref<!tpu.dma_semaphore, #tpu.memory_space<semaphore_mem>>) src(%dma_wait3A_30 : memref<632x128xf32, #tpu.memory_space<hbm>>) dst(%dma_wait3A_28 : memref<632x128xf32, #tpu.memory_space<vmem_shared>>)
      tpu.yield
    }) : () -> ()
    %barrier3A = arith.constant 0 : index
    tpu.barrier barrier_id(%barrier3A)
    %mul3A_3 = arith.constant 10080 : i32
    %mul3A_4 = arith.muli %add3A, %mul3A_3 : i32
    %add3A_5 = arith.constant 0 : i32
    %add3A_6 = arith.addi %mul3A_4, %add3A_5 : i32
    %multiple_of3A = tpu.assume_multiple %add3A_6, 8 : i32
    "tpu.region"() ({
      %run_scoped3A = tpu.sem_alloc : memref<!tpu.dma_semaphore, #tpu.memory_space<semaphore_mem>>
      %dma_start3A_23 = tpu.memref_slice %arg3[%multiple_of3A] : memref<322560xi32, #tpu.memory_space<hbm>> -> memref<96xi32, #tpu.memory_space<hbm>>
      %dma_start3A_24 = tpu.memref_slice %arg3[%multiple_of3A] : memref<322560xi32, #tpu.memory_space<hbm>> -> memref<96xi32, #tpu.memory_space<hbm>>
      tpu.enqueue_dma source(%dma_start3A_24 : memref<96xi32, #tpu.memory_space<hbm>>) target(%arg7 : memref<96xi32, #tpu.memory_space<vmem>>) target_semaphore(%run_scoped3A : memref<!tpu.dma_semaphore, #tpu.memory_space<semaphore_mem>>)
      %dma_wait3A_25 = tpu.memref_slice %arg3[%multiple_of3A] : memref<322560xi32, #tpu.memory_space<hbm>> -> memref<96xi32, #tpu.memory_space<hbm>>
      %dma_wait3A_26 = tpu.memref_slice %arg3[%multiple_of3A] : memref<322560xi32, #tpu.memory_space<hbm>> -> memref<96xi32, #tpu.memory_space<hbm>>
      tpu.wait_dma2 semaphore(%run_scoped3A : memref<!tpu.dma_semaphore, #tpu.memory_space<semaphore_mem>>) src(%dma_wait3A_26 : memref<96xi32, #tpu.memory_space<hbm>>) dst(%arg7 : memref<96xi32, #tpu.memory_space<vmem>>)
      tpu.yield
    }) : () -> ()
    "tpu.region"() ({
      %run_scoped3A = tpu.sem_alloc : memref<!tpu.dma_semaphore, #tpu.memory_space<semaphore_mem>>
      %dma_start3A_23 = tpu.memref_slice %arg4[%multiple_of3A] : memref<322560xi32, #tpu.memory_space<hbm>> -> memref<96xi32, #tpu.memory_space<hbm>>
      %dma_start3A_24 = tpu.memref_slice %arg4[%multiple_of3A] : memref<322560xi32, #tpu.memory_space<hbm>> -> memref<96xi32, #tpu.memory_space<hbm>>
      tpu.enqueue_dma source(%dma_start3A_24 : memref<96xi32, #tpu.memory_space<hbm>>) target(%arg8 : memref<96xi32, #tpu.memory_space<vmem>>) target_semaphore(%run_scoped3A : memref<!tpu.dma_semaphore, #tpu.memory_space<semaphore_mem>>)
      %dma_wait3A_25 = tpu.memref_slice %arg4[%multiple_of3A] : memref<322560xi32, #tpu.memory_space<hbm>> -> memref<96xi32, #tpu.memory_space<hbm>>
      %dma_wait3A_26 = tpu.memref_slice %arg4[%multiple_of3A] : memref<322560xi32, #tpu.memory_space<hbm>> -> memref<96xi32, #tpu.memory_space<hbm>>
      tpu.wait_dma2 semaphore(%run_scoped3A : memref<!tpu.dma_semaphore, #tpu.memory_space<semaphore_mem>>) src(%dma_wait3A_26 : memref<96xi32, #tpu.memory_space<hbm>>) dst(%arg8 : memref<96xi32, #tpu.memory_space<vmem>>)
      tpu.yield
    }) : () -> ()
    %scan3A = arith.constant 0 : i32
    %scan3A_7 = arith.constant 0 : i32
    %scan3A_8 = arith.constant 52 : i32
    %scan3A_9 = arith.addi %scan3A_7, %scan3A_8 : i32
    %scan3A_10 = arith.constant 1 : i32
    scf.for %scan3A_23 = %scan3A_7 to %scan3A_9 step %scan3A_10  : i32 {
      %mul3A_24 = arith.constant 2 : i32
      %mul3A_25 = arith.muli %mul3A_24, %scan3A_23 : i32
      %dma_start3A_26 = arith.constant 0 : i32
      %dma_start3A_27 = arith.constant 0 : i32
      %dma_start3A_28 = tpu.memref_slice %arg2[%dma_start3A_26, %dma_start3A_27] : memref<10000x128xf32, #tpu.memory_space<hbm>> -> memref<10000x128xf32, #tpu.memory_space<hbm>>
      tpu.enqueue_indirect_dma source(%dma_start3A_28 : memref<10000x128xf32, #tpu.memory_space<hbm>>) target(%arg11 : memref<96x128xf32, #tpu.memory_space<vmem>>) offsets(%arg7 : memref<96xi32, #tpu.memory_space<vmem>>) semaphore(%arg13 : memref<!tpu.dma_semaphore, #tpu.memory_space<semaphore_mem>>)
      %gt3A = arith.constant 0 : i32
      %gt3A_29 = arith.cmpi sgt, %scan3A_23, %gt3A : i32
      %convert_element_type3A = arith.extui %gt3A_29 : i1 to i32
      %cond3A = arith.constant 0 : i32
      %cond3A_30 = arith.cmpi ne, %convert_element_type3A, %cond3A : i32
      scf.if %cond3A_30 {
        %dma_wait3A_68 = arith.constant 0 : i32
        %dma_wait3A_69 = arith.constant 0 : i32
        %dma_wait3A_70 = tpu.memref_slice %arg5[%dma_wait3A_68, %dma_wait3A_69] : memref<10112x128xf32, #tpu.memory_space<hbm>> -> memref<96x128xf32, #tpu.memory_space<hbm>>
        %dma_wait3A_71 = arith.constant 0 : i32
        %dma_wait3A_72 = arith.constant 0 : i32
        %dma_wait3A_73 = tpu.memref_slice %arg5[%dma_wait3A_71, %dma_wait3A_72] : memref<10112x128xf32, #tpu.memory_space<hbm>> -> memref<96x128xf32, #tpu.memory_space<hbm>>
        tpu.wait_dma2 semaphore(%arg14 : memref<!tpu.dma_semaphore, #tpu.memory_space<semaphore_mem>>) src(%dma_wait3A_73 : memref<96x128xf32, #tpu.memory_space<hbm>>) dst(%arg12 : memref<96x128xf32, #tpu.memory_space<vmem>>)
      } else {
      }
      %add3A_31 = arith.constant 1 : i32
      %add3A_32 = arith.addi %mul3A_25, %add3A_31 : i32
      %mul3A_33 = arith.constant 10080 : i32
      %mul3A_34 = arith.muli %add3A, %mul3A_33 : i32
      %mul3A_35 = arith.constant 96 : i32
      %mul3A_36 = arith.muli %add3A_32, %mul3A_35 : i32
      %add3A_37 = arith.addi %mul3A_34, %mul3A_36 : i32
      %multiple_of3A_38 = tpu.assume_multiple %add3A_37, 8 : i32
      "tpu.region"() ({
        %run_scoped3A = tpu.sem_alloc : memref<!tpu.dma_semaphore, #tpu.memory_space<semaphore_mem>>
        %dma_start3A_68 = tpu.memref_slice %arg3[%multiple_of3A_38] : memref<322560xi32, #tpu.memory_space<hbm>> -> memref<96xi32, #tpu.memory_space<hbm>>
        %dma_start3A_69 = tpu.memref_slice %arg3[%multiple_of3A_38] : memref<322560xi32, #tpu.memory_space<hbm>> -> memref<96xi32, #tpu.memory_space<hbm>>
        tpu.enqueue_dma source(%dma_start3A_69 : memref<96xi32, #tpu.memory_space<hbm>>) target(%arg9 : memref<96xi32, #tpu.memory_space<vmem>>) target_semaphore(%run_scoped3A : memref<!tpu.dma_semaphore, #tpu.memory_space<semaphore_mem>>)
        %dma_wait3A_70 = tpu.memref_slice %arg3[%multiple_of3A_38] : memref<322560xi32, #tpu.memory_space<hbm>> -> memref<96xi32, #tpu.memory_space<hbm>>
        %dma_wait3A_71 = tpu.memref_slice %arg3[%multiple_of3A_38] : memref<322560xi32, #tpu.memory_space<hbm>> -> memref<96xi32, #tpu.memory_space<hbm>>
        tpu.wait_dma2 semaphore(%run_scoped3A : memref<!tpu.dma_semaphore, #tpu.memory_space<semaphore_mem>>) src(%dma_wait3A_71 : memref<96xi32, #tpu.memory_space<hbm>>) dst(%arg9 : memref<96xi32, #tpu.memory_space<vmem>>)
        tpu.yield
      }) : () -> ()
      "tpu.region"() ({
        %run_scoped3A = tpu.sem_alloc : memref<!tpu.dma_semaphore, #tpu.memory_space<semaphore_mem>>
        %dma_start3A_68 = tpu.memref_slice %arg4[%multiple_of3A_38] : memref<322560xi32, #tpu.memory_space<hbm>> -> memref<96xi32, #tpu.memory_space<hbm>>
        %dma_start3A_69 = tpu.memref_slice %arg4[%multiple_of3A_38] : memref<322560xi32, #tpu.memory_space<hbm>> -> memref<96xi32, #tpu.memory_space<hbm>>
        tpu.enqueue_dma source(%dma_start3A_69 : memref<96xi32, #tpu.memory_space<hbm>>) target(%arg10 : memref<96xi32, #tpu.memory_space<vmem>>) target_semaphore(%run_scoped3A : memref<!tpu.dma_semaphore, #tpu.memory_space<semaphore_mem>>)
        %dma_wait3A_70 = tpu.memref_slice %arg4[%multiple_of3A_38] : memref<322560xi32, #tpu.memory_space<hbm>> -> memref<96xi32, #tpu.memory_space<hbm>>
        %dma_wait3A_71 = tpu.memref_slice %arg4[%multiple_of3A_38] : memref<322560xi32, #tpu.memory_space<hbm>> -> memref<96xi32, #tpu.memory_space<hbm>>
        tpu.wait_dma2 semaphore(%run_scoped3A : memref<!tpu.dma_semaphore, #tpu.memory_space<semaphore_mem>>) src(%dma_wait3A_71 : memref<96xi32, #tpu.memory_space<hbm>>) dst(%arg10 : memref<96xi32, #tpu.memory_space<vmem>>)
        tpu.yield
      }) : () -> ()
      %dma_wait3A_39 = arith.constant 0 : i32
      %dma_wait3A_40 = arith.constant 0 : i32
      %dma_wait3A_41 = tpu.memref_slice %arg2[%dma_wait3A_39, %dma_wait3A_40] : memref<10000x128xf32, #tpu.memory_space<hbm>> -> memref<10000x128xf32, #tpu.memory_space<hbm>>
      tpu.wait_indirect_dma semaphore(%arg13 : memref<!tpu.dma_semaphore, #tpu.memory_space<semaphore_mem>>) src(%dma_wait3A_41 : memref<10000x128xf32, #tpu.memory_space<hbm>>) dst(%arg11 : memref<96x128xf32, #tpu.memory_space<vmem>>)
      %dma_start3A_42 = arith.constant 0 : i32
      %dma_start3A_43 = arith.constant 0 : i32
      %dma_start3A_44 = tpu.memref_slice %arg15[%dma_start3A_42, %dma_start3A_43] : memref<10112x128xf32, #tpu.memory_space<vmem_shared>> -> memref<10112x128xf32, #tpu.memory_space<vmem_shared>>
      tpu.enqueue_indirect_dma source(%arg11 : memref<96x128xf32, #tpu.memory_space<vmem>>) target(%dma_start3A_44 : memref<10112x128xf32, #tpu.memory_space<vmem_shared>>) offsets(%arg8 : memref<96xi32, #tpu.memory_space<vmem>>) semaphore(%arg14 : memref<!tpu.dma_semaphore, #tpu.memory_space<semaphore_mem>>) {add = true}
      %dma_start3A_45 = arith.constant 0 : i32
      %dma_start3A_46 = arith.constant 0 : i32
      %dma_start3A_47 = tpu.memref_slice %arg2[%dma_start3A_45, %dma_start3A_46] : memref<10000x128xf32, #tpu.memory_space<hbm>> -> memref<10000x128xf32, #tpu.memory_space<hbm>>
      tpu.enqueue_indirect_dma source(%dma_start3A_47 : memref<10000x128xf32, #tpu.memory_space<hbm>>) target(%arg12 : memref<96x128xf32, #tpu.memory_space<vmem>>) offsets(%arg9 : memref<96xi32, #tpu.memory_space<vmem>>) semaphore(%arg13 : memref<!tpu.dma_semaphore, #tpu.memory_space<semaphore_mem>>)
      %dma_wait3A_48 = arith.constant 0 : i32
      %dma_wait3A_49 = arith.constant 0 : i32
      %dma_wait3A_50 = tpu.memref_slice %arg5[%dma_wait3A_48, %dma_wait3A_49] : memref<10112x128xf32, #tpu.memory_space<hbm>> -> memref<96x128xf32, #tpu.memory_space<hbm>>
      %dma_wait3A_51 = arith.constant 0 : i32
      %dma_wait3A_52 = arith.constant 0 : i32
      %dma_wait3A_53 = tpu.memref_slice %arg5[%dma_wait3A_51, %dma_wait3A_52] : memref<10112x128xf32, #tpu.memory_space<hbm>> -> memref<96x128xf32, #tpu.memory_space<hbm>>
      tpu.wait_dma2 semaphore(%arg14 : memref<!tpu.dma_semaphore, #tpu.memory_space<semaphore_mem>>) src(%dma_wait3A_53 : memref<96x128xf32, #tpu.memory_space<hbm>>) dst(%arg11 : memref<96x128xf32, #tpu.memory_space<vmem>>)
      %add3A_54 = arith.constant 2 : i32
      %add3A_55 = arith.addi %mul3A_25, %add3A_54 : i32
      %mul3A_56 = arith.constant 10080 : i32
      %mul3A_57 = arith.muli %add3A, %mul3A_56 : i32
      %mul3A_58 = arith.constant 96 : i32
      %mul3A_59 = arith.muli %add3A_55, %mul3A_58 : i32
      %add3A_60 = arith.addi %mul3A_57, %mul3A_59 : i32
      %multiple_of3A_61 = tpu.assume_multiple %add3A_60, 8 : i32
      "tpu.region"() ({
        %run_scoped3A = tpu.sem_alloc : memref<!tpu.dma_semaphore, #tpu.memory_space<semaphore_mem>>
        %dma_start3A_68 = tpu.memref_slice %arg3[%multiple_of3A_61] : memref<322560xi32, #tpu.memory_space<hbm>> -> memref<96xi32, #tpu.memory_space<hbm>>
        %dma_start3A_69 = tpu.memref_slice %arg3[%multiple_of3A_61] : memref<322560xi32, #tpu.memory_space<hbm>> -> memref<96xi32, #tpu.memory_space<hbm>>
        tpu.enqueue_dma source(%dma_start3A_69 : memref<96xi32, #tpu.memory_space<hbm>>) target(%arg7 : memref<96xi32, #tpu.memory_space<vmem>>) target_semaphore(%run_scoped3A : memref<!tpu.dma_semaphore, #tpu.memory_space<semaphore_mem>>)
        %dma_wait3A_70 = tpu.memref_slice %arg3[%multiple_of3A_61] : memref<322560xi32, #tpu.memory_space<hbm>> -> memref<96xi32, #tpu.memory_space<hbm>>
        %dma_wait3A_71 = tpu.memref_slice %arg3[%multiple_of3A_61] : memref<322560xi32, #tpu.memory_space<hbm>> -> memref<96xi32, #tpu.memory_space<hbm>>
        tpu.wait_dma2 semaphore(%run_scoped3A : memref<!tpu.dma_semaphore, #tpu.memory_space<semaphore_mem>>) src(%dma_wait3A_71 : memref<96xi32, #tpu.memory_space<hbm>>) dst(%arg7 : memref<96xi32, #tpu.memory_space<vmem>>)
        tpu.yield
      }) : () -> ()
      "tpu.region"() ({
        %run_scoped3A = tpu.sem_alloc : memref<!tpu.dma_semaphore, #tpu.memory_space<semaphore_mem>>
        %dma_start3A_68 = tpu.memref_slice %arg4[%multiple_of3A_61] : memref<322560xi32, #tpu.memory_space<hbm>> -> memref<96xi32, #tpu.memory_space<hbm>>
        %dma_start3A_69 = tpu.memref_slice %arg4[%multiple_of3A_61] : memref<322560xi32, #tpu.memory_space<hbm>> -> memref<96xi32, #tpu.memory_space<hbm>>
        tpu.enqueue_dma source(%dma_start3A_69 : memref<96xi32, #tpu.memory_space<hbm>>) target(%arg8 : memref<96xi32, #tpu.memory_space<vmem>>) target_semaphore(%run_scoped3A : memref<!tpu.dma_semaphore, #tpu.memory_space<semaphore_mem>>)
        %dma_wait3A_70 = tpu.memref_slice %arg4[%multiple_of3A_61] : memref<322560xi32, #tpu.memory_space<hbm>> -> memref<96xi32, #tpu.memory_space<hbm>>
        %dma_wait3A_71 = tpu.memref_slice %arg4[%multiple_of3A_61] : memref<322560xi32, #tpu.memory_space<hbm>> -> memref<96xi32, #tpu.memory_space<hbm>>
        tpu.wait_dma2 semaphore(%run_scoped3A : memref<!tpu.dma_semaphore, #tpu.memory_space<semaphore_mem>>) src(%dma_wait3A_71 : memref<96xi32, #tpu.memory_space<hbm>>) dst(%arg8 : memref<96xi32, #tpu.memory_space<vmem>>)
        tpu.yield
      }) : () -> ()
      %dma_wait3A_62 = arith.constant 0 : i32
      %dma_wait3A_63 = arith.constant 0 : i32
      %dma_wait3A_64 = tpu.memref_slice %arg2[%dma_wait3A_62, %dma_wait3A_63] : memref<10000x128xf32, #tpu.memory_space<hbm>> -> memref<10000x128xf32, #tpu.memory_space<hbm>>
      tpu.wait_indirect_dma semaphore(%arg13 : memref<!tpu.dma_semaphore, #tpu.memory_space<semaphore_mem>>) src(%dma_wait3A_64 : memref<10000x128xf32, #tpu.memory_space<hbm>>) dst(%arg12 : memref<96x128xf32, #tpu.memory_space<vmem>>)
      %dma_start3A_65 = arith.constant 0 : i32
      %dma_start3A_66 = arith.constant 0 : i32
      %dma_start3A_67 = tpu.memref_slice %arg15[%dma_start3A_65, %dma_start3A_66] : memref<10112x128xf32, #tpu.memory_space<vmem_shared>> -> memref<10112x128xf32, #tpu.memory_space<vmem_shared>>
      tpu.enqueue_indirect_dma source(%arg12 : memref<96x128xf32, #tpu.memory_space<vmem>>) target(%dma_start3A_67 : memref<10112x128xf32, #tpu.memory_space<vmem_shared>>) offsets(%arg10 : memref<96xi32, #tpu.memory_space<vmem>>) semaphore(%arg14 : memref<!tpu.dma_semaphore, #tpu.memory_space<semaphore_mem>>) {add = true}
    }
    %scan3A_11 = arith.constant 52 : i32
    %dma_start3A = arith.constant 0 : i32
    %dma_start3A_12 = arith.constant 0 : i32
    %dma_start3A_13 = tpu.memref_slice %arg2[%dma_start3A, %dma_start3A_12] : memref<10000x128xf32, #tpu.memory_space<hbm>> -> memref<10000x128xf32, #tpu.memory_space<hbm>>
    tpu.enqueue_indirect_dma source(%dma_start3A_13 : memref<10000x128xf32, #tpu.memory_space<hbm>>) target(%arg11 : memref<96x128xf32, #tpu.memory_space<vmem>>) offsets(%arg7 : memref<96xi32, #tpu.memory_space<vmem>>) semaphore(%arg13 : memref<!tpu.dma_semaphore, #tpu.memory_space<semaphore_mem>>)
    %dma_wait3A = arith.constant 0 : i32
    %dma_wait3A_14 = arith.constant 0 : i32
    %dma_wait3A_15 = tpu.memref_slice %arg2[%dma_wait3A, %dma_wait3A_14] : memref<10000x128xf32, #tpu.memory_space<hbm>> -> memref<10000x128xf32, #tpu.memory_space<hbm>>
    tpu.wait_indirect_dma semaphore(%arg13 : memref<!tpu.dma_semaphore, #tpu.memory_space<semaphore_mem>>) src(%dma_wait3A_15 : memref<10000x128xf32, #tpu.memory_space<hbm>>) dst(%arg11 : memref<96x128xf32, #tpu.memory_space<vmem>>)
    %dma_wait3A_16 = arith.constant 0 : i32
    %dma_wait3A_17 = arith.constant 0 : i32
    %dma_wait3A_18 = tpu.memref_slice %arg5[%dma_wait3A_16, %dma_wait3A_17] : memref<10112x128xf32, #tpu.memory_space<hbm>> -> memref<96x128xf32, #tpu.memory_space<hbm>>
    %dma_wait3A_19 = arith.constant 0 : i32
    %dma_wait3A_20 = arith.constant 0 : i32
    %dma_wait3A_21 = tpu.memref_slice %arg5[%dma_wait3A_19, %dma_wait3A_20] : memref<10112x128xf32, #tpu.memory_space<hbm>> -> memref<96x128xf32, #tpu.memory_space<hbm>>
    tpu.wait_dma2 semaphore(%arg14 : memref<!tpu.dma_semaphore, #tpu.memory_space<semaphore_mem>>) src(%dma_wait3A_21 : memref<96x128xf32, #tpu.memory_space<hbm>>) dst(%arg12 : memref<96x128xf32, #tpu.memory_space<vmem>>)
    "tpu.region"() ({
      %run_scoped3A = tpu.sem_alloc : memref<!tpu.dma_semaphore, #tpu.memory_space<semaphore_mem>>
      %dma_start3A_23 = arith.constant 0 : i32
      %dma_start3A_24 = arith.constant 0 : i32
      %dma_start3A_25 = tpu.memref_slice %arg15[%dma_start3A_23, %dma_start3A_24] : memref<10112x128xf32, #tpu.memory_space<vmem_shared>> -> memref<10112x128xf32, #tpu.memory_space<vmem_shared>>
      tpu.enqueue_indirect_dma source(%arg11 : memref<96x128xf32, #tpu.memory_space<vmem>>) target(%dma_start3A_25 : memref<10112x128xf32, #tpu.memory_space<vmem_shared>>) offsets(%arg8 : memref<96xi32, #tpu.memory_space<vmem>>) semaphore(%run_scoped3A : memref<!tpu.dma_semaphore, #tpu.memory_space<semaphore_mem>>) {add = true}
      %dma_wait3A_26 = arith.constant 0 : i32
      %dma_wait3A_27 = arith.constant 0 : i32
      %dma_wait3A_28 = tpu.memref_slice %arg15[%dma_wait3A_26, %dma_wait3A_27] : memref<10112x128xf32, #tpu.memory_space<vmem_shared>> -> memref<10112x128xf32, #tpu.memory_space<vmem_shared>>
      tpu.wait_indirect_dma semaphore(%run_scoped3A : memref<!tpu.dma_semaphore, #tpu.memory_space<semaphore_mem>>) src(%arg11 : memref<96x128xf32, #tpu.memory_space<vmem>>) dst(%dma_wait3A_28 : memref<10112x128xf32, #tpu.memory_space<vmem_shared>>)
      tpu.yield
    }) : () -> ()
    %barrier3A_22 = arith.constant 0 : index
    tpu.barrier barrier_id(%barrier3A_22)
    "tpu.region"() ({
      %run_scoped3A = tpu.sem_alloc : memref<!tpu.dma_semaphore, #tpu.memory_space<semaphore_mem>>
      %dma_start3A_23 = arith.constant 0 : i32
      %dma_start3A_24 = tpu.memref_slice %arg6[%arg0, %mul3A_2, %dma_start3A_23] : memref<2x10112x128xf32, #tpu.memory_space<hbm>> -> memref<1x632x128xf32, #tpu.memory_space<hbm>>
      %dma_start3A_25 = tpu.memref_squeeze %dma_start3A_24 : memref<1x632x128xf32, #tpu.memory_space<hbm>> -> memref<632x128xf32, #tpu.memory_space<hbm>>
      %dma_start3A_26 = arith.constant 0 : i32
      %dma_start3A_27 = tpu.memref_slice %arg15[%mul3A_2, %dma_start3A_26] : memref<10112x128xf32, #tpu.memory_space<vmem_shared>> -> memref<632x128xf32, #tpu.memory_space<vmem_shared>>
      tpu.enqueue_dma source(%dma_start3A_27 : memref<632x128xf32, #tpu.memory_space<vmem_shared>>) target(%dma_start3A_25 : memref<632x128xf32, #tpu.memory_space<hbm>>) target_semaphore(%run_scoped3A : memref<!tpu.dma_semaphore, #tpu.memory_space<semaphore_mem>>)
      %dma_wait3A_28 = arith.constant 0 : i32
      %dma_wait3A_29 = tpu.memref_slice %arg6[%arg0, %mul3A_2, %dma_wait3A_28] : memref<2x10112x128xf32, #tpu.memory_space<hbm>> -> memref<1x632x128xf32, #tpu.memory_space<hbm>>
      %dma_wait3A_30 = tpu.memref_squeeze %dma_wait3A_29 : memref<1x632x128xf32, #tpu.memory_space<hbm>> -> memref<632x128xf32, #tpu.memory_space<hbm>>
      %dma_wait3A_31 = arith.constant 0 : i32
      %dma_wait3A_32 = tpu.memref_slice %arg15[%mul3A_2, %dma_wait3A_31] : memref<10112x128xf32, #tpu.memory_space<vmem_shared>> -> memref<632x128xf32, #tpu.memory_space<vmem_shared>>
      tpu.wait_dma2 semaphore(%run_scoped3A : memref<!tpu.dma_semaphore, #tpu.memory_space<semaphore_mem>>) src(%dma_wait3A_32 : memref<632x128xf32, #tpu.memory_space<vmem_shared>>) dst(%dma_wait3A_30 : memref<632x128xf32, #tpu.memory_space<hbm>>)
      tpu.yield
    }) : () -> ()
    return
  }
}

#map = affine_map<(d0, d1) -> (0, 0)>
#map1 = affine_map<(d0, d1) -> (0)>
#map2 = affine_map<(d0, d1) -> (0, 0, 0)>
module attributes {stable_mosaic.version = 14 : i64} {
  func.func @sc_segsum(%arg0: i32, %arg1: i32, %arg2: memref<10000x128xf32, #tpu.memory_space<hbm>>, %arg3: memref<322560xi32, #tpu.memory_space<hbm>>, %arg4: memref<322560xi32, #tpu.memory_space<hbm>>, %arg5: memref<10112x128xf32, #tpu.memory_space<hbm>>, %arg6: memref<2x10112x128xf32, #tpu.memory_space<hbm>>, %arg7: memref<96xi32, #tpu.memory_space<vmem>>, %arg8: memref<96xi32, #tpu.memory_space<vmem>>, %arg9: memref<96xi32, #tpu.memory_space<vmem>>, %arg10: memref<96xi32, #tpu.memory_space<vmem>>, %arg11: memref<96x128xf32, #tpu.memory_space<vmem>>, %arg12: memref<96x128xf32, #tpu.memory_space<vmem>>, %arg13: memref<!tpu.dma_semaphore, #tpu.memory_space<semaphore_mem>>, %arg14: memref<!tpu.dma_semaphore, #tpu.memory_space<semaphore_mem>>, %arg15: memref<10112x128xf32, #tpu.memory_space<vmem_shared>>) attributes {dimension_semantics = [#tpu.dimension_semantics<core_parallel>, #tpu.dimension_semantics<subcore_parallel>], iteration_bounds = array<i64: 2, 16>, scalar_prefetch = 0 : i64, scratch_operands = 9 : i64, tpu.core_type = #tpu.core_type<sc_vector_subcore>, window_params = [{transform_indices = #map}, {transform_indices = #map1}, {transform_indices = #map1}, {transform_indices = #map}, {transform_indices = #map2}]} {
    %mul3A = arith.constant 16 : i32
    %mul3A_0 = arith.muli %arg0, %mul3A : i32
    %add3A = arith.addi %mul3A_0, %arg1 : i32
    %mul3A_1 = arith.constant 632 : i32
    %mul3A_2 = arith.muli %arg1, %mul3A_1 : i32
    "tpu.region"() ({
      %run_scoped3A = tpu.sem_alloc : memref<!tpu.dma_semaphore, #tpu.memory_space<semaphore_mem>>
      %dma_start3A_23 = arith.constant 0 : i32
      %dma_start3A_24 = tpu.memref_slice %arg15[%mul3A_2, %dma_start3A_23] : memref<10112x128xf32, #tpu.memory_space<vmem_shared>> -> memref<632x128xf32, #tpu.memory_space<vmem_shared>>
      %dma_start3A_25 = arith.constant 0 : i32
      %dma_start3A_26 = tpu.memref_slice %arg5[%mul3A_2, %dma_start3A_25] : memref<10112x128xf32, #tpu.memory_space<hbm>> -> memref<632x128xf32, #tpu.memory_space<hbm>>
      tpu.enqueue_dma source(%dma_start3A_26 : memref<632x128xf32, #tpu.memory_space<hbm>>) target(%dma_start3A_24 : memref<632x128xf32, #tpu.memory_space<vmem_shared>>) target_semaphore(%run_scoped3A : memref<!tpu.dma_semaphore, #tpu.memory_space<semaphore_mem>>)
      %dma_wait3A_27 = arith.constant 0 : i32
      %dma_wait3A_28 = tpu.memref_slice %arg15[%mul3A_2, %dma_wait3A_27] : memref<10112x128xf32, #tpu.memory_space<vmem_shared>> -> memref<632x128xf32, #tpu.memory_space<vmem_shared>>
      %dma_wait3A_29 = arith.constant 0 : i32
      %dma_wait3A_30 = tpu.memref_slice %arg5[%mul3A_2, %dma_wait3A_29] : memref<10112x128xf32, #tpu.memory_space<hbm>> -> memref<632x128xf32, #tpu.memory_space<hbm>>
      tpu.wait_dma2 semaphore(%run_scoped3A : memref<!tpu.dma_semaphore, #tpu.memory_space<semaphore_mem>>) src(%dma_wait3A_30 : memref<632x128xf32, #tpu.memory_space<hbm>>) dst(%dma_wait3A_28 : memref<632x128xf32, #tpu.memory_space<vmem_shared>>)
      tpu.yield
    }) : () -> ()
    %barrier3A = arith.constant 0 : index
    tpu.barrier barrier_id(%barrier3A)
    %mul3A_3 = arith.constant 10080 : i32
    %mul3A_4 = arith.muli %add3A, %mul3A_3 : i32
    %add3A_5 = arith.constant 0 : i32
    %add3A_6 = arith.addi %mul3A_4, %add3A_5 : i32
    %multiple_of3A = tpu.assume_multiple %add3A_6, 8 : i32
    "tpu.region"() ({
      %run_scoped3A = tpu.sem_alloc : memref<!tpu.dma_semaphore, #tpu.memory_space<semaphore_mem>>
      %dma_start3A_23 = tpu.memref_slice %arg3[%multiple_of3A] : memref<322560xi32, #tpu.memory_space<hbm>> -> memref<96xi32, #tpu.memory_space<hbm>>
      %dma_start3A_24 = tpu.memref_slice %arg3[%multiple_of3A] : memref<322560xi32, #tpu.memory_space<hbm>> -> memref<96xi32, #tpu.memory_space<hbm>>
      tpu.enqueue_dma source(%dma_start3A_24 : memref<96xi32, #tpu.memory_space<hbm>>) target(%arg7 : memref<96xi32, #tpu.memory_space<vmem>>) target_semaphore(%run_scoped3A : memref<!tpu.dma_semaphore, #tpu.memory_space<semaphore_mem>>)
      %dma_wait3A_25 = tpu.memref_slice %arg3[%multiple_of3A] : memref<322560xi32, #tpu.memory_space<hbm>> -> memref<96xi32, #tpu.memory_space<hbm>>
      %dma_wait3A_26 = tpu.memref_slice %arg3[%multiple_of3A] : memref<322560xi32, #tpu.memory_space<hbm>> -> memref<96xi32, #tpu.memory_space<hbm>>
      tpu.wait_dma2 semaphore(%run_scoped3A : memref<!tpu.dma_semaphore, #tpu.memory_space<semaphore_mem>>) src(%dma_wait3A_26 : memref<96xi32, #tpu.memory_space<hbm>>) dst(%arg7 : memref<96xi32, #tpu.memory_space<vmem>>)
      tpu.yield
    }) : () -> ()
    "tpu.region"() ({
      %run_scoped3A = tpu.sem_alloc : memref<!tpu.dma_semaphore, #tpu.memory_space<semaphore_mem>>
      %dma_start3A_23 = tpu.memref_slice %arg4[%multiple_of3A] : memref<322560xi32, #tpu.memory_space<hbm>> -> memref<96xi32, #tpu.memory_space<hbm>>
      %dma_start3A_24 = tpu.memref_slice %arg4[%multiple_of3A] : memref<322560xi32, #tpu.memory_space<hbm>> -> memref<96xi32, #tpu.memory_space<hbm>>
      tpu.enqueue_dma source(%dma_start3A_24 : memref<96xi32, #tpu.memory_space<hbm>>) target(%arg8 : memref<96xi32, #tpu.memory_space<vmem>>) target_semaphore(%run_scoped3A : memref<!tpu.dma_semaphore, #tpu.memory_space<semaphore_mem>>)
      %dma_wait3A_25 = tpu.memref_slice %arg4[%multiple_of3A] : memref<322560xi32, #tpu.memory_space<hbm>> -> memref<96xi32, #tpu.memory_space<hbm>>
      %dma_wait3A_26 = tpu.memref_slice %arg4[%multiple_of3A] : memref<322560xi32, #tpu.memory_space<hbm>> -> memref<96xi32, #tpu.memory_space<hbm>>
      tpu.wait_dma2 semaphore(%run_scoped3A : memref<!tpu.dma_semaphore, #tpu.memory_space<semaphore_mem>>) src(%dma_wait3A_26 : memref<96xi32, #tpu.memory_space<hbm>>) dst(%arg8 : memref<96xi32, #tpu.memory_space<vmem>>)
      tpu.yield
    }) : () -> ()
    %scan3A = arith.constant 0 : i32
    %scan3A_7 = arith.constant 0 : i32
    %scan3A_8 = arith.constant 52 : i32
    %scan3A_9 = arith.addi %scan3A_7, %scan3A_8 : i32
    %scan3A_10 = arith.constant 1 : i32
    scf.for %scan3A_23 = %scan3A_7 to %scan3A_9 step %scan3A_10  : i32 {
      %mul3A_24 = arith.constant 2 : i32
      %mul3A_25 = arith.muli %mul3A_24, %scan3A_23 : i32
      %dma_start3A_26 = arith.constant 0 : i32
      %dma_start3A_27 = arith.constant 0 : i32
      %dma_start3A_28 = tpu.memref_slice %arg2[%dma_start3A_26, %dma_start3A_27] : memref<10000x128xf32, #tpu.memory_space<hbm>> -> memref<10000x128xf32, #tpu.memory_space<hbm>>
      tpu.enqueue_indirect_dma source(%dma_start3A_28 : memref<10000x128xf32, #tpu.memory_space<hbm>>) target(%arg11 : memref<96x128xf32, #tpu.memory_space<vmem>>) offsets(%arg7 : memref<96xi32, #tpu.memory_space<vmem>>) semaphore(%arg13 : memref<!tpu.dma_semaphore, #tpu.memory_space<semaphore_mem>>)
      %gt3A = arith.constant 0 : i32
      %gt3A_29 = arith.cmpi sgt, %scan3A_23, %gt3A : i32
      %convert_element_type3A = arith.extui %gt3A_29 : i1 to i32
      %cond3A = arith.constant 0 : i32
      %cond3A_30 = arith.cmpi ne, %convert_element_type3A, %cond3A : i32
      scf.if %cond3A_30 {
        %dma_wait3A_68 = arith.constant 0 : i32
        %dma_wait3A_69 = arith.constant 0 : i32
        %dma_wait3A_70 = tpu.memref_slice %arg5[%dma_wait3A_68, %dma_wait3A_69] : memref<10112x128xf32, #tpu.memory_space<hbm>> -> memref<96x128xf32, #tpu.memory_space<hbm>>
        %dma_wait3A_71 = arith.constant 0 : i32
        %dma_wait3A_72 = arith.constant 0 : i32
        %dma_wait3A_73 = tpu.memref_slice %arg5[%dma_wait3A_71, %dma_wait3A_72] : memref<10112x128xf32, #tpu.memory_space<hbm>> -> memref<96x128xf32, #tpu.memory_space<hbm>>
        tpu.wait_dma2 semaphore(%arg14 : memref<!tpu.dma_semaphore, #tpu.memory_space<semaphore_mem>>) src(%dma_wait3A_73 : memref<96x128xf32, #tpu.memory_space<hbm>>) dst(%arg12 : memref<96x128xf32, #tpu.memory_space<vmem>>)
      } else {
      }
      %add3A_31 = arith.constant 1 : i32
      %add3A_32 = arith.addi %mul3A_25, %add3A_31 : i32
      %mul3A_33 = arith.constant 10080 : i32
      %mul3A_34 = arith.muli %add3A, %mul3A_33 : i32
      %mul3A_35 = arith.constant 96 : i32
      %mul3A_36 = arith.muli %add3A_32, %mul3A_35 : i32
      %add3A_37 = arith.addi %mul3A_34, %mul3A_36 : i32
      %multiple_of3A_38 = tpu.assume_multiple %add3A_37, 8 : i32
      "tpu.region"() ({
        %run_scoped3A = tpu.sem_alloc : memref<!tpu.dma_semaphore, #tpu.memory_space<semaphore_mem>>
        %dma_start3A_68 = tpu.memref_slice %arg3[%multiple_of3A_38] : memref<322560xi32, #tpu.memory_space<hbm>> -> memref<96xi32, #tpu.memory_space<hbm>>
        %dma_start3A_69 = tpu.memref_slice %arg3[%multiple_of3A_38] : memref<322560xi32, #tpu.memory_space<hbm>> -> memref<96xi32, #tpu.memory_space<hbm>>
        tpu.enqueue_dma source(%dma_start3A_69 : memref<96xi32, #tpu.memory_space<hbm>>) target(%arg9 : memref<96xi32, #tpu.memory_space<vmem>>) target_semaphore(%run_scoped3A : memref<!tpu.dma_semaphore, #tpu.memory_space<semaphore_mem>>)
        %dma_wait3A_70 = tpu.memref_slice %arg3[%multiple_of3A_38] : memref<322560xi32, #tpu.memory_space<hbm>> -> memref<96xi32, #tpu.memory_space<hbm>>
        %dma_wait3A_71 = tpu.memref_slice %arg3[%multiple_of3A_38] : memref<322560xi32, #tpu.memory_space<hbm>> -> memref<96xi32, #tpu.memory_space<hbm>>
        tpu.wait_dma2 semaphore(%run_scoped3A : memref<!tpu.dma_semaphore, #tpu.memory_space<semaphore_mem>>) src(%dma_wait3A_71 : memref<96xi32, #tpu.memory_space<hbm>>) dst(%arg9 : memref<96xi32, #tpu.memory_space<vmem>>)
        tpu.yield
      }) : () -> ()
      "tpu.region"() ({
        %run_scoped3A = tpu.sem_alloc : memref<!tpu.dma_semaphore, #tpu.memory_space<semaphore_mem>>
        %dma_start3A_68 = tpu.memref_slice %arg4[%multiple_of3A_38] : memref<322560xi32, #tpu.memory_space<hbm>> -> memref<96xi32, #tpu.memory_space<hbm>>
        %dma_start3A_69 = tpu.memref_slice %arg4[%multiple_of3A_38] : memref<322560xi32, #tpu.memory_space<hbm>> -> memref<96xi32, #tpu.memory_space<hbm>>
        tpu.enqueue_dma source(%dma_start3A_69 : memref<96xi32, #tpu.memory_space<hbm>>) target(%arg10 : memref<96xi32, #tpu.memory_space<vmem>>) target_semaphore(%run_scoped3A : memref<!tpu.dma_semaphore, #tpu.memory_space<semaphore_mem>>)
        %dma_wait3A_70 = tpu.memref_slice %arg4[%multiple_of3A_38] : memref<322560xi32, #tpu.memory_space<hbm>> -> memref<96xi32, #tpu.memory_space<hbm>>
        %dma_wait3A_71 = tpu.memref_slice %arg4[%multiple_of3A_38] : memref<322560xi32, #tpu.memory_space<hbm>> -> memref<96xi32, #tpu.memory_space<hbm>>
        tpu.wait_dma2 semaphore(%run_scoped3A : memref<!tpu.dma_semaphore, #tpu.memory_space<semaphore_mem>>) src(%dma_wait3A_71 : memref<96xi32, #tpu.memory_space<hbm>>) dst(%arg10 : memref<96xi32, #tpu.memory_space<vmem>>)
        tpu.yield
      }) : () -> ()
      %dma_wait3A_39 = arith.constant 0 : i32
      %dma_wait3A_40 = arith.constant 0 : i32
      %dma_wait3A_41 = tpu.memref_slice %arg2[%dma_wait3A_39, %dma_wait3A_40] : memref<10000x128xf32, #tpu.memory_space<hbm>> -> memref<10000x128xf32, #tpu.memory_space<hbm>>
      tpu.wait_indirect_dma semaphore(%arg13 : memref<!tpu.dma_semaphore, #tpu.memory_space<semaphore_mem>>) src(%dma_wait3A_41 : memref<10000x128xf32, #tpu.memory_space<hbm>>) dst(%arg11 : memref<96x128xf32, #tpu.memory_space<vmem>>)
      %dma_start3A_42 = arith.constant 0 : i32
      %dma_start3A_43 = arith.constant 0 : i32
      %dma_start3A_44 = tpu.memref_slice %arg15[%dma_start3A_42, %dma_start3A_43] : memref<10112x128xf32, #tpu.memory_space<vmem_shared>> -> memref<10112x128xf32, #tpu.memory_space<vmem_shared>>
      tpu.enqueue_indirect_dma source(%arg11 : memref<96x128xf32, #tpu.memory_space<vmem>>) target(%dma_start3A_44 : memref<10112x128xf32, #tpu.memory_space<vmem_shared>>) offsets(%arg8 : memref<96xi32, #tpu.memory_space<vmem>>) semaphore(%arg14 : memref<!tpu.dma_semaphore, #tpu.memory_space<semaphore_mem>>) {add = true}
      %dma_start3A_45 = arith.constant 0 : i32
      %dma_start3A_46 = arith.constant 0 : i32
      %dma_start3A_47 = tpu.memref_slice %arg2[%dma_start3A_45, %dma_start3A_46] : memref<10000x128xf32, #tpu.memory_space<hbm>> -> memref<10000x128xf32, #tpu.memory_space<hbm>>
      tpu.enqueue_indirect_dma source(%dma_start3A_47 : memref<10000x128xf32, #tpu.memory_space<hbm>>) target(%arg12 : memref<96x128xf32, #tpu.memory_space<vmem>>) offsets(%arg9 : memref<96xi32, #tpu.memory_space<vmem>>) semaphore(%arg13 : memref<!tpu.dma_semaphore, #tpu.memory_space<semaphore_mem>>)
      %dma_wait3A_48 = arith.constant 0 : i32
      %dma_wait3A_49 = arith.constant 0 : i32
      %dma_wait3A_50 = tpu.memref_slice %arg5[%dma_wait3A_48, %dma_wait3A_49] : memref<10112x128xf32, #tpu.memory_space<hbm>> -> memref<96x128xf32, #tpu.memory_space<hbm>>
      %dma_wait3A_51 = arith.constant 0 : i32
      %dma_wait3A_52 = arith.constant 0 : i32
      %dma_wait3A_53 = tpu.memref_slice %arg5[%dma_wait3A_51, %dma_wait3A_52] : memref<10112x128xf32, #tpu.memory_space<hbm>> -> memref<96x128xf32, #tpu.memory_space<hbm>>
      tpu.wait_dma2 semaphore(%arg14 : memref<!tpu.dma_semaphore, #tpu.memory_space<semaphore_mem>>) src(%dma_wait3A_53 : memref<96x128xf32, #tpu.memory_space<hbm>>) dst(%arg11 : memref<96x128xf32, #tpu.memory_space<vmem>>)
      %add3A_54 = arith.constant 2 : i32
      %add3A_55 = arith.addi %mul3A_25, %add3A_54 : i32
      %mul3A_56 = arith.constant 10080 : i32
      %mul3A_57 = arith.muli %add3A, %mul3A_56 : i32
      %mul3A_58 = arith.constant 96 : i32
      %mul3A_59 = arith.muli %add3A_55, %mul3A_58 : i32
      %add3A_60 = arith.addi %mul3A_57, %mul3A_59 : i32
      %multiple_of3A_61 = tpu.assume_multiple %add3A_60, 8 : i32
      "tpu.region"() ({
        %run_scoped3A = tpu.sem_alloc : memref<!tpu.dma_semaphore, #tpu.memory_space<semaphore_mem>>
        %dma_start3A_68 = tpu.memref_slice %arg3[%multiple_of3A_61] : memref<322560xi32, #tpu.memory_space<hbm>> -> memref<96xi32, #tpu.memory_space<hbm>>
        %dma_start3A_69 = tpu.memref_slice %arg3[%multiple_of3A_61] : memref<322560xi32, #tpu.memory_space<hbm>> -> memref<96xi32, #tpu.memory_space<hbm>>
        tpu.enqueue_dma source(%dma_start3A_69 : memref<96xi32, #tpu.memory_space<hbm>>) target(%arg7 : memref<96xi32, #tpu.memory_space<vmem>>) target_semaphore(%run_scoped3A : memref<!tpu.dma_semaphore, #tpu.memory_space<semaphore_mem>>)
        %dma_wait3A_70 = tpu.memref_slice %arg3[%multiple_of3A_61] : memref<322560xi32, #tpu.memory_space<hbm>> -> memref<96xi32, #tpu.memory_space<hbm>>
        %dma_wait3A_71 = tpu.memref_slice %arg3[%multiple_of3A_61] : memref<322560xi32, #tpu.memory_space<hbm>> -> memref<96xi32, #tpu.memory_space<hbm>>
        tpu.wait_dma2 semaphore(%run_scoped3A : memref<!tpu.dma_semaphore, #tpu.memory_space<semaphore_mem>>) src(%dma_wait3A_71 : memref<96xi32, #tpu.memory_space<hbm>>) dst(%arg7 : memref<96xi32, #tpu.memory_space<vmem>>)
        tpu.yield
      }) : () -> ()
      "tpu.region"() ({
        %run_scoped3A = tpu.sem_alloc : memref<!tpu.dma_semaphore, #tpu.memory_space<semaphore_mem>>
        %dma_start3A_68 = tpu.memref_slice %arg4[%multiple_of3A_61] : memref<322560xi32, #tpu.memory_space<hbm>> -> memref<96xi32, #tpu.memory_space<hbm>>
        %dma_start3A_69 = tpu.memref_slice %arg4[%multiple_of3A_61] : memref<322560xi32, #tpu.memory_space<hbm>> -> memref<96xi32, #tpu.memory_space<hbm>>
        tpu.enqueue_dma source(%dma_start3A_69 : memref<96xi32, #tpu.memory_space<hbm>>) target(%arg8 : memref<96xi32, #tpu.memory_space<vmem>>) target_semaphore(%run_scoped3A : memref<!tpu.dma_semaphore, #tpu.memory_space<semaphore_mem>>)
        %dma_wait3A_70 = tpu.memref_slice %arg4[%multiple_of3A_61] : memref<322560xi32, #tpu.memory_space<hbm>> -> memref<96xi32, #tpu.memory_space<hbm>>
        %dma_wait3A_71 = tpu.memref_slice %arg4[%multiple_of3A_61] : memref<322560xi32, #tpu.memory_space<hbm>> -> memref<96xi32, #tpu.memory_space<hbm>>
        tpu.wait_dma2 semaphore(%run_scoped3A : memref<!tpu.dma_semaphore, #tpu.memory_space<semaphore_mem>>) src(%dma_wait3A_71 : memref<96xi32, #tpu.memory_space<hbm>>) dst(%arg8 : memref<96xi32, #tpu.memory_space<vmem>>)
        tpu.yield
      }) : () -> ()
      %dma_wait3A_62 = arith.constant 0 : i32
      %dma_wait3A_63 = arith.constant 0 : i32
      %dma_wait3A_64 = tpu.memref_slice %arg2[%dma_wait3A_62, %dma_wait3A_63] : memref<10000x128xf32, #tpu.memory_space<hbm>> -> memref<10000x128xf32, #tpu.memory_space<hbm>>
      tpu.wait_indirect_dma semaphore(%arg13 : memref<!tpu.dma_semaphore, #tpu.memory_space<semaphore_mem>>) src(%dma_wait3A_64 : memref<10000x128xf32, #tpu.memory_space<hbm>>) dst(%arg12 : memref<96x128xf32, #tpu.memory_space<vmem>>)
      %dma_start3A_65 = arith.constant 0 : i32
      %dma_start3A_66 = arith.constant 0 : i32
      %dma_start3A_67 = tpu.memref_slice %arg15[%dma_start3A_65, %dma_start3A_66] : memref<10112x128xf32, #tpu.memory_space<vmem_shared>> -> memref<10112x128xf32, #tpu.memory_space<vmem_shared>>
      tpu.enqueue_indirect_dma source(%arg12 : memref<96x128xf32, #tpu.memory_space<vmem>>) target(%dma_start3A_67 : memref<10112x128xf32, #tpu.memory_space<vmem_shared>>) offsets(%arg10 : memref<96xi32, #tpu.memory_space<vmem>>) semaphore(%arg14 : memref<!tpu.dma_semaphore, #tpu.memory_space<semaphore_mem>>) {add = true}
    }
    %scan3A_11 = arith.constant 52 : i32
    %dma_start3A = arith.constant 0 : i32
    %dma_start3A_12 = arith.constant 0 : i32
    %dma_start3A_13 = tpu.memref_slice %arg2[%dma_start3A, %dma_start3A_12] : memref<10000x128xf32, #tpu.memory_space<hbm>> -> memref<10000x128xf32, #tpu.memory_space<hbm>>
    tpu.enqueue_indirect_dma source(%dma_start3A_13 : memref<10000x128xf32, #tpu.memory_space<hbm>>) target(%arg11 : memref<96x128xf32, #tpu.memory_space<vmem>>) offsets(%arg7 : memref<96xi32, #tpu.memory_space<vmem>>) semaphore(%arg13 : memref<!tpu.dma_semaphore, #tpu.memory_space<semaphore_mem>>)
    %dma_wait3A = arith.constant 0 : i32
    %dma_wait3A_14 = arith.constant 0 : i32
    %dma_wait3A_15 = tpu.memref_slice %arg2[%dma_wait3A, %dma_wait3A_14] : memref<10000x128xf32, #tpu.memory_space<hbm>> -> memref<10000x128xf32, #tpu.memory_space<hbm>>
    tpu.wait_indirect_dma semaphore(%arg13 : memref<!tpu.dma_semaphore, #tpu.memory_space<semaphore_mem>>) src(%dma_wait3A_15 : memref<10000x128xf32, #tpu.memory_space<hbm>>) dst(%arg11 : memref<96x128xf32, #tpu.memory_space<vmem>>)
    %dma_wait3A_16 = arith.constant 0 : i32
    %dma_wait3A_17 = arith.constant 0 : i32
    %dma_wait3A_18 = tpu.memref_slice %arg5[%dma_wait3A_16, %dma_wait3A_17] : memref<10112x128xf32, #tpu.memory_space<hbm>> -> memref<96x128xf32, #tpu.memory_space<hbm>>
    %dma_wait3A_19 = arith.constant 0 : i32
    %dma_wait3A_20 = arith.constant 0 : i32
    %dma_wait3A_21 = tpu.memref_slice %arg5[%dma_wait3A_19, %dma_wait3A_20] : memref<10112x128xf32, #tpu.memory_space<hbm>> -> memref<96x128xf32, #tpu.memory_space<hbm>>
    tpu.wait_dma2 semaphore(%arg14 : memref<!tpu.dma_semaphore, #tpu.memory_space<semaphore_mem>>) src(%dma_wait3A_21 : memref<96x128xf32, #tpu.memory_space<hbm>>) dst(%arg12 : memref<96x128xf32, #tpu.memory_space<vmem>>)
    "tpu.region"() ({
      %run_scoped3A = tpu.sem_alloc : memref<!tpu.dma_semaphore, #tpu.memory_space<semaphore_mem>>
      %dma_start3A_23 = arith.constant 0 : i32
      %dma_start3A_24 = arith.constant 0 : i32
      %dma_start3A_25 = tpu.memref_slice %arg15[%dma_start3A_23, %dma_start3A_24] : memref<10112x128xf32, #tpu.memory_space<vmem_shared>> -> memref<10112x128xf32, #tpu.memory_space<vmem_shared>>
      tpu.enqueue_indirect_dma source(%arg11 : memref<96x128xf32, #tpu.memory_space<vmem>>) target(%dma_start3A_25 : memref<10112x128xf32, #tpu.memory_space<vmem_shared>>) offsets(%arg8 : memref<96xi32, #tpu.memory_space<vmem>>) semaphore(%run_scoped3A : memref<!tpu.dma_semaphore, #tpu.memory_space<semaphore_mem>>) {add = true}
      %dma_wait3A_26 = arith.constant 0 : i32
      %dma_wait3A_27 = arith.constant 0 : i32
      %dma_wait3A_28 = tpu.memref_slice %arg15[%dma_wait3A_26, %dma_wait3A_27] : memref<10112x128xf32, #tpu.memory_space<vmem_shared>> -> memref<10112x128xf32, #tpu.memory_space<vmem_shared>>
      tpu.wait_indirect_dma semaphore(%run_scoped3A : memref<!tpu.dma_semaphore, #tpu.memory_space<semaphore_mem>>) src(%arg11 : memref<96x128xf32, #tpu.memory_space<vmem>>) dst(%dma_wait3A_28 : memref<10112x128xf32, #tpu.memory_space<vmem_shared>>)
      tpu.yield
    }) : () -> ()
    %barrier3A_22 = arith.constant 0 : index
    tpu.barrier barrier_id(%barrier3A_22)
    "tpu.region"() ({
      %run_scoped3A = tpu.sem_alloc : memref<!tpu.dma_semaphore, #tpu.memory_space<semaphore_mem>>
      %dma_start3A_23 = arith.constant 0 : i32
      %dma_start3A_24 = tpu.memref_slice %arg6[%arg0, %mul3A_2, %dma_start3A_23] : memref<2x10112x128xf32, #tpu.memory_space<hbm>> -> memref<1x632x128xf32, #tpu.memory_space<hbm>>
      %dma_start3A_25 = tpu.memref_squeeze %dma_start3A_24 : memref<1x632x128xf32, #tpu.memory_space<hbm>> -> memref<632x128xf32, #tpu.memory_space<hbm>>
      %dma_start3A_26 = arith.constant 0 : i32
      %dma_start3A_27 = tpu.memref_slice %arg15[%mul3A_2, %dma_start3A_26] : memref<10112x128xf32, #tpu.memory_space<vmem_shared>> -> memref<632x128xf32, #tpu.memory_space<vmem_shared>>
      tpu.enqueue_dma source(%dma_start3A_27 : memref<632x128xf32, #tpu.memory_space<vmem_shared>>) target(%dma_start3A_25 : memref<632x128xf32, #tpu.memory_space<hbm>>) target_semaphore(%run_scoped3A : memref<!tpu.dma_semaphore, #tpu.memory_space<semaphore_mem>>)
      %dma_wait3A_28 = arith.constant 0 : i32
      %dma_wait3A_29 = tpu.memref_slice %arg6[%arg0, %mul3A_2, %dma_wait3A_28] : memref<2x10112x128xf32, #tpu.memory_space<hbm>> -> memref<1x632x128xf32, #tpu.memory_space<hbm>>
      %dma_wait3A_30 = tpu.memref_squeeze %dma_wait3A_29 : memref<1x632x128xf32, #tpu.memory_space<hbm>> -> memref<632x128xf32, #tpu.memory_space<hbm>>
      %dma_wait3A_31 = arith.constant 0 : i32
      %dma_wait3A_32 = tpu.memref_slice %arg15[%mul3A_2, %dma_wait3A_31] : memref<10112x128xf32, #tpu.memory_space<vmem_shared>> -> memref<632x128xf32, #tpu.memory_space<vmem_shared>>
      tpu.wait_dma2 semaphore(%run_scoped3A : memref<!tpu.dma_semaphore, #tpu.memory_space<semaphore_mem>>) src(%dma_wait3A_32 : memref<632x128xf32, #tpu.memory_space<vmem_shared>>) dst(%dma_wait3A_30 : memref<632x128xf32, #tpu.memory_space<hbm>>)
      tpu.yield
    }) : () -> ()
    return
  }
}

#map = affine_map<(d0, d1) -> (0, 0)>
#map1 = affine_map<(d0, d1) -> (0)>
#map2 = affine_map<(d0, d1) -> (0, 0, 0)>
module attributes {stable_mosaic.version = 14 : i64} {
  func.func @sc_segsum(%arg0: i32, %arg1: i32, %arg2: memref<10000x128xf32, #tpu.memory_space<hbm>>, %arg3: memref<322560xi32, #tpu.memory_space<hbm>>, %arg4: memref<322560xi32, #tpu.memory_space<hbm>>, %arg5: memref<10112x128xf32, #tpu.memory_space<hbm>>, %arg6: memref<2x10112x128xf32, #tpu.memory_space<hbm>>, %arg7: memref<96xi32, #tpu.memory_space<vmem>>, %arg8: memref<96xi32, #tpu.memory_space<vmem>>, %arg9: memref<96xi32, #tpu.memory_space<vmem>>, %arg10: memref<96xi32, #tpu.memory_space<vmem>>, %arg11: memref<96x128xf32, #tpu.memory_space<vmem>>, %arg12: memref<96x128xf32, #tpu.memory_space<vmem>>, %arg13: memref<!tpu.dma_semaphore, #tpu.memory_space<semaphore_mem>>, %arg14: memref<!tpu.dma_semaphore, #tpu.memory_space<semaphore_mem>>, %arg15: memref<10112x128xf32, #tpu.memory_space<vmem_shared>>) attributes {dimension_semantics = [#tpu.dimension_semantics<core_parallel>, #tpu.dimension_semantics<subcore_parallel>], iteration_bounds = array<i64: 2, 16>, scalar_prefetch = 0 : i64, scratch_operands = 9 : i64, tpu.core_type = #tpu.core_type<sc_vector_subcore>, window_params = [{transform_indices = #map}, {transform_indices = #map1}, {transform_indices = #map1}, {transform_indices = #map}, {transform_indices = #map2}]} {
    %mul3A = arith.constant 16 : i32
    %mul3A_0 = arith.muli %arg0, %mul3A : i32
    %add3A = arith.addi %mul3A_0, %arg1 : i32
    %mul3A_1 = arith.constant 632 : i32
    %mul3A_2 = arith.muli %arg1, %mul3A_1 : i32
    "tpu.region"() ({
      %run_scoped3A = tpu.sem_alloc : memref<!tpu.dma_semaphore, #tpu.memory_space<semaphore_mem>>
      %dma_start3A_23 = arith.constant 0 : i32
      %dma_start3A_24 = tpu.memref_slice %arg15[%mul3A_2, %dma_start3A_23] : memref<10112x128xf32, #tpu.memory_space<vmem_shared>> -> memref<632x128xf32, #tpu.memory_space<vmem_shared>>
      %dma_start3A_25 = arith.constant 0 : i32
      %dma_start3A_26 = tpu.memref_slice %arg5[%mul3A_2, %dma_start3A_25] : memref<10112x128xf32, #tpu.memory_space<hbm>> -> memref<632x128xf32, #tpu.memory_space<hbm>>
      tpu.enqueue_dma source(%dma_start3A_26 : memref<632x128xf32, #tpu.memory_space<hbm>>) target(%dma_start3A_24 : memref<632x128xf32, #tpu.memory_space<vmem_shared>>) target_semaphore(%run_scoped3A : memref<!tpu.dma_semaphore, #tpu.memory_space<semaphore_mem>>)
      %dma_wait3A_27 = arith.constant 0 : i32
      %dma_wait3A_28 = tpu.memref_slice %arg15[%mul3A_2, %dma_wait3A_27] : memref<10112x128xf32, #tpu.memory_space<vmem_shared>> -> memref<632x128xf32, #tpu.memory_space<vmem_shared>>
      %dma_wait3A_29 = arith.constant 0 : i32
      %dma_wait3A_30 = tpu.memref_slice %arg5[%mul3A_2, %dma_wait3A_29] : memref<10112x128xf32, #tpu.memory_space<hbm>> -> memref<632x128xf32, #tpu.memory_space<hbm>>
      tpu.wait_dma2 semaphore(%run_scoped3A : memref<!tpu.dma_semaphore, #tpu.memory_space<semaphore_mem>>) src(%dma_wait3A_30 : memref<632x128xf32, #tpu.memory_space<hbm>>) dst(%dma_wait3A_28 : memref<632x128xf32, #tpu.memory_space<vmem_shared>>)
      tpu.yield
    }) : () -> ()
    %barrier3A = arith.constant 0 : index
    tpu.barrier barrier_id(%barrier3A)
    %mul3A_3 = arith.constant 10080 : i32
    %mul3A_4 = arith.muli %add3A, %mul3A_3 : i32
    %add3A_5 = arith.constant 0 : i32
    %add3A_6 = arith.addi %mul3A_4, %add3A_5 : i32
    %multiple_of3A = tpu.assume_multiple %add3A_6, 8 : i32
    "tpu.region"() ({
      %run_scoped3A = tpu.sem_alloc : memref<!tpu.dma_semaphore, #tpu.memory_space<semaphore_mem>>
      %dma_start3A_23 = tpu.memref_slice %arg3[%multiple_of3A] : memref<322560xi32, #tpu.memory_space<hbm>> -> memref<96xi32, #tpu.memory_space<hbm>>
      %dma_start3A_24 = tpu.memref_slice %arg3[%multiple_of3A] : memref<322560xi32, #tpu.memory_space<hbm>> -> memref<96xi32, #tpu.memory_space<hbm>>
      tpu.enqueue_dma source(%dma_start3A_24 : memref<96xi32, #tpu.memory_space<hbm>>) target(%arg7 : memref<96xi32, #tpu.memory_space<vmem>>) target_semaphore(%run_scoped3A : memref<!tpu.dma_semaphore, #tpu.memory_space<semaphore_mem>>)
      %dma_wait3A_25 = tpu.memref_slice %arg3[%multiple_of3A] : memref<322560xi32, #tpu.memory_space<hbm>> -> memref<96xi32, #tpu.memory_space<hbm>>
      %dma_wait3A_26 = tpu.memref_slice %arg3[%multiple_of3A] : memref<322560xi32, #tpu.memory_space<hbm>> -> memref<96xi32, #tpu.memory_space<hbm>>
      tpu.wait_dma2 semaphore(%run_scoped3A : memref<!tpu.dma_semaphore, #tpu.memory_space<semaphore_mem>>) src(%dma_wait3A_26 : memref<96xi32, #tpu.memory_space<hbm>>) dst(%arg7 : memref<96xi32, #tpu.memory_space<vmem>>)
      tpu.yield
    }) : () -> ()
    "tpu.region"() ({
      %run_scoped3A = tpu.sem_alloc : memref<!tpu.dma_semaphore, #tpu.memory_space<semaphore_mem>>
      %dma_start3A_23 = tpu.memref_slice %arg4[%multiple_of3A] : memref<322560xi32, #tpu.memory_space<hbm>> -> memref<96xi32, #tpu.memory_space<hbm>>
      %dma_start3A_24 = tpu.memref_slice %arg4[%multiple_of3A] : memref<322560xi32, #tpu.memory_space<hbm>> -> memref<96xi32, #tpu.memory_space<hbm>>
      tpu.enqueue_dma source(%dma_start3A_24 : memref<96xi32, #tpu.memory_space<hbm>>) target(%arg8 : memref<96xi32, #tpu.memory_space<vmem>>) target_semaphore(%run_scoped3A : memref<!tpu.dma_semaphore, #tpu.memory_space<semaphore_mem>>)
      %dma_wait3A_25 = tpu.memref_slice %arg4[%multiple_of3A] : memref<322560xi32, #tpu.memory_space<hbm>> -> memref<96xi32, #tpu.memory_space<hbm>>
      %dma_wait3A_26 = tpu.memref_slice %arg4[%multiple_of3A] : memref<322560xi32, #tpu.memory_space<hbm>> -> memref<96xi32, #tpu.memory_space<hbm>>
      tpu.wait_dma2 semaphore(%run_scoped3A : memref<!tpu.dma_semaphore, #tpu.memory_space<semaphore_mem>>) src(%dma_wait3A_26 : memref<96xi32, #tpu.memory_space<hbm>>) dst(%arg8 : memref<96xi32, #tpu.memory_space<vmem>>)
      tpu.yield
    }) : () -> ()
    %scan3A = arith.constant 0 : i32
    %scan3A_7 = arith.constant 0 : i32
    %scan3A_8 = arith.constant 52 : i32
    %scan3A_9 = arith.addi %scan3A_7, %scan3A_8 : i32
    %scan3A_10 = arith.constant 1 : i32
    scf.for %scan3A_23 = %scan3A_7 to %scan3A_9 step %scan3A_10  : i32 {
      %mul3A_24 = arith.constant 2 : i32
      %mul3A_25 = arith.muli %mul3A_24, %scan3A_23 : i32
      %dma_start3A_26 = arith.constant 0 : i32
      %dma_start3A_27 = arith.constant 0 : i32
      %dma_start3A_28 = tpu.memref_slice %arg2[%dma_start3A_26, %dma_start3A_27] : memref<10000x128xf32, #tpu.memory_space<hbm>> -> memref<10000x128xf32, #tpu.memory_space<hbm>>
      tpu.enqueue_indirect_dma source(%dma_start3A_28 : memref<10000x128xf32, #tpu.memory_space<hbm>>) target(%arg11 : memref<96x128xf32, #tpu.memory_space<vmem>>) offsets(%arg7 : memref<96xi32, #tpu.memory_space<vmem>>) semaphore(%arg13 : memref<!tpu.dma_semaphore, #tpu.memory_space<semaphore_mem>>)
      %gt3A = arith.constant 0 : i32
      %gt3A_29 = arith.cmpi sgt, %scan3A_23, %gt3A : i32
      %convert_element_type3A = arith.extui %gt3A_29 : i1 to i32
      %cond3A = arith.constant 0 : i32
      %cond3A_30 = arith.cmpi ne, %convert_element_type3A, %cond3A : i32
      scf.if %cond3A_30 {
        %dma_wait3A_68 = arith.constant 0 : i32
        %dma_wait3A_69 = arith.constant 0 : i32
        %dma_wait3A_70 = tpu.memref_slice %arg5[%dma_wait3A_68, %dma_wait3A_69] : memref<10112x128xf32, #tpu.memory_space<hbm>> -> memref<96x128xf32, #tpu.memory_space<hbm>>
        %dma_wait3A_71 = arith.constant 0 : i32
        %dma_wait3A_72 = arith.constant 0 : i32
        %dma_wait3A_73 = tpu.memref_slice %arg5[%dma_wait3A_71, %dma_wait3A_72] : memref<10112x128xf32, #tpu.memory_space<hbm>> -> memref<96x128xf32, #tpu.memory_space<hbm>>
        tpu.wait_dma2 semaphore(%arg14 : memref<!tpu.dma_semaphore, #tpu.memory_space<semaphore_mem>>) src(%dma_wait3A_73 : memref<96x128xf32, #tpu.memory_space<hbm>>) dst(%arg12 : memref<96x128xf32, #tpu.memory_space<vmem>>)
      } else {
      }
      %add3A_31 = arith.constant 1 : i32
      %add3A_32 = arith.addi %mul3A_25, %add3A_31 : i32
      %mul3A_33 = arith.constant 10080 : i32
      %mul3A_34 = arith.muli %add3A, %mul3A_33 : i32
      %mul3A_35 = arith.constant 96 : i32
      %mul3A_36 = arith.muli %add3A_32, %mul3A_35 : i32
      %add3A_37 = arith.addi %mul3A_34, %mul3A_36 : i32
      %multiple_of3A_38 = tpu.assume_multiple %add3A_37, 8 : i32
      "tpu.region"() ({
        %run_scoped3A = tpu.sem_alloc : memref<!tpu.dma_semaphore, #tpu.memory_space<semaphore_mem>>
        %dma_start3A_68 = tpu.memref_slice %arg3[%multiple_of3A_38] : memref<322560xi32, #tpu.memory_space<hbm>> -> memref<96xi32, #tpu.memory_space<hbm>>
        %dma_start3A_69 = tpu.memref_slice %arg3[%multiple_of3A_38] : memref<322560xi32, #tpu.memory_space<hbm>> -> memref<96xi32, #tpu.memory_space<hbm>>
        tpu.enqueue_dma source(%dma_start3A_69 : memref<96xi32, #tpu.memory_space<hbm>>) target(%arg9 : memref<96xi32, #tpu.memory_space<vmem>>) target_semaphore(%run_scoped3A : memref<!tpu.dma_semaphore, #tpu.memory_space<semaphore_mem>>)
        %dma_wait3A_70 = tpu.memref_slice %arg3[%multiple_of3A_38] : memref<322560xi32, #tpu.memory_space<hbm>> -> memref<96xi32, #tpu.memory_space<hbm>>
        %dma_wait3A_71 = tpu.memref_slice %arg3[%multiple_of3A_38] : memref<322560xi32, #tpu.memory_space<hbm>> -> memref<96xi32, #tpu.memory_space<hbm>>
        tpu.wait_dma2 semaphore(%run_scoped3A : memref<!tpu.dma_semaphore, #tpu.memory_space<semaphore_mem>>) src(%dma_wait3A_71 : memref<96xi32, #tpu.memory_space<hbm>>) dst(%arg9 : memref<96xi32, #tpu.memory_space<vmem>>)
        tpu.yield
      }) : () -> ()
      "tpu.region"() ({
        %run_scoped3A = tpu.sem_alloc : memref<!tpu.dma_semaphore, #tpu.memory_space<semaphore_mem>>
        %dma_start3A_68 = tpu.memref_slice %arg4[%multiple_of3A_38] : memref<322560xi32, #tpu.memory_space<hbm>> -> memref<96xi32, #tpu.memory_space<hbm>>
        %dma_start3A_69 = tpu.memref_slice %arg4[%multiple_of3A_38] : memref<322560xi32, #tpu.memory_space<hbm>> -> memref<96xi32, #tpu.memory_space<hbm>>
        tpu.enqueue_dma source(%dma_start3A_69 : memref<96xi32, #tpu.memory_space<hbm>>) target(%arg10 : memref<96xi32, #tpu.memory_space<vmem>>) target_semaphore(%run_scoped3A : memref<!tpu.dma_semaphore, #tpu.memory_space<semaphore_mem>>)
        %dma_wait3A_70 = tpu.memref_slice %arg4[%multiple_of3A_38] : memref<322560xi32, #tpu.memory_space<hbm>> -> memref<96xi32, #tpu.memory_space<hbm>>
        %dma_wait3A_71 = tpu.memref_slice %arg4[%multiple_of3A_38] : memref<322560xi32, #tpu.memory_space<hbm>> -> memref<96xi32, #tpu.memory_space<hbm>>
        tpu.wait_dma2 semaphore(%run_scoped3A : memref<!tpu.dma_semaphore, #tpu.memory_space<semaphore_mem>>) src(%dma_wait3A_71 : memref<96xi32, #tpu.memory_space<hbm>>) dst(%arg10 : memref<96xi32, #tpu.memory_space<vmem>>)
        tpu.yield
      }) : () -> ()
      %dma_wait3A_39 = arith.constant 0 : i32
      %dma_wait3A_40 = arith.constant 0 : i32
      %dma_wait3A_41 = tpu.memref_slice %arg2[%dma_wait3A_39, %dma_wait3A_40] : memref<10000x128xf32, #tpu.memory_space<hbm>> -> memref<10000x128xf32, #tpu.memory_space<hbm>>
      tpu.wait_indirect_dma semaphore(%arg13 : memref<!tpu.dma_semaphore, #tpu.memory_space<semaphore_mem>>) src(%dma_wait3A_41 : memref<10000x128xf32, #tpu.memory_space<hbm>>) dst(%arg11 : memref<96x128xf32, #tpu.memory_space<vmem>>)
      %dma_start3A_42 = arith.constant 0 : i32
      %dma_start3A_43 = arith.constant 0 : i32
      %dma_start3A_44 = tpu.memref_slice %arg15[%dma_start3A_42, %dma_start3A_43] : memref<10112x128xf32, #tpu.memory_space<vmem_shared>> -> memref<10112x128xf32, #tpu.memory_space<vmem_shared>>
      tpu.enqueue_indirect_dma source(%arg11 : memref<96x128xf32, #tpu.memory_space<vmem>>) target(%dma_start3A_44 : memref<10112x128xf32, #tpu.memory_space<vmem_shared>>) offsets(%arg8 : memref<96xi32, #tpu.memory_space<vmem>>) semaphore(%arg14 : memref<!tpu.dma_semaphore, #tpu.memory_space<semaphore_mem>>) {add = true}
      %dma_start3A_45 = arith.constant 0 : i32
      %dma_start3A_46 = arith.constant 0 : i32
      %dma_start3A_47 = tpu.memref_slice %arg2[%dma_start3A_45, %dma_start3A_46] : memref<10000x128xf32, #tpu.memory_space<hbm>> -> memref<10000x128xf32, #tpu.memory_space<hbm>>
      tpu.enqueue_indirect_dma source(%dma_start3A_47 : memref<10000x128xf32, #tpu.memory_space<hbm>>) target(%arg12 : memref<96x128xf32, #tpu.memory_space<vmem>>) offsets(%arg9 : memref<96xi32, #tpu.memory_space<vmem>>) semaphore(%arg13 : memref<!tpu.dma_semaphore, #tpu.memory_space<semaphore_mem>>)
      %dma_wait3A_48 = arith.constant 0 : i32
      %dma_wait3A_49 = arith.constant 0 : i32
      %dma_wait3A_50 = tpu.memref_slice %arg5[%dma_wait3A_48, %dma_wait3A_49] : memref<10112x128xf32, #tpu.memory_space<hbm>> -> memref<96x128xf32, #tpu.memory_space<hbm>>
      %dma_wait3A_51 = arith.constant 0 : i32
      %dma_wait3A_52 = arith.constant 0 : i32
      %dma_wait3A_53 = tpu.memref_slice %arg5[%dma_wait3A_51, %dma_wait3A_52] : memref<10112x128xf32, #tpu.memory_space<hbm>> -> memref<96x128xf32, #tpu.memory_space<hbm>>
      tpu.wait_dma2 semaphore(%arg14 : memref<!tpu.dma_semaphore, #tpu.memory_space<semaphore_mem>>) src(%dma_wait3A_53 : memref<96x128xf32, #tpu.memory_space<hbm>>) dst(%arg11 : memref<96x128xf32, #tpu.memory_space<vmem>>)
      %add3A_54 = arith.constant 2 : i32
      %add3A_55 = arith.addi %mul3A_25, %add3A_54 : i32
      %mul3A_56 = arith.constant 10080 : i32
      %mul3A_57 = arith.muli %add3A, %mul3A_56 : i32
      %mul3A_58 = arith.constant 96 : i32
      %mul3A_59 = arith.muli %add3A_55, %mul3A_58 : i32
      %add3A_60 = arith.addi %mul3A_57, %mul3A_59 : i32
      %multiple_of3A_61 = tpu.assume_multiple %add3A_60, 8 : i32
      "tpu.region"() ({
        %run_scoped3A = tpu.sem_alloc : memref<!tpu.dma_semaphore, #tpu.memory_space<semaphore_mem>>
        %dma_start3A_68 = tpu.memref_slice %arg3[%multiple_of3A_61] : memref<322560xi32, #tpu.memory_space<hbm>> -> memref<96xi32, #tpu.memory_space<hbm>>
        %dma_start3A_69 = tpu.memref_slice %arg3[%multiple_of3A_61] : memref<322560xi32, #tpu.memory_space<hbm>> -> memref<96xi32, #tpu.memory_space<hbm>>
        tpu.enqueue_dma source(%dma_start3A_69 : memref<96xi32, #tpu.memory_space<hbm>>) target(%arg7 : memref<96xi32, #tpu.memory_space<vmem>>) target_semaphore(%run_scoped3A : memref<!tpu.dma_semaphore, #tpu.memory_space<semaphore_mem>>)
        %dma_wait3A_70 = tpu.memref_slice %arg3[%multiple_of3A_61] : memref<322560xi32, #tpu.memory_space<hbm>> -> memref<96xi32, #tpu.memory_space<hbm>>
        %dma_wait3A_71 = tpu.memref_slice %arg3[%multiple_of3A_61] : memref<322560xi32, #tpu.memory_space<hbm>> -> memref<96xi32, #tpu.memory_space<hbm>>
        tpu.wait_dma2 semaphore(%run_scoped3A : memref<!tpu.dma_semaphore, #tpu.memory_space<semaphore_mem>>) src(%dma_wait3A_71 : memref<96xi32, #tpu.memory_space<hbm>>) dst(%arg7 : memref<96xi32, #tpu.memory_space<vmem>>)
        tpu.yield
      }) : () -> ()
      "tpu.region"() ({
        %run_scoped3A = tpu.sem_alloc : memref<!tpu.dma_semaphore, #tpu.memory_space<semaphore_mem>>
        %dma_start3A_68 = tpu.memref_slice %arg4[%multiple_of3A_61] : memref<322560xi32, #tpu.memory_space<hbm>> -> memref<96xi32, #tpu.memory_space<hbm>>
        %dma_start3A_69 = tpu.memref_slice %arg4[%multiple_of3A_61] : memref<322560xi32, #tpu.memory_space<hbm>> -> memref<96xi32, #tpu.memory_space<hbm>>
        tpu.enqueue_dma source(%dma_start3A_69 : memref<96xi32, #tpu.memory_space<hbm>>) target(%arg8 : memref<96xi32, #tpu.memory_space<vmem>>) target_semaphore(%run_scoped3A : memref<!tpu.dma_semaphore, #tpu.memory_space<semaphore_mem>>)
        %dma_wait3A_70 = tpu.memref_slice %arg4[%multiple_of3A_61] : memref<322560xi32, #tpu.memory_space<hbm>> -> memref<96xi32, #tpu.memory_space<hbm>>
        %dma_wait3A_71 = tpu.memref_slice %arg4[%multiple_of3A_61] : memref<322560xi32, #tpu.memory_space<hbm>> -> memref<96xi32, #tpu.memory_space<hbm>>
        tpu.wait_dma2 semaphore(%run_scoped3A : memref<!tpu.dma_semaphore, #tpu.memory_space<semaphore_mem>>) src(%dma_wait3A_71 : memref<96xi32, #tpu.memory_space<hbm>>) dst(%arg8 : memref<96xi32, #tpu.memory_space<vmem>>)
        tpu.yield
      }) : () -> ()
      %dma_wait3A_62 = arith.constant 0 : i32
      %dma_wait3A_63 = arith.constant 0 : i32
      %dma_wait3A_64 = tpu.memref_slice %arg2[%dma_wait3A_62, %dma_wait3A_63] : memref<10000x128xf32, #tpu.memory_space<hbm>> -> memref<10000x128xf32, #tpu.memory_space<hbm>>
      tpu.wait_indirect_dma semaphore(%arg13 : memref<!tpu.dma_semaphore, #tpu.memory_space<semaphore_mem>>) src(%dma_wait3A_64 : memref<10000x128xf32, #tpu.memory_space<hbm>>) dst(%arg12 : memref<96x128xf32, #tpu.memory_space<vmem>>)
      %dma_start3A_65 = arith.constant 0 : i32
      %dma_start3A_66 = arith.constant 0 : i32
      %dma_start3A_67 = tpu.memref_slice %arg15[%dma_start3A_65, %dma_start3A_66] : memref<10112x128xf32, #tpu.memory_space<vmem_shared>> -> memref<10112x128xf32, #tpu.memory_space<vmem_shared>>
      tpu.enqueue_indirect_dma source(%arg12 : memref<96x128xf32, #tpu.memory_space<vmem>>) target(%dma_start3A_67 : memref<10112x128xf32, #tpu.memory_space<vmem_shared>>) offsets(%arg10 : memref<96xi32, #tpu.memory_space<vmem>>) semaphore(%arg14 : memref<!tpu.dma_semaphore, #tpu.memory_space<semaphore_mem>>) {add = true}
    }
    %scan3A_11 = arith.constant 52 : i32
    %dma_start3A = arith.constant 0 : i32
    %dma_start3A_12 = arith.constant 0 : i32
    %dma_start3A_13 = tpu.memref_slice %arg2[%dma_start3A, %dma_start3A_12] : memref<10000x128xf32, #tpu.memory_space<hbm>> -> memref<10000x128xf32, #tpu.memory_space<hbm>>
    tpu.enqueue_indirect_dma source(%dma_start3A_13 : memref<10000x128xf32, #tpu.memory_space<hbm>>) target(%arg11 : memref<96x128xf32, #tpu.memory_space<vmem>>) offsets(%arg7 : memref<96xi32, #tpu.memory_space<vmem>>) semaphore(%arg13 : memref<!tpu.dma_semaphore, #tpu.memory_space<semaphore_mem>>)
    %dma_wait3A = arith.constant 0 : i32
    %dma_wait3A_14 = arith.constant 0 : i32
    %dma_wait3A_15 = tpu.memref_slice %arg2[%dma_wait3A, %dma_wait3A_14] : memref<10000x128xf32, #tpu.memory_space<hbm>> -> memref<10000x128xf32, #tpu.memory_space<hbm>>
    tpu.wait_indirect_dma semaphore(%arg13 : memref<!tpu.dma_semaphore, #tpu.memory_space<semaphore_mem>>) src(%dma_wait3A_15 : memref<10000x128xf32, #tpu.memory_space<hbm>>) dst(%arg11 : memref<96x128xf32, #tpu.memory_space<vmem>>)
    %dma_wait3A_16 = arith.constant 0 : i32
    %dma_wait3A_17 = arith.constant 0 : i32
    %dma_wait3A_18 = tpu.memref_slice %arg5[%dma_wait3A_16, %dma_wait3A_17] : memref<10112x128xf32, #tpu.memory_space<hbm>> -> memref<96x128xf32, #tpu.memory_space<hbm>>
    %dma_wait3A_19 = arith.constant 0 : i32
    %dma_wait3A_20 = arith.constant 0 : i32
    %dma_wait3A_21 = tpu.memref_slice %arg5[%dma_wait3A_19, %dma_wait3A_20] : memref<10112x128xf32, #tpu.memory_space<hbm>> -> memref<96x128xf32, #tpu.memory_space<hbm>>
    tpu.wait_dma2 semaphore(%arg14 : memref<!tpu.dma_semaphore, #tpu.memory_space<semaphore_mem>>) src(%dma_wait3A_21 : memref<96x128xf32, #tpu.memory_space<hbm>>) dst(%arg12 : memref<96x128xf32, #tpu.memory_space<vmem>>)
    "tpu.region"() ({
      %run_scoped3A = tpu.sem_alloc : memref<!tpu.dma_semaphore, #tpu.memory_space<semaphore_mem>>
      %dma_start3A_23 = arith.constant 0 : i32
      %dma_start3A_24 = arith.constant 0 : i32
      %dma_start3A_25 = tpu.memref_slice %arg15[%dma_start3A_23, %dma_start3A_24] : memref<10112x128xf32, #tpu.memory_space<vmem_shared>> -> memref<10112x128xf32, #tpu.memory_space<vmem_shared>>
      tpu.enqueue_indirect_dma source(%arg11 : memref<96x128xf32, #tpu.memory_space<vmem>>) target(%dma_start3A_25 : memref<10112x128xf32, #tpu.memory_space<vmem_shared>>) offsets(%arg8 : memref<96xi32, #tpu.memory_space<vmem>>) semaphore(%run_scoped3A : memref<!tpu.dma_semaphore, #tpu.memory_space<semaphore_mem>>) {add = true}
      %dma_wait3A_26 = arith.constant 0 : i32
      %dma_wait3A_27 = arith.constant 0 : i32
      %dma_wait3A_28 = tpu.memref_slice %arg15[%dma_wait3A_26, %dma_wait3A_27] : memref<10112x128xf32, #tpu.memory_space<vmem_shared>> -> memref<10112x128xf32, #tpu.memory_space<vmem_shared>>
      tpu.wait_indirect_dma semaphore(%run_scoped3A : memref<!tpu.dma_semaphore, #tpu.memory_space<semaphore_mem>>) src(%arg11 : memref<96x128xf32, #tpu.memory_space<vmem>>) dst(%dma_wait3A_28 : memref<10112x128xf32, #tpu.memory_space<vmem_shared>>)
      tpu.yield
    }) : () -> ()
    %barrier3A_22 = arith.constant 0 : index
    tpu.barrier barrier_id(%barrier3A_22)
    "tpu.region"() ({
      %run_scoped3A = tpu.sem_alloc : memref<!tpu.dma_semaphore, #tpu.memory_space<semaphore_mem>>
      %dma_start3A_23 = arith.constant 0 : i32
      %dma_start3A_24 = tpu.memref_slice %arg6[%arg0, %mul3A_2, %dma_start3A_23] : memref<2x10112x128xf32, #tpu.memory_space<hbm>> -> memref<1x632x128xf32, #tpu.memory_space<hbm>>
      %dma_start3A_25 = tpu.memref_squeeze %dma_start3A_24 : memref<1x632x128xf32, #tpu.memory_space<hbm>> -> memref<632x128xf32, #tpu.memory_space<hbm>>
      %dma_start3A_26 = arith.constant 0 : i32
      %dma_start3A_27 = tpu.memref_slice %arg15[%mul3A_2, %dma_start3A_26] : memref<10112x128xf32, #tpu.memory_space<vmem_shared>> -> memref<632x128xf32, #tpu.memory_space<vmem_shared>>
      tpu.enqueue_dma source(%dma_start3A_27 : memref<632x128xf32, #tpu.memory_space<vmem_shared>>) target(%dma_start3A_25 : memref<632x128xf32, #tpu.memory_space<hbm>>) target_semaphore(%run_scoped3A : memref<!tpu.dma_semaphore, #tpu.memory_space<semaphore_mem>>)
      %dma_wait3A_28 = arith.constant 0 : i32
      %dma_wait3A_29 = tpu.memref_slice %arg6[%arg0, %mul3A_2, %dma_wait3A_28] : memref<2x10112x128xf32, #tpu.memory_space<hbm>> -> memref<1x632x128xf32, #tpu.memory_space<hbm>>
      %dma_wait3A_30 = tpu.memref_squeeze %dma_wait3A_29 : memref<1x632x128xf32, #tpu.memory_space<hbm>> -> memref<632x128xf32, #tpu.memory_space<hbm>>
      %dma_wait3A_31 = arith.constant 0 : i32
      %dma_wait3A_32 = tpu.memref_slice %arg15[%mul3A_2, %dma_wait3A_31] : memref<10112x128xf32, #tpu.memory_space<vmem_shared>> -> memref<632x128xf32, #tpu.memory_space<vmem_shared>>
      tpu.wait_dma2 semaphore(%run_scoped3A : memref<!tpu.dma_semaphore, #tpu.memory_space<semaphore_mem>>) src(%dma_wait3A_32 : memref<632x128xf32, #tpu.memory_space<vmem_shared>>) dst(%dma_wait3A_30 : memref<632x128xf32, #tpu.memory_space<hbm>>)
      tpu.yield
    }) : () -> ()
    return
  }
}

#map = affine_map<(d0, d1) -> (0, 0)>
#map1 = affine_map<(d0, d1) -> (0)>
#map2 = affine_map<(d0, d1) -> (0, 0, 0)>
module attributes {stable_mosaic.version = 14 : i64} {
  func.func @sc_segsum(%arg0: i32, %arg1: i32, %arg2: memref<10000x128xf32, #tpu.memory_space<hbm>>, %arg3: memref<322560xi32, #tpu.memory_space<hbm>>, %arg4: memref<322560xi32, #tpu.memory_space<hbm>>, %arg5: memref<10112x128xf32, #tpu.memory_space<hbm>>, %arg6: memref<2x10112x128xf32, #tpu.memory_space<hbm>>, %arg7: memref<96xi32, #tpu.memory_space<vmem>>, %arg8: memref<96xi32, #tpu.memory_space<vmem>>, %arg9: memref<96xi32, #tpu.memory_space<vmem>>, %arg10: memref<96xi32, #tpu.memory_space<vmem>>, %arg11: memref<96x128xf32, #tpu.memory_space<vmem>>, %arg12: memref<96x128xf32, #tpu.memory_space<vmem>>, %arg13: memref<!tpu.dma_semaphore, #tpu.memory_space<semaphore_mem>>, %arg14: memref<!tpu.dma_semaphore, #tpu.memory_space<semaphore_mem>>, %arg15: memref<10112x128xf32, #tpu.memory_space<vmem_shared>>) attributes {dimension_semantics = [#tpu.dimension_semantics<core_parallel>, #tpu.dimension_semantics<subcore_parallel>], iteration_bounds = array<i64: 2, 16>, scalar_prefetch = 0 : i64, scratch_operands = 9 : i64, tpu.core_type = #tpu.core_type<sc_vector_subcore>, window_params = [{transform_indices = #map}, {transform_indices = #map1}, {transform_indices = #map1}, {transform_indices = #map}, {transform_indices = #map2}]} {
    %mul3A = arith.constant 16 : i32
    %mul3A_0 = arith.muli %arg0, %mul3A : i32
    %add3A = arith.addi %mul3A_0, %arg1 : i32
    %mul3A_1 = arith.constant 632 : i32
    %mul3A_2 = arith.muli %arg1, %mul3A_1 : i32
    "tpu.region"() ({
      %run_scoped3A = tpu.sem_alloc : memref<!tpu.dma_semaphore, #tpu.memory_space<semaphore_mem>>
      %dma_start3A_23 = arith.constant 0 : i32
      %dma_start3A_24 = tpu.memref_slice %arg15[%mul3A_2, %dma_start3A_23] : memref<10112x128xf32, #tpu.memory_space<vmem_shared>> -> memref<632x128xf32, #tpu.memory_space<vmem_shared>>
      %dma_start3A_25 = arith.constant 0 : i32
      %dma_start3A_26 = tpu.memref_slice %arg5[%mul3A_2, %dma_start3A_25] : memref<10112x128xf32, #tpu.memory_space<hbm>> -> memref<632x128xf32, #tpu.memory_space<hbm>>
      tpu.enqueue_dma source(%dma_start3A_26 : memref<632x128xf32, #tpu.memory_space<hbm>>) target(%dma_start3A_24 : memref<632x128xf32, #tpu.memory_space<vmem_shared>>) target_semaphore(%run_scoped3A : memref<!tpu.dma_semaphore, #tpu.memory_space<semaphore_mem>>)
      %dma_wait3A_27 = arith.constant 0 : i32
      %dma_wait3A_28 = tpu.memref_slice %arg15[%mul3A_2, %dma_wait3A_27] : memref<10112x128xf32, #tpu.memory_space<vmem_shared>> -> memref<632x128xf32, #tpu.memory_space<vmem_shared>>
      %dma_wait3A_29 = arith.constant 0 : i32
      %dma_wait3A_30 = tpu.memref_slice %arg5[%mul3A_2, %dma_wait3A_29] : memref<10112x128xf32, #tpu.memory_space<hbm>> -> memref<632x128xf32, #tpu.memory_space<hbm>>
      tpu.wait_dma2 semaphore(%run_scoped3A : memref<!tpu.dma_semaphore, #tpu.memory_space<semaphore_mem>>) src(%dma_wait3A_30 : memref<632x128xf32, #tpu.memory_space<hbm>>) dst(%dma_wait3A_28 : memref<632x128xf32, #tpu.memory_space<vmem_shared>>)
      tpu.yield
    }) : () -> ()
    %barrier3A = arith.constant 0 : index
    tpu.barrier barrier_id(%barrier3A)
    %mul3A_3 = arith.constant 10080 : i32
    %mul3A_4 = arith.muli %add3A, %mul3A_3 : i32
    %add3A_5 = arith.constant 0 : i32
    %add3A_6 = arith.addi %mul3A_4, %add3A_5 : i32
    %multiple_of3A = tpu.assume_multiple %add3A_6, 8 : i32
    "tpu.region"() ({
      %run_scoped3A = tpu.sem_alloc : memref<!tpu.dma_semaphore, #tpu.memory_space<semaphore_mem>>
      %dma_start3A_23 = tpu.memref_slice %arg3[%multiple_of3A] : memref<322560xi32, #tpu.memory_space<hbm>> -> memref<96xi32, #tpu.memory_space<hbm>>
      %dma_start3A_24 = tpu.memref_slice %arg3[%multiple_of3A] : memref<322560xi32, #tpu.memory_space<hbm>> -> memref<96xi32, #tpu.memory_space<hbm>>
      tpu.enqueue_dma source(%dma_start3A_24 : memref<96xi32, #tpu.memory_space<hbm>>) target(%arg7 : memref<96xi32, #tpu.memory_space<vmem>>) target_semaphore(%run_scoped3A : memref<!tpu.dma_semaphore, #tpu.memory_space<semaphore_mem>>)
      %dma_wait3A_25 = tpu.memref_slice %arg3[%multiple_of3A] : memref<322560xi32, #tpu.memory_space<hbm>> -> memref<96xi32, #tpu.memory_space<hbm>>
      %dma_wait3A_26 = tpu.memref_slice %arg3[%multiple_of3A] : memref<322560xi32, #tpu.memory_space<hbm>> -> memref<96xi32, #tpu.memory_space<hbm>>
      tpu.wait_dma2 semaphore(%run_scoped3A : memref<!tpu.dma_semaphore, #tpu.memory_space<semaphore_mem>>) src(%dma_wait3A_26 : memref<96xi32, #tpu.memory_space<hbm>>) dst(%arg7 : memref<96xi32, #tpu.memory_space<vmem>>)
      tpu.yield
    }) : () -> ()
    "tpu.region"() ({
      %run_scoped3A = tpu.sem_alloc : memref<!tpu.dma_semaphore, #tpu.memory_space<semaphore_mem>>
      %dma_start3A_23 = tpu.memref_slice %arg4[%multiple_of3A] : memref<322560xi32, #tpu.memory_space<hbm>> -> memref<96xi32, #tpu.memory_space<hbm>>
      %dma_start3A_24 = tpu.memref_slice %arg4[%multiple_of3A] : memref<322560xi32, #tpu.memory_space<hbm>> -> memref<96xi32, #tpu.memory_space<hbm>>
      tpu.enqueue_dma source(%dma_start3A_24 : memref<96xi32, #tpu.memory_space<hbm>>) target(%arg8 : memref<96xi32, #tpu.memory_space<vmem>>) target_semaphore(%run_scoped3A : memref<!tpu.dma_semaphore, #tpu.memory_space<semaphore_mem>>)
      %dma_wait3A_25 = tpu.memref_slice %arg4[%multiple_of3A] : memref<322560xi32, #tpu.memory_space<hbm>> -> memref<96xi32, #tpu.memory_space<hbm>>
      %dma_wait3A_26 = tpu.memref_slice %arg4[%multiple_of3A] : memref<322560xi32, #tpu.memory_space<hbm>> -> memref<96xi32, #tpu.memory_space<hbm>>
      tpu.wait_dma2 semaphore(%run_scoped3A : memref<!tpu.dma_semaphore, #tpu.memory_space<semaphore_mem>>) src(%dma_wait3A_26 : memref<96xi32, #tpu.memory_space<hbm>>) dst(%arg8 : memref<96xi32, #tpu.memory_space<vmem>>)
      tpu.yield
    }) : () -> ()
    %scan3A = arith.constant 0 : i32
    %scan3A_7 = arith.constant 0 : i32
    %scan3A_8 = arith.constant 52 : i32
    %scan3A_9 = arith.addi %scan3A_7, %scan3A_8 : i32
    %scan3A_10 = arith.constant 1 : i32
    scf.for %scan3A_23 = %scan3A_7 to %scan3A_9 step %scan3A_10  : i32 {
      %mul3A_24 = arith.constant 2 : i32
      %mul3A_25 = arith.muli %mul3A_24, %scan3A_23 : i32
      %dma_start3A_26 = arith.constant 0 : i32
      %dma_start3A_27 = arith.constant 0 : i32
      %dma_start3A_28 = tpu.memref_slice %arg2[%dma_start3A_26, %dma_start3A_27] : memref<10000x128xf32, #tpu.memory_space<hbm>> -> memref<10000x128xf32, #tpu.memory_space<hbm>>
      tpu.enqueue_indirect_dma source(%dma_start3A_28 : memref<10000x128xf32, #tpu.memory_space<hbm>>) target(%arg11 : memref<96x128xf32, #tpu.memory_space<vmem>>) offsets(%arg7 : memref<96xi32, #tpu.memory_space<vmem>>) semaphore(%arg13 : memref<!tpu.dma_semaphore, #tpu.memory_space<semaphore_mem>>)
      %gt3A = arith.constant 0 : i32
      %gt3A_29 = arith.cmpi sgt, %scan3A_23, %gt3A : i32
      %convert_element_type3A = arith.extui %gt3A_29 : i1 to i32
      %cond3A = arith.constant 0 : i32
      %cond3A_30 = arith.cmpi ne, %convert_element_type3A, %cond3A : i32
      scf.if %cond3A_30 {
        %dma_wait3A_68 = arith.constant 0 : i32
        %dma_wait3A_69 = arith.constant 0 : i32
        %dma_wait3A_70 = tpu.memref_slice %arg5[%dma_wait3A_68, %dma_wait3A_69] : memref<10112x128xf32, #tpu.memory_space<hbm>> -> memref<96x128xf32, #tpu.memory_space<hbm>>
        %dma_wait3A_71 = arith.constant 0 : i32
        %dma_wait3A_72 = arith.constant 0 : i32
        %dma_wait3A_73 = tpu.memref_slice %arg5[%dma_wait3A_71, %dma_wait3A_72] : memref<10112x128xf32, #tpu.memory_space<hbm>> -> memref<96x128xf32, #tpu.memory_space<hbm>>
        tpu.wait_dma2 semaphore(%arg14 : memref<!tpu.dma_semaphore, #tpu.memory_space<semaphore_mem>>) src(%dma_wait3A_73 : memref<96x128xf32, #tpu.memory_space<hbm>>) dst(%arg12 : memref<96x128xf32, #tpu.memory_space<vmem>>)
      } else {
      }
      %add3A_31 = arith.constant 1 : i32
      %add3A_32 = arith.addi %mul3A_25, %add3A_31 : i32
      %mul3A_33 = arith.constant 10080 : i32
      %mul3A_34 = arith.muli %add3A, %mul3A_33 : i32
      %mul3A_35 = arith.constant 96 : i32
      %mul3A_36 = arith.muli %add3A_32, %mul3A_35 : i32
      %add3A_37 = arith.addi %mul3A_34, %mul3A_36 : i32
      %multiple_of3A_38 = tpu.assume_multiple %add3A_37, 8 : i32
      "tpu.region"() ({
        %run_scoped3A = tpu.sem_alloc : memref<!tpu.dma_semaphore, #tpu.memory_space<semaphore_mem>>
        %dma_start3A_68 = tpu.memref_slice %arg3[%multiple_of3A_38] : memref<322560xi32, #tpu.memory_space<hbm>> -> memref<96xi32, #tpu.memory_space<hbm>>
        %dma_start3A_69 = tpu.memref_slice %arg3[%multiple_of3A_38] : memref<322560xi32, #tpu.memory_space<hbm>> -> memref<96xi32, #tpu.memory_space<hbm>>
        tpu.enqueue_dma source(%dma_start3A_69 : memref<96xi32, #tpu.memory_space<hbm>>) target(%arg9 : memref<96xi32, #tpu.memory_space<vmem>>) target_semaphore(%run_scoped3A : memref<!tpu.dma_semaphore, #tpu.memory_space<semaphore_mem>>)
        %dma_wait3A_70 = tpu.memref_slice %arg3[%multiple_of3A_38] : memref<322560xi32, #tpu.memory_space<hbm>> -> memref<96xi32, #tpu.memory_space<hbm>>
        %dma_wait3A_71 = tpu.memref_slice %arg3[%multiple_of3A_38] : memref<322560xi32, #tpu.memory_space<hbm>> -> memref<96xi32, #tpu.memory_space<hbm>>
        tpu.wait_dma2 semaphore(%run_scoped3A : memref<!tpu.dma_semaphore, #tpu.memory_space<semaphore_mem>>) src(%dma_wait3A_71 : memref<96xi32, #tpu.memory_space<hbm>>) dst(%arg9 : memref<96xi32, #tpu.memory_space<vmem>>)
        tpu.yield
      }) : () -> ()
      "tpu.region"() ({
        %run_scoped3A = tpu.sem_alloc : memref<!tpu.dma_semaphore, #tpu.memory_space<semaphore_mem>>
        %dma_start3A_68 = tpu.memref_slice %arg4[%multiple_of3A_38] : memref<322560xi32, #tpu.memory_space<hbm>> -> memref<96xi32, #tpu.memory_space<hbm>>
        %dma_start3A_69 = tpu.memref_slice %arg4[%multiple_of3A_38] : memref<322560xi32, #tpu.memory_space<hbm>> -> memref<96xi32, #tpu.memory_space<hbm>>
        tpu.enqueue_dma source(%dma_start3A_69 : memref<96xi32, #tpu.memory_space<hbm>>) target(%arg10 : memref<96xi32, #tpu.memory_space<vmem>>) target_semaphore(%run_scoped3A : memref<!tpu.dma_semaphore, #tpu.memory_space<semaphore_mem>>)
        %dma_wait3A_70 = tpu.memref_slice %arg4[%multiple_of3A_38] : memref<322560xi32, #tpu.memory_space<hbm>> -> memref<96xi32, #tpu.memory_space<hbm>>
        %dma_wait3A_71 = tpu.memref_slice %arg4[%multiple_of3A_38] : memref<322560xi32, #tpu.memory_space<hbm>> -> memref<96xi32, #tpu.memory_space<hbm>>
        tpu.wait_dma2 semaphore(%run_scoped3A : memref<!tpu.dma_semaphore, #tpu.memory_space<semaphore_mem>>) src(%dma_wait3A_71 : memref<96xi32, #tpu.memory_space<hbm>>) dst(%arg10 : memref<96xi32, #tpu.memory_space<vmem>>)
        tpu.yield
      }) : () -> ()
      %dma_wait3A_39 = arith.constant 0 : i32
      %dma_wait3A_40 = arith.constant 0 : i32
      %dma_wait3A_41 = tpu.memref_slice %arg2[%dma_wait3A_39, %dma_wait3A_40] : memref<10000x128xf32, #tpu.memory_space<hbm>> -> memref<10000x128xf32, #tpu.memory_space<hbm>>
      tpu.wait_indirect_dma semaphore(%arg13 : memref<!tpu.dma_semaphore, #tpu.memory_space<semaphore_mem>>) src(%dma_wait3A_41 : memref<10000x128xf32, #tpu.memory_space<hbm>>) dst(%arg11 : memref<96x128xf32, #tpu.memory_space<vmem>>)
      %dma_start3A_42 = arith.constant 0 : i32
      %dma_start3A_43 = arith.constant 0 : i32
      %dma_start3A_44 = tpu.memref_slice %arg15[%dma_start3A_42, %dma_start3A_43] : memref<10112x128xf32, #tpu.memory_space<vmem_shared>> -> memref<10112x128xf32, #tpu.memory_space<vmem_shared>>
      tpu.enqueue_indirect_dma source(%arg11 : memref<96x128xf32, #tpu.memory_space<vmem>>) target(%dma_start3A_44 : memref<10112x128xf32, #tpu.memory_space<vmem_shared>>) offsets(%arg8 : memref<96xi32, #tpu.memory_space<vmem>>) semaphore(%arg14 : memref<!tpu.dma_semaphore, #tpu.memory_space<semaphore_mem>>) {add = true}
      %dma_start3A_45 = arith.constant 0 : i32
      %dma_start3A_46 = arith.constant 0 : i32
      %dma_start3A_47 = tpu.memref_slice %arg2[%dma_start3A_45, %dma_start3A_46] : memref<10000x128xf32, #tpu.memory_space<hbm>> -> memref<10000x128xf32, #tpu.memory_space<hbm>>
      tpu.enqueue_indirect_dma source(%dma_start3A_47 : memref<10000x128xf32, #tpu.memory_space<hbm>>) target(%arg12 : memref<96x128xf32, #tpu.memory_space<vmem>>) offsets(%arg9 : memref<96xi32, #tpu.memory_space<vmem>>) semaphore(%arg13 : memref<!tpu.dma_semaphore, #tpu.memory_space<semaphore_mem>>)
      %dma_wait3A_48 = arith.constant 0 : i32
      %dma_wait3A_49 = arith.constant 0 : i32
      %dma_wait3A_50 = tpu.memref_slice %arg5[%dma_wait3A_48, %dma_wait3A_49] : memref<10112x128xf32, #tpu.memory_space<hbm>> -> memref<96x128xf32, #tpu.memory_space<hbm>>
      %dma_wait3A_51 = arith.constant 0 : i32
      %dma_wait3A_52 = arith.constant 0 : i32
      %dma_wait3A_53 = tpu.memref_slice %arg5[%dma_wait3A_51, %dma_wait3A_52] : memref<10112x128xf32, #tpu.memory_space<hbm>> -> memref<96x128xf32, #tpu.memory_space<hbm>>
      tpu.wait_dma2 semaphore(%arg14 : memref<!tpu.dma_semaphore, #tpu.memory_space<semaphore_mem>>) src(%dma_wait3A_53 : memref<96x128xf32, #tpu.memory_space<hbm>>) dst(%arg11 : memref<96x128xf32, #tpu.memory_space<vmem>>)
      %add3A_54 = arith.constant 2 : i32
      %add3A_55 = arith.addi %mul3A_25, %add3A_54 : i32
      %mul3A_56 = arith.constant 10080 : i32
      %mul3A_57 = arith.muli %add3A, %mul3A_56 : i32
      %mul3A_58 = arith.constant 96 : i32
      %mul3A_59 = arith.muli %add3A_55, %mul3A_58 : i32
      %add3A_60 = arith.addi %mul3A_57, %mul3A_59 : i32
      %multiple_of3A_61 = tpu.assume_multiple %add3A_60, 8 : i32
      "tpu.region"() ({
        %run_scoped3A = tpu.sem_alloc : memref<!tpu.dma_semaphore, #tpu.memory_space<semaphore_mem>>
        %dma_start3A_68 = tpu.memref_slice %arg3[%multiple_of3A_61] : memref<322560xi32, #tpu.memory_space<hbm>> -> memref<96xi32, #tpu.memory_space<hbm>>
        %dma_start3A_69 = tpu.memref_slice %arg3[%multiple_of3A_61] : memref<322560xi32, #tpu.memory_space<hbm>> -> memref<96xi32, #tpu.memory_space<hbm>>
        tpu.enqueue_dma source(%dma_start3A_69 : memref<96xi32, #tpu.memory_space<hbm>>) target(%arg7 : memref<96xi32, #tpu.memory_space<vmem>>) target_semaphore(%run_scoped3A : memref<!tpu.dma_semaphore, #tpu.memory_space<semaphore_mem>>)
        %dma_wait3A_70 = tpu.memref_slice %arg3[%multiple_of3A_61] : memref<322560xi32, #tpu.memory_space<hbm>> -> memref<96xi32, #tpu.memory_space<hbm>>
        %dma_wait3A_71 = tpu.memref_slice %arg3[%multiple_of3A_61] : memref<322560xi32, #tpu.memory_space<hbm>> -> memref<96xi32, #tpu.memory_space<hbm>>
        tpu.wait_dma2 semaphore(%run_scoped3A : memref<!tpu.dma_semaphore, #tpu.memory_space<semaphore_mem>>) src(%dma_wait3A_71 : memref<96xi32, #tpu.memory_space<hbm>>) dst(%arg7 : memref<96xi32, #tpu.memory_space<vmem>>)
        tpu.yield
      }) : () -> ()
      "tpu.region"() ({
        %run_scoped3A = tpu.sem_alloc : memref<!tpu.dma_semaphore, #tpu.memory_space<semaphore_mem>>
        %dma_start3A_68 = tpu.memref_slice %arg4[%multiple_of3A_61] : memref<322560xi32, #tpu.memory_space<hbm>> -> memref<96xi32, #tpu.memory_space<hbm>>
        %dma_start3A_69 = tpu.memref_slice %arg4[%multiple_of3A_61] : memref<322560xi32, #tpu.memory_space<hbm>> -> memref<96xi32, #tpu.memory_space<hbm>>
        tpu.enqueue_dma source(%dma_start3A_69 : memref<96xi32, #tpu.memory_space<hbm>>) target(%arg8 : memref<96xi32, #tpu.memory_space<vmem>>) target_semaphore(%run_scoped3A : memref<!tpu.dma_semaphore, #tpu.memory_space<semaphore_mem>>)
        %dma_wait3A_70 = tpu.memref_slice %arg4[%multiple_of3A_61] : memref<322560xi32, #tpu.memory_space<hbm>> -> memref<96xi32, #tpu.memory_space<hbm>>
        %dma_wait3A_71 = tpu.memref_slice %arg4[%multiple_of3A_61] : memref<322560xi32, #tpu.memory_space<hbm>> -> memref<96xi32, #tpu.memory_space<hbm>>
        tpu.wait_dma2 semaphore(%run_scoped3A : memref<!tpu.dma_semaphore, #tpu.memory_space<semaphore_mem>>) src(%dma_wait3A_71 : memref<96xi32, #tpu.memory_space<hbm>>) dst(%arg8 : memref<96xi32, #tpu.memory_space<vmem>>)
        tpu.yield
      }) : () -> ()
      %dma_wait3A_62 = arith.constant 0 : i32
      %dma_wait3A_63 = arith.constant 0 : i32
      %dma_wait3A_64 = tpu.memref_slice %arg2[%dma_wait3A_62, %dma_wait3A_63] : memref<10000x128xf32, #tpu.memory_space<hbm>> -> memref<10000x128xf32, #tpu.memory_space<hbm>>
      tpu.wait_indirect_dma semaphore(%arg13 : memref<!tpu.dma_semaphore, #tpu.memory_space<semaphore_mem>>) src(%dma_wait3A_64 : memref<10000x128xf32, #tpu.memory_space<hbm>>) dst(%arg12 : memref<96x128xf32, #tpu.memory_space<vmem>>)
      %dma_start3A_65 = arith.constant 0 : i32
      %dma_start3A_66 = arith.constant 0 : i32
      %dma_start3A_67 = tpu.memref_slice %arg15[%dma_start3A_65, %dma_start3A_66] : memref<10112x128xf32, #tpu.memory_space<vmem_shared>> -> memref<10112x128xf32, #tpu.memory_space<vmem_shared>>
      tpu.enqueue_indirect_dma source(%arg12 : memref<96x128xf32, #tpu.memory_space<vmem>>) target(%dma_start3A_67 : memref<10112x128xf32, #tpu.memory_space<vmem_shared>>) offsets(%arg10 : memref<96xi32, #tpu.memory_space<vmem>>) semaphore(%arg14 : memref<!tpu.dma_semaphore, #tpu.memory_space<semaphore_mem>>) {add = true}
    }
    %scan3A_11 = arith.constant 52 : i32
    %dma_start3A = arith.constant 0 : i32
    %dma_start3A_12 = arith.constant 0 : i32
    %dma_start3A_13 = tpu.memref_slice %arg2[%dma_start3A, %dma_start3A_12] : memref<10000x128xf32, #tpu.memory_space<hbm>> -> memref<10000x128xf32, #tpu.memory_space<hbm>>
    tpu.enqueue_indirect_dma source(%dma_start3A_13 : memref<10000x128xf32, #tpu.memory_space<hbm>>) target(%arg11 : memref<96x128xf32, #tpu.memory_space<vmem>>) offsets(%arg7 : memref<96xi32, #tpu.memory_space<vmem>>) semaphore(%arg13 : memref<!tpu.dma_semaphore, #tpu.memory_space<semaphore_mem>>)
    %dma_wait3A = arith.constant 0 : i32
    %dma_wait3A_14 = arith.constant 0 : i32
    %dma_wait3A_15 = tpu.memref_slice %arg2[%dma_wait3A, %dma_wait3A_14] : memref<10000x128xf32, #tpu.memory_space<hbm>> -> memref<10000x128xf32, #tpu.memory_space<hbm>>
    tpu.wait_indirect_dma semaphore(%arg13 : memref<!tpu.dma_semaphore, #tpu.memory_space<semaphore_mem>>) src(%dma_wait3A_15 : memref<10000x128xf32, #tpu.memory_space<hbm>>) dst(%arg11 : memref<96x128xf32, #tpu.memory_space<vmem>>)
    %dma_wait3A_16 = arith.constant 0 : i32
    %dma_wait3A_17 = arith.constant 0 : i32
    %dma_wait3A_18 = tpu.memref_slice %arg5[%dma_wait3A_16, %dma_wait3A_17] : memref<10112x128xf32, #tpu.memory_space<hbm>> -> memref<96x128xf32, #tpu.memory_space<hbm>>
    %dma_wait3A_19 = arith.constant 0 : i32
    %dma_wait3A_20 = arith.constant 0 : i32
    %dma_wait3A_21 = tpu.memref_slice %arg5[%dma_wait3A_19, %dma_wait3A_20] : memref<10112x128xf32, #tpu.memory_space<hbm>> -> memref<96x128xf32, #tpu.memory_space<hbm>>
    tpu.wait_dma2 semaphore(%arg14 : memref<!tpu.dma_semaphore, #tpu.memory_space<semaphore_mem>>) src(%dma_wait3A_21 : memref<96x128xf32, #tpu.memory_space<hbm>>) dst(%arg12 : memref<96x128xf32, #tpu.memory_space<vmem>>)
    "tpu.region"() ({
      %run_scoped3A = tpu.sem_alloc : memref<!tpu.dma_semaphore, #tpu.memory_space<semaphore_mem>>
      %dma_start3A_23 = arith.constant 0 : i32
      %dma_start3A_24 = arith.constant 0 : i32
      %dma_start3A_25 = tpu.memref_slice %arg15[%dma_start3A_23, %dma_start3A_24] : memref<10112x128xf32, #tpu.memory_space<vmem_shared>> -> memref<10112x128xf32, #tpu.memory_space<vmem_shared>>
      tpu.enqueue_indirect_dma source(%arg11 : memref<96x128xf32, #tpu.memory_space<vmem>>) target(%dma_start3A_25 : memref<10112x128xf32, #tpu.memory_space<vmem_shared>>) offsets(%arg8 : memref<96xi32, #tpu.memory_space<vmem>>) semaphore(%run_scoped3A : memref<!tpu.dma_semaphore, #tpu.memory_space<semaphore_mem>>) {add = true}
      %dma_wait3A_26 = arith.constant 0 : i32
      %dma_wait3A_27 = arith.constant 0 : i32
      %dma_wait3A_28 = tpu.memref_slice %arg15[%dma_wait3A_26, %dma_wait3A_27] : memref<10112x128xf32, #tpu.memory_space<vmem_shared>> -> memref<10112x128xf32, #tpu.memory_space<vmem_shared>>
      tpu.wait_indirect_dma semaphore(%run_scoped3A : memref<!tpu.dma_semaphore, #tpu.memory_space<semaphore_mem>>) src(%arg11 : memref<96x128xf32, #tpu.memory_space<vmem>>) dst(%dma_wait3A_28 : memref<10112x128xf32, #tpu.memory_space<vmem_shared>>)
      tpu.yield
    }) : () -> ()
    %barrier3A_22 = arith.constant 0 : index
    tpu.barrier barrier_id(%barrier3A_22)
    "tpu.region"() ({
      %run_scoped3A = tpu.sem_alloc : memref<!tpu.dma_semaphore, #tpu.memory_space<semaphore_mem>>
      %dma_start3A_23 = arith.constant 0 : i32
      %dma_start3A_24 = tpu.memref_slice %arg6[%arg0, %mul3A_2, %dma_start3A_23] : memref<2x10112x128xf32, #tpu.memory_space<hbm>> -> memref<1x632x128xf32, #tpu.memory_space<hbm>>
      %dma_start3A_25 = tpu.memref_squeeze %dma_start3A_24 : memref<1x632x128xf32, #tpu.memory_space<hbm>> -> memref<632x128xf32, #tpu.memory_space<hbm>>
      %dma_start3A_26 = arith.constant 0 : i32
      %dma_start3A_27 = tpu.memref_slice %arg15[%mul3A_2, %dma_start3A_26] : memref<10112x128xf32, #tpu.memory_space<vmem_shared>> -> memref<632x128xf32, #tpu.memory_space<vmem_shared>>
      tpu.enqueue_dma source(%dma_start3A_27 : memref<632x128xf32, #tpu.memory_space<vmem_shared>>) target(%dma_start3A_25 : memref<632x128xf32, #tpu.memory_space<hbm>>) target_semaphore(%run_scoped3A : memref<!tpu.dma_semaphore, #tpu.memory_space<semaphore_mem>>)
      %dma_wait3A_28 = arith.constant 0 : i32
      %dma_wait3A_29 = tpu.memref_slice %arg6[%arg0, %mul3A_2, %dma_wait3A_28] : memref<2x10112x128xf32, #tpu.memory_space<hbm>> -> memref<1x632x128xf32, #tpu.memory_space<hbm>>
      %dma_wait3A_30 = tpu.memref_squeeze %dma_wait3A_29 : memref<1x632x128xf32, #tpu.memory_space<hbm>> -> memref<632x128xf32, #tpu.memory_space<hbm>>
      %dma_wait3A_31 = arith.constant 0 : i32
      %dma_wait3A_32 = tpu.memref_slice %arg15[%mul3A_2, %dma_wait3A_31] : memref<10112x128xf32, #tpu.memory_space<vmem_shared>> -> memref<632x128xf32, #tpu.memory_space<vmem_shared>>
      tpu.wait_dma2 semaphore(%run_scoped3A : memref<!tpu.dma_semaphore, #tpu.memory_space<semaphore_mem>>) src(%dma_wait3A_32 : memref<632x128xf32, #tpu.memory_space<vmem_shared>>) dst(%dma_wait3A_30 : memref<632x128xf32, #tpu.memory_space<hbm>>)
      tpu.yield
    }) : () -> ()
    return
  }
}

#map = affine_map<(d0, d1) -> (0, 0)>
#map1 = affine_map<(d0, d1) -> (0)>
#map2 = affine_map<(d0, d1) -> (0, 0, 0)>
module attributes {stable_mosaic.version = 14 : i64} {
  func.func @sc_segsum(%arg0: i32, %arg1: i32, %arg2: memref<10000x128xf32, #tpu.memory_space<hbm>>, %arg3: memref<322560xi32, #tpu.memory_space<hbm>>, %arg4: memref<322560xi32, #tpu.memory_space<hbm>>, %arg5: memref<10112x128xf32, #tpu.memory_space<hbm>>, %arg6: memref<2x10112x128xf32, #tpu.memory_space<hbm>>, %arg7: memref<96xi32, #tpu.memory_space<vmem>>, %arg8: memref<96xi32, #tpu.memory_space<vmem>>, %arg9: memref<96xi32, #tpu.memory_space<vmem>>, %arg10: memref<96xi32, #tpu.memory_space<vmem>>, %arg11: memref<96x128xf32, #tpu.memory_space<vmem>>, %arg12: memref<96x128xf32, #tpu.memory_space<vmem>>, %arg13: memref<!tpu.dma_semaphore, #tpu.memory_space<semaphore_mem>>, %arg14: memref<!tpu.dma_semaphore, #tpu.memory_space<semaphore_mem>>, %arg15: memref<10112x128xf32, #tpu.memory_space<vmem_shared>>) attributes {dimension_semantics = [#tpu.dimension_semantics<core_parallel>, #tpu.dimension_semantics<subcore_parallel>], iteration_bounds = array<i64: 2, 16>, scalar_prefetch = 0 : i64, scratch_operands = 9 : i64, tpu.core_type = #tpu.core_type<sc_vector_subcore>, window_params = [{transform_indices = #map}, {transform_indices = #map1}, {transform_indices = #map1}, {transform_indices = #map}, {transform_indices = #map2}]} {
    %mul3A = arith.constant 16 : i32
    %mul3A_0 = arith.muli %arg0, %mul3A : i32
    %add3A = arith.addi %mul3A_0, %arg1 : i32
    %mul3A_1 = arith.constant 632 : i32
    %mul3A_2 = arith.muli %arg1, %mul3A_1 : i32
    "tpu.region"() ({
      %run_scoped3A = tpu.sem_alloc : memref<!tpu.dma_semaphore, #tpu.memory_space<semaphore_mem>>
      %dma_start3A_23 = arith.constant 0 : i32
      %dma_start3A_24 = tpu.memref_slice %arg15[%mul3A_2, %dma_start3A_23] : memref<10112x128xf32, #tpu.memory_space<vmem_shared>> -> memref<632x128xf32, #tpu.memory_space<vmem_shared>>
      %dma_start3A_25 = arith.constant 0 : i32
      %dma_start3A_26 = tpu.memref_slice %arg5[%mul3A_2, %dma_start3A_25] : memref<10112x128xf32, #tpu.memory_space<hbm>> -> memref<632x128xf32, #tpu.memory_space<hbm>>
      tpu.enqueue_dma source(%dma_start3A_26 : memref<632x128xf32, #tpu.memory_space<hbm>>) target(%dma_start3A_24 : memref<632x128xf32, #tpu.memory_space<vmem_shared>>) target_semaphore(%run_scoped3A : memref<!tpu.dma_semaphore, #tpu.memory_space<semaphore_mem>>)
      %dma_wait3A_27 = arith.constant 0 : i32
      %dma_wait3A_28 = tpu.memref_slice %arg15[%mul3A_2, %dma_wait3A_27] : memref<10112x128xf32, #tpu.memory_space<vmem_shared>> -> memref<632x128xf32, #tpu.memory_space<vmem_shared>>
      %dma_wait3A_29 = arith.constant 0 : i32
      %dma_wait3A_30 = tpu.memref_slice %arg5[%mul3A_2, %dma_wait3A_29] : memref<10112x128xf32, #tpu.memory_space<hbm>> -> memref<632x128xf32, #tpu.memory_space<hbm>>
      tpu.wait_dma2 semaphore(%run_scoped3A : memref<!tpu.dma_semaphore, #tpu.memory_space<semaphore_mem>>) src(%dma_wait3A_30 : memref<632x128xf32, #tpu.memory_space<hbm>>) dst(%dma_wait3A_28 : memref<632x128xf32, #tpu.memory_space<vmem_shared>>)
      tpu.yield
    }) : () -> ()
    %barrier3A = arith.constant 0 : index
    tpu.barrier barrier_id(%barrier3A)
    %mul3A_3 = arith.constant 10080 : i32
    %mul3A_4 = arith.muli %add3A, %mul3A_3 : i32
    %add3A_5 = arith.constant 0 : i32
    %add3A_6 = arith.addi %mul3A_4, %add3A_5 : i32
    %multiple_of3A = tpu.assume_multiple %add3A_6, 8 : i32
    "tpu.region"() ({
      %run_scoped3A = tpu.sem_alloc : memref<!tpu.dma_semaphore, #tpu.memory_space<semaphore_mem>>
      %dma_start3A_23 = tpu.memref_slice %arg3[%multiple_of3A] : memref<322560xi32, #tpu.memory_space<hbm>> -> memref<96xi32, #tpu.memory_space<hbm>>
      %dma_start3A_24 = tpu.memref_slice %arg3[%multiple_of3A] : memref<322560xi32, #tpu.memory_space<hbm>> -> memref<96xi32, #tpu.memory_space<hbm>>
      tpu.enqueue_dma source(%dma_start3A_24 : memref<96xi32, #tpu.memory_space<hbm>>) target(%arg7 : memref<96xi32, #tpu.memory_space<vmem>>) target_semaphore(%run_scoped3A : memref<!tpu.dma_semaphore, #tpu.memory_space<semaphore_mem>>)
      %dma_wait3A_25 = tpu.memref_slice %arg3[%multiple_of3A] : memref<322560xi32, #tpu.memory_space<hbm>> -> memref<96xi32, #tpu.memory_space<hbm>>
      %dma_wait3A_26 = tpu.memref_slice %arg3[%multiple_of3A] : memref<322560xi32, #tpu.memory_space<hbm>> -> memref<96xi32, #tpu.memory_space<hbm>>
      tpu.wait_dma2 semaphore(%run_scoped3A : memref<!tpu.dma_semaphore, #tpu.memory_space<semaphore_mem>>) src(%dma_wait3A_26 : memref<96xi32, #tpu.memory_space<hbm>>) dst(%arg7 : memref<96xi32, #tpu.memory_space<vmem>>)
      tpu.yield
    }) : () -> ()
    "tpu.region"() ({
      %run_scoped3A = tpu.sem_alloc : memref<!tpu.dma_semaphore, #tpu.memory_space<semaphore_mem>>
      %dma_start3A_23 = tpu.memref_slice %arg4[%multiple_of3A] : memref<322560xi32, #tpu.memory_space<hbm>> -> memref<96xi32, #tpu.memory_space<hbm>>
      %dma_start3A_24 = tpu.memref_slice %arg4[%multiple_of3A] : memref<322560xi32, #tpu.memory_space<hbm>> -> memref<96xi32, #tpu.memory_space<hbm>>
      tpu.enqueue_dma source(%dma_start3A_24 : memref<96xi32, #tpu.memory_space<hbm>>) target(%arg8 : memref<96xi32, #tpu.memory_space<vmem>>) target_semaphore(%run_scoped3A : memref<!tpu.dma_semaphore, #tpu.memory_space<semaphore_mem>>)
      %dma_wait3A_25 = tpu.memref_slice %arg4[%multiple_of3A] : memref<322560xi32, #tpu.memory_space<hbm>> -> memref<96xi32, #tpu.memory_space<hbm>>
      %dma_wait3A_26 = tpu.memref_slice %arg4[%multiple_of3A] : memref<322560xi32, #tpu.memory_space<hbm>> -> memref<96xi32, #tpu.memory_space<hbm>>
      tpu.wait_dma2 semaphore(%run_scoped3A : memref<!tpu.dma_semaphore, #tpu.memory_space<semaphore_mem>>) src(%dma_wait3A_26 : memref<96xi32, #tpu.memory_space<hbm>>) dst(%arg8 : memref<96xi32, #tpu.memory_space<vmem>>)
      tpu.yield
    }) : () -> ()
    %scan3A = arith.constant 0 : i32
    %scan3A_7 = arith.constant 0 : i32
    %scan3A_8 = arith.constant 52 : i32
    %scan3A_9 = arith.addi %scan3A_7, %scan3A_8 : i32
    %scan3A_10 = arith.constant 1 : i32
    scf.for %scan3A_23 = %scan3A_7 to %scan3A_9 step %scan3A_10  : i32 {
      %mul3A_24 = arith.constant 2 : i32
      %mul3A_25 = arith.muli %mul3A_24, %scan3A_23 : i32
      %dma_start3A_26 = arith.constant 0 : i32
      %dma_start3A_27 = arith.constant 0 : i32
      %dma_start3A_28 = tpu.memref_slice %arg2[%dma_start3A_26, %dma_start3A_27] : memref<10000x128xf32, #tpu.memory_space<hbm>> -> memref<10000x128xf32, #tpu.memory_space<hbm>>
      tpu.enqueue_indirect_dma source(%dma_start3A_28 : memref<10000x128xf32, #tpu.memory_space<hbm>>) target(%arg11 : memref<96x128xf32, #tpu.memory_space<vmem>>) offsets(%arg7 : memref<96xi32, #tpu.memory_space<vmem>>) semaphore(%arg13 : memref<!tpu.dma_semaphore, #tpu.memory_space<semaphore_mem>>)
      %gt3A = arith.constant 0 : i32
      %gt3A_29 = arith.cmpi sgt, %scan3A_23, %gt3A : i32
      %convert_element_type3A = arith.extui %gt3A_29 : i1 to i32
      %cond3A = arith.constant 0 : i32
      %cond3A_30 = arith.cmpi ne, %convert_element_type3A, %cond3A : i32
      scf.if %cond3A_30 {
        %dma_wait3A_68 = arith.constant 0 : i32
        %dma_wait3A_69 = arith.constant 0 : i32
        %dma_wait3A_70 = tpu.memref_slice %arg5[%dma_wait3A_68, %dma_wait3A_69] : memref<10112x128xf32, #tpu.memory_space<hbm>> -> memref<96x128xf32, #tpu.memory_space<hbm>>
        %dma_wait3A_71 = arith.constant 0 : i32
        %dma_wait3A_72 = arith.constant 0 : i32
        %dma_wait3A_73 = tpu.memref_slice %arg5[%dma_wait3A_71, %dma_wait3A_72] : memref<10112x128xf32, #tpu.memory_space<hbm>> -> memref<96x128xf32, #tpu.memory_space<hbm>>
        tpu.wait_dma2 semaphore(%arg14 : memref<!tpu.dma_semaphore, #tpu.memory_space<semaphore_mem>>) src(%dma_wait3A_73 : memref<96x128xf32, #tpu.memory_space<hbm>>) dst(%arg12 : memref<96x128xf32, #tpu.memory_space<vmem>>)
      } else {
      }
      %add3A_31 = arith.constant 1 : i32
      %add3A_32 = arith.addi %mul3A_25, %add3A_31 : i32
      %mul3A_33 = arith.constant 10080 : i32
      %mul3A_34 = arith.muli %add3A, %mul3A_33 : i32
      %mul3A_35 = arith.constant 96 : i32
      %mul3A_36 = arith.muli %add3A_32, %mul3A_35 : i32
      %add3A_37 = arith.addi %mul3A_34, %mul3A_36 : i32
      %multiple_of3A_38 = tpu.assume_multiple %add3A_37, 8 : i32
      "tpu.region"() ({
        %run_scoped3A = tpu.sem_alloc : memref<!tpu.dma_semaphore, #tpu.memory_space<semaphore_mem>>
        %dma_start3A_68 = tpu.memref_slice %arg3[%multiple_of3A_38] : memref<322560xi32, #tpu.memory_space<hbm>> -> memref<96xi32, #tpu.memory_space<hbm>>
        %dma_start3A_69 = tpu.memref_slice %arg3[%multiple_of3A_38] : memref<322560xi32, #tpu.memory_space<hbm>> -> memref<96xi32, #tpu.memory_space<hbm>>
        tpu.enqueue_dma source(%dma_start3A_69 : memref<96xi32, #tpu.memory_space<hbm>>) target(%arg9 : memref<96xi32, #tpu.memory_space<vmem>>) target_semaphore(%run_scoped3A : memref<!tpu.dma_semaphore, #tpu.memory_space<semaphore_mem>>)
        %dma_wait3A_70 = tpu.memref_slice %arg3[%multiple_of3A_38] : memref<322560xi32, #tpu.memory_space<hbm>> -> memref<96xi32, #tpu.memory_space<hbm>>
        %dma_wait3A_71 = tpu.memref_slice %arg3[%multiple_of3A_38] : memref<322560xi32, #tpu.memory_space<hbm>> -> memref<96xi32, #tpu.memory_space<hbm>>
        tpu.wait_dma2 semaphore(%run_scoped3A : memref<!tpu.dma_semaphore, #tpu.memory_space<semaphore_mem>>) src(%dma_wait3A_71 : memref<96xi32, #tpu.memory_space<hbm>>) dst(%arg9 : memref<96xi32, #tpu.memory_space<vmem>>)
        tpu.yield
      }) : () -> ()
      "tpu.region"() ({
        %run_scoped3A = tpu.sem_alloc : memref<!tpu.dma_semaphore, #tpu.memory_space<semaphore_mem>>
        %dma_start3A_68 = tpu.memref_slice %arg4[%multiple_of3A_38] : memref<322560xi32, #tpu.memory_space<hbm>> -> memref<96xi32, #tpu.memory_space<hbm>>
        %dma_start3A_69 = tpu.memref_slice %arg4[%multiple_of3A_38] : memref<322560xi32, #tpu.memory_space<hbm>> -> memref<96xi32, #tpu.memory_space<hbm>>
        tpu.enqueue_dma source(%dma_start3A_69 : memref<96xi32, #tpu.memory_space<hbm>>) target(%arg10 : memref<96xi32, #tpu.memory_space<vmem>>) target_semaphore(%run_scoped3A : memref<!tpu.dma_semaphore, #tpu.memory_space<semaphore_mem>>)
        %dma_wait3A_70 = tpu.memref_slice %arg4[%multiple_of3A_38] : memref<322560xi32, #tpu.memory_space<hbm>> -> memref<96xi32, #tpu.memory_space<hbm>>
        %dma_wait3A_71 = tpu.memref_slice %arg4[%multiple_of3A_38] : memref<322560xi32, #tpu.memory_space<hbm>> -> memref<96xi32, #tpu.memory_space<hbm>>
        tpu.wait_dma2 semaphore(%run_scoped3A : memref<!tpu.dma_semaphore, #tpu.memory_space<semaphore_mem>>) src(%dma_wait3A_71 : memref<96xi32, #tpu.memory_space<hbm>>) dst(%arg10 : memref<96xi32, #tpu.memory_space<vmem>>)
        tpu.yield
      }) : () -> ()
      %dma_wait3A_39 = arith.constant 0 : i32
      %dma_wait3A_40 = arith.constant 0 : i32
      %dma_wait3A_41 = tpu.memref_slice %arg2[%dma_wait3A_39, %dma_wait3A_40] : memref<10000x128xf32, #tpu.memory_space<hbm>> -> memref<10000x128xf32, #tpu.memory_space<hbm>>
      tpu.wait_indirect_dma semaphore(%arg13 : memref<!tpu.dma_semaphore, #tpu.memory_space<semaphore_mem>>) src(%dma_wait3A_41 : memref<10000x128xf32, #tpu.memory_space<hbm>>) dst(%arg11 : memref<96x128xf32, #tpu.memory_space<vmem>>)
      %dma_start3A_42 = arith.constant 0 : i32
      %dma_start3A_43 = arith.constant 0 : i32
      %dma_start3A_44 = tpu.memref_slice %arg15[%dma_start3A_42, %dma_start3A_43] : memref<10112x128xf32, #tpu.memory_space<vmem_shared>> -> memref<10112x128xf32, #tpu.memory_space<vmem_shared>>
      tpu.enqueue_indirect_dma source(%arg11 : memref<96x128xf32, #tpu.memory_space<vmem>>) target(%dma_start3A_44 : memref<10112x128xf32, #tpu.memory_space<vmem_shared>>) offsets(%arg8 : memref<96xi32, #tpu.memory_space<vmem>>) semaphore(%arg14 : memref<!tpu.dma_semaphore, #tpu.memory_space<semaphore_mem>>) {add = true}
      %dma_start3A_45 = arith.constant 0 : i32
      %dma_start3A_46 = arith.constant 0 : i32
      %dma_start3A_47 = tpu.memref_slice %arg2[%dma_start3A_45, %dma_start3A_46] : memref<10000x128xf32, #tpu.memory_space<hbm>> -> memref<10000x128xf32, #tpu.memory_space<hbm>>
      tpu.enqueue_indirect_dma source(%dma_start3A_47 : memref<10000x128xf32, #tpu.memory_space<hbm>>) target(%arg12 : memref<96x128xf32, #tpu.memory_space<vmem>>) offsets(%arg9 : memref<96xi32, #tpu.memory_space<vmem>>) semaphore(%arg13 : memref<!tpu.dma_semaphore, #tpu.memory_space<semaphore_mem>>)
      %dma_wait3A_48 = arith.constant 0 : i32
      %dma_wait3A_49 = arith.constant 0 : i32
      %dma_wait3A_50 = tpu.memref_slice %arg5[%dma_wait3A_48, %dma_wait3A_49] : memref<10112x128xf32, #tpu.memory_space<hbm>> -> memref<96x128xf32, #tpu.memory_space<hbm>>
      %dma_wait3A_51 = arith.constant 0 : i32
      %dma_wait3A_52 = arith.constant 0 : i32
      %dma_wait3A_53 = tpu.memref_slice %arg5[%dma_wait3A_51, %dma_wait3A_52] : memref<10112x128xf32, #tpu.memory_space<hbm>> -> memref<96x128xf32, #tpu.memory_space<hbm>>
      tpu.wait_dma2 semaphore(%arg14 : memref<!tpu.dma_semaphore, #tpu.memory_space<semaphore_mem>>) src(%dma_wait3A_53 : memref<96x128xf32, #tpu.memory_space<hbm>>) dst(%arg11 : memref<96x128xf32, #tpu.memory_space<vmem>>)
      %add3A_54 = arith.constant 2 : i32
      %add3A_55 = arith.addi %mul3A_25, %add3A_54 : i32
      %mul3A_56 = arith.constant 10080 : i32
      %mul3A_57 = arith.muli %add3A, %mul3A_56 : i32
      %mul3A_58 = arith.constant 96 : i32
      %mul3A_59 = arith.muli %add3A_55, %mul3A_58 : i32
      %add3A_60 = arith.addi %mul3A_57, %mul3A_59 : i32
      %multiple_of3A_61 = tpu.assume_multiple %add3A_60, 8 : i32
      "tpu.region"() ({
        %run_scoped3A = tpu.sem_alloc : memref<!tpu.dma_semaphore, #tpu.memory_space<semaphore_mem>>
        %dma_start3A_68 = tpu.memref_slice %arg3[%multiple_of3A_61] : memref<322560xi32, #tpu.memory_space<hbm>> -> memref<96xi32, #tpu.memory_space<hbm>>
        %dma_start3A_69 = tpu.memref_slice %arg3[%multiple_of3A_61] : memref<322560xi32, #tpu.memory_space<hbm>> -> memref<96xi32, #tpu.memory_space<hbm>>
        tpu.enqueue_dma source(%dma_start3A_69 : memref<96xi32, #tpu.memory_space<hbm>>) target(%arg7 : memref<96xi32, #tpu.memory_space<vmem>>) target_semaphore(%run_scoped3A : memref<!tpu.dma_semaphore, #tpu.memory_space<semaphore_mem>>)
        %dma_wait3A_70 = tpu.memref_slice %arg3[%multiple_of3A_61] : memref<322560xi32, #tpu.memory_space<hbm>> -> memref<96xi32, #tpu.memory_space<hbm>>
        %dma_wait3A_71 = tpu.memref_slice %arg3[%multiple_of3A_61] : memref<322560xi32, #tpu.memory_space<hbm>> -> memref<96xi32, #tpu.memory_space<hbm>>
        tpu.wait_dma2 semaphore(%run_scoped3A : memref<!tpu.dma_semaphore, #tpu.memory_space<semaphore_mem>>) src(%dma_wait3A_71 : memref<96xi32, #tpu.memory_space<hbm>>) dst(%arg7 : memref<96xi32, #tpu.memory_space<vmem>>)
        tpu.yield
      }) : () -> ()
      "tpu.region"() ({
        %run_scoped3A = tpu.sem_alloc : memref<!tpu.dma_semaphore, #tpu.memory_space<semaphore_mem>>
        %dma_start3A_68 = tpu.memref_slice %arg4[%multiple_of3A_61] : memref<322560xi32, #tpu.memory_space<hbm>> -> memref<96xi32, #tpu.memory_space<hbm>>
        %dma_start3A_69 = tpu.memref_slice %arg4[%multiple_of3A_61] : memref<322560xi32, #tpu.memory_space<hbm>> -> memref<96xi32, #tpu.memory_space<hbm>>
        tpu.enqueue_dma source(%dma_start3A_69 : memref<96xi32, #tpu.memory_space<hbm>>) target(%arg8 : memref<96xi32, #tpu.memory_space<vmem>>) target_semaphore(%run_scoped3A : memref<!tpu.dma_semaphore, #tpu.memory_space<semaphore_mem>>)
        %dma_wait3A_70 = tpu.memref_slice %arg4[%multiple_of3A_61] : memref<322560xi32, #tpu.memory_space<hbm>> -> memref<96xi32, #tpu.memory_space<hbm>>
        %dma_wait3A_71 = tpu.memref_slice %arg4[%multiple_of3A_61] : memref<322560xi32, #tpu.memory_space<hbm>> -> memref<96xi32, #tpu.memory_space<hbm>>
        tpu.wait_dma2 semaphore(%run_scoped3A : memref<!tpu.dma_semaphore, #tpu.memory_space<semaphore_mem>>) src(%dma_wait3A_71 : memref<96xi32, #tpu.memory_space<hbm>>) dst(%arg8 : memref<96xi32, #tpu.memory_space<vmem>>)
        tpu.yield
      }) : () -> ()
      %dma_wait3A_62 = arith.constant 0 : i32
      %dma_wait3A_63 = arith.constant 0 : i32
      %dma_wait3A_64 = tpu.memref_slice %arg2[%dma_wait3A_62, %dma_wait3A_63] : memref<10000x128xf32, #tpu.memory_space<hbm>> -> memref<10000x128xf32, #tpu.memory_space<hbm>>
      tpu.wait_indirect_dma semaphore(%arg13 : memref<!tpu.dma_semaphore, #tpu.memory_space<semaphore_mem>>) src(%dma_wait3A_64 : memref<10000x128xf32, #tpu.memory_space<hbm>>) dst(%arg12 : memref<96x128xf32, #tpu.memory_space<vmem>>)
      %dma_start3A_65 = arith.constant 0 : i32
      %dma_start3A_66 = arith.constant 0 : i32
      %dma_start3A_67 = tpu.memref_slice %arg15[%dma_start3A_65, %dma_start3A_66] : memref<10112x128xf32, #tpu.memory_space<vmem_shared>> -> memref<10112x128xf32, #tpu.memory_space<vmem_shared>>
      tpu.enqueue_indirect_dma source(%arg12 : memref<96x128xf32, #tpu.memory_space<vmem>>) target(%dma_start3A_67 : memref<10112x128xf32, #tpu.memory_space<vmem_shared>>) offsets(%arg10 : memref<96xi32, #tpu.memory_space<vmem>>) semaphore(%arg14 : memref<!tpu.dma_semaphore, #tpu.memory_space<semaphore_mem>>) {add = true}
    }
    %scan3A_11 = arith.constant 52 : i32
    %dma_start3A = arith.constant 0 : i32
    %dma_start3A_12 = arith.constant 0 : i32
    %dma_start3A_13 = tpu.memref_slice %arg2[%dma_start3A, %dma_start3A_12] : memref<10000x128xf32, #tpu.memory_space<hbm>> -> memref<10000x128xf32, #tpu.memory_space<hbm>>
    tpu.enqueue_indirect_dma source(%dma_start3A_13 : memref<10000x128xf32, #tpu.memory_space<hbm>>) target(%arg11 : memref<96x128xf32, #tpu.memory_space<vmem>>) offsets(%arg7 : memref<96xi32, #tpu.memory_space<vmem>>) semaphore(%arg13 : memref<!tpu.dma_semaphore, #tpu.memory_space<semaphore_mem>>)
    %dma_wait3A = arith.constant 0 : i32
    %dma_wait3A_14 = arith.constant 0 : i32
    %dma_wait3A_15 = tpu.memref_slice %arg2[%dma_wait3A, %dma_wait3A_14] : memref<10000x128xf32, #tpu.memory_space<hbm>> -> memref<10000x128xf32, #tpu.memory_space<hbm>>
    tpu.wait_indirect_dma semaphore(%arg13 : memref<!tpu.dma_semaphore, #tpu.memory_space<semaphore_mem>>) src(%dma_wait3A_15 : memref<10000x128xf32, #tpu.memory_space<hbm>>) dst(%arg11 : memref<96x128xf32, #tpu.memory_space<vmem>>)
    %dma_wait3A_16 = arith.constant 0 : i32
    %dma_wait3A_17 = arith.constant 0 : i32
    %dma_wait3A_18 = tpu.memref_slice %arg5[%dma_wait3A_16, %dma_wait3A_17] : memref<10112x128xf32, #tpu.memory_space<hbm>> -> memref<96x128xf32, #tpu.memory_space<hbm>>
    %dma_wait3A_19 = arith.constant 0 : i32
    %dma_wait3A_20 = arith.constant 0 : i32
    %dma_wait3A_21 = tpu.memref_slice %arg5[%dma_wait3A_19, %dma_wait3A_20] : memref<10112x128xf32, #tpu.memory_space<hbm>> -> memref<96x128xf32, #tpu.memory_space<hbm>>
    tpu.wait_dma2 semaphore(%arg14 : memref<!tpu.dma_semaphore, #tpu.memory_space<semaphore_mem>>) src(%dma_wait3A_21 : memref<96x128xf32, #tpu.memory_space<hbm>>) dst(%arg12 : memref<96x128xf32, #tpu.memory_space<vmem>>)
    "tpu.region"() ({
      %run_scoped3A = tpu.sem_alloc : memref<!tpu.dma_semaphore, #tpu.memory_space<semaphore_mem>>
      %dma_start3A_23 = arith.constant 0 : i32
      %dma_start3A_24 = arith.constant 0 : i32
      %dma_start3A_25 = tpu.memref_slice %arg15[%dma_start3A_23, %dma_start3A_24] : memref<10112x128xf32, #tpu.memory_space<vmem_shared>> -> memref<10112x128xf32, #tpu.memory_space<vmem_shared>>
      tpu.enqueue_indirect_dma source(%arg11 : memref<96x128xf32, #tpu.memory_space<vmem>>) target(%dma_start3A_25 : memref<10112x128xf32, #tpu.memory_space<vmem_shared>>) offsets(%arg8 : memref<96xi32, #tpu.memory_space<vmem>>) semaphore(%run_scoped3A : memref<!tpu.dma_semaphore, #tpu.memory_space<semaphore_mem>>) {add = true}
      %dma_wait3A_26 = arith.constant 0 : i32
      %dma_wait3A_27 = arith.constant 0 : i32
      %dma_wait3A_28 = tpu.memref_slice %arg15[%dma_wait3A_26, %dma_wait3A_27] : memref<10112x128xf32, #tpu.memory_space<vmem_shared>> -> memref<10112x128xf32, #tpu.memory_space<vmem_shared>>
      tpu.wait_indirect_dma semaphore(%run_scoped3A : memref<!tpu.dma_semaphore, #tpu.memory_space<semaphore_mem>>) src(%arg11 : memref<96x128xf32, #tpu.memory_space<vmem>>) dst(%dma_wait3A_28 : memref<10112x128xf32, #tpu.memory_space<vmem_shared>>)
      tpu.yield
    }) : () -> ()
    %barrier3A_22 = arith.constant 0 : index
    tpu.barrier barrier_id(%barrier3A_22)
    "tpu.region"() ({
      %run_scoped3A = tpu.sem_alloc : memref<!tpu.dma_semaphore, #tpu.memory_space<semaphore_mem>>
      %dma_start3A_23 = arith.constant 0 : i32
      %dma_start3A_24 = tpu.memref_slice %arg6[%arg0, %mul3A_2, %dma_start3A_23] : memref<2x10112x128xf32, #tpu.memory_space<hbm>> -> memref<1x632x128xf32, #tpu.memory_space<hbm>>
      %dma_start3A_25 = tpu.memref_squeeze %dma_start3A_24 : memref<1x632x128xf32, #tpu.memory_space<hbm>> -> memref<632x128xf32, #tpu.memory_space<hbm>>
      %dma_start3A_26 = arith.constant 0 : i32
      %dma_start3A_27 = tpu.memref_slice %arg15[%mul3A_2, %dma_start3A_26] : memref<10112x128xf32, #tpu.memory_space<vmem_shared>> -> memref<632x128xf32, #tpu.memory_space<vmem_shared>>
      tpu.enqueue_dma source(%dma_start3A_27 : memref<632x128xf32, #tpu.memory_space<vmem_shared>>) target(%dma_start3A_25 : memref<632x128xf32, #tpu.memory_space<hbm>>) target_semaphore(%run_scoped3A : memref<!tpu.dma_semaphore, #tpu.memory_space<semaphore_mem>>)
      %dma_wait3A_28 = arith.constant 0 : i32
      %dma_wait3A_29 = tpu.memref_slice %arg6[%arg0, %mul3A_2, %dma_wait3A_28] : memref<2x10112x128xf32, #tpu.memory_space<hbm>> -> memref<1x632x128xf32, #tpu.memory_space<hbm>>
      %dma_wait3A_30 = tpu.memref_squeeze %dma_wait3A_29 : memref<1x632x128xf32, #tpu.memory_space<hbm>> -> memref<632x128xf32, #tpu.memory_space<hbm>>
      %dma_wait3A_31 = arith.constant 0 : i32
      %dma_wait3A_32 = tpu.memref_slice %arg15[%mul3A_2, %dma_wait3A_31] : memref<10112x128xf32, #tpu.memory_space<vmem_shared>> -> memref<632x128xf32, #tpu.memory_space<vmem_shared>>
      tpu.wait_dma2 semaphore(%run_scoped3A : memref<!tpu.dma_semaphore, #tpu.memory_space<semaphore_mem>>) src(%dma_wait3A_32 : memref<632x128xf32, #tpu.memory_space<vmem_shared>>) dst(%dma_wait3A_30 : memref<632x128xf32, #tpu.memory_space<hbm>>)
      tpu.yield
    }) : () -> ()
    return
  }
}

#map = affine_map<(d0, d1) -> (0, 0)>
#map1 = affine_map<(d0, d1) -> (0)>
#map2 = affine_map<(d0, d1) -> (0, 0, 0)>
module attributes {stable_mosaic.version = 14 : i64} {
  func.func @sc_segsum(%arg0: i32, %arg1: i32, %arg2: memref<10000x128xf32, #tpu.memory_space<hbm>>, %arg3: memref<322560xi32, #tpu.memory_space<hbm>>, %arg4: memref<322560xi32, #tpu.memory_space<hbm>>, %arg5: memref<10112x128xf32, #tpu.memory_space<hbm>>, %arg6: memref<2x10112x128xf32, #tpu.memory_space<hbm>>, %arg7: memref<96xi32, #tpu.memory_space<vmem>>, %arg8: memref<96xi32, #tpu.memory_space<vmem>>, %arg9: memref<96xi32, #tpu.memory_space<vmem>>, %arg10: memref<96xi32, #tpu.memory_space<vmem>>, %arg11: memref<96x128xf32, #tpu.memory_space<vmem>>, %arg12: memref<96x128xf32, #tpu.memory_space<vmem>>, %arg13: memref<!tpu.dma_semaphore, #tpu.memory_space<semaphore_mem>>, %arg14: memref<!tpu.dma_semaphore, #tpu.memory_space<semaphore_mem>>, %arg15: memref<10112x128xf32, #tpu.memory_space<vmem_shared>>) attributes {dimension_semantics = [#tpu.dimension_semantics<core_parallel>, #tpu.dimension_semantics<subcore_parallel>], iteration_bounds = array<i64: 2, 16>, scalar_prefetch = 0 : i64, scratch_operands = 9 : i64, tpu.core_type = #tpu.core_type<sc_vector_subcore>, window_params = [{transform_indices = #map}, {transform_indices = #map1}, {transform_indices = #map1}, {transform_indices = #map}, {transform_indices = #map2}]} {
    %mul3A = arith.constant 16 : i32
    %mul3A_0 = arith.muli %arg0, %mul3A : i32
    %add3A = arith.addi %mul3A_0, %arg1 : i32
    %mul3A_1 = arith.constant 632 : i32
    %mul3A_2 = arith.muli %arg1, %mul3A_1 : i32
    "tpu.region"() ({
      %run_scoped3A = tpu.sem_alloc : memref<!tpu.dma_semaphore, #tpu.memory_space<semaphore_mem>>
      %dma_start3A_23 = arith.constant 0 : i32
      %dma_start3A_24 = tpu.memref_slice %arg15[%mul3A_2, %dma_start3A_23] : memref<10112x128xf32, #tpu.memory_space<vmem_shared>> -> memref<632x128xf32, #tpu.memory_space<vmem_shared>>
      %dma_start3A_25 = arith.constant 0 : i32
      %dma_start3A_26 = tpu.memref_slice %arg5[%mul3A_2, %dma_start3A_25] : memref<10112x128xf32, #tpu.memory_space<hbm>> -> memref<632x128xf32, #tpu.memory_space<hbm>>
      tpu.enqueue_dma source(%dma_start3A_26 : memref<632x128xf32, #tpu.memory_space<hbm>>) target(%dma_start3A_24 : memref<632x128xf32, #tpu.memory_space<vmem_shared>>) target_semaphore(%run_scoped3A : memref<!tpu.dma_semaphore, #tpu.memory_space<semaphore_mem>>)
      %dma_wait3A_27 = arith.constant 0 : i32
      %dma_wait3A_28 = tpu.memref_slice %arg15[%mul3A_2, %dma_wait3A_27] : memref<10112x128xf32, #tpu.memory_space<vmem_shared>> -> memref<632x128xf32, #tpu.memory_space<vmem_shared>>
      %dma_wait3A_29 = arith.constant 0 : i32
      %dma_wait3A_30 = tpu.memref_slice %arg5[%mul3A_2, %dma_wait3A_29] : memref<10112x128xf32, #tpu.memory_space<hbm>> -> memref<632x128xf32, #tpu.memory_space<hbm>>
      tpu.wait_dma2 semaphore(%run_scoped3A : memref<!tpu.dma_semaphore, #tpu.memory_space<semaphore_mem>>) src(%dma_wait3A_30 : memref<632x128xf32, #tpu.memory_space<hbm>>) dst(%dma_wait3A_28 : memref<632x128xf32, #tpu.memory_space<vmem_shared>>)
      tpu.yield
    }) : () -> ()
    %barrier3A = arith.constant 0 : index
    tpu.barrier barrier_id(%barrier3A)
    %mul3A_3 = arith.constant 10080 : i32
    %mul3A_4 = arith.muli %add3A, %mul3A_3 : i32
    %add3A_5 = arith.constant 0 : i32
    %add3A_6 = arith.addi %mul3A_4, %add3A_5 : i32
    %multiple_of3A = tpu.assume_multiple %add3A_6, 8 : i32
    "tpu.region"() ({
      %run_scoped3A = tpu.sem_alloc : memref<!tpu.dma_semaphore, #tpu.memory_space<semaphore_mem>>
      %dma_start3A_23 = tpu.memref_slice %arg3[%multiple_of3A] : memref<322560xi32, #tpu.memory_space<hbm>> -> memref<96xi32, #tpu.memory_space<hbm>>
      %dma_start3A_24 = tpu.memref_slice %arg3[%multiple_of3A] : memref<322560xi32, #tpu.memory_space<hbm>> -> memref<96xi32, #tpu.memory_space<hbm>>
      tpu.enqueue_dma source(%dma_start3A_24 : memref<96xi32, #tpu.memory_space<hbm>>) target(%arg7 : memref<96xi32, #tpu.memory_space<vmem>>) target_semaphore(%run_scoped3A : memref<!tpu.dma_semaphore, #tpu.memory_space<semaphore_mem>>)
      %dma_wait3A_25 = tpu.memref_slice %arg3[%multiple_of3A] : memref<322560xi32, #tpu.memory_space<hbm>> -> memref<96xi32, #tpu.memory_space<hbm>>
      %dma_wait3A_26 = tpu.memref_slice %arg3[%multiple_of3A] : memref<322560xi32, #tpu.memory_space<hbm>> -> memref<96xi32, #tpu.memory_space<hbm>>
      tpu.wait_dma2 semaphore(%run_scoped3A : memref<!tpu.dma_semaphore, #tpu.memory_space<semaphore_mem>>) src(%dma_wait3A_26 : memref<96xi32, #tpu.memory_space<hbm>>) dst(%arg7 : memref<96xi32, #tpu.memory_space<vmem>>)
      tpu.yield
    }) : () -> ()
    "tpu.region"() ({
      %run_scoped3A = tpu.sem_alloc : memref<!tpu.dma_semaphore, #tpu.memory_space<semaphore_mem>>
      %dma_start3A_23 = tpu.memref_slice %arg4[%multiple_of3A] : memref<322560xi32, #tpu.memory_space<hbm>> -> memref<96xi32, #tpu.memory_space<hbm>>
      %dma_start3A_24 = tpu.memref_slice %arg4[%multiple_of3A] : memref<322560xi32, #tpu.memory_space<hbm>> -> memref<96xi32, #tpu.memory_space<hbm>>
      tpu.enqueue_dma source(%dma_start3A_24 : memref<96xi32, #tpu.memory_space<hbm>>) target(%arg8 : memref<96xi32, #tpu.memory_space<vmem>>) target_semaphore(%run_scoped3A : memref<!tpu.dma_semaphore, #tpu.memory_space<semaphore_mem>>)
      %dma_wait3A_25 = tpu.memref_slice %arg4[%multiple_of3A] : memref<322560xi32, #tpu.memory_space<hbm>> -> memref<96xi32, #tpu.memory_space<hbm>>
      %dma_wait3A_26 = tpu.memref_slice %arg4[%multiple_of3A] : memref<322560xi32, #tpu.memory_space<hbm>> -> memref<96xi32, #tpu.memory_space<hbm>>
      tpu.wait_dma2 semaphore(%run_scoped3A : memref<!tpu.dma_semaphore, #tpu.memory_space<semaphore_mem>>) src(%dma_wait3A_26 : memref<96xi32, #tpu.memory_space<hbm>>) dst(%arg8 : memref<96xi32, #tpu.memory_space<vmem>>)
      tpu.yield
    }) : () -> ()
    %scan3A = arith.constant 0 : i32
    %scan3A_7 = arith.constant 0 : i32
    %scan3A_8 = arith.constant 52 : i32
    %scan3A_9 = arith.addi %scan3A_7, %scan3A_8 : i32
    %scan3A_10 = arith.constant 1 : i32
    scf.for %scan3A_23 = %scan3A_7 to %scan3A_9 step %scan3A_10  : i32 {
      %mul3A_24 = arith.constant 2 : i32
      %mul3A_25 = arith.muli %mul3A_24, %scan3A_23 : i32
      %dma_start3A_26 = arith.constant 0 : i32
      %dma_start3A_27 = arith.constant 0 : i32
      %dma_start3A_28 = tpu.memref_slice %arg2[%dma_start3A_26, %dma_start3A_27] : memref<10000x128xf32, #tpu.memory_space<hbm>> -> memref<10000x128xf32, #tpu.memory_space<hbm>>
      tpu.enqueue_indirect_dma source(%dma_start3A_28 : memref<10000x128xf32, #tpu.memory_space<hbm>>) target(%arg11 : memref<96x128xf32, #tpu.memory_space<vmem>>) offsets(%arg7 : memref<96xi32, #tpu.memory_space<vmem>>) semaphore(%arg13 : memref<!tpu.dma_semaphore, #tpu.memory_space<semaphore_mem>>)
      %gt3A = arith.constant 0 : i32
      %gt3A_29 = arith.cmpi sgt, %scan3A_23, %gt3A : i32
      %convert_element_type3A = arith.extui %gt3A_29 : i1 to i32
      %cond3A = arith.constant 0 : i32
      %cond3A_30 = arith.cmpi ne, %convert_element_type3A, %cond3A : i32
      scf.if %cond3A_30 {
        %dma_wait3A_68 = arith.constant 0 : i32
        %dma_wait3A_69 = arith.constant 0 : i32
        %dma_wait3A_70 = tpu.memref_slice %arg5[%dma_wait3A_68, %dma_wait3A_69] : memref<10112x128xf32, #tpu.memory_space<hbm>> -> memref<96x128xf32, #tpu.memory_space<hbm>>
        %dma_wait3A_71 = arith.constant 0 : i32
        %dma_wait3A_72 = arith.constant 0 : i32
        %dma_wait3A_73 = tpu.memref_slice %arg5[%dma_wait3A_71, %dma_wait3A_72] : memref<10112x128xf32, #tpu.memory_space<hbm>> -> memref<96x128xf32, #tpu.memory_space<hbm>>
        tpu.wait_dma2 semaphore(%arg14 : memref<!tpu.dma_semaphore, #tpu.memory_space<semaphore_mem>>) src(%dma_wait3A_73 : memref<96x128xf32, #tpu.memory_space<hbm>>) dst(%arg12 : memref<96x128xf32, #tpu.memory_space<vmem>>)
      } else {
      }
      %add3A_31 = arith.constant 1 : i32
      %add3A_32 = arith.addi %mul3A_25, %add3A_31 : i32
      %mul3A_33 = arith.constant 10080 : i32
      %mul3A_34 = arith.muli %add3A, %mul3A_33 : i32
      %mul3A_35 = arith.constant 96 : i32
      %mul3A_36 = arith.muli %add3A_32, %mul3A_35 : i32
      %add3A_37 = arith.addi %mul3A_34, %mul3A_36 : i32
      %multiple_of3A_38 = tpu.assume_multiple %add3A_37, 8 : i32
      "tpu.region"() ({
        %run_scoped3A = tpu.sem_alloc : memref<!tpu.dma_semaphore, #tpu.memory_space<semaphore_mem>>
        %dma_start3A_68 = tpu.memref_slice %arg3[%multiple_of3A_38] : memref<322560xi32, #tpu.memory_space<hbm>> -> memref<96xi32, #tpu.memory_space<hbm>>
        %dma_start3A_69 = tpu.memref_slice %arg3[%multiple_of3A_38] : memref<322560xi32, #tpu.memory_space<hbm>> -> memref<96xi32, #tpu.memory_space<hbm>>
        tpu.enqueue_dma source(%dma_start3A_69 : memref<96xi32, #tpu.memory_space<hbm>>) target(%arg9 : memref<96xi32, #tpu.memory_space<vmem>>) target_semaphore(%run_scoped3A : memref<!tpu.dma_semaphore, #tpu.memory_space<semaphore_mem>>)
        %dma_wait3A_70 = tpu.memref_slice %arg3[%multiple_of3A_38] : memref<322560xi32, #tpu.memory_space<hbm>> -> memref<96xi32, #tpu.memory_space<hbm>>
        %dma_wait3A_71 = tpu.memref_slice %arg3[%multiple_of3A_38] : memref<322560xi32, #tpu.memory_space<hbm>> -> memref<96xi32, #tpu.memory_space<hbm>>
        tpu.wait_dma2 semaphore(%run_scoped3A : memref<!tpu.dma_semaphore, #tpu.memory_space<semaphore_mem>>) src(%dma_wait3A_71 : memref<96xi32, #tpu.memory_space<hbm>>) dst(%arg9 : memref<96xi32, #tpu.memory_space<vmem>>)
        tpu.yield
      }) : () -> ()
      "tpu.region"() ({
        %run_scoped3A = tpu.sem_alloc : memref<!tpu.dma_semaphore, #tpu.memory_space<semaphore_mem>>
        %dma_start3A_68 = tpu.memref_slice %arg4[%multiple_of3A_38] : memref<322560xi32, #tpu.memory_space<hbm>> -> memref<96xi32, #tpu.memory_space<hbm>>
        %dma_start3A_69 = tpu.memref_slice %arg4[%multiple_of3A_38] : memref<322560xi32, #tpu.memory_space<hbm>> -> memref<96xi32, #tpu.memory_space<hbm>>
        tpu.enqueue_dma source(%dma_start3A_69 : memref<96xi32, #tpu.memory_space<hbm>>) target(%arg10 : memref<96xi32, #tpu.memory_space<vmem>>) target_semaphore(%run_scoped3A : memref<!tpu.dma_semaphore, #tpu.memory_space<semaphore_mem>>)
        %dma_wait3A_70 = tpu.memref_slice %arg4[%multiple_of3A_38] : memref<322560xi32, #tpu.memory_space<hbm>> -> memref<96xi32, #tpu.memory_space<hbm>>
        %dma_wait3A_71 = tpu.memref_slice %arg4[%multiple_of3A_38] : memref<322560xi32, #tpu.memory_space<hbm>> -> memref<96xi32, #tpu.memory_space<hbm>>
        tpu.wait_dma2 semaphore(%run_scoped3A : memref<!tpu.dma_semaphore, #tpu.memory_space<semaphore_mem>>) src(%dma_wait3A_71 : memref<96xi32, #tpu.memory_space<hbm>>) dst(%arg10 : memref<96xi32, #tpu.memory_space<vmem>>)
        tpu.yield
      }) : () -> ()
      %dma_wait3A_39 = arith.constant 0 : i32
      %dma_wait3A_40 = arith.constant 0 : i32
      %dma_wait3A_41 = tpu.memref_slice %arg2[%dma_wait3A_39, %dma_wait3A_40] : memref<10000x128xf32, #tpu.memory_space<hbm>> -> memref<10000x128xf32, #tpu.memory_space<hbm>>
      tpu.wait_indirect_dma semaphore(%arg13 : memref<!tpu.dma_semaphore, #tpu.memory_space<semaphore_mem>>) src(%dma_wait3A_41 : memref<10000x128xf32, #tpu.memory_space<hbm>>) dst(%arg11 : memref<96x128xf32, #tpu.memory_space<vmem>>)
      %dma_start3A_42 = arith.constant 0 : i32
      %dma_start3A_43 = arith.constant 0 : i32
      %dma_start3A_44 = tpu.memref_slice %arg15[%dma_start3A_42, %dma_start3A_43] : memref<10112x128xf32, #tpu.memory_space<vmem_shared>> -> memref<10112x128xf32, #tpu.memory_space<vmem_shared>>
      tpu.enqueue_indirect_dma source(%arg11 : memref<96x128xf32, #tpu.memory_space<vmem>>) target(%dma_start3A_44 : memref<10112x128xf32, #tpu.memory_space<vmem_shared>>) offsets(%arg8 : memref<96xi32, #tpu.memory_space<vmem>>) semaphore(%arg14 : memref<!tpu.dma_semaphore, #tpu.memory_space<semaphore_mem>>) {add = true}
      %dma_start3A_45 = arith.constant 0 : i32
      %dma_start3A_46 = arith.constant 0 : i32
      %dma_start3A_47 = tpu.memref_slice %arg2[%dma_start3A_45, %dma_start3A_46] : memref<10000x128xf32, #tpu.memory_space<hbm>> -> memref<10000x128xf32, #tpu.memory_space<hbm>>
      tpu.enqueue_indirect_dma source(%dma_start3A_47 : memref<10000x128xf32, #tpu.memory_space<hbm>>) target(%arg12 : memref<96x128xf32, #tpu.memory_space<vmem>>) offsets(%arg9 : memref<96xi32, #tpu.memory_space<vmem>>) semaphore(%arg13 : memref<!tpu.dma_semaphore, #tpu.memory_space<semaphore_mem>>)
      %dma_wait3A_48 = arith.constant 0 : i32
      %dma_wait3A_49 = arith.constant 0 : i32
      %dma_wait3A_50 = tpu.memref_slice %arg5[%dma_wait3A_48, %dma_wait3A_49] : memref<10112x128xf32, #tpu.memory_space<hbm>> -> memref<96x128xf32, #tpu.memory_space<hbm>>
      %dma_wait3A_51 = arith.constant 0 : i32
      %dma_wait3A_52 = arith.constant 0 : i32
      %dma_wait3A_53 = tpu.memref_slice %arg5[%dma_wait3A_51, %dma_wait3A_52] : memref<10112x128xf32, #tpu.memory_space<hbm>> -> memref<96x128xf32, #tpu.memory_space<hbm>>
      tpu.wait_dma2 semaphore(%arg14 : memref<!tpu.dma_semaphore, #tpu.memory_space<semaphore_mem>>) src(%dma_wait3A_53 : memref<96x128xf32, #tpu.memory_space<hbm>>) dst(%arg11 : memref<96x128xf32, #tpu.memory_space<vmem>>)
      %add3A_54 = arith.constant 2 : i32
      %add3A_55 = arith.addi %mul3A_25, %add3A_54 : i32
      %mul3A_56 = arith.constant 10080 : i32
      %mul3A_57 = arith.muli %add3A, %mul3A_56 : i32
      %mul3A_58 = arith.constant 96 : i32
      %mul3A_59 = arith.muli %add3A_55, %mul3A_58 : i32
      %add3A_60 = arith.addi %mul3A_57, %mul3A_59 : i32
      %multiple_of3A_61 = tpu.assume_multiple %add3A_60, 8 : i32
      "tpu.region"() ({
        %run_scoped3A = tpu.sem_alloc : memref<!tpu.dma_semaphore, #tpu.memory_space<semaphore_mem>>
        %dma_start3A_68 = tpu.memref_slice %arg3[%multiple_of3A_61] : memref<322560xi32, #tpu.memory_space<hbm>> -> memref<96xi32, #tpu.memory_space<hbm>>
        %dma_start3A_69 = tpu.memref_slice %arg3[%multiple_of3A_61] : memref<322560xi32, #tpu.memory_space<hbm>> -> memref<96xi32, #tpu.memory_space<hbm>>
        tpu.enqueue_dma source(%dma_start3A_69 : memref<96xi32, #tpu.memory_space<hbm>>) target(%arg7 : memref<96xi32, #tpu.memory_space<vmem>>) target_semaphore(%run_scoped3A : memref<!tpu.dma_semaphore, #tpu.memory_space<semaphore_mem>>)
        %dma_wait3A_70 = tpu.memref_slice %arg3[%multiple_of3A_61] : memref<322560xi32, #tpu.memory_space<hbm>> -> memref<96xi32, #tpu.memory_space<hbm>>
        %dma_wait3A_71 = tpu.memref_slice %arg3[%multiple_of3A_61] : memref<322560xi32, #tpu.memory_space<hbm>> -> memref<96xi32, #tpu.memory_space<hbm>>
        tpu.wait_dma2 semaphore(%run_scoped3A : memref<!tpu.dma_semaphore, #tpu.memory_space<semaphore_mem>>) src(%dma_wait3A_71 : memref<96xi32, #tpu.memory_space<hbm>>) dst(%arg7 : memref<96xi32, #tpu.memory_space<vmem>>)
        tpu.yield
      }) : () -> ()
      "tpu.region"() ({
        %run_scoped3A = tpu.sem_alloc : memref<!tpu.dma_semaphore, #tpu.memory_space<semaphore_mem>>
        %dma_start3A_68 = tpu.memref_slice %arg4[%multiple_of3A_61] : memref<322560xi32, #tpu.memory_space<hbm>> -> memref<96xi32, #tpu.memory_space<hbm>>
        %dma_start3A_69 = tpu.memref_slice %arg4[%multiple_of3A_61] : memref<322560xi32, #tpu.memory_space<hbm>> -> memref<96xi32, #tpu.memory_space<hbm>>
        tpu.enqueue_dma source(%dma_start3A_69 : memref<96xi32, #tpu.memory_space<hbm>>) target(%arg8 : memref<96xi32, #tpu.memory_space<vmem>>) target_semaphore(%run_scoped3A : memref<!tpu.dma_semaphore, #tpu.memory_space<semaphore_mem>>)
        %dma_wait3A_70 = tpu.memref_slice %arg4[%multiple_of3A_61] : memref<322560xi32, #tpu.memory_space<hbm>> -> memref<96xi32, #tpu.memory_space<hbm>>
        %dma_wait3A_71 = tpu.memref_slice %arg4[%multiple_of3A_61] : memref<322560xi32, #tpu.memory_space<hbm>> -> memref<96xi32, #tpu.memory_space<hbm>>
        tpu.wait_dma2 semaphore(%run_scoped3A : memref<!tpu.dma_semaphore, #tpu.memory_space<semaphore_mem>>) src(%dma_wait3A_71 : memref<96xi32, #tpu.memory_space<hbm>>) dst(%arg8 : memref<96xi32, #tpu.memory_space<vmem>>)
        tpu.yield
      }) : () -> ()
      %dma_wait3A_62 = arith.constant 0 : i32
      %dma_wait3A_63 = arith.constant 0 : i32
      %dma_wait3A_64 = tpu.memref_slice %arg2[%dma_wait3A_62, %dma_wait3A_63] : memref<10000x128xf32, #tpu.memory_space<hbm>> -> memref<10000x128xf32, #tpu.memory_space<hbm>>
      tpu.wait_indirect_dma semaphore(%arg13 : memref<!tpu.dma_semaphore, #tpu.memory_space<semaphore_mem>>) src(%dma_wait3A_64 : memref<10000x128xf32, #tpu.memory_space<hbm>>) dst(%arg12 : memref<96x128xf32, #tpu.memory_space<vmem>>)
      %dma_start3A_65 = arith.constant 0 : i32
      %dma_start3A_66 = arith.constant 0 : i32
      %dma_start3A_67 = tpu.memref_slice %arg15[%dma_start3A_65, %dma_start3A_66] : memref<10112x128xf32, #tpu.memory_space<vmem_shared>> -> memref<10112x128xf32, #tpu.memory_space<vmem_shared>>
      tpu.enqueue_indirect_dma source(%arg12 : memref<96x128xf32, #tpu.memory_space<vmem>>) target(%dma_start3A_67 : memref<10112x128xf32, #tpu.memory_space<vmem_shared>>) offsets(%arg10 : memref<96xi32, #tpu.memory_space<vmem>>) semaphore(%arg14 : memref<!tpu.dma_semaphore, #tpu.memory_space<semaphore_mem>>) {add = true}
    }
    %scan3A_11 = arith.constant 52 : i32
    %dma_start3A = arith.constant 0 : i32
    %dma_start3A_12 = arith.constant 0 : i32
    %dma_start3A_13 = tpu.memref_slice %arg2[%dma_start3A, %dma_start3A_12] : memref<10000x128xf32, #tpu.memory_space<hbm>> -> memref<10000x128xf32, #tpu.memory_space<hbm>>
    tpu.enqueue_indirect_dma source(%dma_start3A_13 : memref<10000x128xf32, #tpu.memory_space<hbm>>) target(%arg11 : memref<96x128xf32, #tpu.memory_space<vmem>>) offsets(%arg7 : memref<96xi32, #tpu.memory_space<vmem>>) semaphore(%arg13 : memref<!tpu.dma_semaphore, #tpu.memory_space<semaphore_mem>>)
    %dma_wait3A = arith.constant 0 : i32
    %dma_wait3A_14 = arith.constant 0 : i32
    %dma_wait3A_15 = tpu.memref_slice %arg2[%dma_wait3A, %dma_wait3A_14] : memref<10000x128xf32, #tpu.memory_space<hbm>> -> memref<10000x128xf32, #tpu.memory_space<hbm>>
    tpu.wait_indirect_dma semaphore(%arg13 : memref<!tpu.dma_semaphore, #tpu.memory_space<semaphore_mem>>) src(%dma_wait3A_15 : memref<10000x128xf32, #tpu.memory_space<hbm>>) dst(%arg11 : memref<96x128xf32, #tpu.memory_space<vmem>>)
    %dma_wait3A_16 = arith.constant 0 : i32
    %dma_wait3A_17 = arith.constant 0 : i32
    %dma_wait3A_18 = tpu.memref_slice %arg5[%dma_wait3A_16, %dma_wait3A_17] : memref<10112x128xf32, #tpu.memory_space<hbm>> -> memref<96x128xf32, #tpu.memory_space<hbm>>
    %dma_wait3A_19 = arith.constant 0 : i32
    %dma_wait3A_20 = arith.constant 0 : i32
    %dma_wait3A_21 = tpu.memref_slice %arg5[%dma_wait3A_19, %dma_wait3A_20] : memref<10112x128xf32, #tpu.memory_space<hbm>> -> memref<96x128xf32, #tpu.memory_space<hbm>>
    tpu.wait_dma2 semaphore(%arg14 : memref<!tpu.dma_semaphore, #tpu.memory_space<semaphore_mem>>) src(%dma_wait3A_21 : memref<96x128xf32, #tpu.memory_space<hbm>>) dst(%arg12 : memref<96x128xf32, #tpu.memory_space<vmem>>)
    "tpu.region"() ({
      %run_scoped3A = tpu.sem_alloc : memref<!tpu.dma_semaphore, #tpu.memory_space<semaphore_mem>>
      %dma_start3A_23 = arith.constant 0 : i32
      %dma_start3A_24 = arith.constant 0 : i32
      %dma_start3A_25 = tpu.memref_slice %arg15[%dma_start3A_23, %dma_start3A_24] : memref<10112x128xf32, #tpu.memory_space<vmem_shared>> -> memref<10112x128xf32, #tpu.memory_space<vmem_shared>>
      tpu.enqueue_indirect_dma source(%arg11 : memref<96x128xf32, #tpu.memory_space<vmem>>) target(%dma_start3A_25 : memref<10112x128xf32, #tpu.memory_space<vmem_shared>>) offsets(%arg8 : memref<96xi32, #tpu.memory_space<vmem>>) semaphore(%run_scoped3A : memref<!tpu.dma_semaphore, #tpu.memory_space<semaphore_mem>>) {add = true}
      %dma_wait3A_26 = arith.constant 0 : i32
      %dma_wait3A_27 = arith.constant 0 : i32
      %dma_wait3A_28 = tpu.memref_slice %arg15[%dma_wait3A_26, %dma_wait3A_27] : memref<10112x128xf32, #tpu.memory_space<vmem_shared>> -> memref<10112x128xf32, #tpu.memory_space<vmem_shared>>
      tpu.wait_indirect_dma semaphore(%run_scoped3A : memref<!tpu.dma_semaphore, #tpu.memory_space<semaphore_mem>>) src(%arg11 : memref<96x128xf32, #tpu.memory_space<vmem>>) dst(%dma_wait3A_28 : memref<10112x128xf32, #tpu.memory_space<vmem_shared>>)
      tpu.yield
    }) : () -> ()
    %barrier3A_22 = arith.constant 0 : index
    tpu.barrier barrier_id(%barrier3A_22)
    "tpu.region"() ({
      %run_scoped3A = tpu.sem_alloc : memref<!tpu.dma_semaphore, #tpu.memory_space<semaphore_mem>>
      %dma_start3A_23 = arith.constant 0 : i32
      %dma_start3A_24 = tpu.memref_slice %arg6[%arg0, %mul3A_2, %dma_start3A_23] : memref<2x10112x128xf32, #tpu.memory_space<hbm>> -> memref<1x632x128xf32, #tpu.memory_space<hbm>>
      %dma_start3A_25 = tpu.memref_squeeze %dma_start3A_24 : memref<1x632x128xf32, #tpu.memory_space<hbm>> -> memref<632x128xf32, #tpu.memory_space<hbm>>
      %dma_start3A_26 = arith.constant 0 : i32
      %dma_start3A_27 = tpu.memref_slice %arg15[%mul3A_2, %dma_start3A_26] : memref<10112x128xf32, #tpu.memory_space<vmem_shared>> -> memref<632x128xf32, #tpu.memory_space<vmem_shared>>
      tpu.enqueue_dma source(%dma_start3A_27 : memref<632x128xf32, #tpu.memory_space<vmem_shared>>) target(%dma_start3A_25 : memref<632x128xf32, #tpu.memory_space<hbm>>) target_semaphore(%run_scoped3A : memref<!tpu.dma_semaphore, #tpu.memory_space<semaphore_mem>>)
      %dma_wait3A_28 = arith.constant 0 : i32
      %dma_wait3A_29 = tpu.memref_slice %arg6[%arg0, %mul3A_2, %dma_wait3A_28] : memref<2x10112x128xf32, #tpu.memory_space<hbm>> -> memref<1x632x128xf32, #tpu.memory_space<hbm>>
      %dma_wait3A_30 = tpu.memref_squeeze %dma_wait3A_29 : memref<1x632x128xf32, #tpu.memory_space<hbm>> -> memref<632x128xf32, #tpu.memory_space<hbm>>
      %dma_wait3A_31 = arith.constant 0 : i32
      %dma_wait3A_32 = tpu.memref_slice %arg15[%mul3A_2, %dma_wait3A_31] : memref<10112x128xf32, #tpu.memory_space<vmem_shared>> -> memref<632x128xf32, #tpu.memory_space<vmem_shared>>
      tpu.wait_dma2 semaphore(%run_scoped3A : memref<!tpu.dma_semaphore, #tpu.memory_space<semaphore_mem>>) src(%dma_wait3A_32 : memref<632x128xf32, #tpu.memory_space<vmem_shared>>) dst(%dma_wait3A_30 : memref<632x128xf32, #tpu.memory_space<hbm>>)
      tpu.yield
    }) : () -> ()
    return
  }
}

module attributes {stable_mosaic.version = 14 : i64} {
  func.func @_scalars_body(%arg0: memref<2x3x10112x1xf32, #tpu.memory_space<vmem>>, %arg1: memref<3x10112x1xf32, #tpu.memory_space<vmem>>) attributes {dimension_semantics = [], scalar_prefetch = 0 : i64, scratch_operands = 0 : i64, tpu.core_type = #tpu.core_type<tc>} {
    %get3A = arith.constant 0 : index
    %get3A_0 = arith.constant 0 : index
    %get3A_1 = arith.constant 0 : index
    %get3A_2 = arith.constant 0 : index
    %get3A_3 = vector.load %arg0[%get3A, %get3A_0, %get3A_1, %get3A_2] : memref<2x3x10112x1xf32, #tpu.memory_space<vmem>>, vector<1x1x10112x1xf32>
    %get3A_4 = vector.shape_cast %get3A_3 : vector<1x1x10112x1xf32> to vector<10112x1xf32>
    %get3A_5 = arith.constant 1 : index
    %get3A_6 = arith.constant 0 : index
    %get3A_7 = arith.constant 0 : index
    %get3A_8 = arith.constant 0 : index
    %get3A_9 = vector.load %arg0[%get3A_5, %get3A_6, %get3A_7, %get3A_8] : memref<2x3x10112x1xf32, #tpu.memory_space<vmem>>, vector<1x1x10112x1xf32>
    %get3A_10 = vector.shape_cast %get3A_9 : vector<1x1x10112x1xf32> to vector<10112x1xf32>
    %add3A = arith.addf %get3A_4, %get3A_10 : vector<10112x1xf32>
    %add3A_11 = arith.constant 1.000000e+00 : f32
    %add3A_12 = vector.broadcast %add3A_11 : f32 to vector<10112x1xf32>
    %add3A_13 = arith.addf %add3A, %add3A_12 : vector<10112x1xf32>
    %rsqrt3A = math.rsqrt %add3A_13 : vector<10112x1xf32>
    %swap3A = arith.constant 0 : index
    %swap3A_14 = arith.constant 0 : index
    %swap3A_15 = arith.constant 0 : index
    %swap3A_16 = vector.load %arg1[%swap3A, %swap3A_14, %swap3A_15] : memref<3x10112x1xf32, #tpu.memory_space<vmem>>, vector<1x10112x1xf32>
    %swap3A_17 = vector.shape_cast %swap3A_16 : vector<1x10112x1xf32> to vector<10112x1xf32>
    %swap3A_18 = vector.shape_cast %rsqrt3A : vector<10112x1xf32> to vector<1x10112x1xf32>
    tpu.vector_store %arg1[%swap3A, %swap3A_14, %swap3A_15], %swap3A_18 {strides = array<i32>} : memref<3x10112x1xf32, #tpu.memory_space<vmem>>, vector<1x10112x1xf32>,
    %get3A_19 = arith.constant 0 : index
    %get3A_20 = arith.constant 1 : index
    %get3A_21 = arith.constant 0 : index
    %get3A_22 = arith.constant 0 : index
    %get3A_23 = vector.load %arg0[%get3A_19, %get3A_20, %get3A_21, %get3A_22] : memref<2x3x10112x1xf32, #tpu.memory_space<vmem>>, vector<1x1x10112x1xf32>
    %get3A_24 = vector.shape_cast %get3A_23 : vector<1x1x10112x1xf32> to vector<10112x1xf32>
    %get3A_25 = arith.constant 1 : index
    %get3A_26 = arith.constant 1 : index
    %get3A_27 = arith.constant 0 : index
    %get3A_28 = arith.constant 0 : index
    %get3A_29 = vector.load %arg0[%get3A_25, %get3A_26, %get3A_27, %get3A_28] : memref<2x3x10112x1xf32, #tpu.memory_space<vmem>>, vector<1x1x10112x1xf32>
    %get3A_30 = vector.shape_cast %get3A_29 : vector<1x1x10112x1xf32> to vector<10112x1xf32>
    %add3A_31 = arith.addf %get3A_24, %get3A_30 : vector<10112x1xf32>
    %gt3A = arith.constant 0.000000e+00 : f32
    %gt3A_32 = vector.broadcast %gt3A : f32 to vector<10112x1xf32>
    %gt3A_33 = arith.cmpf ogt, %add3A_31, %gt3A_32 : vector<10112x1xf32>
    %div3A = arith.constant 1.000000e+00 : f32
    %div3A_34 = vector.broadcast %div3A : f32 to vector<10112x1xf32>
    %div3A_35 = arith.divf %div3A_34, %add3A_31 : vector<10112x1xf32>
    %jit3A = arith.constant 0.000000e+00 : f32
    %broadcast_in_dim3A = vector.broadcast %jit3A : f32 to vector<10112x1xf32>
    %select_n3A = arith.select %gt3A_33, %div3A_35, %broadcast_in_dim3A : vector<10112x1xi1>, vector<10112x1xf32>
    %swap3A_36 = arith.constant 1 : index
    %swap3A_37 = arith.constant 0 : index
    %swap3A_38 = arith.constant 0 : index
    %swap3A_39 = vector.load %arg1[%swap3A_36, %swap3A_37, %swap3A_38] : memref<3x10112x1xf32, #tpu.memory_space<vmem>>, vector<1x10112x1xf32>
    %swap3A_40 = vector.shape_cast %swap3A_39 : vector<1x10112x1xf32> to vector<10112x1xf32>
    %swap3A_41 = vector.shape_cast %select_n3A : vector<10112x1xf32> to vector<1x10112x1xf32>
    tpu.vector_store %arg1[%swap3A_36, %swap3A_37, %swap3A_38], %swap3A_41 {strides = array<i32>} : memref<3x10112x1xf32, #tpu.memory_space<vmem>>, vector<1x10112x1xf32>,
    %get3A_42 = arith.constant 0 : index
    %get3A_43 = arith.constant 2 : index
    %get3A_44 = arith.constant 0 : index
    %get3A_45 = arith.constant 0 : index
    %get3A_46 = vector.load %arg0[%get3A_42, %get3A_43, %get3A_44, %get3A_45] : memref<2x3x10112x1xf32, #tpu.memory_space<vmem>>, vector<1x1x10112x1xf32>
    %get3A_47 = vector.shape_cast %get3A_46 : vector<1x1x10112x1xf32> to vector<10112x1xf32>
    %get3A_48 = arith.constant 1 : index
    %get3A_49 = arith.constant 2 : index
    %get3A_50 = arith.constant 0 : index
    %get3A_51 = arith.constant 0 : index
    %get3A_52 = vector.load %arg0[%get3A_48, %get3A_49, %get3A_50, %get3A_51] : memref<2x3x10112x1xf32, #tpu.memory_space<vmem>>, vector<1x1x10112x1xf32>
    %get3A_53 = vector.shape_cast %get3A_52 : vector<1x1x10112x1xf32> to vector<10112x1xf32>
    %add3A_54 = arith.addf %get3A_47, %get3A_53 : vector<10112x1xf32>
    %gt3A_55 = arith.constant 0.000000e+00 : f32
    %gt3A_56 = vector.broadcast %gt3A_55 : f32 to vector<10112x1xf32>
    %gt3A_57 = arith.cmpf ogt, %add3A_54, %gt3A_56 : vector<10112x1xf32>
    %div3A_58 = arith.constant 1.000000e+00 : f32
    %div3A_59 = vector.broadcast %div3A_58 : f32 to vector<10112x1xf32>
    %div3A_60 = arith.divf %div3A_59, %add3A_54 : vector<10112x1xf32>
    %jit3A_61 = arith.constant 0.000000e+00 : f32
    %broadcast_in_dim3A_62 = vector.broadcast %jit3A_61 : f32 to vector<10112x1xf32>
    %select_n3A_63 = arith.select %gt3A_57, %div3A_60, %broadcast_in_dim3A_62 : vector<10112x1xi1>, vector<10112x1xf32>
    %swap3A_64 = arith.constant 2 : index
    %swap3A_65 = arith.constant 0 : index
    %swap3A_66 = arith.constant 0 : index
    %swap3A_67 = vector.load %arg1[%swap3A_64, %swap3A_65, %swap3A_66] : memref<3x10112x1xf32, #tpu.memory_space<vmem>>, vector<1x10112x1xf32>
    %swap3A_68 = vector.shape_cast %swap3A_67 : vector<1x10112x1xf32> to vector<10112x1xf32>
    %swap3A_69 = vector.shape_cast %select_n3A_63 : vector<10112x1xf32> to vector<1x10112x1xf32>
    tpu.vector_store %arg1[%swap3A_64, %swap3A_65, %swap3A_66], %swap3A_69 {strides = array<i32>} : memref<3x10112x1xf32, #tpu.memory_space<vmem>>, vector<1x10112x1xf32>,
    return
  }
}

module attributes {stable_mosaic.version = 14 : i64} {
  func.func @_xw_body(%arg0: i32, %arg1: memref<2000x128xf32, #tpu.memory_space<vmem>>, %arg2: memref<128x128xf32, #tpu.memory_space<vmem>>, %arg3: memref<128x128xf32, #tpu.memory_space<vmem>>, %arg4: memref<2000x1xf32, #tpu.memory_space<vmem>>, %arg5: memref<2000x128xf32, #tpu.memory_space<vmem>>, %arg6: memref<2000x128xf32, #tpu.memory_space<vmem>>) attributes {dimension_semantics = [#tpu.dimension_semantics<arbitrary>], iteration_bounds = array<i64: 5>, scalar_prefetch = 0 : i64, scratch_operands = 0 : i64, tpu.core_type = #tpu.core_type<tc>, window_params = [{transform_indices = @transform_0, window_bounds = array<i64: 2000, 128>}, {pipeline_mode = #tpu.pipeline_mode<synchronous>, transform_indices = @transform_1, window_bounds = array<i64: 128, 128>}, {pipeline_mode = #tpu.pipeline_mode<synchronous>, transform_indices = @transform_2, window_bounds = array<i64: 128, 128>}, {transform_indices = @transform_3, window_bounds = array<i64: 2000, 1>}, {transform_indices = @transform_4, window_bounds = array<i64: 2000, 128>}, {transform_indices = @transform_5, window_bounds = array<i64: 2000, 128>}]} {
    %get3A = arith.constant 0 : index
    %get3A_0 = arith.constant 0 : index
    %get3A_1 = vector.load %arg1[%get3A, %get3A_0] : memref<2000x128xf32, #tpu.memory_space<vmem>>, vector<2000x128xf32>
    %get3A_2 = arith.constant 0 : index
    %get3A_3 = arith.constant 0 : index
    %get3A_4 = vector.load %arg2[%get3A_2, %get3A_3] : memref<128x128xf32, #tpu.memory_space<vmem>>, vector<128x128xf32>
    %dot_general3A = arith.constant dense<0.000000e+00> : vector<2000x128xf32>
    %dot_general3A_5 = tpu.matmul %get3A_1, %get3A_4, %dot_general3A {dimension_numbers = #tpu.dot_dimension_numbers<[1], [0], [0], [1], [0, 0, 1, 1], [], []>, transpose_lhs_hint = false} : vector<2000x128xf32>, vector<128x128xf32>, vector<2000x128xf32> -> vector<2000x128xf32>
    %get3A_6 = arith.constant 0 : index
    %get3A_7 = arith.constant 0 : index
    %get3A_8 = vector.load %arg4[%get3A_6, %get3A_7] : memref<2000x1xf32, #tpu.memory_space<vmem>>, vector<2000x1xf32>
    %mul3A = vector.broadcast %get3A_8 : vector<2000x1xf32> to vector<2000x128xf32>
    %mul3A_9 = arith.mulf %dot_general3A_5, %mul3A : vector<2000x128xf32>
    %swap3A = arith.constant 0 : index
    %swap3A_10 = arith.constant 0 : index
    %swap3A_11 = vector.load %arg5[%swap3A, %swap3A_10] : memref<2000x128xf32, #tpu.memory_space<vmem>>, vector<2000x128xf32>
    tpu.vector_store %arg5[%swap3A, %swap3A_10], %mul3A_9 {strides = array<i32>} : memref<2000x128xf32, #tpu.memory_space<vmem>>, vector<2000x128xf32>,
    %get3A_12 = arith.constant 0 : index
    %get3A_13 = arith.constant 0 : index
    %get3A_14 = vector.load %arg3[%get3A_12, %get3A_13] : memref<128x128xf32, #tpu.memory_space<vmem>>, vector<128x128xf32>
    %dot_general3A_15 = arith.constant dense<0.000000e+00> : vector<2000x128xf32>
    %dot_general3A_16 = tpu.matmul %get3A_1, %get3A_14, %dot_general3A_15 {dimension_numbers = #tpu.dot_dimension_numbers<[1], [0], [0], [1], [0, 0, 1, 1], [], []>, transpose_lhs_hint = false} : vector<2000x128xf32>, vector<128x128xf32>, vector<2000x128xf32> -> vector<2000x128xf32>
    %swap3A_17 = arith.constant 0 : index
    %swap3A_18 = arith.constant 0 : index
    %swap3A_19 = vector.load %arg6[%swap3A_17, %swap3A_18] : memref<2000x128xf32, #tpu.memory_space<vmem>>, vector<2000x128xf32>
    tpu.vector_store %arg6[%swap3A_17, %swap3A_18], %dot_general3A_16 {strides = array<i32>} : memref<2000x128xf32, #tpu.memory_space<vmem>>, vector<2000x128xf32>,
    return
  }
  func.func @transform_0(%arg0: i32) -> (i32, i32) {
    %c0_i32 = arith.constant 0 : i32
    %c0_i32_0 = arith.constant 0 : i32
    return %arg0, %c0_i32 : i32, i32
  }
  func.func @transform_1(%arg0: i32) -> (i32, i32) {
    %c0_i32 = arith.constant 0 : i32
    %c0_i32_0 = arith.constant 0 : i32
    %c0_i32_1 = arith.constant 0 : i32
    return %c0_i32, %c0_i32_0 : i32, i32
  }
  func.func @transform_2(%arg0: i32) -> (i32, i32) {
    %c0_i32 = arith.constant 0 : i32
    %c0_i32_0 = arith.constant 0 : i32
    %c0_i32_1 = arith.constant 0 : i32
    return %c0_i32, %c0_i32_0 : i32, i32
  }
  func.func @transform_3(%arg0: i32) -> (i32, i32) {
    %c0_i32 = arith.constant 0 : i32
    %c0_i32_0 = arith.constant 0 : i32
    return %arg0, %c0_i32 : i32, i32
  }
  func.func @transform_4(%arg0: i32) -> (i32, i32) {
    %c0_i32 = arith.constant 0 : i32
    %c0_i32_0 = arith.constant 0 : i32
    return %arg0, %c0_i32 : i32, i32
  }
  func.func @transform_5(%arg0: i32) -> (i32, i32) {
    %c0_i32 = arith.constant 0 : i32
    %c0_i32_0 = arith.constant 0 : i32
    return %arg0, %c0_i32 : i32, i32
  }
}

module attributes {stable_mosaic.version = 14 : i64} {
  func.func @_rowscale_body(%arg0: i32, %arg1: memref<2x2000x128xf32, #tpu.memory_space<vmem>>, %arg2: memref<2000x1xf32, #tpu.memory_space<vmem>>, %arg3: memref<2000x128xf32, #tpu.memory_space<vmem>>) attributes {dimension_semantics = [#tpu.dimension_semantics<arbitrary>], iteration_bounds = array<i64: 5>, scalar_prefetch = 0 : i64, scratch_operands = 0 : i64, tpu.core_type = #tpu.core_type<tc>, window_params = [{transform_indices = @transform_0, window_bounds = array<i64: 2, 2000, 128>}, {transform_indices = @transform_1, window_bounds = array<i64: 2000, 1>}, {transform_indices = @transform_2, window_bounds = array<i64: 2000, 128>}]} {
    %get3A = arith.constant 0 : index
    %get3A_0 = arith.constant 0 : index
    %get3A_1 = arith.constant 0 : index
    %get3A_2 = vector.load %arg1[%get3A, %get3A_0, %get3A_1] : memref<2x2000x128xf32, #tpu.memory_space<vmem>>, vector<1x2000x128xf32>
    %get3A_3 = vector.shape_cast %get3A_2 : vector<1x2000x128xf32> to vector<2000x128xf32>
    %get3A_4 = arith.constant 1 : index
    %get3A_5 = arith.constant 0 : index
    %get3A_6 = arith.constant 0 : index
    %get3A_7 = vector.load %arg1[%get3A_4, %get3A_5, %get3A_6] : memref<2x2000x128xf32, #tpu.memory_space<vmem>>, vector<1x2000x128xf32>
    %get3A_8 = vector.shape_cast %get3A_7 : vector<1x2000x128xf32> to vector<2000x128xf32>
    %add3A = arith.addf %get3A_3, %get3A_8 : vector<2000x128xf32>
    %get3A_9 = arith.constant 0 : index
    %get3A_10 = arith.constant 0 : index
    %get3A_11 = vector.load %arg2[%get3A_9, %get3A_10] : memref<2000x1xf32, #tpu.memory_space<vmem>>, vector<2000x1xf32>
    %mul3A = vector.broadcast %get3A_11 : vector<2000x1xf32> to vector<2000x128xf32>
    %mul3A_12 = arith.mulf %add3A, %mul3A : vector<2000x128xf32>
    %swap3A = arith.constant 0 : index
    %swap3A_13 = arith.constant 0 : index
    %swap3A_14 = vector.load %arg3[%swap3A, %swap3A_13] : memref<2000x128xf32, #tpu.memory_space<vmem>>, vector<2000x128xf32>
    tpu.vector_store %arg3[%swap3A, %swap3A_13], %mul3A_12 {strides = array<i32>} : memref<2000x128xf32, #tpu.memory_space<vmem>>, vector<2000x128xf32>,
    return
  }
  func.func @transform_0(%arg0: i32) -> (i32, i32, i32) {
    %c0_i32 = arith.constant 0 : i32
    %c0_i32_0 = arith.constant 0 : i32
    %c0_i32_1 = arith.constant 0 : i32
    return %c0_i32, %arg0, %c0_i32_0 : i32, i32, i32
  }
  func.func @transform_1(%arg0: i32) -> (i32, i32) {
    %c0_i32 = arith.constant 0 : i32
    %c0_i32_0 = arith.constant 0 : i32
    return %arg0, %c0_i32 : i32, i32
  }
  func.func @transform_2(%arg0: i32) -> (i32, i32) {
    %c0_i32 = arith.constant 0 : i32
    %c0_i32_0 = arith.constant 0 : i32
    return %arg0, %c0_i32 : i32, i32
  }
}

module attributes {stable_mosaic.version = 14 : i64} {
  func.func @body(%arg0: i32, %arg1: memref<2x2000x128xf32, #tpu.memory_space<vmem>>, %arg2: memref<2000x1xf32, #tpu.memory_space<vmem>>, %arg3: memref<1x128xf32, #tpu.memory_space<vmem>>, %arg4: memref<1x128xf32, #tpu.memory_space<vmem>>, %arg5: memref<1x128xf32, #tpu.memory_space<vmem>>, %arg6: memref<128x128xf32, #tpu.memory_space<vmem>>, %arg7: memref<2000x128xf32, #tpu.memory_space<vmem>>) attributes {dimension_semantics = [#tpu.dimension_semantics<arbitrary>], iteration_bounds = array<i64: 5>, scalar_prefetch = 0 : i64, scratch_operands = 0 : i64, tpu.core_type = #tpu.core_type<tc>, window_params = [{transform_indices = @transform_0, window_bounds = array<i64: 2, 2000, 128>}, {transform_indices = @transform_1, window_bounds = array<i64: 2000, 1>}, {pipeline_mode = #tpu.pipeline_mode<synchronous>, transform_indices = @transform_2, window_bounds = array<i64: 1, 128>}, {pipeline_mode = #tpu.pipeline_mode<synchronous>, transform_indices = @transform_3, window_bounds = array<i64: 1, 128>}, {pipeline_mode = #tpu.pipeline_mode<synchronous>, transform_indices = @transform_4, window_bounds = array<i64: 1, 128>}, {pipeline_mode = #tpu.pipeline_mode<synchronous>, transform_indices = @transform_5, window_bounds = array<i64: 128, 128>}, {transform_indices = @transform_6, window_bounds = array<i64: 2000, 128>}]} {
    %get3A = arith.constant 0 : index
    %get3A_0 = arith.constant 0 : index
    %get3A_1 = arith.constant 0 : index
    %get3A_2 = vector.load %arg1[%get3A, %get3A_0, %get3A_1] : memref<2x2000x128xf32, #tpu.memory_space<vmem>>, vector<1x2000x128xf32>
    %get3A_3 = vector.shape_cast %get3A_2 : vector<1x2000x128xf32> to vector<2000x128xf32>
    %get3A_4 = arith.constant 1 : index
    %get3A_5 = arith.constant 0 : index
    %get3A_6 = arith.constant 0 : index
    %get3A_7 = vector.load %arg1[%get3A_4, %get3A_5, %get3A_6] : memref<2x2000x128xf32, #tpu.memory_space<vmem>>, vector<1x2000x128xf32>
    %get3A_8 = vector.shape_cast %get3A_7 : vector<1x2000x128xf32> to vector<2000x128xf32>
    %add3A = arith.addf %get3A_3, %get3A_8 : vector<2000x128xf32>
    %get3A_9 = arith.constant 0 : index
    %get3A_10 = arith.constant 0 : index
    %get3A_11 = vector.load %arg2[%get3A_9, %get3A_10] : memref<2000x1xf32, #tpu.memory_space<vmem>>, vector<2000x1xf32>
    %mul3A = vector.broadcast %get3A_11 : vector<2000x1xf32> to vector<2000x128xf32>
    %mul3A_12 = arith.mulf %add3A, %mul3A : vector<2000x128xf32>
    %get3A_13 = arith.constant 0 : index
    %get3A_14 = arith.constant 0 : index
    %get3A_15 = vector.load %arg3[%get3A_13, %get3A_14] : memref<1x128xf32, #tpu.memory_space<vmem>>, vector<1x128xf32>
    %add3A_16 = vector.broadcast %get3A_15 : vector<1x128xf32> to vector<2000x128xf32>
    %add3A_17 = arith.addf %mul3A_12, %add3A_16 : vector<2000x128xf32>
    %get3A_18 = arith.constant 0 : index
    %get3A_19 = arith.constant 0 : index
    %get3A_20 = vector.load %arg4[%get3A_18, %get3A_19] : memref<1x128xf32, #tpu.memory_space<vmem>>, vector<1x128xf32>
    %get3A_21 = arith.constant 0 : index
    %get3A_22 = arith.constant 0 : index
    %get3A_23 = vector.load %arg5[%get3A_21, %get3A_22] : memref<1x128xf32, #tpu.memory_space<vmem>>, vector<1x128xf32>
    %reduce_sum3A = arith.constant dense<0.000000e+00> : vector<2000xf32>
    %reduce_sum3A_24 = vector.multi_reduction <add>, %add3A_17, %reduce_sum3A [1] : vector<2000x128xf32> to vector<2000xf32>
    %broadcast_in_dim3A = vector.shape_cast %reduce_sum3A_24 : vector<2000xf32> to vector<2000x1xf32>
    %div3A = arith.constant 1.280000e+02 : f32
    %div3A_25 = vector.broadcast %div3A : f32 to vector<2000x1xf32>
    %div3A_26 = arith.divf %broadcast_in_dim3A, %div3A_25 : vector<2000x1xf32>
    %jit3A = arith.constant 0 : i32
    %reduce_sum3A_27 = arith.constant dense<0.000000e+00> : vector<2000xf32>
    %reduce_sum3A_28 = vector.multi_reduction <add>, %add3A_17, %reduce_sum3A_27 [1] : vector<2000x128xf32> to vector<2000xf32>
    %broadcast_in_dim3A_29 = vector.shape_cast %reduce_sum3A_28 : vector<2000xf32> to vector<2000x1xf32>
    %div3A_30 = arith.constant 1.280000e+02 : f32
    %div3A_31 = vector.broadcast %div3A_30 : f32 to vector<2000x1xf32>
    %div3A_32 = arith.divf %broadcast_in_dim3A_29, %div3A_31 : vector<2000x1xf32>
    %sub3A = vector.broadcast %div3A_32 : vector<2000x1xf32> to vector<2000x128xf32>
    %sub3A_33 = arith.subf %add3A_17, %sub3A : vector<2000x128xf32>
    %square3A = arith.mulf %sub3A_33, %sub3A_33 : vector<2000x128xf32>
    %convert_element_type3A = arith.sitofp %jit3A : i32 to f32
    %sub3A_34 = arith.constant 1.280000e+02 : f32
    %sub3A_35 = arith.subf %sub3A_34, %convert_element_type3A : f32
    %reduce_sum3A_36 = arith.constant dense<0.000000e+00> : vector<2000xf32>
    %reduce_sum3A_37 = vector.multi_reduction <add>, %square3A, %reduce_sum3A_36 [1] : vector<2000x128xf32> to vector<2000xf32>
    %broadcast_in_dim3A_38 = vector.shape_cast %reduce_sum3A_37 : vector<2000xf32> to vector<2000x1xf32>
    %div3A_39 = vector.broadcast %sub3A_35 : f32 to vector<2000x1xf32>
    %div3A_40 = arith.divf %broadcast_in_dim3A_38, %div3A_39 : vector<2000x1xf32>
    %gt3A = arith.constant 0.000000e+00 : f32
    %gt3A_41 = arith.cmpf ogt, %sub3A_35, %gt3A : f32
    %jit3A_42 = arith.constant 0x7FC00000 : f32
    %broadcast_in_dim3A_43 = vector.broadcast %jit3A_42 : f32 to vector<2000x1xf32>
    %select_n3A = arith.select %gt3A_41, %div3A_40, %broadcast_in_dim3A_43 : vector<2000x1xf32>
    %sub3A_44 = vector.broadcast %div3A_26 : vector<2000x1xf32> to vector<2000x128xf32>
    %sub3A_45 = arith.subf %add3A_17, %sub3A_44 : vector<2000x128xf32>
    %add3A_46 = arith.constant 9.99999974E-6 : f32
    %add3A_47 = vector.broadcast %add3A_46 : f32 to vector<2000x1xf32>
    %add3A_48 = arith.addf %select_n3A, %add3A_47 : vector<2000x1xf32>
    %sqrt3A = math.sqrt %add3A_48 : vector<2000x1xf32>
    %div3A_49 = vector.broadcast %sqrt3A : vector<2000x1xf32> to vector<2000x128xf32>
    %div3A_50 = arith.divf %sub3A_45, %div3A_49 : vector<2000x128xf32>
    %mul3A_51 = vector.broadcast %get3A_20 : vector<1x128xf32> to vector<2000x128xf32>
    %mul3A_52 = arith.mulf %div3A_50, %mul3A_51 : vector<2000x128xf32>
    %add3A_53 = vector.broadcast %get3A_23 : vector<1x128xf32> to vector<2000x128xf32>
    %add3A_54 = arith.addf %mul3A_52, %add3A_53 : vector<2000x128xf32>
    %max3A = arith.constant 0.000000e+00 : f32
    %max3A_55 = vector.broadcast %max3A : f32 to vector<2000x128xf32>
    %max3A_56 = arith.maximumf %add3A_54, %max3A_55 : vector<2000x128xf32>
    %get3A_57 = arith.constant 0 : index
    %get3A_58 = arith.constant 0 : index
    %get3A_59 = vector.load %arg6[%get3A_57, %get3A_58] : memref<128x128xf32, #tpu.memory_space<vmem>>, vector<128x128xf32>
    %dot_general3A = arith.constant dense<0.000000e+00> : vector<2000x128xf32>
    %dot_general3A_60 = tpu.matmul %max3A_56, %get3A_59, %dot_general3A {dimension_numbers = #tpu.dot_dimension_numbers<[1], [0], [0], [1], [0, 0, 1, 1], [], []>, transpose_lhs_hint = false} : vector<2000x128xf32>, vector<128x128xf32>, vector<2000x128xf32> -> vector<2000x128xf32>
    %swap3A = arith.constant 0 : index
    %swap3A_61 = arith.constant 0 : index
    %swap3A_62 = vector.load %arg7[%swap3A, %swap3A_61] : memref<2000x128xf32, #tpu.memory_space<vmem>>, vector<2000x128xf32>
    tpu.vector_store %arg7[%swap3A, %swap3A_61], %dot_general3A_60 {strides = array<i32>} : memref<2000x128xf32, #tpu.memory_space<vmem>>, vector<2000x128xf32>,
    return
  }
  func.func @transform_0(%arg0: i32) -> (i32, i32, i32) {
    %c0_i32 = arith.constant 0 : i32
    %c0_i32_0 = arith.constant 0 : i32
    %c0_i32_1 = arith.constant 0 : i32
    return %c0_i32, %arg0, %c0_i32_0 : i32, i32, i32
  }
  func.func @transform_1(%arg0: i32) -> (i32, i32) {
    %c0_i32 = arith.constant 0 : i32
    %c0_i32_0 = arith.constant 0 : i32
    return %arg0, %c0_i32 : i32, i32
  }
  func.func @transform_2(%arg0: i32) -> (i32, i32) {
    %c0_i32 = arith.constant 0 : i32
    %c0_i32_0 = arith.constant 0 : i32
    %c0_i32_1 = arith.constant 0 : i32
    return %c0_i32, %c0_i32_0 : i32, i32
  }
  func.func @transform_3(%arg0: i32) -> (i32, i32) {
    %c0_i32 = arith.constant 0 : i32
    %c0_i32_0 = arith.constant 0 : i32
    %c0_i32_1 = arith.constant 0 : i32
    return %c0_i32, %c0_i32_0 : i32, i32
  }
  func.func @transform_4(%arg0: i32) -> (i32, i32) {
    %c0_i32 = arith.constant 0 : i32
    %c0_i32_0 = arith.constant 0 : i32
    %c0_i32_1 = arith.constant 0 : i32
    return %c0_i32, %c0_i32_0 : i32, i32
  }
  func.func @transform_5(%arg0: i32) -> (i32, i32) {
    %c0_i32 = arith.constant 0 : i32
    %c0_i32_0 = arith.constant 0 : i32
    %c0_i32_1 = arith.constant 0 : i32
    return %c0_i32, %c0_i32_0 : i32, i32
  }
  func.func @transform_6(%arg0: i32) -> (i32, i32) {
    %c0_i32 = arith.constant 0 : i32
    %c0_i32_0 = arith.constant 0 : i32
    return %arg0, %c0_i32 : i32, i32
  }
}

module attributes {stable_mosaic.version = 14 : i64} {
  func.func @body(%arg0: i32, %arg1: memref<2x2000x128xf32, #tpu.memory_space<vmem>>, %arg2: memref<2000x128xf32, #tpu.memory_space<vmem>>, %arg3: memref<2000x1xf32, #tpu.memory_space<vmem>>, %arg4: memref<1x128xf32, #tpu.memory_space<vmem>>, %arg5: memref<1x128xf32, #tpu.memory_space<vmem>>, %arg6: memref<1x128xf32, #tpu.memory_space<vmem>>, %arg7: memref<128x128xf32, #tpu.memory_space<vmem>>, %arg8: memref<2000x128xf32, #tpu.memory_space<vmem>>) attributes {dimension_semantics = [#tpu.dimension_semantics<arbitrary>], iteration_bounds = array<i64: 5>, scalar_prefetch = 0 : i64, scratch_operands = 0 : i64, tpu.core_type = #tpu.core_type<tc>, window_params = [{transform_indices = @transform_0, window_bounds = array<i64: 2, 2000, 128>}, {transform_indices = @transform_1, window_bounds = array<i64: 2000, 128>}, {transform_indices = @transform_2, window_bounds = array<i64: 2000, 1>}, {pipeline_mode = #tpu.pipeline_mode<synchronous>, transform_indices = @transform_3, window_bounds = array<i64: 1, 128>}, {pipeline_mode = #tpu.pipeline_mode<synchronous>, transform_indices = @transform_4, window_bounds = array<i64: 1, 128>}, {pipeline_mode = #tpu.pipeline_mode<synchronous>, transform_indices = @transform_5, window_bounds = array<i64: 1, 128>}, {pipeline_mode = #tpu.pipeline_mode<synchronous>, transform_indices = @transform_6, window_bounds = array<i64: 128, 128>}, {transform_indices = @transform_7, window_bounds = array<i64: 2000, 128>}]} {
    %get3A = arith.constant 0 : index
    %get3A_0 = arith.constant 0 : index
    %get3A_1 = arith.constant 0 : index
    %get3A_2 = vector.load %arg1[%get3A, %get3A_0, %get3A_1] : memref<2x2000x128xf32, #tpu.memory_space<vmem>>, vector<1x2000x128xf32>
    %get3A_3 = vector.shape_cast %get3A_2 : vector<1x2000x128xf32> to vector<2000x128xf32>
    %get3A_4 = arith.constant 1 : index
    %get3A_5 = arith.constant 0 : index
    %get3A_6 = arith.constant 0 : index
    %get3A_7 = vector.load %arg1[%get3A_4, %get3A_5, %get3A_6] : memref<2x2000x128xf32, #tpu.memory_space<vmem>>, vector<1x2000x128xf32>
    %get3A_8 = vector.shape_cast %get3A_7 : vector<1x2000x128xf32> to vector<2000x128xf32>
    %add3A = arith.addf %get3A_3, %get3A_8 : vector<2000x128xf32>
    %get3A_9 = arith.constant 0 : index
    %get3A_10 = arith.constant 0 : index
    %get3A_11 = vector.load %arg2[%get3A_9, %get3A_10] : memref<2000x128xf32, #tpu.memory_space<vmem>>, vector<2000x128xf32>
    %add3A_12 = arith.addf %add3A, %get3A_11 : vector<2000x128xf32>
    %get3A_13 = arith.constant 0 : index
    %get3A_14 = arith.constant 0 : index
    %get3A_15 = vector.load %arg3[%get3A_13, %get3A_14] : memref<2000x1xf32, #tpu.memory_space<vmem>>, vector<2000x1xf32>
    %mul3A = vector.broadcast %get3A_15 : vector<2000x1xf32> to vector<2000x128xf32>
    %mul3A_16 = arith.mulf %add3A_12, %mul3A : vector<2000x128xf32>
    %get3A_17 = arith.constant 0 : index
    %get3A_18 = arith.constant 0 : index
    %get3A_19 = vector.load %arg4[%get3A_17, %get3A_18] : memref<1x128xf32, #tpu.memory_space<vmem>>, vector<1x128xf32>
    %add3A_20 = vector.broadcast %get3A_19 : vector<1x128xf32> to vector<2000x128xf32>
    %add3A_21 = arith.addf %mul3A_16, %add3A_20 : vector<2000x128xf32>
    %get3A_22 = arith.constant 0 : index
    %get3A_23 = arith.constant 0 : index
    %get3A_24 = vector.load %arg5[%get3A_22, %get3A_23] : memref<1x128xf32, #tpu.memory_space<vmem>>, vector<1x128xf32>
    %get3A_25 = arith.constant 0 : index
    %get3A_26 = arith.constant 0 : index
    %get3A_27 = vector.load %arg6[%get3A_25, %get3A_26] : memref<1x128xf32, #tpu.memory_space<vmem>>, vector<1x128xf32>
    %reduce_sum3A = arith.constant dense<0.000000e+00> : vector<2000xf32>
    %reduce_sum3A_28 = vector.multi_reduction <add>, %add3A_21, %reduce_sum3A [1] : vector<2000x128xf32> to vector<2000xf32>
    %broadcast_in_dim3A = vector.shape_cast %reduce_sum3A_28 : vector<2000xf32> to vector<2000x1xf32>
    %div3A = arith.constant 1.280000e+02 : f32
    %div3A_29 = vector.broadcast %div3A : f32 to vector<2000x1xf32>
    %div3A_30 = arith.divf %broadcast_in_dim3A, %div3A_29 : vector<2000x1xf32>
    %jit3A = arith.constant 0 : i32
    %reduce_sum3A_31 = arith.constant dense<0.000000e+00> : vector<2000xf32>
    %reduce_sum3A_32 = vector.multi_reduction <add>, %add3A_21, %reduce_sum3A_31 [1] : vector<2000x128xf32> to vector<2000xf32>
    %broadcast_in_dim3A_33 = vector.shape_cast %reduce_sum3A_32 : vector<2000xf32> to vector<2000x1xf32>
    %div3A_34 = arith.constant 1.280000e+02 : f32
    %div3A_35 = vector.broadcast %div3A_34 : f32 to vector<2000x1xf32>
    %div3A_36 = arith.divf %broadcast_in_dim3A_33, %div3A_35 : vector<2000x1xf32>
    %sub3A = vector.broadcast %div3A_36 : vector<2000x1xf32> to vector<2000x128xf32>
    %sub3A_37 = arith.subf %add3A_21, %sub3A : vector<2000x128xf32>
    %square3A = arith.mulf %sub3A_37, %sub3A_37 : vector<2000x128xf32>
    %convert_element_type3A = arith.sitofp %jit3A : i32 to f32
    %sub3A_38 = arith.constant 1.280000e+02 : f32
    %sub3A_39 = arith.subf %sub3A_38, %convert_element_type3A : f32
    %reduce_sum3A_40 = arith.constant dense<0.000000e+00> : vector<2000xf32>
    %reduce_sum3A_41 = vector.multi_reduction <add>, %square3A, %reduce_sum3A_40 [1] : vector<2000x128xf32> to vector<2000xf32>
    %broadcast_in_dim3A_42 = vector.shape_cast %reduce_sum3A_41 : vector<2000xf32> to vector<2000x1xf32>
    %div3A_43 = vector.broadcast %sub3A_39 : f32 to vector<2000x1xf32>
    %div3A_44 = arith.divf %broadcast_in_dim3A_42, %div3A_43 : vector<2000x1xf32>
    %gt3A = arith.constant 0.000000e+00 : f32
    %gt3A_45 = arith.cmpf ogt, %sub3A_39, %gt3A : f32
    %jit3A_46 = arith.constant 0x7FC00000 : f32
    %broadcast_in_dim3A_47 = vector.broadcast %jit3A_46 : f32 to vector<2000x1xf32>
    %select_n3A = arith.select %gt3A_45, %div3A_44, %broadcast_in_dim3A_47 : vector<2000x1xf32>
    %sub3A_48 = vector.broadcast %div3A_30 : vector<2000x1xf32> to vector<2000x128xf32>
    %sub3A_49 = arith.subf %add3A_21, %sub3A_48 : vector<2000x128xf32>
    %add3A_50 = arith.constant 9.99999974E-6 : f32
    %add3A_51 = vector.broadcast %add3A_50 : f32 to vector<2000x1xf32>
    %add3A_52 = arith.addf %select_n3A, %add3A_51 : vector<2000x1xf32>
    %sqrt3A = math.sqrt %add3A_52 : vector<2000x1xf32>
    %div3A_53 = vector.broadcast %sqrt3A : vector<2000x1xf32> to vector<2000x128xf32>
    %div3A_54 = arith.divf %sub3A_49, %div3A_53 : vector<2000x128xf32>
    %mul3A_55 = vector.broadcast %get3A_24 : vector<1x128xf32> to vector<2000x128xf32>
    %mul3A_56 = arith.mulf %div3A_54, %mul3A_55 : vector<2000x128xf32>
    %add3A_57 = vector.broadcast %get3A_27 : vector<1x128xf32> to vector<2000x128xf32>
    %add3A_58 = arith.addf %mul3A_56, %add3A_57 : vector<2000x128xf32>
    %max3A = arith.constant 0.000000e+00 : f32
    %max3A_59 = vector.broadcast %max3A : f32 to vector<2000x128xf32>
    %max3A_60 = arith.maximumf %add3A_58, %max3A_59 : vector<2000x128xf32>
    %get3A_61 = arith.constant 0 : index
    %get3A_62 = arith.constant 0 : index
    %get3A_63 = vector.load %arg7[%get3A_61, %get3A_62] : memref<128x128xf32, #tpu.memory_space<vmem>>, vector<128x128xf32>
    %dot_general3A = arith.constant dense<0.000000e+00> : vector<2000x128xf32>
    %dot_general3A_64 = tpu.matmul %max3A_60, %get3A_63, %dot_general3A {dimension_numbers = #tpu.dot_dimension_numbers<[1], [0], [0], [1], [0, 0, 1, 1], [], []>, transpose_lhs_hint = false} : vector<2000x128xf32>, vector<128x128xf32>, vector<2000x128xf32> -> vector<2000x128xf32>
    %get3A_65 = arith.constant 0 : index
    %get3A_66 = arith.constant 0 : index
    %get3A_67 = vector.load %arg3[%get3A_65, %get3A_66] : memref<2000x1xf32, #tpu.memory_space<vmem>>, vector<2000x1xf32>
    %mul3A_68 = vector.broadcast %get3A_67 : vector<2000x1xf32> to vector<2000x128xf32>
    %mul3A_69 = arith.mulf %dot_general3A_64, %mul3A_68 : vector<2000x128xf32>
    %swap3A = arith.constant 0 : index
    %swap3A_70 = arith.constant 0 : index
    %swap3A_71 = vector.load %arg8[%swap3A, %swap3A_70] : memref<2000x128xf32, #tpu.memory_space<vmem>>, vector<2000x128xf32>
    tpu.vector_store %arg8[%swap3A, %swap3A_70], %mul3A_69 {strides = array<i32>} : memref<2000x128xf32, #tpu.memory_space<vmem>>, vector<2000x128xf32>,
    return
  }
  func.func @transform_0(%arg0: i32) -> (i32, i32, i32) {
    %c0_i32 = arith.constant 0 : i32
    %c0_i32_0 = arith.constant 0 : i32
    %c0_i32_1 = arith.constant 0 : i32
    return %c0_i32, %arg0, %c0_i32_0 : i32, i32, i32
  }
  func.func @transform_1(%arg0: i32) -> (i32, i32) {
    %c0_i32 = arith.constant 0 : i32
    %c0_i32_0 = arith.constant 0 : i32
    return %arg0, %c0_i32 : i32, i32
  }
  func.func @transform_2(%arg0: i32) -> (i32, i32) {
    %c0_i32 = arith.constant 0 : i32
    %c0_i32_0 = arith.constant 0 : i32
    return %arg0, %c0_i32 : i32, i32
  }
  func.func @transform_3(%arg0: i32) -> (i32, i32) {
    %c0_i32 = arith.constant 0 : i32
    %c0_i32_0 = arith.constant 0 : i32
    %c0_i32_1 = arith.constant 0 : i32
    return %c0_i32, %c0_i32_0 : i32, i32
  }
  func.func @transform_4(%arg0: i32) -> (i32, i32) {
    %c0_i32 = arith.constant 0 : i32
    %c0_i32_0 = arith.constant 0 : i32
    %c0_i32_1 = arith.constant 0 : i32
    return %c0_i32, %c0_i32_0 : i32, i32
  }
  func.func @transform_5(%arg0: i32) -> (i32, i32) {
    %c0_i32 = arith.constant 0 : i32
    %c0_i32_0 = arith.constant 0 : i32
    %c0_i32_1 = arith.constant 0 : i32
    return %c0_i32, %c0_i32_0 : i32, i32
  }
  func.func @transform_6(%arg0: i32) -> (i32, i32) {
    %c0_i32 = arith.constant 0 : i32
    %c0_i32_0 = arith.constant 0 : i32
    %c0_i32_1 = arith.constant 0 : i32
    return %c0_i32, %c0_i32_0 : i32, i32
  }
  func.func @transform_7(%arg0: i32) -> (i32, i32) {
    %c0_i32 = arith.constant 0 : i32
    %c0_i32_0 = arith.constant 0 : i32
    return %arg0, %c0_i32 : i32, i32
  }
}

module attributes {stable_mosaic.version = 14 : i64} {
  func.func @body(%arg0: i32, %arg1: memref<2x2000x128xf32, #tpu.memory_space<vmem>>, %arg2: memref<2000x128xf32, #tpu.memory_space<vmem>>, %arg3: memref<2000x1xf32, #tpu.memory_space<vmem>>, %arg4: memref<1x128xf32, #tpu.memory_space<vmem>>, %arg5: memref<1x128xf32, #tpu.memory_space<vmem>>, %arg6: memref<1x128xf32, #tpu.memory_space<vmem>>, %arg7: memref<2000x128xf32, #tpu.memory_space<vmem>>) attributes {dimension_semantics = [#tpu.dimension_semantics<arbitrary>], iteration_bounds = array<i64: 5>, scalar_prefetch = 0 : i64, scratch_operands = 0 : i64, tpu.core_type = #tpu.core_type<tc>, window_params = [{transform_indices = @transform_0, window_bounds = array<i64: 2, 2000, 128>}, {transform_indices = @transform_1, window_bounds = array<i64: 2000, 128>}, {transform_indices = @transform_2, window_bounds = array<i64: 2000, 1>}, {pipeline_mode = #tpu.pipeline_mode<synchronous>, transform_indices = @transform_3, window_bounds = array<i64: 1, 128>}, {pipeline_mode = #tpu.pipeline_mode<synchronous>, transform_indices = @transform_4, window_bounds = array<i64: 1, 128>}, {pipeline_mode = #tpu.pipeline_mode<synchronous>, transform_indices = @transform_5, window_bounds = array<i64: 1, 128>}, {transform_indices = @transform_6, window_bounds = array<i64: 2000, 128>}]} {
    %get3A = arith.constant 0 : index
    %get3A_0 = arith.constant 0 : index
    %get3A_1 = arith.constant 0 : index
    %get3A_2 = vector.load %arg1[%get3A, %get3A_0, %get3A_1] : memref<2x2000x128xf32, #tpu.memory_space<vmem>>, vector<1x2000x128xf32>
    %get3A_3 = vector.shape_cast %get3A_2 : vector<1x2000x128xf32> to vector<2000x128xf32>
    %get3A_4 = arith.constant 1 : index
    %get3A_5 = arith.constant 0 : index
    %get3A_6 = arith.constant 0 : index
    %get3A_7 = vector.load %arg1[%get3A_4, %get3A_5, %get3A_6] : memref<2x2000x128xf32, #tpu.memory_space<vmem>>, vector<1x2000x128xf32>
    %get3A_8 = vector.shape_cast %get3A_7 : vector<1x2000x128xf32> to vector<2000x128xf32>
    %add3A = arith.addf %get3A_3, %get3A_8 : vector<2000x128xf32>
    %get3A_9 = arith.constant 0 : index
    %get3A_10 = arith.constant 0 : index
    %get3A_11 = vector.load %arg2[%get3A_9, %get3A_10] : memref<2000x128xf32, #tpu.memory_space<vmem>>, vector<2000x128xf32>
    %add3A_12 = arith.addf %add3A, %get3A_11 : vector<2000x128xf32>
    %get3A_13 = arith.constant 0 : index
    %get3A_14 = arith.constant 0 : index
    %get3A_15 = vector.load %arg3[%get3A_13, %get3A_14] : memref<2000x1xf32, #tpu.memory_space<vmem>>, vector<2000x1xf32>
    %mul3A = vector.broadcast %get3A_15 : vector<2000x1xf32> to vector<2000x128xf32>
    %mul3A_16 = arith.mulf %add3A_12, %mul3A : vector<2000x128xf32>
    %get3A_17 = arith.constant 0 : index
    %get3A_18 = arith.constant 0 : index
    %get3A_19 = vector.load %arg4[%get3A_17, %get3A_18] : memref<1x128xf32, #tpu.memory_space<vmem>>, vector<1x128xf32>
    %add3A_20 = vector.broadcast %get3A_19 : vector<1x128xf32> to vector<2000x128xf32>
    %add3A_21 = arith.addf %mul3A_16, %add3A_20 : vector<2000x128xf32>
    %get3A_22 = arith.constant 0 : index
    %get3A_23 = arith.constant 0 : index
    %get3A_24 = vector.load %arg5[%get3A_22, %get3A_23] : memref<1x128xf32, #tpu.memory_space<vmem>>, vector<1x128xf32>
    %get3A_25 = arith.constant 0 : index
    %get3A_26 = arith.constant 0 : index
    %get3A_27 = vector.load %arg6[%get3A_25, %get3A_26] : memref<1x128xf32, #tpu.memory_space<vmem>>, vector<1x128xf32>
    %reduce_sum3A = arith.constant dense<0.000000e+00> : vector<2000xf32>
    %reduce_sum3A_28 = vector.multi_reduction <add>, %add3A_21, %reduce_sum3A [1] : vector<2000x128xf32> to vector<2000xf32>
    %broadcast_in_dim3A = vector.shape_cast %reduce_sum3A_28 : vector<2000xf32> to vector<2000x1xf32>
    %div3A = arith.constant 1.280000e+02 : f32
    %div3A_29 = vector.broadcast %div3A : f32 to vector<2000x1xf32>
    %div3A_30 = arith.divf %broadcast_in_dim3A, %div3A_29 : vector<2000x1xf32>
    %jit3A = arith.constant 0 : i32
    %reduce_sum3A_31 = arith.constant dense<0.000000e+00> : vector<2000xf32>
    %reduce_sum3A_32 = vector.multi_reduction <add>, %add3A_21, %reduce_sum3A_31 [1] : vector<2000x128xf32> to vector<2000xf32>
    %broadcast_in_dim3A_33 = vector.shape_cast %reduce_sum3A_32 : vector<2000xf32> to vector<2000x1xf32>
    %div3A_34 = arith.constant 1.280000e+02 : f32
    %div3A_35 = vector.broadcast %div3A_34 : f32 to vector<2000x1xf32>
    %div3A_36 = arith.divf %broadcast_in_dim3A_33, %div3A_35 : vector<2000x1xf32>
    %sub3A = vector.broadcast %div3A_36 : vector<2000x1xf32> to vector<2000x128xf32>
    %sub3A_37 = arith.subf %add3A_21, %sub3A : vector<2000x128xf32>
    %square3A = arith.mulf %sub3A_37, %sub3A_37 : vector<2000x128xf32>
    %convert_element_type3A = arith.sitofp %jit3A : i32 to f32
    %sub3A_38 = arith.constant 1.280000e+02 : f32
    %sub3A_39 = arith.subf %sub3A_38, %convert_element_type3A : f32
    %reduce_sum3A_40 = arith.constant dense<0.000000e+00> : vector<2000xf32>
    %reduce_sum3A_41 = vector.multi_reduction <add>, %square3A, %reduce_sum3A_40 [1] : vector<2000x128xf32> to vector<2000xf32>
    %broadcast_in_dim3A_42 = vector.shape_cast %reduce_sum3A_41 : vector<2000xf32> to vector<2000x1xf32>
    %div3A_43 = vector.broadcast %sub3A_39 : f32 to vector<2000x1xf32>
    %div3A_44 = arith.divf %broadcast_in_dim3A_42, %div3A_43 : vector<2000x1xf32>
    %gt3A = arith.constant 0.000000e+00 : f32
    %gt3A_45 = arith.cmpf ogt, %sub3A_39, %gt3A : f32
    %jit3A_46 = arith.constant 0x7FC00000 : f32
    %broadcast_in_dim3A_47 = vector.broadcast %jit3A_46 : f32 to vector<2000x1xf32>
    %select_n3A = arith.select %gt3A_45, %div3A_44, %broadcast_in_dim3A_47 : vector<2000x1xf32>
    %sub3A_48 = vector.broadcast %div3A_30 : vector<2000x1xf32> to vector<2000x128xf32>
    %sub3A_49 = arith.subf %add3A_21, %sub3A_48 : vector<2000x128xf32>
    %add3A_50 = arith.constant 9.99999974E-6 : f32
    %add3A_51 = vector.broadcast %add3A_50 : f32 to vector<2000x1xf32>
    %add3A_52 = arith.addf %select_n3A, %add3A_51 : vector<2000x1xf32>
    %sqrt3A = math.sqrt %add3A_52 : vector<2000x1xf32>
    %div3A_53 = vector.broadcast %sqrt3A : vector<2000x1xf32> to vector<2000x128xf32>
    %div3A_54 = arith.divf %sub3A_49, %div3A_53 : vector<2000x128xf32>
    %mul3A_55 = vector.broadcast %get3A_24 : vector<1x128xf32> to vector<2000x128xf32>
    %mul3A_56 = arith.mulf %div3A_54, %mul3A_55 : vector<2000x128xf32>
    %add3A_57 = vector.broadcast %get3A_27 : vector<1x128xf32> to vector<2000x128xf32>
    %add3A_58 = arith.addf %mul3A_56, %add3A_57 : vector<2000x128xf32>
    %max3A = arith.constant 0.000000e+00 : f32
    %max3A_59 = vector.broadcast %max3A : f32 to vector<2000x128xf32>
    %max3A_60 = arith.maximumf %add3A_58, %max3A_59 : vector<2000x128xf32>
    %swap3A = arith.constant 0 : index
    %swap3A_61 = arith.constant 0 : index
    %swap3A_62 = vector.load %arg7[%swap3A, %swap3A_61] : memref<2000x128xf32, #tpu.memory_space<vmem>>, vector<2000x128xf32>
    tpu.vector_store %arg7[%swap3A, %swap3A_61], %max3A_60 {strides = array<i32>} : memref<2000x128xf32, #tpu.memory_space<vmem>>, vector<2000x128xf32>,
    return
  }
  func.func @transform_0(%arg0: i32) -> (i32, i32, i32) {
    %c0_i32 = arith.constant 0 : i32
    %c0_i32_0 = arith.constant 0 : i32
    %c0_i32_1 = arith.constant 0 : i32
    return %c0_i32, %arg0, %c0_i32_0 : i32, i32, i32
  }
  func.func @transform_1(%arg0: i32) -> (i32, i32) {
    %c0_i32 = arith.constant 0 : i32
    %c0_i32_0 = arith.constant 0 : i32
    return %arg0, %c0_i32 : i32, i32
  }
  func.func @transform_2(%arg0: i32) -> (i32, i32) {
    %c0_i32 = arith.constant 0 : i32
    %c0_i32_0 = arith.constant 0 : i32
    return %arg0, %c0_i32 : i32, i32
  }
  func.func @transform_3(%arg0: i32) -> (i32, i32) {
    %c0_i32 = arith.constant 0 : i32
    %c0_i32_0 = arith.constant 0 : i32
    %c0_i32_1 = arith.constant 0 : i32
    return %c0_i32, %c0_i32_0 : i32, i32
  }
  func.func @transform_4(%arg0: i32) -> (i32, i32) {
    %c0_i32 = arith.constant 0 : i32
    %c0_i32_0 = arith.constant 0 : i32
    %c0_i32_1 = arith.constant 0 : i32
    return %c0_i32, %c0_i32_0 : i32, i32
  }
  func.func @transform_5(%arg0: i32) -> (i32, i32) {
    %c0_i32 = arith.constant 0 : i32
    %c0_i32_0 = arith.constant 0 : i32
    %c0_i32_1 = arith.constant 0 : i32
    return %c0_i32, %c0_i32_0 : i32, i32
  }
  func.func @transform_6(%arg0: i32) -> (i32, i32) {
    %c0_i32 = arith.constant 0 : i32
    %c0_i32_0 = arith.constant 0 : i32
    return %arg0, %c0_i32 : i32, i32
  }
}

module attributes {stable_mosaic.version = 14 : i64} {
  func.func @body(%arg0: i32, %arg1: memref<2x2000x128xf32, #tpu.memory_space<vmem>>, %arg2: memref<2000x1xf32, #tpu.memory_space<vmem>>, %arg3: memref<1x128xf32, #tpu.memory_space<vmem>>, %arg4: memref<1x128xf32, #tpu.memory_space<vmem>>, %arg5: memref<1x128xf32, #tpu.memory_space<vmem>>, %arg6: memref<2000x128xf32, #tpu.memory_space<vmem>>) attributes {dimension_semantics = [#tpu.dimension_semantics<arbitrary>], iteration_bounds = array<i64: 5>, scalar_prefetch = 0 : i64, scratch_operands = 0 : i64, tpu.core_type = #tpu.core_type<tc>, window_params = [{transform_indices = @transform_0, window_bounds = array<i64: 2, 2000, 128>}, {transform_indices = @transform_1, window_bounds = array<i64: 2000, 1>}, {pipeline_mode = #tpu.pipeline_mode<synchronous>, transform_indices = @transform_2, window_bounds = array<i64: 1, 128>}, {pipeline_mode = #tpu.pipeline_mode<synchronous>, transform_indices = @transform_3, window_bounds = array<i64: 1, 128>}, {pipeline_mode = #tpu.pipeline_mode<synchronous>, transform_indices = @transform_4, window_bounds = array<i64: 1, 128>}, {transform_indices = @transform_5, window_bounds = array<i64: 2000, 128>}]} {
    %get3A = arith.constant 0 : index
    %get3A_0 = arith.constant 0 : index
    %get3A_1 = arith.constant 0 : index
    %get3A_2 = vector.load %arg1[%get3A, %get3A_0, %get3A_1] : memref<2x2000x128xf32, #tpu.memory_space<vmem>>, vector<1x2000x128xf32>
    %get3A_3 = vector.shape_cast %get3A_2 : vector<1x2000x128xf32> to vector<2000x128xf32>
    %get3A_4 = arith.constant 1 : index
    %get3A_5 = arith.constant 0 : index
    %get3A_6 = arith.constant 0 : index
    %get3A_7 = vector.load %arg1[%get3A_4, %get3A_5, %get3A_6] : memref<2x2000x128xf32, #tpu.memory_space<vmem>>, vector<1x2000x128xf32>
    %get3A_8 = vector.shape_cast %get3A_7 : vector<1x2000x128xf32> to vector<2000x128xf32>
    %add3A = arith.addf %get3A_3, %get3A_8 : vector<2000x128xf32>
    %get3A_9 = arith.constant 0 : index
    %get3A_10 = arith.constant 0 : index
    %get3A_11 = vector.load %arg2[%get3A_9, %get3A_10] : memref<2000x1xf32, #tpu.memory_space<vmem>>, vector<2000x1xf32>
    %mul3A = vector.broadcast %get3A_11 : vector<2000x1xf32> to vector<2000x128xf32>
    %mul3A_12 = arith.mulf %add3A, %mul3A : vector<2000x128xf32>
    %get3A_13 = arith.constant 0 : index
    %get3A_14 = arith.constant 0 : index
    %get3A_15 = vector.load %arg3[%get3A_13, %get3A_14] : memref<1x128xf32, #tpu.memory_space<vmem>>, vector<1x128xf32>
    %add3A_16 = vector.broadcast %get3A_15 : vector<1x128xf32> to vector<2000x128xf32>
    %add3A_17 = arith.addf %mul3A_12, %add3A_16 : vector<2000x128xf32>
    %get3A_18 = arith.constant 0 : index
    %get3A_19 = arith.constant 0 : index
    %get3A_20 = vector.load %arg4[%get3A_18, %get3A_19] : memref<1x128xf32, #tpu.memory_space<vmem>>, vector<1x128xf32>
    %get3A_21 = arith.constant 0 : index
    %get3A_22 = arith.constant 0 : index
    %get3A_23 = vector.load %arg5[%get3A_21, %get3A_22] : memref<1x128xf32, #tpu.memory_space<vmem>>, vector<1x128xf32>
    %reduce_sum3A = arith.constant dense<0.000000e+00> : vector<2000xf32>
    %reduce_sum3A_24 = vector.multi_reduction <add>, %add3A_17, %reduce_sum3A [1] : vector<2000x128xf32> to vector<2000xf32>
    %broadcast_in_dim3A = vector.shape_cast %reduce_sum3A_24 : vector<2000xf32> to vector<2000x1xf32>
    %div3A = arith.constant 1.280000e+02 : f32
    %div3A_25 = vector.broadcast %div3A : f32 to vector<2000x1xf32>
    %div3A_26 = arith.divf %broadcast_in_dim3A, %div3A_25 : vector<2000x1xf32>
    %jit3A = arith.constant 0 : i32
    %reduce_sum3A_27 = arith.constant dense<0.000000e+00> : vector<2000xf32>
    %reduce_sum3A_28 = vector.multi_reduction <add>, %add3A_17, %reduce_sum3A_27 [1] : vector<2000x128xf32> to vector<2000xf32>
    %broadcast_in_dim3A_29 = vector.shape_cast %reduce_sum3A_28 : vector<2000xf32> to vector<2000x1xf32>
    %div3A_30 = arith.constant 1.280000e+02 : f32
    %div3A_31 = vector.broadcast %div3A_30 : f32 to vector<2000x1xf32>
    %div3A_32 = arith.divf %broadcast_in_dim3A_29, %div3A_31 : vector<2000x1xf32>
    %sub3A = vector.broadcast %div3A_32 : vector<2000x1xf32> to vector<2000x128xf32>
    %sub3A_33 = arith.subf %add3A_17, %sub3A : vector<2000x128xf32>
    %square3A = arith.mulf %sub3A_33, %sub3A_33 : vector<2000x128xf32>
    %convert_element_type3A = arith.sitofp %jit3A : i32 to f32
    %sub3A_34 = arith.constant 1.280000e+02 : f32
    %sub3A_35 = arith.subf %sub3A_34, %convert_element_type3A : f32
    %reduce_sum3A_36 = arith.constant dense<0.000000e+00> : vector<2000xf32>
    %reduce_sum3A_37 = vector.multi_reduction <add>, %square3A, %reduce_sum3A_36 [1] : vector<2000x128xf32> to vector<2000xf32>
    %broadcast_in_dim3A_38 = vector.shape_cast %reduce_sum3A_37 : vector<2000xf32> to vector<2000x1xf32>
    %div3A_39 = vector.broadcast %sub3A_35 : f32 to vector<2000x1xf32>
    %div3A_40 = arith.divf %broadcast_in_dim3A_38, %div3A_39 : vector<2000x1xf32>
    %gt3A = arith.constant 0.000000e+00 : f32
    %gt3A_41 = arith.cmpf ogt, %sub3A_35, %gt3A : f32
    %jit3A_42 = arith.constant 0x7FC00000 : f32
    %broadcast_in_dim3A_43 = vector.broadcast %jit3A_42 : f32 to vector<2000x1xf32>
    %select_n3A = arith.select %gt3A_41, %div3A_40, %broadcast_in_dim3A_43 : vector<2000x1xf32>
    %sub3A_44 = vector.broadcast %div3A_26 : vector<2000x1xf32> to vector<2000x128xf32>
    %sub3A_45 = arith.subf %add3A_17, %sub3A_44 : vector<2000x128xf32>
    %add3A_46 = arith.constant 9.99999974E-6 : f32
    %add3A_47 = vector.broadcast %add3A_46 : f32 to vector<2000x1xf32>
    %add3A_48 = arith.addf %select_n3A, %add3A_47 : vector<2000x1xf32>
    %sqrt3A = math.sqrt %add3A_48 : vector<2000x1xf32>
    %div3A_49 = vector.broadcast %sqrt3A : vector<2000x1xf32> to vector<2000x128xf32>
    %div3A_50 = arith.divf %sub3A_45, %div3A_49 : vector<2000x128xf32>
    %mul3A_51 = vector.broadcast %get3A_20 : vector<1x128xf32> to vector<2000x128xf32>
    %mul3A_52 = arith.mulf %div3A_50, %mul3A_51 : vector<2000x128xf32>
    %add3A_53 = vector.broadcast %get3A_23 : vector<1x128xf32> to vector<2000x128xf32>
    %add3A_54 = arith.addf %mul3A_52, %add3A_53 : vector<2000x128xf32>
    %max3A = arith.constant 0.000000e+00 : f32
    %max3A_55 = vector.broadcast %max3A : f32 to vector<2000x128xf32>
    %max3A_56 = arith.maximumf %add3A_54, %max3A_55 : vector<2000x128xf32>
    %swap3A = arith.constant 0 : index
    %swap3A_57 = arith.constant 0 : index
    %swap3A_58 = vector.load %arg6[%swap3A, %swap3A_57] : memref<2000x128xf32, #tpu.memory_space<vmem>>, vector<2000x128xf32>
    tpu.vector_store %arg6[%swap3A, %swap3A_57], %max3A_56 {strides = array<i32>} : memref<2000x128xf32, #tpu.memory_space<vmem>>, vector<2000x128xf32>,
    return
  }
  func.func @transform_0(%arg0: i32) -> (i32, i32, i32) {
    %c0_i32 = arith.constant 0 : i32
    %c0_i32_0 = arith.constant 0 : i32
    %c0_i32_1 = arith.constant 0 : i32
    return %c0_i32, %arg0, %c0_i32_0 : i32, i32, i32
  }
  func.func @transform_1(%arg0: i32) -> (i32, i32) {
    %c0_i32 = arith.constant 0 : i32
    %c0_i32_0 = arith.constant 0 : i32
    return %arg0, %c0_i32 : i32, i32
  }
  func.func @transform_2(%arg0: i32) -> (i32, i32) {
    %c0_i32 = arith.constant 0 : i32
    %c0_i32_0 = arith.constant 0 : i32
    %c0_i32_1 = arith.constant 0 : i32
    return %c0_i32, %c0_i32_0 : i32, i32
  }
  func.func @transform_3(%arg0: i32) -> (i32, i32) {
    %c0_i32 = arith.constant 0 : i32
    %c0_i32_0 = arith.constant 0 : i32
    %c0_i32_1 = arith.constant 0 : i32
    return %c0_i32, %c0_i32_0 : i32, i32
  }
  func.func @transform_4(%arg0: i32) -> (i32, i32) {
    %c0_i32 = arith.constant 0 : i32
    %c0_i32_0 = arith.constant 0 : i32
    %c0_i32_1 = arith.constant 0 : i32
    return %c0_i32, %c0_i32_0 : i32, i32
  }
  func.func @transform_5(%arg0: i32) -> (i32, i32) {
    %c0_i32 = arith.constant 0 : i32
    %c0_i32_0 = arith.constant 0 : i32
    return %arg0, %c0_i32 : i32, i32
  }
}

module attributes {stable_mosaic.version = 14 : i64} {
  func.func @_final_body(%arg0: i32, %arg1: memref<2000x128xf32, #tpu.memory_space<vmem>>, %arg2: memref<2000x128xf32, #tpu.memory_space<vmem>>, %arg3: memref<128x128xf32, #tpu.memory_space<vmem>>, %arg4: memref<1x128xf32, #tpu.memory_space<vmem>>, %arg5: memref<128x128xf32, #tpu.memory_space<vmem>>, %arg6: memref<1x128xf32, #tpu.memory_space<vmem>>, %arg7: memref<2000x128xf32, #tpu.memory_space<vmem>>) attributes {dimension_semantics = [#tpu.dimension_semantics<arbitrary>], iteration_bounds = array<i64: 5>, scalar_prefetch = 0 : i64, scratch_operands = 0 : i64, tpu.core_type = #tpu.core_type<tc>, window_params = [{transform_indices = @transform_0, window_bounds = array<i64: 2000, 128>}, {transform_indices = @transform_1, window_bounds = array<i64: 2000, 128>}, {pipeline_mode = #tpu.pipeline_mode<synchronous>, transform_indices = @transform_2, window_bounds = array<i64: 128, 128>}, {pipeline_mode = #tpu.pipeline_mode<synchronous>, transform_indices = @transform_3, window_bounds = array<i64: 1, 128>}, {pipeline_mode = #tpu.pipeline_mode<synchronous>, transform_indices = @transform_4, window_bounds = array<i64: 128, 128>}, {pipeline_mode = #tpu.pipeline_mode<synchronous>, transform_indices = @transform_5, window_bounds = array<i64: 1, 128>}, {transform_indices = @transform_6, window_bounds = array<i64: 2000, 128>}]} {
    %get3A = arith.constant 0 : index
    %get3A_0 = arith.constant 0 : index
    %get3A_1 = vector.load %arg1[%get3A, %get3A_0] : memref<2000x128xf32, #tpu.memory_space<vmem>>, vector<2000x128xf32>
    %get3A_2 = arith.constant 0 : index
    %get3A_3 = arith.constant 0 : index
    %get3A_4 = vector.load %arg2[%get3A_2, %get3A_3] : memref<2000x128xf32, #tpu.memory_space<vmem>>, vector<2000x128xf32>
    %add3A = arith.addf %get3A_1, %get3A_4 : vector<2000x128xf32>
    %mul3A = arith.constant 5.000000e-01 : f32
    %mul3A_5 = vector.broadcast %mul3A : f32 to vector<2000x128xf32>
    %mul3A_6 = arith.mulf %add3A, %mul3A_5 : vector<2000x128xf32>
    %get3A_7 = arith.constant 0 : index
    %get3A_8 = arith.constant 0 : index
    %get3A_9 = vector.load %arg3[%get3A_7, %get3A_8] : memref<128x128xf32, #tpu.memory_space<vmem>>, vector<128x128xf32>
    %dot_general3A = arith.constant dense<0.000000e+00> : vector<2000x128xf32>
    %dot_general3A_10 = tpu.matmul %mul3A_6, %get3A_9, %dot_general3A {dimension_numbers = #tpu.dot_dimension_numbers<[1], [0], [0], [1], [0, 0, 1, 1], [], []>, transpose_lhs_hint = false} : vector<2000x128xf32>, vector<128x128xf32>, vector<2000x128xf32> -> vector<2000x128xf32>
    %get3A_11 = arith.constant 0 : index
    %get3A_12 = arith.constant 0 : index
    %get3A_13 = vector.load %arg4[%get3A_11, %get3A_12] : memref<1x128xf32, #tpu.memory_space<vmem>>, vector<1x128xf32>
    %add3A_14 = vector.broadcast %get3A_13 : vector<1x128xf32> to vector<2000x128xf32>
    %add3A_15 = arith.addf %dot_general3A_10, %add3A_14 : vector<2000x128xf32>
    %max3A = arith.constant 0.000000e+00 : f32
    %max3A_16 = vector.broadcast %max3A : f32 to vector<2000x128xf32>
    %max3A_17 = arith.maximumf %add3A_15, %max3A_16 : vector<2000x128xf32>
    %get3A_18 = arith.constant 0 : index
    %get3A_19 = arith.constant 0 : index
    %get3A_20 = vector.load %arg5[%get3A_18, %get3A_19] : memref<128x128xf32, #tpu.memory_space<vmem>>, vector<128x128xf32>
    %dot_general3A_21 = arith.constant dense<0.000000e+00> : vector<2000x128xf32>
    %dot_general3A_22 = tpu.matmul %max3A_17, %get3A_20, %dot_general3A_21 {dimension_numbers = #tpu.dot_dimension_numbers<[1], [0], [0], [1], [0, 0, 1, 1], [], []>, transpose_lhs_hint = false} : vector<2000x128xf32>, vector<128x128xf32>, vector<2000x128xf32> -> vector<2000x128xf32>
    %get3A_23 = arith.constant 0 : index
    %get3A_24 = arith.constant 0 : index
    %get3A_25 = vector.load %arg6[%get3A_23, %get3A_24] : memref<1x128xf32, #tpu.memory_space<vmem>>, vector<1x128xf32>
    %add3A_26 = vector.broadcast %get3A_25 : vector<1x128xf32> to vector<2000x128xf32>
    %add3A_27 = arith.addf %dot_general3A_22, %add3A_26 : vector<2000x128xf32>
    %swap3A = arith.constant 0 : index
    %swap3A_28 = arith.constant 0 : index
    %swap3A_29 = vector.load %arg7[%swap3A, %swap3A_28] : memref<2000x128xf32, #tpu.memory_space<vmem>>, vector<2000x128xf32>
    tpu.vector_store %arg7[%swap3A, %swap3A_28], %add3A_27 {strides = array<i32>} : memref<2000x128xf32, #tpu.memory_space<vmem>>, vector<2000x128xf32>,
    return
  }
  func.func @transform_0(%arg0: i32) -> (i32, i32) {
    %c0_i32 = arith.constant 0 : i32
    %c0_i32_0 = arith.constant 0 : i32
    return %arg0, %c0_i32 : i32, i32
  }
  func.func @transform_1(%arg0: i32) -> (i32, i32) {
    %c0_i32 = arith.constant 0 : i32
    %c0_i32_0 = arith.constant 0 : i32
    return %arg0, %c0_i32 : i32, i32
  }
  func.func @transform_2(%arg0: i32) -> (i32, i32) {
    %c0_i32 = arith.constant 0 : i32
    %c0_i32_0 = arith.constant 0 : i32
    %c0_i32_1 = arith.constant 0 : i32
    return %c0_i32, %c0_i32_0 : i32, i32
  }
  func.func @transform_3(%arg0: i32) -> (i32, i32) {
    %c0_i32 = arith.constant 0 : i32
    %c0_i32_0 = arith.constant 0 : i32
    %c0_i32_1 = arith.constant 0 : i32
    return %c0_i32, %c0_i32_0 : i32, i32
  }
  func.func @transform_4(%arg0: i32) -> (i32, i32) {
    %c0_i32 = arith.constant 0 : i32
    %c0_i32_0 = arith.constant 0 : i32
    %c0_i32_1 = arith.constant 0 : i32
    return %c0_i32, %c0_i32_0 : i32, i32
  }
  func.func @transform_5(%arg0: i32) -> (i32, i32) {
    %c0_i32 = arith.constant 0 : i32
    %c0_i32_0 = arith.constant 0 : i32
    %c0_i32_1 = arith.constant 0 : i32
    return %c0_i32, %c0_i32_0 : i32, i32
  }
  func.func @transform_6(%arg0: i32) -> (i32, i32) {
    %c0_i32 = arith.constant 0 : i32
    %c0_i32_0 = arith.constant 0 : i32
    return %arg0, %c0_i32 : i32, i32
  }
}

</mosaic_0001>

<sc_bundles>
// kernel: kernel.18.cloned.1.call-start
scs
__scs_entry_jumppad:
0x0: {  	(pc) =	sbr.rel $0x88, $3  }
0x1: {  	(tag) =	ssettag $0x0;
	lr =	simm.s32 $0x1  }
0x2: {  	[smem:$0x3F8E] =	sst lr;
	_ =	strace $0xD0000000  }
0x3: {  	_ = 	snop  }
0x4: {  	_ = 	snop  }
0x5: {  	_ = 	snop  }
0x6: {  	_ = 	snop  }
0x7: {  	_ = 	snop  }
__scs_overlays_trampoline_lowered:
0x8: {  	[smem:$0x3F9D] =	sst s0  }
0x9: {  	[smem:$0x3F9E] =	sst s1  }
0xa: {  	[smem:$0x3F9F] =	sst s2  }
0xb: {  	[smem:$0x3FA0] =	sst s3  }
0xc: {  	[smem:$0x3FA1] =	sst s4  }
0xd: {  	[smem:$0x3FA2] =	sst s5  }
0xe: {  	[smem:$0x3FA3] =	sst s6  }
0xf: {  	[smem:$0x3FA4] =	sst s7  }
0x10: {  	[smem:$0x3FA5] =	sst s8  }
0x11: {  	[smem:$0x3FA6] =	sst s9;
	s0 =	simm.s32 @!p0 $0x0  }
0x12: {  	s1 =	sld [smem:$0x3F8C];
	s0 =	simm.s32 @p0 $0x1  }
0x13: {  	[smem:$0x3FA7] =	sst s0;
	s0 =	simm.s32 @!p1 $0x0  }
0x14: {  	s2 =	sld [smem:$0x3F8B];
	s0 =	simm.s32 @p1 $0x1  }
0x15: {  	[smem:$0x3FA8] =	sst s0;
	s0 =	simm.s32 @!p2 $0x0  }
0x16: {  	s3 =	sld [smem:$0x3FDB];
	s0 =	simm.s32 @p2 $0x1  }
0x17: {  	s4 =	simm.s32 $0x1BF5;
	[smem:$0x3FAA] =	sst s0  }
0x18: {  	s0 =	sld [smem:$0x3F8D];
	_ =	swait.ge [sflag:s4], $0x0  }
0x19: {  	s7 =	sld [smem:$0x3F8E]  }
0x1a: {  	s8 =	sadd.s32 $0xFFFFE003, lr  }
0x1b: {  	s9 =	sadd.s32 $0xFFFFFEF7, lr;
	s5 =	simm.s32 $0xFFFFFFFF;
	p2 =	slt.u32 s8, $0xFFFFF086  }
0x1c: {  	p1 =	slt.u32 s9, $0xF7A;
	s5 =	simm.s32 @!p2 $0x0  }
0x1d: {  	s5 =	simm.s32 @p1 $0x1;
	p0 =	seq.s32 s7, s2  }
0x1e: {  	s7 =	smul.u32 @!p0 $0xF7A, s2;
	p2 =	seq.s32 @!p0 s5, $0x0  }
0x1f: {  	s9 =	smul.u32 $0xF7A, s1;
	s8 =	simm.s32 @!p0 $0x1BF5;
	p2 =	por !p2, p0  }
0x20: {  	[sflag:s8] =	ssyncset.s32 @!p0 $0xFFFFF086;
	s6 =	sadd.s32 @!p0 s3, s7;
	s7 =	simm.s32 @!p0 $0x108  }
0x21: {  	s3 =	sadd.s32 s3, s9;
	s6 =	sadd.s32 @!p0 $0x88, s6;
	s7 =	simm.s32 @p2 $0x1082  }
0x22: {  	[simem:s7], [sflag:s8] =	dma.local @!p0 [hbm:s6], $0xF7A  }
0x23: {  	s9 =	sor.u32 $0xD0000000, s2;
	s6 =	simm.s32 $0x108;
	_ =	swait.ge @!p0 [sflag:s8], $0x0  }
0x24: {  	s3 =	sadd.s32 $0x88, s3;
	s6 =	simm.s32 @!p1 $0x1082;
	[sflag:s4] =	ssyncset.s32 $0xFFFFF086  }
0x25: {  	[simem:s6], [sflag:s4] =	dma.local [hbm:s3], $0xF7A  }
0x26: {  	[smem:$0x3F8E] =	sst s1;
	(tag) =	ssettag s2;
	_ =	strace s9  }
0x27: {  	s1 =	sld [smem:$0x3F9E]  }
0x28: {  	s2 =	sld [smem:$0x3F9F]  }
0x29: {  	s4 =	sld [smem:$0x3FA1]  }
0x2a: {  	p0 =	seq.s32 s5, $0x0;
	s5 =	sld [smem:$0x3FA2]  }
0x2b: {  	s6 =	sld [smem:$0x3FA3]  }
0x2c: {  	s7 =	sld [smem:$0x3FA4]  }
0x2d: {  	s3 =	simm.s32 $0x108;
	s8 =	sld [smem:$0x3FA5]  }
0x2e: {  	s3 =	simm.s32 @!p0 $0x1082;
	s9 =	sld [smem:$0x3FA6]  }
0x2f: {  	lr =	sadd.s32 s0, s3;
	s0 =	sld [smem:$0x3F9D]  }
0x30: {  	s3 =	sld [smem:$0x3FA0]  }
0x31: {  	[smem:$0x3FA9] =	sst s10  }
0x32: {  	s10 =	sld [smem:$0x3FA7];
	_ =	sdelay $0x3  }
0x33: {  	p0 =	seq.s32 s10, $0x1;
	s10 =	sld [smem:$0x3FA9];
	_ =	sdelay $0x3  }
0x34: {  	[smem:$0x3FA9] =	sst s10  }
0x35: {  	s10 =	sld [smem:$0x3FA8];
	_ =	sdelay $0x3  }
0x36: {  	p1 =	seq.s32 s10, $0x1;
	s10 =	sld [smem:$0x3FA9];
	_ =	sdelay $0x3  }
0x37: {  	[smem:$0x3FA9] =	sst s10  }
0x38: {  	s10 =	sld [smem:$0x3FAA]  }
0x39: {  	_ = 	snop;
	(pc) =	sbr.ind lr, $3  }
0x3a: {  	_ = 	snop  }
0x3b: {  	_ = 	snop  }
0x3c: {  	p2 =	seq.s32 s10, $0x1;
	s10 =	sld [smem:$0x3FA9]  }
0x3d: {  	_ =	shalt  }
0x3e: {  	_ =	shalt  }
0x3f: {  	_ =	shalt  }
0x40: {  	_ =	shalt  }
0x41: {  	_ =	shalt  }
0x42: {  	_ =	shalt  }
0x43: {  	_ =	shalt  }
0x44: {  	_ =	shalt  }
0x45: {  	_ =	shalt  }
0x46: {  	_ =	shalt  }
0x47: {  	_ =	shalt  }
0x48: {  	_ =	shalt  }
0x49: {  	_ =	shalt  }
0x4a: {  	_ =	shalt  }
0x4b: {  	_ =	shalt  }
0x4c: {  	_ =	shalt  }
0x4d: {  	_ =	shalt  }
0x4e: {  	_ =	shalt  }
0x4f: {  	_ =	shalt  }
0x50: {  	_ =	shalt  }
0x51: {  	_ =	shalt  }
0x52: {  	_ =	shalt  }
0x53: {  	_ =	shalt  }
0x54: {  	_ =	shalt  }
0x55: {  	_ =	shalt  }
0x56: {  	_ =	shalt  }
0x57: {  	_ =	shalt  }
0x58: {  	_ =	shalt  }
0x59: {  	_ =	shalt  }
0x5a: {  	_ =	shalt  }
0x5b: {  	_ =	shalt  }
0x5c: {  	_ =	shalt  }
0x5d: {  	_ =	shalt  }
0x5e: {  	_ =	shalt  }
0x5f: {  	_ =	shalt  }
0x60: {  	_ =	shalt  }
0x61: {  	_ =	shalt  }
0x62: {  	_ =	shalt  }
0x63: {  	_ =	shalt  }
0x64: {  	_ =	shalt  }
0x65: {  	_ =	shalt  }
0x66: {  	_ =	shalt  }
0x67: {  	_ =	shalt  }
0x68: {  	_ =	shalt  }
0x69: {  	_ =	shalt  }
0x6a: {  	_ =	shalt  }
0x6b: {  	_ =	shalt  }
0x6c: {  	_ =	shalt  }
0x6d: {  	_ =	shalt  }
0x6e: {  	_ =	shalt  }
0x6f: {  	_ =	shalt  }
0x70: {  	_ =	shalt  }
0x71: {  	_ =	shalt  }
0x72: {  	_ =	shalt  }
0x73: {  	_ =	shalt  }
0x74: {  	_ =	shalt  }
0x75: {  	_ =	shalt  }
0x76: {  	_ =	shalt  }
0x77: {  	_ =	shalt  }
0x78: {  	_ =	shalt  }
0x79: {  	_ =	shalt  }
0x7a: {  	_ =	shalt  }
0x7b: {  	_ =	shalt  }
0x7c: {  	_ =	shalt  }
0x7d: {  	_ =	shalt  }
0x7e: {  	_ =	shalt  }
0x7f: {  	_ =	shalt  }
0x80: {  	_ =	shalt  }
0x81: {  	_ =	shalt  }
0x82: {  	_ =	shalt  }
0x83: {  	_ =	shalt  }
0x84: {  	_ =	shalt  }
0x85: {  	_ =	shalt  }
0x86: {  	_ =	shalt  }
0x87: {  	_ =	shalt  }
.Lfunc_end0:
.L_simem_size_0:
called_computation_lowered:
.L_overlay_start_0:
0x88: {  	s2 =	sld [smem:$0x3FD9]  }
0x89: {  	s3 =	sld [smem:$0x3FFE];
	_ =	sdelay $0x1  }
0x8a: {  	s1 =	srdreg.scid  }
0x8b: {  	s0 =	sand.u32 $0x1, s1  }
0x8c: {  	s17 =	sshll.u32 s0, $0xA;
	s2 =	sadd.s32 s3, s2  }
0x8d: {  	s2 =	sadd.s32 s2, s17  }
0x8e: {  	[smem:$0x3FB5] =	sst s2  }
0x8f: {  	_ = 	snop  }
0x90: {  	s2 =	sld [smem:$0x3FD0];
	(tm) =	ssettm $0x1  }
0x91: {  	s18 =	sld [smem:$0x3FFB];
	_ =	sdelay $0x3  }
0x92: {  	_ =	strace s18  }
0x93: {  	s3 =	sld [smem:$0x3FFC];
	_ =	sdelay $0x3  }
0x94: {  	_ =	strace s3  }
0x95: {  	s3 =	sld [smem:$0x3FFD];
	_ =	sdelay $0x3  }
0x96: {  	_ =	strace s3  }
0x97: {  	_ =	strace $0x8FFFFFFF  }
0x98: {  	s19 =	sld [smem:$0x3FDB];
	_ =	sdelay $0x1  }
0x99: {  	s4 =	simm.s32 $_scs_section_size  }
0x9a: {  	s5 =	simm.s32 $_size__tile_overlayer_lowered;
	s6 =	simm.s32 $_tile_overlayer_lowered  }
0x9b: {  	s22 =	simm.s32 $0x1BFF;
	s21 =	sshll.u32 s6, $0x1;
	s3 =	sadd.s32 s4, s19  }
0x9c: {  	s7 =	simm.s32 $0x0;
	s20 =	sshll.u32 s5, $0x1;
	s5 =	sadd.s32 s21, s3  }
0x9d: {  	[timem:s7], [sflag:s22] =	dma.local [hbm:s5], s20  }
0x9e: {  	_ =	swait.ge [sflag:s22], s20  }
0x9f: {  	s4 =	ssub.s32 $0x0, s20;
	[sflag:s22] =	ssyncset.done $0x0  }
0xa0: {  	[sflag:s22] =	ssyncadd.s32 s4;
	_ =	sdelay $0x1  }
0xa1: {  	s23 =	simm.s32 $0x1B8B  }
0xa2: {  	_ =	swait.ge [sflag:s23], $0x1  }
0xa3: {  	[sflag:s23] =	ssyncset.done $0x0  }
0xa4: {  	s25 =	simm.s32 $0x1B8E;
	s24 =	sld [smem:$0x3FFE];
	[sflag:s23] =	ssyncadd.s32 $0xFFFFFFFF  }
0xa5: {  	s26 =	simm.s32 $execute0_lowered;
	[smem:$0x3FD2] =	sst s25  }
0xa6: {  	s5 =	sshll.u32 s26, $0x1;
	_ =	strace $0x80000046;
	[dreg:$0x1] =	wrdreg $0xFFFFFFFF  }
0xa7: {  	s28 =	simm.s32 $_size_execute0_lowered;
	s3 =	sadd.s32 s3, s5;
	[dreg:$0x0] =	wrdreg $0x0  }
0xa8: {  	s5 =	sshll.u32 s28, $0x1;
	[dreg:$0x2] =	wrdreg s3  }
0xa9: {  	[dreg:$0x3] =	wrdreg s5  }
0xaa: {  	[dreg:$0x4] =	wrdreg $0xC0  }
0xab: {  	_ =	task [dreg:s7], $0x5FFFF  }
0xac: {  	[dreg:$0x1] =	wrdreg $0xFFFFFFFF  }
0xad: {  	[dreg:$0x0] =	wrdreg $0x60  }
0xae: {  	[dreg:$0x2] =	wrdreg s24  }
0xaf: {  	[dreg:$0x3] =	wrdreg s2  }
0xb0: {  	[dreg:$0x4] =	wrdreg $0x6000  }
0xb1: {  	[dreg:$0x5] =	wrdreg $0x8780  }
0xb2: {  	[dreg:$0x6] =	wrdreg $0xAF00  }
0xb3: {  	[dreg:$0x7] =	wrdreg $0x9  }
0xb4: {  	_ =	task.clear_ibuf [dreg:s7], $0x8FFFF;
	_ =	strace $0x90000046  }
0xb5: {  	s29 =	simm.s32 $0x9;
	_ =	strace $0x80000048  }
0xb6: {  	_ =	swait.ge [sflag:s29], $0x1  }
0xb7: {  	[sflag:s29] =	ssyncadd.s32 $0xFFFFFFFF  }
0xb8: {  	_ =	strace $0x90000048  }
0xb9: {  	_ =	sfence  }
0xba: {  	s30 =	sld [smem:$0x0];
	_ =	sdelay $0x2  }
0xbb: {  	s31 =	sshll.u32 s1, $0xD;
	s1 =	sshrl.u32 s1, $0x2  }
0xbc: {  	s3 =	sand.u32 $0x4000, s31;
	s1 =	sadd.s32 s1, s30  }
0xbd: {  	s0 =	sor.u32 s3, s0;
	s1 =	sshll.u32 s1, $0x11  }
0xbe: {  	s0 =	sor.u32 s1, s0  }
0xbf: {  	s0 =	sadd.s32 $0x8F2B, s0  }
0xc0: {  	[sflag:s0] =	ssyncadd.remote.s32 $0x1  }
0xc1: {  	_ =	sfence.sel $0xFFFF  }
0xc2: {  	[dreg:$0x0] =	wrdreg $0xFFFFFFFF;
	(pc) =	sbr.abs _section_cstart, $3  }
0xc3: {  	[dreg:$0x1] =	wrdreg $0xFFFFFFFF  }
0xc4: {  	_ =	task.clear_ibuf [dreg:s7], $0x2FFFF;
	_ =	strace $0x9FFFFFFF  }
0xc5: {  	(tm) =	ssettm $0x7FFFFFFF  }
tec
execute0_lowered:
.L_overlay_start_1:
0x0: {  	(tag) =	ssettag $0x1  }
0x1: {  	s0 =	rddreg [dreg:$0x0]  }
0x2: {  	s3 =	rddreg [dreg:$0x1]  }
0x3: {  	s1 =	rddreg [dreg:$0x2]  }
0x4: {  	s2 =	rddreg [dreg:$0x3]  }
0x5: {  	s4 =	rddreg [dreg:$0x4];
	s5 =	simm.s32 $0x0;
	s15 =	stileid.u32  }
0x6: {  	s6 =	srdreg.scid;
	s28 =	simm.s32 $0x100;
	s29 =	simm.s32 $0x180  }
0x7: {  	s30 =	simm.s32 $0x50;
	s31 =	simm.s32 $0x200;
	[smem:$0x7FF] =	sst s5  }
0x8: {  	s7 =	smul.u32 $0x278, s15;
	s6 =	sand.u32 $0x1, s6;
	s11 =	sadd.s32 $0x6800, s0  }
0x9: {  	s12 =	sadd.s32 $0x10600, s0;
	s9 =	sadd.s32 $0x1AA00, s0;
	_ =	strace $0x80000047  }
0xa: {  	s8 =	smul.u32 $0x7680, s6;
	[dreg:$0x6] =	wrdreg s9;
	s10 =	sshll.u32 s6, $0x4  }
0xb: {  	s13 =	ssub.s32 $0x2, s6;
	s6 =	smul.u32 $0x27100, s6;
	s16 =	sshrl.u32 s7, $0x3  }
0xc: {  	s10 =	sor.u32 s15, s10;
	s14 =	sshrl.u32 s13, $0x1;
	s15 =	smul.u32 $0x2710, s15  }
0xd: {  	s8 =	sadd.s32 s7, s8;
	s10 =	smul.u32 $0x2710, s10;
	s9 =	sadd.s32 s16, s0  }
0xe: {  	s13 =	ssub.s32 s13, s14;
	s8 =	sshrl.u32 s8, $0x3;
	s17 =	sadd.s32 $0x1A400, s9  }
0xf: {  	s9 =	sadd.s32 s7, s2;
	s6 =	sadd.s32 s15, s6;
	s0 =	sadd.s32 s8, s0  }
0x10: {  	[dreg:$0x7] =	wrdreg s17;
	s18 =	sshrl.u32 s10, $0x3;
	s8 =	sadd.s32 s7, s1  }
0x11: {  	s10 =	sadd.s32 s7, s4;
	s25 =	sadd.s32 $0x50, s6;
	s17 =	smax.u32 s13, $0x1  }
0x12: {  	s6 =	sshrl.u32 s6, $0x3;
	s7 =	simm.s32 $0x0;
	s19 =	sadd.s32 $0x4D8, s18  }
0x13: {  	s23 =	sadd.s32 $0x1AC00, s0;
	s24 =	sadd.s32 $0x1B0F0, s0;
	s16 =	sadd.s32 $0x1B5E0, s0  }
0x14: {  	s26 =	sshrl.u32 s25, $0x3;
	s25 =	simm.s32 $0x2;
	[dreg:$0xb] =	wrdreg s23  }
0x15: {  	s0 =	simm.s32 $0x280;
	s20 =	sadd.s32 s11, s19;
	[dreg:$0xc] =	wrdreg s24  }
0x16: {  	s21 =	sadd.s32 s12, s19;
	s22 =	sadd.s32 s3, s19;
	[dreg:$0x8] =	wrdreg s20  }
0x17: {  	s18 =	sadd.s32 s26, s3;
	s19 =	sadd.s32 s26, s12;
	[dreg:$0x9] =	wrdreg s21  }
0x18: {  	s23 =	sadd.s32 s6, s11;
	s24 =	simm.s32 $0x380;
	[dreg:$0xa] =	wrdreg s22  }
0x19: {  	s20 =	sadd.s32 s26, s11;
	s21 =	sadd.s32 s6, s3;
	s22 =	sadd.s32 s6, s12  }
0x1a: {  	s26 =	simm.s32 $0x80;
	s3 =	simm.s32 $0x300;
	s6 =	simm.s32 $0x1  }
.LBB2_1:
0x1b: {  	s11 =	rddreg [dreg:$0x7]  }
0x1c: {  	[tilespmem:s24], [sflag:$0x2] =	stream.linear.gather [hbm4b:s11+s5], $0x278, $0x38;
	[tilespmem:$0xD68] =	vst v63  }
0x1d: {  	_ =	swait.ge [sflag:s25], $0x278  }
0x1e: {  	[sflag:s25] =	ssyncset.done $0x0  }
0x1f: {  	[sflag:s25] =	ssyncadd.s32 $0xFFFFFD88  }
0x20: {  	[spmem:s8] =	stream.linear.scatter [tilespmem:s24], [sflag:$0x2], $0x278, $0x38;
	[tilespmem:$0xD68] =	vst v63  }
0x21: {  	_ =	swait.ge [sflag:s25], $0x278  }
0x22: {  	[sflag:s25] =	ssyncset.done $0x0  }
0x23: {  	[sflag:s25] =	ssyncadd.s32 $0xFFFFFD88  }
0x24: {  	[spmem:s9] =	stream.linear.scatter [tilespmem:s24], [sflag:$0x2], $0x278, $0x38;
	[tilespmem:$0xD68] =	vst v63  }
0x25: {  	_ =	swait.ge [sflag:s25], $0x278  }
0x26: {  	[sflag:s25] =	ssyncset.done $0x0  }
0x27: {  	[sflag:s25] =	ssyncadd.s32 $0xFFFFFD88  }
0x28: {  	[spmem:s10] =	stream.linear.scatter [tilespmem:s24], [sflag:$0x2], $0x278, $0x38;
	[tilespmem:$0xD68] =	vst v63  }
0x29: {  	_ =	swait.ge [sflag:s25], $0x278  }
0x2a: {  	[sflag:s25] =	ssyncset.done $0x0  }
0x2b: {  	s13 =	rddreg [dreg:$0x6];
	[sflag:s25] =	ssyncadd.s32 $0xFFFFFD88  }
0x2c: {  	[tilespmem:s5], [sflag:$0x2] =	stream.linear.gather [hbm4b:s13+s5], $0x80, $0x38;
	[tilespmem:$0xD68] =	vst v63  }
0x2d: {  	_ =	swait.ge [sflag:s25], $0x80  }
0x2e: {  	[sflag:s25] =	ssyncset.done $0x0  }
0x2f: {  	p0 =	por $0x1, $0x1;
	[sflag:s25] =	ssyncadd.s32 $0xFFFFFF80  }
0x30: {  	s11 =	simm.s32 @!p0 $0x1;
	[bflag:$0x0] =	sbarrier.arrive $0xFFFF  }
0x31: {  	_ =	swait.ge @!p0 [sflag:s11], $0x50  }
0x32: {  	[sflag:s11] =	ssyncset.done @!p0 $0x0  }
0x33: {  	[sflag:s11] =	ssyncadd.s32 @!p0 $0xFFFFFFB0  }
0x34: {  	_ =	swait.ge @!p0 [sflag:s11], $0x50  }
0x35: {  	[sflag:s11] =	ssyncset.done @!p0 $0x0  }
0x36: {  	[sflag:s11] =	ssyncadd.s32 @!p0 $0xFFFFFFB0  }
0x37: {  	_ =	swait.ge @!p0 [sflag:s11], $0x50  }
0x38: {  	[sflag:s11] =	ssyncset.done @!p0 $0x0  }
0x39: {  	s12 =	sadd.s32 $0x0, s23;
	[sflag:s11] =	ssyncadd.s32 @!p0 $0xFFFFFFB0  }
0x3a: {  	[tilespmem:s26], [sflag:$0x2] =	stream.linear.gather [hbm4b:s12+s5], $0x50, $0x38;
	[tilespmem:$0xD68] =	vst v63  }
0x3b: {  	_ =	swait.ge [sflag:s25], $0x50  }
0x3c: {  	[sflag:s25] =	ssyncset.done $0x0  }
0x3d: {  	s14 =	sadd.s32 $0x0, s22;
	[sflag:s25] =	ssyncadd.s32 $0xFFFFFFB0  }
0x3e: {  	[tilespmem:s28], [sflag:$0x2] =	stream.linear.gather [hbm4b:s14+s5], $0x50, $0x38;
	[tilespmem:$0xD68] =	vst v63  }
0x3f: {  	_ =	swait.ge [sflag:s25], $0x50  }
0x40: {  	[sflag:s25] =	ssyncset.done $0x0  }
0x41: {  	s15 =	sadd.s32 $0x0, s21;
	[sflag:s25] =	ssyncadd.s32 $0xFFFFFFB0  }
0x42: {  	[tilespmem:s29], [sflag:$0x2] =	stream.linear.gather [hbm4b:s15+s5], $0x50, $0x38;
	[tilespmem:$0xD68] =	vst v63  }
0x43: {  	_ =	swait.ge [sflag:s25], $0x50  }
0x44: {  	[sflag:s25] =	ssyncset.done $0x0  }
0x45: {  	[sflag:s25] =	ssyncadd.s32 $0xFFFFFFB0  }
0x46: {  	[spmem:s1] =	stream.indirect.scatter.add.f32 [tilespmem:s5], [sflag:$0x1], $0x1, s26, s30, $0xb8;
	[tilespmem:$0xD68] =	vst v63  }
0x47: {  	_ = 	snop  }
0x48: {  	[spmem:s2] =	stream.indirect.scatter.add.f32 [tilespmem:s5], [sflag:$0x1], $0x1, s28, s30, $0xb8;
	[tilespmem:$0xD68] =	vst v63  }
0x49: {  	_ = 	snop  }
0x4a: {  	[spmem:s4] =	stream.indirect.scatter.add.f32 [tilespmem:s5], [sflag:$0x1], $0x1, s29, s30, $0xb8;
	[tilespmem:$0xD68] =	vst v63  }
0x4b: {  	_ =	swait.ge @!p0 [sflag:s11], $0x50  }
0x4c: {  	[sflag:s11] =	ssyncset.done @!p0 $0x0  }
0x4d: {  	[sflag:s11] =	ssyncadd.s32 @!p0 $0xFFFFFFB0  }
0x4e: {  	_ =	swait.ge @!p0 [sflag:s11], $0x50  }
0x4f: {  	[sflag:s11] =	ssyncset.done @!p0 $0x0  }
0x50: {  	[sflag:s11] =	ssyncadd.s32 @!p0 $0xFFFFFFB0  }
0x51: {  	_ =	swait.ge @!p0 [sflag:s11], $0x50  }
0x52: {  	[sflag:s11] =	ssyncset.done @!p0 $0x0  }
0x53: {  	s13 =	sadd.s32 $0x0, s20;
	[sflag:s11] =	ssyncadd.s32 @!p0 $0xFFFFFFB0  }
0x54: {  	[tilespmem:s31], [sflag:$0x2] =	stream.linear.gather [hbm4b:s13+s5], $0x50, $0x38;
	[tilespmem:$0xD68] =	vst v63  }
0x55: {  	_ =	swait.ge [sflag:s25], $0x50  }
0x56: {  	[sflag:s25] =	ssyncset.done $0x0  }
0x57: {  	s14 =	sadd.s32 $0x0, s19;
	[sflag:s25] =	ssyncadd.s32 $0xFFFFFFB0  }
0x58: {  	[tilespmem:s0], [sflag:$0x2] =	stream.linear.gather [hbm4b:s14+s5], $0x50, $0x38;
	[tilespmem:$0xD68] =	vst v63  }
0x59: {  	_ =	swait.ge [sflag:s25], $0x50  }
0x5a: {  	[sflag:s25] =	ssyncset.done $0x0  }
0x5b: {  	s15 =	sadd.s32 $0x0, s18;
	[sflag:s25] =	ssyncadd.s32 $0xFFFFFFB0  }
0x5c: {  	[tilespmem:s3], [sflag:$0x2] =	stream.linear.gather [hbm4b:s15+s5], $0x50, $0x38;
	[tilespmem:$0xD68] =	vst v63  }
0x5d: {  	_ =	swait.ge [sflag:s25], $0x50  }
0x5e: {  	[sflag:s25] =	ssyncset.done $0x0  }
0x5f: {  	[sflag:s25] =	ssyncadd.s32 $0xFFFFFFB0  }
0x60: {  	[spmem:s1] =	stream.indirect.scatter.add.f32 [tilespmem:s5], [sflag:$0x1], $0x1, s31, s30, $0xb8;
	[tilespmem:$0xD68] =	vst v63  }
0x61: {  	s12 =	simm.s32 $0x28;
	s11 =	simm.s32 $0x14;
	p0 =	por $0x0, $0x0  }
0x62: {  	[spmem:s2] =	stream.indirect.scatter.add.f32 [tilespmem:s5], [sflag:$0x1], $0x1, s0, s30, $0xb8;
	[tilespmem:$0xD68] =	vst v63  }
.LBB2_2:
0x63: {  	s14 =	simm.s32 @!p0 $0x1;
	s13 =	smov.u32 s12;
	s12 =	sadd.s32 $0x14, s12  }
0x64: {  	[spmem:s4] =	stream.indirect.scatter.add.f32 [tilespmem:s5], [sflag:$0x1], $0x1, s3, s30, $0xb8;
	[tilespmem:$0xD68] =	vst v63  }
0x65: {  	p1 =	sne.s32 s12, $0x4D8;
	_ =	swait.ge @!p0 [sflag:s14], $0x50  }
0x66: {  	[sflag:s14] =	ssyncset.done @!p0 $0x0  }
0x67: {  	[sflag:s14] =	ssyncadd.s32 @!p0 $0xFFFFFFB0  }
0x68: {  	_ =	swait.ge @!p0 [sflag:s14], $0x50  }
0x69: {  	[sflag:s14] =	ssyncset.done @!p0 $0x0  }
0x6a: {  	[sflag:s14] =	ssyncadd.s32 @!p0 $0xFFFFFFB0  }
0x6b: {  	_ =	swait.ge @!p0 [sflag:s14], $0x50  }
0x6c: {  	[sflag:s14] =	ssyncset.done @!p0 $0x0  }
0x6d: {  	s15 =	sadd.s32 s11, s23;
	[sflag:s14] =	ssyncadd.s32 @!p0 $0xFFFFFFB0  }
0x6e: {  	[tilespmem:s26], [sflag:$0x2] =	stream.linear.gather [hbm4b:s15+s5], $0x50, $0x38;
	[tilespmem:$0xD68] =	vst v63  }
0x6f: {  	_ =	swait.ge [sflag:s25], $0x50  }
0x70: {  	[sflag:s25] =	ssyncset.done $0x0  }
0x71: {  	s15 =	sadd.s32 s11, s22;
	[sflag:s25] =	ssyncadd.s32 $0xFFFFFFB0  }
0x72: {  	[tilespmem:s28], [sflag:$0x2] =	stream.linear.gather [hbm4b:s15+s5], $0x50, $0x38;
	[tilespmem:$0xD68] =	vst v63  }
0x73: {  	_ =	swait.ge [sflag:s25], $0x50  }
0x74: {  	[sflag:s25] =	ssyncset.done $0x0  }
0x75: {  	s15 =	sadd.s32 s11, s21;
	[sflag:s25] =	ssyncadd.s32 $0xFFFFFFB0  }
0x76: {  	[tilespmem:s29], [sflag:$0x2] =	stream.linear.gather [hbm4b:s15+s5], $0x50, $0x38;
	[tilespmem:$0xD68] =	vst v63  }
0x77: {  	_ =	swait.ge [sflag:s25], $0x50  }
0x78: {  	[sflag:s25] =	ssyncset.done $0x0  }
0x79: {  	[sflag:s25] =	ssyncadd.s32 $0xFFFFFFB0  }
0x7a: {  	[spmem:s1] =	stream.indirect.scatter.add.f32 [tilespmem:s5], [sflag:$0x1], $0x1, s26, s30, $0xb8;
	[tilespmem:$0xD68] =	vst v63  }
0x7b: {  	_ = 	snop  }
0x7c: {  	[spmem:s2] =	stream.indirect.scatter.add.f32 [tilespmem:s5], [sflag:$0x1], $0x1, s28, s30, $0xb8;
	[tilespmem:$0xD68] =	vst v63  }
0x7d: {  	_ = 	snop  }
0x7e: {  	[spmem:s4] =	stream.indirect.scatter.add.f32 [tilespmem:s5], [sflag:$0x1], $0x1, s29, s30, $0xb8;
	[tilespmem:$0xD68] =	vst v63  }
0x7f: {  	_ =	swait.ge @!p0 [sflag:s14], $0x50  }
0x80: {  	[sflag:s14] =	ssyncset.done @!p0 $0x0  }
0x81: {  	[sflag:s14] =	ssyncadd.s32 @!p0 $0xFFFFFFB0  }
0x82: {  	_ =	swait.ge @!p0 [sflag:s14], $0x50  }
0x83: {  	[sflag:s14] =	ssyncset.done @!p0 $0x0  }
0x84: {  	[sflag:s14] =	ssyncadd.s32 @!p0 $0xFFFFFFB0  }
0x85: {  	_ =	swait.ge @!p0 [sflag:s14], $0x50  }
0x86: {  	[sflag:s14] =	ssyncset.done @!p0 $0x0  }
0x87: {  	[sflag:s14] =	ssyncadd.s32 @!p0 $0xFFFFFFB0;
	s14 =	sadd.s32 s11, s20  }
0x88: {  	[tilespmem:s31], [sflag:$0x2] =	stream.linear.gather [hbm4b:s14+s5], $0x50, $0x38;
	[tilespmem:$0xD68] =	vst v63  }
0x89: {  	_ =	swait.ge [sflag:s25], $0x50  }
0x8a: {  	[sflag:s25] =	ssyncset.done $0x0  }
0x8b: {  	s14 =	sadd.s32 s11, s19;
	[sflag:s25] =	ssyncadd.s32 $0xFFFFFFB0  }
0x8c: {  	[tilespmem:s0], [sflag:$0x2] =	stream.linear.gather [hbm4b:s14+s5], $0x50, $0x38;
	[tilespmem:$0xD68] =	vst v63  }
0x8d: {  	_ =	swait.ge [sflag:s25], $0x50  }
0x8e: {  	[sflag:s25] =	ssyncset.done $0x0  }
0x8f: {  	s14 =	sadd.s32 s11, s18;
	s11 =	smov.u32 s13;
	[sflag:s25] =	ssyncadd.s32 $0xFFFFFFB0  }
0x90: {  	[tilespmem:s3], [sflag:$0x2] =	stream.linear.gather [hbm4b:s14+s5], $0x50, $0x38;
	[tilespmem:$0xD68] =	vst v63  }
0x91: {  	_ =	swait.ge [sflag:s25], $0x50  }
.Ltmp0:
0x92: {  	[sflag:s25] =	ssyncset.done $0x0;
	(pc) =	sbr.rel @p1 .LBB2_2-.Ltmp0, $4  }
0x93: {  	[sflag:s25] =	ssyncadd.s32 $0xFFFFFFB0  }
0x94: {  	[spmem:s1] =	stream.indirect.scatter.add.f32 [tilespmem:s5], [sflag:$0x1], $0x1, s31, s30, $0xb8;
	[tilespmem:$0xD68] =	vst v63  }
0x95: {  	p0 =	seq.s32 s11, $0x0  }
0x96: {  	[spmem:s2] =	stream.indirect.scatter.add.f32 [tilespmem:s5], [sflag:$0x1], $0x1, s0, s30, $0xb8;
	[tilespmem:$0xD68] =	vst v63  }
0x97: {  	s12 =	simm.s32 @!p0 $0x1  }
0x98: {  	[spmem:s4] =	stream.indirect.scatter.add.f32 [tilespmem:s5], [sflag:$0x1], $0x1, s3, s30, $0xb8;
	[tilespmem:$0xD68] =	vst v63  }
0x99: {  	_ =	swait.ge @!p0 [sflag:s12], $0x50  }
0x9a: {  	[sflag:s12] =	ssyncset.done @!p0 $0x0  }
0x9b: {  	[sflag:s12] =	ssyncadd.s32 @!p0 $0xFFFFFFB0  }
0x9c: {  	_ =	swait.ge @!p0 [sflag:s12], $0x50  }
0x9d: {  	[sflag:s12] =	ssyncset.done @!p0 $0x0  }
0x9e: {  	[sflag:s12] =	ssyncadd.s32 @!p0 $0xFFFFFFB0  }
0x9f: {  	_ =	swait.ge @!p0 [sflag:s12], $0x50  }
0xa0: {  	[sflag:s12] =	ssyncset.done @!p0 $0x0  }
0xa1: {  	s13 =	sadd.s32 s11, s23;
	[sflag:s12] =	ssyncadd.s32 @!p0 $0xFFFFFFB0  }
0xa2: {  	[tilespmem:s26], [sflag:$0x2] =	stream.linear.gather [hbm4b:s13+s5], $0x50, $0x38;
	[tilespmem:$0xD68] =	vst v63  }
0xa3: {  	_ =	swait.ge [sflag:s25], $0x50  }
0xa4: {  	[sflag:s25] =	ssyncset.done $0x0  }
0xa5: {  	s15 =	sadd.s32 s11, s22;
	[sflag:s25] =	ssyncadd.s32 $0xFFFFFFB0  }
0xa6: {  	[tilespmem:s28], [sflag:$0x2] =	stream.linear.gather [hbm4b:s15+s5], $0x50, $0x38;
	[tilespmem:$0xD68] =	vst v63  }
0xa7: {  	_ =	swait.ge [sflag:s25], $0x50  }
0xa8: {  	[sflag:s25] =	ssyncset.done $0x0  }
0xa9: {  	s14 =	sadd.s32 s11, s21;
	[sflag:s25] =	ssyncadd.s32 $0xFFFFFFB0  }
0xaa: {  	[tilespmem:s29], [sflag:$0x2] =	stream.linear.gather [hbm4b:s14+s5], $0x50, $0x38;
	[tilespmem:$0xD68] =	vst v63  }
0xab: {  	_ =	swait.ge [sflag:s25], $0x50  }
0xac: {  	[sflag:s25] =	ssyncset.done $0x0  }
0xad: {  	[sflag:s25] =	ssyncadd.s32 $0xFFFFFFB0  }
0xae: {  	[spmem:s1] =	stream.indirect.scatter.add.f32 [tilespmem:s5], [sflag:$0x1], $0x1, s26, s30, $0xb8;
	[tilespmem:$0xD68] =	vst v63  }
0xaf: {  	_ = 	snop  }
0xb0: {  	[spmem:s2] =	stream.indirect.scatter.add.f32 [tilespmem:s5], [sflag:$0x1], $0x1, s28, s30, $0xb8;
	[tilespmem:$0xD68] =	vst v63  }
0xb1: {  	_ = 	snop  }
0xb2: {  	[spmem:s4] =	stream.indirect.scatter.add.f32 [tilespmem:s5], [sflag:$0x1], $0x1, s29, s30, $0xb8;
	[tilespmem:$0xD68] =	vst v63  }
0xb3: {  	_ =	swait.ge @!p0 [sflag:s12], $0x50  }
0xb4: {  	[sflag:s12] =	ssyncset.done @!p0 $0x0  }
0xb5: {  	[sflag:s12] =	ssyncadd.s32 @!p0 $0xFFFFFFB0  }
0xb6: {  	_ =	swait.ge @!p0 [sflag:s12], $0x50  }
0xb7: {  	[sflag:s12] =	ssyncset.done @!p0 $0x0  }
0xb8: {  	[sflag:s12] =	ssyncadd.s32 @!p0 $0xFFFFFFB0  }
0xb9: {  	_ =	swait.ge @!p0 [sflag:s12], $0x50  }
0xba: {  	[sflag:s12] =	ssyncset.done @!p0 $0x0  }
0xbb: {  	s15 =	sadd.s32 s11, s20;
	[sflag:s12] =	ssyncadd.s32 @!p0 $0xFFFFFFB0  }
0xbc: {  	[tilespmem:s31], [sflag:$0x2] =	stream.linear.gather [hbm4b:s15+s5], $0x50, $0x38;
	[tilespmem:$0xD68] =	vst v63  }
0xbd: {  	_ =	swait.ge [sflag:s25], $0x50  }
0xbe: {  	[sflag:s25] =	ssyncset.done $0x0  }
0xbf: {  	s13 =	sadd.s32 s11, s19;
	[sflag:s25] =	ssyncadd.s32 $0xFFFFFFB0  }
0xc0: {  	[tilespmem:s0], [sflag:$0x2] =	stream.linear.gather [hbm4b:s13+s5], $0x50, $0x38;
	[tilespmem:$0xD68] =	vst v63  }
0xc1: {  	_ =	swait.ge [sflag:s25], $0x50  }
0xc2: {  	[sflag:s25] =	ssyncset.done $0x0  }
0xc3: {  	s14 =	sadd.s32 s11, s18;
	[sflag:s25] =	ssyncadd.s32 $0xFFFFFFB0  }
0xc4: {  	[tilespmem:s3], [sflag:$0x2] =	stream.linear.gather [hbm4b:s14+s5], $0x50, $0x38;
	[tilespmem:$0xD68] =	vst v63  }
0xc5: {  	_ =	swait.ge [sflag:s25], $0x50  }
0xc6: {  	[sflag:s25] =	ssyncset.done $0x0  }
0xc7: {  	[sflag:s25] =	ssyncadd.s32 $0xFFFFFFB0  }
0xc8: {  	[spmem:s1] =	stream.indirect.scatter.add.f32 [tilespmem:s5], [sflag:$0x1], $0x1, s31, s30, $0xb8;
	[tilespmem:$0xD68] =	vst v63  }
0xc9: {  	_ = 	snop  }
0xca: {  	[spmem:s2] =	stream.indirect.scatter.add.f32 [tilespmem:s5], [sflag:$0x1], $0x1, s0, s30, $0xb8;
	[tilespmem:$0xD68] =	vst v63  }
0xcb: {  	_ = 	snop  }
0xcc: {  	[spmem:s4] =	stream.indirect.scatter.add.f32 [tilespmem:s5], [sflag:$0x1], $0x1, s3, s30, $0xb8;
	[tilespmem:$0xD68] =	vst v63  }
0xcd: {  	_ =	swait.ge [sflag:s6], $0x50  }
0xce: {  	[sflag:s6] =	ssyncset.done $0x0  }
0xcf: {  	[sflag:s6] =	ssyncadd.s32 $0xFFFFFFB0  }
0xd0: {  	_ =	swait.ge [sflag:s6], $0x50  }
0xd1: {  	[sflag:s6] =	ssyncset.done $0x0  }
0xd2: {  	[sflag:s6] =	ssyncadd.s32 $0xFFFFFFB0  }
0xd3: {  	_ =	swait.ge [sflag:s6], $0x50  }
0xd4: {  	[sflag:s6] =	ssyncset.done $0x0  }
0xd5: {  	s15 =	rddreg [dreg:$0x8];
	[sflag:s6] =	ssyncadd.s32 $0xFFFFFFB0  }
0xd6: {  	[tilespmem:s26], [sflag:$0x2] =	stream.linear.gather [hbm4b:s15+s5], $0x50, $0x38;
	[tilespmem:$0xD68] =	vst v63  }
0xd7: {  	_ =	swait.ge [sflag:s25], $0x50  }
0xd8: {  	[sflag:s25] =	ssyncset.done $0x0  }
0xd9: {  	s12 =	rddreg [dreg:$0x9];
	[sflag:s25] =	ssyncadd.s32 $0xFFFFFFB0  }
0xda: {  	[tilespmem:s28], [sflag:$0x2] =	stream.linear.gather [hbm4b:s12+s5], $0x50, $0x38;
	[tilespmem:$0xD68] =	vst v63  }
0xdb: {  	_ =	swait.ge [sflag:s25], $0x50  }
0xdc: {  	[sflag:s25] =	ssyncset.done $0x0  }
0xdd: {  	s13 =	rddreg [dreg:$0xa];
	[sflag:s25] =	ssyncadd.s32 $0xFFFFFFB0  }
0xde: {  	[tilespmem:s29], [sflag:$0x2] =	stream.linear.gather [hbm4b:s13+s5], $0x50, $0x38;
	[tilespmem:$0xD68] =	vst v63  }
0xdf: {  	_ =	swait.ge [sflag:s25], $0x50  }
0xe0: {  	[sflag:s25] =	ssyncset.done $0x0  }
0xe1: {  	[sflag:s25] =	ssyncadd.s32 $0xFFFFFFB0  }
0xe2: {  	[spmem:s1] =	stream.indirect.scatter.add.f32 [tilespmem:s5], [sflag:$0x1], $0x1, s26, s30, $0xb8;
	[tilespmem:$0xD68] =	vst v63  }
0xe3: {  	_ = 	snop  }
0xe4: {  	[spmem:s2] =	stream.indirect.scatter.add.f32 [tilespmem:s5], [sflag:$0x1], $0x1, s28, s30, $0xb8;
	[tilespmem:$0xD68] =	vst v63  }
0xe5: {  	_ = 	snop  }
0xe6: {  	[spmem:s4] =	stream.indirect.scatter.add.f32 [tilespmem:s5], [sflag:$0x1], $0x1, s29, s30, $0xb8;
	[tilespmem:$0xD68] =	vst v63  }
0xe7: {  	_ =	swait.ge [sflag:s6], $0x50  }
0xe8: {  	[sflag:s6] =	ssyncset.done $0x0  }
0xe9: {  	[sflag:s6] =	ssyncadd.s32 $0xFFFFFFB0  }
0xea: {  	_ =	swait.ge [sflag:s6], $0x50  }
0xeb: {  	[sflag:s6] =	ssyncset.done $0x0  }
0xec: {  	[sflag:s6] =	ssyncadd.s32 $0xFFFFFFB0  }
0xed: {  	_ =	swait.ge [sflag:s6], $0x50  }
0xee: {  	[sflag:s6] =	ssyncset.done $0x0  }
0xef: {  	[sflag:s6] =	ssyncadd.s32 $0xFFFFFFB0  }
0xf0: {  	_ =	swait.ge [sflag:s6], $0x50  }
0xf1: {  	[sflag:s6] =	ssyncset.done $0x0  }
0xf2: {  	[sflag:s6] =	ssyncadd.s32 $0xFFFFFFB0  }
0xf3: {  	_ =	swait.ge [sflag:s6], $0x50  }
0xf4: {  	[sflag:s6] =	ssyncset.done $0x0  }
0xf5: {  	[sflag:s6] =	ssyncadd.s32 $0xFFFFFFB0  }
0xf6: {  	_ =	swait.ge [sflag:s6], $0x50  }
0xf7: {  	[sflag:s6] =	ssyncset.done $0x0  }
0xf8: {  	[sflag:s6] =	ssyncadd.s32 $0xFFFFFFB0  }
0xf9: {  	[bflag:$0x0] =	sbarrier.arrive $0xFFFF  }
0xfa: {  	[tilespmem:s24], [sflag:$0x2] =	stream.linear.gather [spmem:s8], $0x278, $0x38;
	[tilespmem:$0xD68] =	vst v63  }
0xfb: {  	_ =	swait.ge [sflag:s25], $0x278  }
0xfc: {  	[sflag:s25] =	ssyncset.done $0x0  }
0xfd: {  	s14 =	rddreg [dreg:$0xb];
	[sflag:s25] =	ssyncadd.s32 $0xFFFFFD88  }
0xfe: {  	[hbm4b:s14+s5] =	stream.linear.scatter [tilespmem:s24], [sflag:$0x2], $0x278, $0x38;
	[tilespmem:$0xD68] =	vst v63  }
0xff: {  	_ =	swait.ge [sflag:s25], $0x278  }
0x100: {  	[sflag:s25] =	ssyncset.done $0x0  }
0x101: {  	[sflag:s25] =	ssyncadd.s32 $0xFFFFFD88  }
0x102: {  	[tilespmem:s24], [sflag:$0x2] =	stream.linear.gather [spmem:s9], $0x278, $0x38;
	[tilespmem:$0xD68] =	vst v63  }
0x103: {  	_ =	swait.ge [sflag:s25], $0x278  }
0x104: {  	[sflag:s25] =	ssyncset.done $0x0  }
0x105: {  	s15 =	rddreg [dreg:$0xc];
	[sflag:s25] =	ssyncadd.s32 $0xFFFFFD88  }
0x106: {  	[hbm4b:s15+s5] =	stream.linear.scatter [tilespmem:s24], [sflag:$0x2], $0x278, $0x38;
	[tilespmem:$0xD68] =	vst v63  }
0x107: {  	_ =	swait.ge [sflag:s25], $0x278  }
0x108: {  	[sflag:s25] =	ssyncset.done $0x0  }
0x109: {  	[sflag:s25] =	ssyncadd.s32 $0xFFFFFD88  }
0x10a: {  	[tilespmem:s24], [sflag:$0x2] =	stream.linear.gather [spmem:s10], $0x278, $0x38;
	[tilespmem:$0xD68] =	vst v63  }
0x10b: {  	s7 =	sadd.s32 $0x1, s7;
	_ =	swait.ge [sflag:s25], $0x278  }
0x10c: {  	p0 =	sne.s32 s7, s17;
	[sflag:s25] =	ssyncset.done $0x0  }
.Ltmp1:
0x10d: {  	[sflag:s25] =	ssyncadd.s32 $0xFFFFFD88;
	(pc) =	sbr.rel @p0 .LBB2_1-.Ltmp1, $4  }
0x10e: {  	[hbm4b:s16+s5] =	stream.linear.scatter [tilespmem:s24], [sflag:$0x2], $0x278, $0x38;
	[tilespmem:$0xD68] =	vst v63  }
0x10f: {  	_ =	swait.ge [sflag:s25], $0x278  }
0x110: {  	[sflag:s25] =	ssyncset.done $0x0  }
0x111: {  	[sflag:s25] =	ssyncadd.s32 $0xFFFFFD88  }
0x112: {  	_ =	sfence.sel $0x180000  }
0x113: {  	[bflag:$0x0] =	sbarrier.arrive $0xFFFF  }
0x114: {  	_ =	strace $0x90000047  }
0x115: {  	s0 =	stileid.u32;
	[bflag:$0x2] =	sbarrier.arrive $0xFFFF  }
0x116: {  	p0 =	sne.s32 s0, $0x0;
	s0 =	rddreg [dreg:$0x5]  }
0x117: {  	s0 =	sadd.s32 @!p0 $0x100000, s0  }
0x118: {  	[sflag:s0] =	ssyncadd.tile.s32 @!p0 $0x1;
	_ =	shalt  }
.Lfunc_end2:
_tile_overlayer_lowered:
.L_overlay_start_2:
0x119: {  	(tag) =	ssettag $0x2  }
0x11a: {  	s0 =	rddreg [dreg:$0x0];
	s2 =	stileid.u32  }
0x11b: {  	s1 =	rddreg [dreg:$0x1];
	p0 =	sne.s32 s2, $0x0  }
0x11c: {  	s3 =	rddreg [dreg:$0x2];
	[bflag:$0x3] =	sbarrier.arrive $0xFFFF;
	s2 =	simm.s32 @!p0 $0x1C02  }
0x11d: {  	[timem:s3], [sflag:s2] =	dma.local @!p0 [hbm:s0], s1  }
0x11e: {  	s0 =	simm.s32 @!p0 $0x2  }
0x11f: {  	_ =	swait.ge @!p0 [sflag:s0], s1  }
0x120: {  	s1 =	ssub.s32 @!p0 $0x0, s1;
	[sflag:s0] =	ssyncset.done @!p0 $0x0  }
0x121: {  	[sflag:s0] =	ssyncadd.s32 @!p0 s1  }
0x122: {  	[bflag:$0x3] =	sbarrier.arrive $0xFFFF  }
0x123: {  	_ =	shalt  }

// kernel: kernel.21.cloned.1.call-start
scs
__scs_entry_jumppad:
0x0: {  	(pc) =	sbr.rel $0x88, $3  }
0x1: {  	(tag) =	ssettag $0x0;
	lr =	simm.s32 $0x1  }
0x2: {  	[smem:$0x3F8E] =	sst lr;
	_ =	strace $0xD0000000  }
0x3: {  	_ = 	snop  }
0x4: {  	_ = 	snop  }
0x5: {  	_ = 	snop  }
0x6: {  	_ = 	snop  }
0x7: {  	_ = 	snop  }
__scs_overlays_trampoline_lowered:
0x8: {  	[smem:$0x3F9D] =	sst s0  }
0x9: {  	[smem:$0x3F9E] =	sst s1  }
0xa: {  	[smem:$0x3F9F] =	sst s2  }
0xb: {  	[smem:$0x3FA0] =	sst s3  }
0xc: {  	[smem:$0x3FA1] =	sst s4  }
0xd: {  	[smem:$0x3FA2] =	sst s5  }
0xe: {  	[smem:$0x3FA3] =	sst s6  }
0xf: {  	[smem:$0x3FA4] =	sst s7  }
0x10: {  	[smem:$0x3FA5] =	sst s8  }
0x11: {  	[smem:$0x3FA6] =	sst s9;
	s0 =	simm.s32 @!p0 $0x0  }
0x12: {  	s1 =	sld [smem:$0x3F8C];
	s0 =	simm.s32 @p0 $0x1  }
0x13: {  	[smem:$0x3FA7] =	sst s0;
	s0 =	simm.s32 @!p1 $0x0  }
0x14: {  	s2 =	sld [smem:$0x3F8B];
	s0 =	simm.s32 @p1 $0x1  }
0x15: {  	[smem:$0x3FA8] =	sst s0;
	s0 =	simm.s32 @!p2 $0x0  }
0x16: {  	s3 =	sld [smem:$0x3FDB];
	s0 =	simm.s32 @p2 $0x1  }
0x17: {  	s4 =	simm.s32 $0x1BF5;
	[smem:$0x3FAA] =	sst s0  }
0x18: {  	s0 =	sld [smem:$0x3F8D];
	_ =	swait.ge [sflag:s4], $0x0  }
0x19: {  	s7 =	sld [smem:$0x3F8E]  }
0x1a: {  	s8 =	sadd.s32 $0xFFFFE003, lr  }
0x1b: {  	s9 =	sadd.s32 $0xFFFFFEF7, lr;
	s5 =	simm.s32 $0xFFFFFFFF;
	p2 =	slt.u32 s8, $0xFFFFF086  }
0x1c: {  	p1 =	slt.u32 s9, $0xF7A;
	s5 =	simm.s32 @!p2 $0x0  }
0x1d: {  	s5 =	simm.s32 @p1 $0x1;
	p0 =	seq.s32 s7, s2  }
0x1e: {  	s7 =	smul.u32 @!p0 $0xF7A, s2;
	p2 =	seq.s32 @!p0 s5, $0x0  }
0x1f: {  	s9 =	smul.u32 $0xF7A, s1;
	s8 =	simm.s32 @!p0 $0x1BF5;
	p2 =	por !p2, p0  }
0x20: {  	[sflag:s8] =	ssyncset.s32 @!p0 $0xFFFFF086;
	s6 =	sadd.s32 @!p0 s3, s7;
	s7 =	simm.s32 @!p0 $0x108  }
0x21: {  	s3 =	sadd.s32 s3, s9;
	s6 =	sadd.s32 @!p0 $0x88, s6;
	s7 =	simm.s32 @p2 $0x1082  }
0x22: {  	[simem:s7], [sflag:s8] =	dma.local @!p0 [hbm:s6], $0xF7A  }
0x23: {  	s9 =	sor.u32 $0xD0000000, s2;
	s6 =	simm.s32 $0x108;
	_ =	swait.ge @!p0 [sflag:s8], $0x0  }
0x24: {  	s3 =	sadd.s32 $0x88, s3;
	s6 =	simm.s32 @!p1 $0x1082;
	[sflag:s4] =	ssyncset.s32 $0xFFFFF086  }
0x25: {  	[simem:s6], [sflag:s4] =	dma.local [hbm:s3], $0xF7A  }
0x26: {  	[smem:$0x3F8E] =	sst s1;
	(tag) =	ssettag s2;
	_ =	strace s9  }
0x27: {  	s1 =	sld [smem:$0x3F9E]  }
0x28: {  	s2 =	sld [smem:$0x3F9F]  }
0x29: {  	s4 =	sld [smem:$0x3FA1]  }
0x2a: {  	p0 =	seq.s32 s5, $0x0;
	s5 =	sld [smem:$0x3FA2]  }
0x2b: {  	s6 =	sld [smem:$0x3FA3]  }
0x2c: {  	s7 =	sld [smem:$0x3FA4]  }
0x2d: {  	s3 =	simm.s32 $0x108;
	s8 =	sld [smem:$0x3FA5]  }
0x2e: {  	s3 =	simm.s32 @!p0 $0x1082;
	s9 =	sld [smem:$0x3FA6]  }
0x2f: {  	lr =	sadd.s32 s0, s3;
	s0 =	sld [smem:$0x3F9D]  }
0x30: {  	s3 =	sld [smem:$0x3FA0]  }
0x31: {  	[smem:$0x3FA9] =	sst s10  }
0x32: {  	s10 =	sld [smem:$0x3FA7];
	_ =	sdelay $0x3  }
0x33: {  	p0 =	seq.s32 s10, $0x1;
	s10 =	sld [smem:$0x3FA9];
	_ =	sdelay $0x3  }
0x34: {  	[smem:$0x3FA9] =	sst s10  }
0x35: {  	s10 =	sld [smem:$0x3FA8];
	_ =	sdelay $0x3  }
0x36: {  	p1 =	seq.s32 s10, $0x1;
	s10 =	sld [smem:$0x3FA9];
	_ =	sdelay $0x3  }
0x37: {  	[smem:$0x3FA9] =	sst s10  }
0x38: {  	s10 =	sld [smem:$0x3FAA]  }
0x39: {  	_ = 	snop;
	(pc) =	sbr.ind lr, $3  }
0x3a: {  	_ = 	snop  }
0x3b: {  	_ = 	snop  }
0x3c: {  	p2 =	seq.s32 s10, $0x1;
	s10 =	sld [smem:$0x3FA9]  }
0x3d: {  	_ =	shalt  }
0x3e: {  	_ =	shalt  }
0x3f: {  	_ =	shalt  }
0x40: {  	_ =	shalt  }
0x41: {  	_ =	shalt  }
0x42: {  	_ =	shalt  }
0x43: {  	_ =	shalt  }
0x44: {  	_ =	shalt  }
0x45: {  	_ =	shalt  }
0x46: {  	_ =	shalt  }
0x47: {  	_ =	shalt  }
0x48: {  	_ =	shalt  }
0x49: {  	_ =	shalt  }
0x4a: {  	_ =	shalt  }
0x4b: {  	_ =	shalt  }
0x4c: {  	_ =	shalt  }
0x4d: {  	_ =	shalt  }
0x4e: {  	_ =	shalt  }
0x4f: {  	_ =	shalt  }
0x50: {  	_ =	shalt  }
0x51: {  	_ =	shalt  }
0x52: {  	_ =	shalt  }
0x53: {  	_ =	shalt  }
0x54: {  	_ =	shalt  }
0x55: {  	_ =	shalt  }
0x56: {  	_ =	shalt  }
0x57: {  	_ =	shalt  }
0x58: {  	_ =	shalt  }
0x59: {  	_ =	shalt  }
0x5a: {  	_ =	shalt  }
0x5b: {  	_ =	shalt  }
0x5c: {  	_ =	shalt  }
0x5d: {  	_ =	shalt  }
0x5e: {  	_ =	shalt  }
0x5f: {  	_ =	shalt  }
0x60: {  	_ =	shalt  }
0x61: {  	_ =	shalt  }
0x62: {  	_ =	shalt  }
0x63: {  	_ =	shalt  }
0x64: {  	_ =	shalt  }
0x65: {  	_ =	shalt  }
0x66: {  	_ =	shalt  }
0x67: {  	_ =	shalt  }
0x68: {  	_ =	shalt  }
0x69: {  	_ =	shalt  }
0x6a: {  	_ =	shalt  }
0x6b: {  	_ =	shalt  }
0x6c: {  	_ =	shalt  }
0x6d: {  	_ =	shalt  }
0x6e: {  	_ =	shalt  }
0x6f: {  	_ =	shalt  }
0x70: {  	_ =	shalt  }
0x71: {  	_ =	shalt  }
0x72: {  	_ =	shalt  }
0x73: {  	_ =	shalt  }
0x74: {  	_ =	shalt  }
0x75: {  	_ =	shalt  }
0x76: {  	_ =	shalt  }
0x77: {  	_ =	shalt  }
0x78: {  	_ =	shalt  }
0x79: {  	_ =	shalt  }
0x7a: {  	_ =	shalt  }
0x7b: {  	_ =	shalt  }
0x7c: {  	_ =	shalt  }
0x7d: {  	_ =	shalt  }
0x7e: {  	_ =	shalt  }
0x7f: {  	_ =	shalt  }
0x80: {  	_ =	shalt  }
0x81: {  	_ =	shalt  }
0x82: {  	_ =	shalt  }
0x83: {  	_ =	shalt  }
0x84: {  	_ =	shalt  }
0x85: {  	_ =	shalt  }
0x86: {  	_ =	shalt  }
0x87: {  	_ =	shalt  }
.Lfunc_end0:
.L_simem_size_0:
called_computation.1_lowered:
.L_overlay_start_0:
0x88: {  	s2 =	sld [smem:$0x3FD9]  }
0x89: {  	s3 =	sld [smem:$0x3FFE];
	_ =	sdelay $0x1  }
0x8a: {  	s1 =	srdreg.scid  }
0x8b: {  	s0 =	sand.u32 $0x1, s1  }
0x8c: {  	s17 =	sshll.u32 s0, $0xA;
	s2 =	sadd.s32 s3, s2  }
0x8d: {  	s2 =	sadd.s32 s2, s17  }
0x8e: {  	[smem:$0x3FB5] =	sst s2  }
0x8f: {  	_ = 	snop  }
0x90: {  	s18 =	sld [smem:$0x3FD0];
	(tm) =	ssettm $0x1  }
0x91: {  	s19 =	sld [smem:$0x3FFB];
	_ =	sdelay $0x3  }
0x92: {  	_ =	strace s19  }
0x93: {  	s2 =	sld [smem:$0x3FFC];
	_ =	sdelay $0x3  }
0x94: {  	_ =	strace s2  }
0x95: {  	s2 =	sld [smem:$0x3FFD];
	_ =	sdelay $0x3  }
0x96: {  	_ =	strace s2  }
0x97: {  	_ =	strace $0x8FFFFFFF  }
0x98: {  	s20 =	sld [smem:$0x3FDB];
	_ =	sdelay $0x1  }
0x99: {  	s4 =	simm.s32 $_scs_section_size  }
0x9a: {  	s5 =	simm.s32 $_size__tile_overlayer_lowered;
	s6 =	simm.s32 $_tile_overlayer_lowered  }
0x9b: {  	s7 =	simm.s32 $0x1BFF;
	s21 =	sshll.u32 s6, $0x1;
	s4 =	sadd.s32 s4, s20  }
0x9c: {  	s22 =	simm.s32 $0x0;
	s5 =	sshll.u32 s5, $0x1;
	s6 =	sadd.s32 s21, s4  }
0x9d: {  	[timem:s22], [sflag:s7] =	dma.local [hbm:s6], s5  }
0x9e: {  	_ =	swait.ge [sflag:s7], s5  }
0x9f: {  	s5 =	ssub.s32 $0x0, s5;
	[sflag:s7] =	ssyncset.done $0x0  }
0xa0: {  	[sflag:s7] =	ssyncadd.s32 s5;
	_ =	sdelay $0x1  }
0xa1: {  	s23 =	simm.s32 $0x1B8B  }
0xa2: {  	_ =	swait.ge [sflag:s23], $0x1  }
0xa3: {  	[sflag:s23] =	ssyncset.done $0x0  }
0xa4: {  	[sflag:s23] =	ssyncadd.s32 $0xFFFFFFFF  }
0xa5: {  	s5 =	sld [smem:$0x0]  }
0xa6: {  	s6 =	sand.u32 $0xFFFFFFFE, s1  }
0xa7: {  	p0 =	sne.s32 s1, s6  }
0xa8: {  	s6 =	sshll.u32 @p0 s6, $0xE  }
0xa9: {  	s6 =	sadd.s32 @p0 $0x11B8D, s6;
	s7 =	sshll.u32 @p0 s5, $0x11  }
0xaa: {  	s6 =	sor.u32 @p0 s7, s6  }
0xab: {  	[sflag:s6] =	ssyncadd.remote.s32 @p0 $0x1;
	_ =	sdelay $0x1  }
0xac: {  	s6 =	simm.s32 @p0 $0x1B8D  }
0xad: {  	_ =	swait.eq @p0 [sflag:s6], $0x1  }
0xae: {  	[sflag:s6] =	ssyncadd.s32 @p0 $0xFFFFFFFF  }
0xaf: {  	s7 =	sshll.u32 @!p0 s1, $0xE  }
0xb0: {  	s7 =	sor.u32 @!p0 $0x4000, s7;
	s6 =	simm.s32 @!p0 $0x1B8D  }
0xb1: {  	s5 =	sshll.u32 @!p0 s5, $0x11;
	s7 =	sadd.s32 @!p0 $0x11B8D, s7;
	_ =	swait.eq @!p0 [sflag:s6], $0x1  }
0xb2: {  	s5 =	sor.u32 @!p0 s5, s7;
	[sflag:s6] =	ssyncadd.s32 @!p0 $0xFFFFFFFF  }
0xb3: {  	s25 =	simm.s32 $0x1B8E;
	s24 =	sld [smem:$0x3FFE];
	[sflag:s5] =	ssyncadd.remote.s32 @!p0 $0x1  }
0xb4: {  	s26 =	simm.s32 $execute0_lowered;
	[smem:$0x3FD2] =	sst s25  }
0xb5: {  	s6 =	sshll.u32 s26, $0x1;
	_ =	strace $0x8000004F;
	[dreg:$0x1] =	wrdreg $0xFFFFFFFF  }
0xb6: {  	s28 =	simm.s32 $_size_execute0_lowered;
	s4 =	sadd.s32 s4, s6;
	[dreg:$0x0] =	wrdreg $0x0  }
0xb7: {  	s6 =	sshll.u32 s28, $0x1;
	[dreg:$0x2] =	wrdreg s4  }
0xb8: {  	[dreg:$0x3] =	wrdreg s6  }
0xb9: {  	[dreg:$0x4] =	wrdreg $0xC0  }
0xba: {  	_ =	task [dreg:s22], $0x5FFFF  }
0xbb: {  	[dreg:$0x1] =	wrdreg $0xFFFFFFFF  }
0xbc: {  	[dreg:$0x0] =	wrdreg $0x60  }
0xbd: {  	[dreg:$0x2] =	wrdreg s18  }
0xbe: {  	[dreg:$0x3] =	wrdreg s24  }
0xbf: {  	[dreg:$0x4] =	wrdreg $0x62000  }
0xc0: {  	[dreg:$0x5] =	wrdreg $0x9  }
0xc1: {  	_ =	task.clear_ibuf [dreg:s22], $0x6FFFF;
	_ =	strace $0x9000004F  }
0xc2: {  	s29 =	simm.s32 $0x9;
	_ =	strace $0x80000051  }
0xc3: {  	_ =	swait.ge [sflag:s29], $0x1  }
0xc4: {  	[sflag:s29] =	ssyncadd.s32 $0xFFFFFFFF  }
0xc5: {  	_ =	strace $0x90000051  }
0xc6: {  	_ =	sfence  }
0xc7: {  	s30 =	sld [smem:$0x0];
	_ =	sdelay $0x2  }
0xc8: {  	s31 =	sshll.u32 s1, $0xD;
	s1 =	sshrl.u32 s1, $0x2  }
0xc9: {  	s4 =	sand.u32 $0x4000, s31;
	s1 =	sadd.s32 s1, s30  }
0xca: {  	s0 =	sor.u32 s4, s0;
	s1 =	sshll.u32 s1, $0x11  }
0xcb: {  	s0 =	sor.u32 s1, s0  }
0xcc: {  	s0 =	sadd.s32 $0x8F2B, s0  }
0xcd: {  	[sflag:s0] =	ssyncadd.remote.s32 $0x1  }
0xce: {  	_ =	sfence.sel $0xFFFF  }
0xcf: {  	[dreg:$0x0] =	wrdreg $0xFFFFFFFF;
	(pc) =	sbr.abs _section_cstart, $3  }
0xd0: {  	[dreg:$0x1] =	wrdreg $0xFFFFFFFF  }
0xd1: {  	_ =	task.clear_ibuf [dreg:s22], $0x2FFFF;
	_ =	strace $0x9FFFFFFF  }
0xd2: {  	(tm) =	ssettm $0x7FFFFFFF  }
0xd3: {  	_ =	shalt  }
tec
execute0_lowered:
.L_overlay_start_1:
0x0: {  	(tag) =	ssettag $0x1  }
0x1: {  	s2 =	rddreg [dreg:$0x0]  }
0x2: {  	s0 =	rddreg [dreg:$0x1]  }
0x3: {  	s3 =	rddreg [dreg:$0x2]  }
0x4: {  	s1 =	stileid.u32;
	s5 =	srdreg.scid;
	s4 =	simm.s32 $0x0  }
0x5: {  	s28 =	simm.s32 $0x3200;
	s29 =	simm.s32 $0x2;
	s6 =	smul.u32 $0x13C00, s1  }
0x6: {  	s30 =	simm.s32 $0x0;
	s8 =	sand.u32 $0x1, s5;
	s9 =	smul.u32 $0x4F000, s1  }
0x7: {  	[smem:$0x7FF] =	sst s4;
	s19 =	sadd.s32 $0x10600, s0;
	s15 =	smul.u32 $0x2760, s1  }
0x8: {  	s18 =	sadd.s32 $0x6800, s0;
	s24 =	sshll.u32 s1, $0x6;
	s5 =	smul.u32 $0x13C000, s8  }
0x9: {  	_ =	strace $0x80000050;
	s20 =	ssub.s32 $0x2, s8;
	s10 =	sshll.u32 s8, $0x4  }
0xa: {  	s14 =	smul.u32 $0x27600, s8;
	s7 =	sshrl.u32 s6, $0x3;
	s21 =	sshrl.u32 s20, $0x1  }
0xb: {  	s10 =	sor.u32 s1, s10;
	s22 =	sshrl.u32 s9, $0x2;
	s5 =	sadd.s32 s6, s5  }
0xc: {  	s17 =	sadd.s32 s7, s0;
	s11 =	ssub.s32 s20, s21;
	s23 =	smul.u32 $0x2760, s10  }
0xd: {  	s7 =	sor.u32 $0x1C03, s24;
	s21 =	simm.s32 $0x80;
	s24 =	simm.s32 $0x100  }
0xe: {  	s5 =	sshrl.u32 s5, $0x3;
	s6 =	sadd.s32 $0x92C00, s17;
	s11 =	smax.u32 s11, $0x1  }
0xf: {  	s17 =	sadd.s32 s15, s14;
	s0 =	sadd.s32 s5, s0;
	s5 =	sadd.s32 s22, s3  }
0x10: {  	s13 =	sshrl.u32 s23, $0x3;
	s26 =	sadd.s32 $0x180, s17;
	s20 =	sadd.s32 $0x120, s17  }
0x11: {  	s22 =	simm.s32 $0x60;
	s23 =	simm.s32 $0x200;
	[dreg:$0x4] =	wrdreg s5  }
0x12: {  	s8 =	sadd.s32 s19, s13;
	s9 =	sadd.s32 s18, s13;
	s10 =	sadd.s32 $0x109400, s0  }
0x13: {  	s25 =	sadd.s32 $0xC, s13;
	s16 =	sadd.s32 $0x18, s13;
	s0 =	sshrl.u32 s26, $0x3  }
0x14: {  	s31 =	sshrl.u32 s20, $0x3;
	s20 =	simm.s32 $0x3;
	s26 =	simm.s32 $0x1  }
0x15: {  	s12 =	sadd.s32 s19, s25;
	s13 =	sadd.s32 s18, s25;
	s14 =	sadd.s32 s19, s16  }
0x16: {  	s15 =	sadd.s32 s18, s16;
	s16 =	sadd.s32 s0, s18;
	s17 =	sadd.s32 s0, s19  }
0x17: {  	s18 =	sadd.s32 s31, s18;
	s19 =	sadd.s32 s31, s19;
	s25 =	simm.s32 $0x180  }
.LBB2_1:
0x18: {  	s0 =	rddreg [dreg:$0x4]  }
0x19: {  	s31 =	sshrl.u32 s0, $0x3  }
0x1a: {  	[spmem:s31], [sflag:s7] =	dma.local [hbm:s6], $0x2780  }
0x1b: {  	_ =	swait.ge [sflag:s20], $0x2780  }
0x1c: {  	[sflag:s20] =	ssyncset.done $0x0  }
0x1d: {  	[sflag:s20] =	ssyncadd.s32 $0xFFFFD880  }
0x1e: {  	[bflag:$0x0] =	sbarrier.arrive $0xFFFF  }
0x1f: {  	[tilespmem:s4], [sflag:$0x3] =	stream.linear.gather [hbm4b:s8+s4], $0x60, $0x38;
	[tilespmem:$0x19E00] =	vst v63  }
0x20: {  	_ =	swait.ge [sflag:s20], $0x60  }
0x21: {  	[sflag:s20] =	ssyncset.done $0x0  }
0x22: {  	[sflag:s20] =	ssyncadd.s32 $0xFFFFFFA0  }
0x23: {  	[tilespmem:s21], [sflag:$0x3] =	stream.linear.gather [hbm4b:s9+s4], $0x60, $0x38;
	[tilespmem:$0x19E00] =	vst v63  }
0x24: {  	_ =	swait.ge [sflag:s20], $0x60  }
0x25: {  	[sflag:s20] =	ssyncset.done $0x0  }
0x26: {  	[sflag:s20] =	ssyncadd.s32 $0xFFFFFFA0  }
0x27: {  	[tilespmem:s23], [sflag:$0x1] =	stream.indirect.gather [hbm4b:s2+s22], $0x80, s4, s22, $0xb8;
	[tilespmem:$0x19E00] =	vst v63  }
0x28: {  	_ = 	snop  }
0x29: {  	[tilespmem:s24], [sflag:$0x3] =	stream.linear.gather [hbm4b:s12+s4], $0x60, $0x38;
	[tilespmem:$0x19E00] =	vst v63  }
0x2a: {  	_ =	swait.ge [sflag:s20], $0x60  }
0x2b: {  	[sflag:s20] =	ssyncset.done $0x0  }
0x2c: {  	[sflag:s20] =	ssyncadd.s32 $0xFFFFFFA0  }
0x2d: {  	[tilespmem:s25], [sflag:$0x3] =	stream.linear.gather [hbm4b:s13+s4], $0x60, $0x38;
	[tilespmem:$0x19E00] =	vst v63  }
0x2e: {  	_ =	swait.ge [sflag:s20], $0x60  }
0x2f: {  	[sflag:s20] =	ssyncset.done $0x0  }
0x30: {  	[sflag:s20] =	ssyncadd.s32 $0xFFFFFFA0  }
0x31: {  	_ =	swait.ge [sflag:s26], $0x3000  }
0x32: {  	[sflag:s26] =	ssyncset.done $0x0  }
0x33: {  	[sflag:s26] =	ssyncadd.s32 $0xFFFFD000  }
0x34: {  	[spmem:s3] =	stream.indirect.scatter.add.f32 [tilespmem:s23], [sflag:$0x2], $0x80, s21, s22, $0xb8;
	[tilespmem:$0x19E00] =	vst v63  }
0x35: {  	_ = 	snop  }
0x36: {  	[tilespmem:s28], [sflag:$0x1] =	stream.indirect.gather [hbm4b:s2+s22], $0x80, s24, s22, $0xb8;
	[tilespmem:$0x19E00] =	vst v63  }
0x37: {  	_ =	swait.ge [sflag:s29], $0x3000  }
0x38: {  	[sflag:s29] =	ssyncset.done $0x0  }
0x39: {  	[sflag:s29] =	ssyncadd.s32 $0xFFFFD000  }
0x3a: {  	[tilespmem:s4], [sflag:$0x3] =	stream.linear.gather [hbm4b:s14+s4], $0x60, $0x38;
	[tilespmem:$0x19E00] =	vst v63  }
0x3b: {  	_ =	swait.ge [sflag:s20], $0x60  }
0x3c: {  	[sflag:s20] =	ssyncset.done $0x0  }
0x3d: {  	[sflag:s20] =	ssyncadd.s32 $0xFFFFFFA0  }
0x3e: {  	[tilespmem:s21], [sflag:$0x3] =	stream.linear.gather [hbm4b:s15+s4], $0x60, $0x38;
	[tilespmem:$0x19E00] =	vst v63  }
0x3f: {  	_ =	swait.ge [sflag:s20], $0x60  }
0x40: {  	[sflag:s20] =	ssyncset.done $0x0  }
0x41: {  	[sflag:s20] =	ssyncadd.s32 $0xFFFFFFA0  }
0x42: {  	_ =	swait.ge [sflag:s26], $0x3000  }
0x43: {  	[sflag:s26] =	ssyncset.done $0x0  }
0x44: {  	[sflag:s26] =	ssyncadd.s32 $0xFFFFD000  }
0x45: {  	[spmem:s3] =	stream.indirect.scatter.add.f32 [tilespmem:s28], [sflag:$0x2], $0x80, s25, s22, $0xb8;
	[tilespmem:$0x19E00] =	vst v63  }
0x46: {  	_ = 	snop  }
0x47: {  	[tilespmem:s23], [sflag:$0x1] =	stream.indirect.gather [hbm4b:s2+s22], $0x80, s4, s22, $0xb8;
	[tilespmem:$0x19E00] =	vst v63  }
0x48: {  	_ =	swait.ge [sflag:s29], $0x3000  }
0x49: {  	[sflag:s29] =	ssyncset.done $0x0  }
0x4a: {  	s1 =	sadd.s32 $0x0, s19;
	[sflag:s29] =	ssyncadd.s32 $0xFFFFD000  }
0x4b: {  	[tilespmem:s24], [sflag:$0x3] =	stream.linear.gather [hbm4b:s1+s4], $0x60, $0x38;
	[tilespmem:$0x19E00] =	vst v63  }
0x4c: {  	_ =	swait.ge [sflag:s20], $0x60  }
0x4d: {  	[sflag:s20] =	ssyncset.done $0x0  }
0x4e: {  	s5 =	sadd.s32 $0x0, s18;
	[sflag:s20] =	ssyncadd.s32 $0xFFFFFFA0  }
0x4f: {  	[tilespmem:s25], [sflag:$0x3] =	stream.linear.gather [hbm4b:s5+s4], $0x60, $0x38;
	[tilespmem:$0x19E00] =	vst v63  }
0x50: {  	_ =	swait.ge [sflag:s20], $0x60  }
0x51: {  	[sflag:s20] =	ssyncset.done $0x0  }
0x52: {  	[sflag:s20] =	ssyncadd.s32 $0xFFFFFFA0  }
0x53: {  	_ =	swait.ge [sflag:s26], $0x3000  }
0x54: {  	[sflag:s26] =	ssyncset.done $0x0  }
0x55: {  	[sflag:s26] =	ssyncadd.s32 $0xFFFFD000  }
0x56: {  	[spmem:s3] =	stream.indirect.scatter.add.f32 [tilespmem:s23], [sflag:$0x2], $0x80, s21, s22, $0xb8;
	[tilespmem:$0x19E00] =	vst v63  }
0x57: {  	_ = 	snop  }
0x58: {  	[tilespmem:s28], [sflag:$0x1] =	stream.indirect.gather [hbm4b:s2+s22], $0x80, s24, s22, $0xb8;
	[tilespmem:$0x19E00] =	vst v63  }
0x59: {  	_ =	swait.ge [sflag:s29], $0x3000  }
0x5a: {  	[sflag:s29] =	ssyncset.done $0x0  }
0x5b: {  	s1 =	sadd.s32 $0x0, s17;
	[sflag:s29] =	ssyncadd.s32 $0xFFFFD000  }
0x5c: {  	[tilespmem:s4], [sflag:$0x3] =	stream.linear.gather [hbm4b:s1+s4], $0x60, $0x38;
	[tilespmem:$0x19E00] =	vst v63  }
0x5d: {  	_ =	swait.ge [sflag:s20], $0x60  }
0x5e: {  	[sflag:s20] =	ssyncset.done $0x0  }
0x5f: {  	s5 =	sadd.s32 $0x0, s16;
	[sflag:s20] =	ssyncadd.s32 $0xFFFFFFA0  }
0x60: {  	[tilespmem:s21], [sflag:$0x3] =	stream.linear.gather [hbm4b:s5+s4], $0x60, $0x38;
	[tilespmem:$0x19E00] =	vst v63  }
0x61: {  	_ =	swait.ge [sflag:s20], $0x60  }
0x62: {  	[sflag:s20] =	ssyncset.done $0x0  }
0x63: {  	[sflag:s20] =	ssyncadd.s32 $0xFFFFFFA0  }
0x64: {  	_ =	swait.ge [sflag:s26], $0x3000  }
0x65: {  	[sflag:s26] =	ssyncset.done $0x0  }
0x66: {  	s0 =	simm.s32 $0x18;
	[sflag:s26] =	ssyncadd.s32 $0xFFFFD000  }
.LBB2_2:
0x67: {  	[spmem:s3] =	stream.indirect.scatter.add.f32 [tilespmem:s28], [sflag:$0x2], $0x80, s25, s22, $0xb8;
	[tilespmem:$0x19E00] =	vst v63  }
0x68: {  	p0 =	sne.s32 s0, $0x4B0;
	s1 =	smov.u32 s0;
	s0 =	sadd.s32 $0x18, s0  }
0x69: {  	[tilespmem:s23], [sflag:$0x1] =	stream.indirect.gather [hbm4b:s2+s22], $0x80, s4, s22, $0xb8;
	[tilespmem:$0x19E00] =	vst v63  }
0x6a: {  	_ =	swait.ge [sflag:s29], $0x3000  }
0x6b: {  	[sflag:s29] =	ssyncset.done $0x0  }
0x6c: {  	s5 =	sadd.s32 s1, s19;
	[sflag:s29] =	ssyncadd.s32 $0xFFFFD000  }
0x6d: {  	[tilespmem:s24], [sflag:$0x3] =	stream.linear.gather [hbm4b:s5+s4], $0x60, $0x38;
	[tilespmem:$0x19E00] =	vst v63  }
0x6e: {  	_ =	swait.ge [sflag:s20], $0x60  }
0x6f: {  	[sflag:s20] =	ssyncset.done $0x0  }
0x70: {  	s5 =	sadd.s32 s1, s18;
	[sflag:s20] =	ssyncadd.s32 $0xFFFFFFA0  }
0x71: {  	[tilespmem:s25], [sflag:$0x3] =	stream.linear.gather [hbm4b:s5+s4], $0x60, $0x38;
	[tilespmem:$0x19E00] =	vst v63  }
0x72: {  	_ =	swait.ge [sflag:s20], $0x60  }
0x73: {  	[sflag:s20] =	ssyncset.done $0x0  }
0x74: {  	[sflag:s20] =	ssyncadd.s32 $0xFFFFFFA0  }
0x75: {  	_ =	swait.ge [sflag:s26], $0x3000  }
0x76: {  	[sflag:s26] =	ssyncset.done $0x0  }
0x77: {  	[sflag:s26] =	ssyncadd.s32 $0xFFFFD000  }
0x78: {  	[spmem:s3] =	stream.indirect.scatter.add.f32 [tilespmem:s23], [sflag:$0x2], $0x80, s21, s22, $0xb8;
	[tilespmem:$0x19E00] =	vst v63  }
0x79: {  	_ = 	snop  }
0x7a: {  	[tilespmem:s28], [sflag:$0x1] =	stream.indirect.gather [hbm4b:s2+s22], $0x80, s24, s22, $0xb8;
	[tilespmem:$0x19E00] =	vst v63  }
0x7b: {  	_ =	swait.ge [sflag:s29], $0x3000  }
0x7c: {  	[sflag:s29] =	ssyncset.done $0x0  }
0x7d: {  	s5 =	sadd.s32 s1, s17;
	[sflag:s29] =	ssyncadd.s32 $0xFFFFD000  }
0x7e: {  	[tilespmem:s4], [sflag:$0x3] =	stream.linear.gather [hbm4b:s5+s4], $0x60, $0x38;
	[tilespmem:$0x19E00] =	vst v63  }
0x7f: {  	_ =	swait.ge [sflag:s20], $0x60  }
0x80: {  	[sflag:s20] =	ssyncset.done $0x0  }
0x81: {  	s1 =	sadd.s32 s1, s16;
	[sflag:s20] =	ssyncadd.s32 $0xFFFFFFA0  }
0x82: {  	[tilespmem:s21], [sflag:$0x3] =	stream.linear.gather [hbm4b:s1+s4], $0x60, $0x38;
	[tilespmem:$0x19E00] =	vst v63  }
0x83: {  	_ =	swait.ge [sflag:s20], $0x60  }
.Ltmp0:
0x84: {  	[sflag:s20] =	ssyncset.done $0x0;
	(pc) =	sbr.rel @p0 .LBB2_2-.Ltmp0, $4  }
0x85: {  	[sflag:s20] =	ssyncadd.s32 $0xFFFFFFA0  }
0x86: {  	_ =	swait.ge [sflag:s26], $0x3000  }
0x87: {  	[sflag:s26] =	ssyncset.done $0x0  }
0x88: {  	[sflag:s26] =	ssyncadd.s32 $0xFFFFD000  }
0x89: {  	[spmem:s3] =	stream.indirect.scatter.add.f32 [tilespmem:s28], [sflag:$0x2], $0x80, s25, s22, $0xb8;
	[tilespmem:$0x19E00] =	vst v63  }
0x8a: {  	_ = 	snop  }
0x8b: {  	[tilespmem:s23], [sflag:$0x1] =	stream.indirect.gather [hbm4b:s2+s22], $0x80, s4, s22, $0xb8;
	[tilespmem:$0x19E00] =	vst v63  }
0x8c: {  	_ =	swait.ge [sflag:s26], $0x3000  }
0x8d: {  	[sflag:s26] =	ssyncset.done $0x0  }
0x8e: {  	[sflag:s26] =	ssyncadd.s32 $0xFFFFD000  }
0x8f: {  	_ =	swait.ge [sflag:s29], $0x3000  }
0x90: {  	[sflag:s29] =	ssyncset.done $0x0  }
0x91: {  	[sflag:s29] =	ssyncadd.s32 $0xFFFFD000  }
0x92: {  	[spmem:s3] =	stream.indirect.scatter.add.f32 [tilespmem:s23], [sflag:$0x3], $0x80, s21, s22, $0xb8;
	[tilespmem:$0x19E00] =	vst v63  }
0x93: {  	_ =	swait.ge [sflag:s20], $0x3000  }
0x94: {  	s30 =	sadd.s32 $0x1, s30;
	[sflag:s20] =	ssyncset.done $0x0  }
0x95: {  	p0 =	sne.s32 s30, s11;
	[sflag:s20] =	ssyncadd.s32 $0xFFFFD000  }
.Ltmp1:
0x96: {  	[bflag:$0x0] =	sbarrier.arrive $0xFFFF;
	(pc) =	sbr.rel @p0 .LBB2_1-.Ltmp1, $4  }
0x97: {  	[hbm:s10], [sflag:s7] =	dma.local [spmem:s31], $0x2780  }
0x98: {  	_ =	swait.ge [sflag:s20], $0x2780  }
0x99: {  	[sflag:s20] =	ssyncset.done $0x0  }
0x9a: {  	[sflag:s20] =	ssyncadd.s32 $0xFFFFD880  }
0x9b: {  	_ =	sfence.sel $0x180000  }
0x9c: {  	[bflag:$0x0] =	sbarrier.arrive $0xFFFF  }
0x9d: {  	_ =	strace $0x90000050  }
0x9e: {  	s0 =	stileid.u32;
	[bflag:$0x2] =	sbarrier.arrive $0xFFFF  }
0x9f: {  	p0 =	sne.s32 s0, $0x0;
	s0 =	rddreg [dreg:$0x3]  }
0xa0: {  	s0 =	sadd.s32 @!p0 $0x100000, s0  }
0xa1: {  	[sflag:s0] =	ssyncadd.tile.s32 @!p0 $0x1;
	_ =	shalt  }
.Lfunc_end2:
_tile_overlayer_lowered:
.L_overlay_start_2:
0xa2: {  	(tag) =	ssettag $0x2  }
0xa3: {  	s0 =	rddreg [dreg:$0x0];
	s2 =	stileid.u32  }
0xa4: {  	s1 =	rddreg [dreg:$0x1];
	p0 =	sne.s32 s2, $0x0  }
0xa5: {  	s3 =	rddreg [dreg:$0x2];
	[bflag:$0x3] =	sbarrier.arrive $0xFFFF;
	s2 =	simm.s32 @!p0 $0x1C03  }
0xa6: {  	[timem:s3], [sflag:s2] =	dma.local @!p0 [hbm:s0], s1  }
0xa7: {  	s0 =	simm.s32 @!p0 $0x3  }
0xa8: {  	_ =	swait.ge @!p0 [sflag:s0], s1  }
0xa9: {  	s1 =	ssub.s32 @!p0 $0x0, s1;
	[sflag:s0] =	ssyncset.done @!p0 $0x0  }
0xaa: {  	[sflag:s0] =	ssyncadd.s32 @!p0 s1  }
0xab: {  	[bflag:$0x3] =	sbarrier.arrive $0xFFFF  }
0xac: {  	_ =	shalt  }

// kernel: kernel.24.cloned.1.call-start
scs
__scs_entry_jumppad:
0x0: {  	(pc) =	sbr.rel $0x88, $3  }
0x1: {  	(tag) =	ssettag $0x0;
	lr =	simm.s32 $0x1  }
0x2: {  	[smem:$0x3F8E] =	sst lr;
	_ =	strace $0xD0000000  }
0x3: {  	_ = 	snop  }
0x4: {  	_ = 	snop  }
0x5: {  	_ = 	snop  }
0x6: {  	_ = 	snop  }
0x7: {  	_ = 	snop  }
__scs_overlays_trampoline_lowered:
0x8: {  	[smem:$0x3F9D] =	sst s0  }
0x9: {  	[smem:$0x3F9E] =	sst s1  }
0xa: {  	[smem:$0x3F9F] =	sst s2  }
0xb: {  	[smem:$0x3FA0] =	sst s3  }
0xc: {  	[smem:$0x3FA1] =	sst s4  }
0xd: {  	[smem:$0x3FA2] =	sst s5  }
0xe: {  	[smem:$0x3FA3] =	sst s6  }
0xf: {  	[smem:$0x3FA4] =	sst s7  }
0x10: {  	[smem:$0x3FA5] =	sst s8  }
0x11: {  	[smem:$0x3FA6] =	sst s9;
	s0 =	simm.s32 @!p0 $0x0  }
0x12: {  	s1 =	sld [smem:$0x3F8C];
	s0 =	simm.s32 @p0 $0x1  }
0x13: {  	[smem:$0x3FA7] =	sst s0;
	s0 =	simm.s32 @!p1 $0x0  }
0x14: {  	s2 =	sld [smem:$0x3F8B];
	s0 =	simm.s32 @p1 $0x1  }
0x15: {  	[smem:$0x3FA8] =	sst s0;
	s0 =	simm.s32 @!p2 $0x0  }
0x16: {  	s3 =	sld [smem:$0x3FDB];
	s0 =	simm.s32 @p2 $0x1  }
0x17: {  	s4 =	simm.s32 $0x1BF5;
	[smem:$0x3FAA] =	sst s0  }
0x18: {  	s0 =	sld [smem:$0x3F8D];
	_ =	swait.ge [sflag:s4], $0x0  }
0x19: {  	s7 =	sld [smem:$0x3F8E]  }
0x1a: {  	s8 =	sadd.s32 $0xFFFFE003, lr  }
0x1b: {  	s9 =	sadd.s32 $0xFFFFFEF7, lr;
	s5 =	simm.s32 $0xFFFFFFFF;
	p2 =	slt.u32 s8, $0xFFFFF086  }
0x1c: {  	p1 =	slt.u32 s9, $0xF7A;
	s5 =	simm.s32 @!p2 $0x0  }
0x1d: {  	s5 =	simm.s32 @p1 $0x1;
	p0 =	seq.s32 s7, s2  }
0x1e: {  	s7 =	smul.u32 @!p0 $0xF7A, s2;
	p2 =	seq.s32 @!p0 s5, $0x0  }
0x1f: {  	s9 =	smul.u32 $0xF7A, s1;
	s8 =	simm.s32 @!p0 $0x1BF5;
	p2 =	por !p2, p0  }
0x20: {  	[sflag:s8] =	ssyncset.s32 @!p0 $0xFFFFF086;
	s6 =	sadd.s32 @!p0 s3, s7;
	s7 =	simm.s32 @!p0 $0x108  }
0x21: {  	s3 =	sadd.s32 s3, s9;
	s6 =	sadd.s32 @!p0 $0x88, s6;
	s7 =	simm.s32 @p2 $0x1082  }
0x22: {  	[simem:s7], [sflag:s8] =	dma.local @!p0 [hbm:s6], $0xF7A  }
0x23: {  	s9 =	sor.u32 $0xD0000000, s2;
	s6 =	simm.s32 $0x108;
	_ =	swait.ge @!p0 [sflag:s8], $0x0  }
0x24: {  	s3 =	sadd.s32 $0x88, s3;
	s6 =	simm.s32 @!p1 $0x1082;
	[sflag:s4] =	ssyncset.s32 $0xFFFFF086  }
0x25: {  	[simem:s6], [sflag:s4] =	dma.local [hbm:s3], $0xF7A  }
0x26: {  	[smem:$0x3F8E] =	sst s1;
	(tag) =	ssettag s2;
	_ =	strace s9  }
0x27: {  	s1 =	sld [smem:$0x3F9E]  }
0x28: {  	s2 =	sld [smem:$0x3F9F]  }
0x29: {  	s4 =	sld [smem:$0x3FA1]  }
0x2a: {  	p0 =	seq.s32 s5, $0x0;
	s5 =	sld [smem:$0x3FA2]  }
0x2b: {  	s6 =	sld [smem:$0x3FA3]  }
0x2c: {  	s7 =	sld [smem:$0x3FA4]  }
0x2d: {  	s3 =	simm.s32 $0x108;
	s8 =	sld [smem:$0x3FA5]  }
0x2e: {  	s3 =	simm.s32 @!p0 $0x1082;
	s9 =	sld [smem:$0x3FA6]  }
0x2f: {  	lr =	sadd.s32 s0, s3;
	s0 =	sld [smem:$0x3F9D]  }
0x30: {  	s3 =	sld [smem:$0x3FA0]  }
0x31: {  	[smem:$0x3FA9] =	sst s10  }
0x32: {  	s10 =	sld [smem:$0x3FA7];
	_ =	sdelay $0x3  }
0x33: {  	p0 =	seq.s32 s10, $0x1;
	s10 =	sld [smem:$0x3FA9];
	_ =	sdelay $0x3  }
0x34: {  	[smem:$0x3FA9] =	sst s10  }
0x35: {  	s10 =	sld [smem:$0x3FA8];
	_ =	sdelay $0x3  }
0x36: {  	p1 =	seq.s32 s10, $0x1;
	s10 =	sld [smem:$0x3FA9];
	_ =	sdelay $0x3  }
0x37: {  	[smem:$0x3FA9] =	sst s10  }
0x38: {  	s10 =	sld [smem:$0x3FAA]  }
0x39: {  	_ = 	snop;
	(pc) =	sbr.ind lr, $3  }
0x3a: {  	_ = 	snop  }
0x3b: {  	_ = 	snop  }
0x3c: {  	p2 =	seq.s32 s10, $0x1;
	s10 =	sld [smem:$0x3FA9]  }
0x3d: {  	_ =	shalt  }
0x3e: {  	_ =	shalt  }
0x3f: {  	_ =	shalt  }
0x40: {  	_ =	shalt  }
0x41: {  	_ =	shalt  }
0x42: {  	_ =	shalt  }
0x43: {  	_ =	shalt  }
0x44: {  	_ =	shalt  }
0x45: {  	_ =	shalt  }
0x46: {  	_ =	shalt  }
0x47: {  	_ =	shalt  }
0x48: {  	_ =	shalt  }
0x49: {  	_ =	shalt  }
0x4a: {  	_ =	shalt  }
0x4b: {  	_ =	shalt  }
0x4c: {  	_ =	shalt  }
0x4d: {  	_ =	shalt  }
0x4e: {  	_ =	shalt  }
0x4f: {  	_ =	shalt  }
0x50: {  	_ =	shalt  }
0x51: {  	_ =	shalt  }
0x52: {  	_ =	shalt  }
0x53: {  	_ =	shalt  }
0x54: {  	_ =	shalt  }
0x55: {  	_ =	shalt  }
0x56: {  	_ =	shalt  }
0x57: {  	_ =	shalt  }
0x58: {  	_ =	shalt  }
0x59: {  	_ =	shalt  }
0x5a: {  	_ =	shalt  }
0x5b: {  	_ =	shalt  }
0x5c: {  	_ =	shalt  }
0x5d: {  	_ =	shalt  }
0x5e: {  	_ =	shalt  }
0x5f: {  	_ =	shalt  }
0x60: {  	_ =	shalt  }
0x61: {  	_ =	shalt  }
0x62: {  	_ =	shalt  }
0x63: {  	_ =	shalt  }
0x64: {  	_ =	shalt  }
0x65: {  	_ =	shalt  }
0x66: {  	_ =	shalt  }
0x67: {  	_ =	shalt  }
0x68: {  	_ =	shalt  }
0x69: {  	_ =	shalt  }
0x6a: {  	_ =	shalt  }
0x6b: {  	_ =	shalt  }
0x6c: {  	_ =	shalt  }
0x6d: {  	_ =	shalt  }
0x6e: {  	_ =	shalt  }
0x6f: {  	_ =	shalt  }
0x70: {  	_ =	shalt  }
0x71: {  	_ =	shalt  }
0x72: {  	_ =	shalt  }
0x73: {  	_ =	shalt  }
0x74: {  	_ =	shalt  }
0x75: {  	_ =	shalt  }
0x76: {  	_ =	shalt  }
0x77: {  	_ =	shalt  }
0x78: {  	_ =	shalt  }
0x79: {  	_ =	shalt  }
0x7a: {  	_ =	shalt  }
0x7b: {  	_ =	shalt  }
0x7c: {  	_ =	shalt  }
0x7d: {  	_ =	shalt  }
0x7e: {  	_ =	shalt  }
0x7f: {  	_ =	shalt  }
0x80: {  	_ =	shalt  }
0x81: {  	_ =	shalt  }
0x82: {  	_ =	shalt  }
0x83: {  	_ =	shalt  }
0x84: {  	_ =	shalt  }
0x85: {  	_ =	shalt  }
0x86: {  	_ =	shalt  }
0x87: {  	_ =	shalt  }
.Lfunc_end0:
.L_simem_size_0:
called_computation.2_lowered:
.L_overlay_start_0:
0x88: {  	s2 =	sld [smem:$0x3FD9]  }
0x89: {  	s3 =	sld [smem:$0x3FFE];
	_ =	sdelay $0x1  }
0x8a: {  	s1 =	srdreg.scid  }
0x8b: {  	s0 =	sand.u32 $0x1, s1  }
0x8c: {  	s17 =	sshll.u32 s0, $0xA;
	s2 =	sadd.s32 s3, s2  }
0x8d: {  	s2 =	sadd.s32 s2, s17  }
0x8e: {  	[smem:$0x3FB5] =	sst s2  }
0x8f: {  	_ = 	snop  }
0x90: {  	s18 =	sld [smem:$0x3FD0];
	(tm) =	ssettm $0x1  }
0x91: {  	s19 =	sld [smem:$0x3FFB];
	_ =	sdelay $0x3  }
0x92: {  	_ =	strace s19  }
0x93: {  	s2 =	sld [smem:$0x3FFC];
	_ =	sdelay $0x3  }
0x94: {  	_ =	strace s2  }
0x95: {  	s2 =	sld [smem:$0x3FFD];
	_ =	sdelay $0x3  }
0x96: {  	_ =	strace s2  }
0x97: {  	_ =	strace $0x8FFFFFFF  }
0x98: {  	s20 =	sld [smem:$0x3FDB];
	_ =	sdelay $0x1  }
0x99: {  	s4 =	simm.s32 $_scs_section_size  }
0x9a: {  	s5 =	simm.s32 $_size__tile_overlayer_lowered;
	s6 =	simm.s32 $_tile_overlayer_lowered  }
0x9b: {  	s7 =	simm.s32 $0x1BFF;
	s21 =	sshll.u32 s6, $0x1;
	s4 =	sadd.s32 s4, s20  }
0x9c: {  	s22 =	simm.s32 $0x0;
	s5 =	sshll.u32 s5, $0x1;
	s6 =	sadd.s32 s21, s4  }
0x9d: {  	[timem:s22], [sflag:s7] =	dma.local [hbm:s6], s5  }
0x9e: {  	_ =	swait.ge [sflag:s7], s5  }
0x9f: {  	s5 =	ssub.s32 $0x0, s5;
	[sflag:s7] =	ssyncset.done $0x0  }
0xa0: {  	[sflag:s7] =	ssyncadd.s32 s5;
	_ =	sdelay $0x1  }
0xa1: {  	s23 =	simm.s32 $0x1B8B  }
0xa2: {  	_ =	swait.ge [sflag:s23], $0x1  }
0xa3: {  	[sflag:s23] =	ssyncset.done $0x0  }
0xa4: {  	[sflag:s23] =	ssyncadd.s32 $0xFFFFFFFF  }
0xa5: {  	s5 =	sld [smem:$0x0]  }
0xa6: {  	s6 =	sand.u32 $0xFFFFFFFE, s1  }
0xa7: {  	p0 =	sne.s32 s1, s6  }
0xa8: {  	s6 =	sshll.u32 @p0 s6, $0xE  }
0xa9: {  	s6 =	sadd.s32 @p0 $0x11B8D, s6;
	s7 =	sshll.u32 @p0 s5, $0x11  }
0xaa: {  	s6 =	sor.u32 @p0 s7, s6  }
0xab: {  	[sflag:s6] =	ssyncadd.remote.s32 @p0 $0x1;
	_ =	sdelay $0x1  }
0xac: {  	s6 =	simm.s32 @p0 $0x1B8D  }
0xad: {  	_ =	swait.eq @p0 [sflag:s6], $0x1  }
0xae: {  	[sflag:s6] =	ssyncadd.s32 @p0 $0xFFFFFFFF  }
0xaf: {  	s7 =	sshll.u32 @!p0 s1, $0xE  }
0xb0: {  	s7 =	sor.u32 @!p0 $0x4000, s7;
	s6 =	simm.s32 @!p0 $0x1B8D  }
0xb1: {  	s5 =	sshll.u32 @!p0 s5, $0x11;
	s7 =	sadd.s32 @!p0 $0x11B8D, s7;
	_ =	swait.eq @!p0 [sflag:s6], $0x1  }
0xb2: {  	s5 =	sor.u32 @!p0 s5, s7;
	[sflag:s6] =	ssyncadd.s32 @!p0 $0xFFFFFFFF  }
0xb3: {  	s25 =	simm.s32 $0x1B8E;
	s24 =	sld [smem:$0x3FFE];
	[sflag:s5] =	ssyncadd.remote.s32 @!p0 $0x1  }
0xb4: {  	s26 =	simm.s32 $execute0_lowered;
	[smem:$0x3FD2] =	sst s25  }
0xb5: {  	s6 =	sshll.u32 s26, $0x1;
	_ =	strace $0x80000055;
	[dreg:$0x1] =	wrdreg $0xFFFFFFFF  }
0xb6: {  	s28 =	simm.s32 $_size_execute0_lowered;
	s4 =	sadd.s32 s4, s6;
	[dreg:$0x0] =	wrdreg $0x0  }
0xb7: {  	s6 =	sshll.u32 s28, $0x1;
	[dreg:$0x2] =	wrdreg s4  }
0xb8: {  	[dreg:$0x3] =	wrdreg s6  }
0xb9: {  	[dreg:$0x4] =	wrdreg $0xC0  }
0xba: {  	_ =	task [dreg:s22], $0x5FFFF  }
0xbb: {  	[dreg:$0x1] =	wrdreg $0xFFFFFFFF  }
0xbc: {  	[dreg:$0x0] =	wrdreg $0x60  }
0xbd: {  	[dreg:$0x2] =	wrdreg s18  }
0xbe: {  	[dreg:$0x3] =	wrdreg s24  }
0xbf: {  	[dreg:$0x4] =	wrdreg $0x62000  }
0xc0: {  	[dreg:$0x5] =	wrdreg $0x9  }
0xc1: {  	_ =	task.clear_ibuf [dreg:s22], $0x6FFFF;
	_ =	strace $0x90000055  }
0xc2: {  	s29 =	simm.s32 $0x9;
	_ =	strace $0x80000057  }
0xc3: {  	_ =	swait.ge [sflag:s29], $0x1  }
0xc4: {  	[sflag:s29] =	ssyncadd.s32 $0xFFFFFFFF  }
0xc5: {  	_ =	strace $0x90000057  }
0xc6: {  	_ =	sfence  }
0xc7: {  	s30 =	sld [smem:$0x0];
	_ =	sdelay $0x2  }
0xc8: {  	s31 =	sshll.u32 s1, $0xD;
	s1 =	sshrl.u32 s1, $0x2  }
0xc9: {  	s4 =	sand.u32 $0x4000, s31;
	s1 =	sadd.s32 s1, s30  }
0xca: {  	s0 =	sor.u32 s4, s0;
	s1 =	sshll.u32 s1, $0x11  }
0xcb: {  	s0 =	sor.u32 s1, s0  }
0xcc: {  	s0 =	sadd.s32 $0x8F2B, s0  }
0xcd: {  	[sflag:s0] =	ssyncadd.remote.s32 $0x1  }
0xce: {  	_ =	sfence.sel $0xFFFF  }
0xcf: {  	[dreg:$0x0] =	wrdreg $0xFFFFFFFF;
	(pc) =	sbr.abs _section_cstart, $3  }
0xd0: {  	[dreg:$0x1] =	wrdreg $0xFFFFFFFF  }
0xd1: {  	_ =	task.clear_ibuf [dreg:s22], $0x2FFFF;
	_ =	strace $0x9FFFFFFF  }
0xd2: {  	(tm) =	ssettm $0x7FFFFFFF  }
0xd3: {  	_ =	shalt  }
tec
execute0_lowered:
.L_overlay_start_1:
0x0: {  	(tag) =	ssettag $0x1  }
0x1: {  	s2 =	rddreg [dreg:$0x0]  }
0x2: {  	s0 =	rddreg [dreg:$0x1]  }
0x3: {  	s3 =	rddreg [dreg:$0x2]  }
0x4: {  	s1 =	stileid.u32;
	s5 =	srdreg.scid;
	s4 =	simm.s32 $0x0  }
0x5: {  	s28 =	simm.s32 $0x3200;
	s29 =	simm.s32 $0x2;
	s6 =	smul.u32 $0x13C00, s1  }
0x6: {  	s30 =	simm.s32 $0x0;
	s8 =	sand.u32 $0x1, s5;
	s9 =	smul.u32 $0x4F000, s1  }
0x7: {  	[smem:$0x7FF] =	sst s4;
	s19 =	sadd.s32 $0x10600, s0;
	s15 =	smul.u32 $0x2760, s1  }
0x8: {  	s18 =	sadd.s32 $0x6800, s0;
	s24 =	sshll.u32 s1, $0x6;
	s5 =	smul.u32 $0x13C000, s8  }
0x9: {  	_ =	strace $0x80000056;
	s20 =	ssub.s32 $0x2, s8;
	s10 =	sshll.u32 s8, $0x4  }
0xa: {  	s14 =	smul.u32 $0x27600, s8;
	s7 =	sshrl.u32 s6, $0x3;
	s21 =	sshrl.u32 s20, $0x1  }
0xb: {  	s10 =	sor.u32 s1, s10;
	s22 =	sshrl.u32 s9, $0x2;
	s5 =	sadd.s32 s6, s5  }
0xc: {  	s17 =	sadd.s32 s7, s0;
	s11 =	ssub.s32 s20, s21;
	s23 =	smul.u32 $0x2760, s10  }
0xd: {  	s7 =	sor.u32 $0x1C03, s24;
	s21 =	simm.s32 $0x80;
	s24 =	simm.s32 $0x100  }
0xe: {  	s5 =	sshrl.u32 s5, $0x3;
	s6 =	sadd.s32 $0x92C00, s17;
	s11 =	smax.u32 s11, $0x1  }
0xf: {  	s17 =	sadd.s32 s15, s14;
	s0 =	sadd.s32 s5, s0;
	s5 =	sadd.s32 s22, s3  }
0x10: {  	s13 =	sshrl.u32 s23, $0x3;
	s26 =	sadd.s32 $0x180, s17;
	s20 =	sadd.s32 $0x120, s17  }
0x11: {  	s22 =	simm.s32 $0x60;
	s23 =	simm.s32 $0x200;
	[dreg:$0x4] =	wrdreg s5  }
0x12: {  	s8 =	sadd.s32 s19, s13;
	s9 =	sadd.s32 s18, s13;
	s10 =	sadd.s32 $0x109400, s0  }
0x13: {  	s25 =	sadd.s32 $0xC, s13;
	s16 =	sadd.s32 $0x18, s13;
	s0 =	sshrl.u32 s26, $0x3  }
0x14: {  	s31 =	sshrl.u32 s20, $0x3;
	s20 =	simm.s32 $0x3;
	s26 =	simm.s32 $0x1  }
0x15: {  	s12 =	sadd.s32 s19, s25;
	s13 =	sadd.s32 s18, s25;
	s14 =	sadd.s32 s19, s16  }
0x16: {  	s15 =	sadd.s32 s18, s16;
	s16 =	sadd.s32 s0, s18;
	s17 =	sadd.s32 s0, s19  }
0x17: {  	s18 =	sadd.s32 s31, s18;
	s19 =	sadd.s32 s31, s19;
	s25 =	simm.s32 $0x180  }
.LBB2_1:
0x18: {  	s0 =	rddreg [dreg:$0x4]  }
0x19: {  	s31 =	sshrl.u32 s0, $0x3  }
0x1a: {  	[spmem:s31], [sflag:s7] =	dma.local [hbm:s6], $0x2780  }
0x1b: {  	_ =	swait.ge [sflag:s20], $0x2780  }
0x1c: {  	[sflag:s20] =	ssyncset.done $0x0  }
0x1d: {  	[sflag:s20] =	ssyncadd.s32 $0xFFFFD880  }
0x1e: {  	[bflag:$0x0] =	sbarrier.arrive $0xFFFF  }
0x1f: {  	[tilespmem:s4], [sflag:$0x3] =	stream.linear.gather [hbm4b:s8+s4], $0x60, $0x38;
	[tilespmem:$0x19E00] =	vst v63  }
0x20: {  	_ =	swait.ge [sflag:s20], $0x60  }
0x21: {  	[sflag:s20] =	ssyncset.done $0x0  }
0x22: {  	[sflag:s20] =	ssyncadd.s32 $0xFFFFFFA0  }
0x23: {  	[tilespmem:s21], [sflag:$0x3] =	stream.linear.gather [hbm4b:s9+s4], $0x60, $0x38;
	[tilespmem:$0x19E00] =	vst v63  }
0x24: {  	_ =	swait.ge [sflag:s20], $0x60  }
0x25: {  	[sflag:s20] =	ssyncset.done $0x0  }
0x26: {  	[sflag:s20] =	ssyncadd.s32 $0xFFFFFFA0  }
0x27: {  	[tilespmem:s23], [sflag:$0x1] =	stream.indirect.gather [hbm4b:s2+s22], $0x80, s4, s22, $0xb8;
	[tilespmem:$0x19E00] =	vst v63  }
0x28: {  	_ = 	snop  }
0x29: {  	[tilespmem:s24], [sflag:$0x3] =	stream.linear.gather [hbm4b:s12+s4], $0x60, $0x38;
	[tilespmem:$0x19E00] =	vst v63  }
0x2a: {  	_ =	swait.ge [sflag:s20], $0x60  }
0x2b: {  	[sflag:s20] =	ssyncset.done $0x0  }
0x2c: {  	[sflag:s20] =	ssyncadd.s32 $0xFFFFFFA0  }
0x2d: {  	[tilespmem:s25], [sflag:$0x3] =	stream.linear.gather [hbm4b:s13+s4], $0x60, $0x38;
	[tilespmem:$0x19E00] =	vst v63  }
0x2e: {  	_ =	swait.ge [sflag:s20], $0x60  }
0x2f: {  	[sflag:s20] =	ssyncset.done $0x0  }
0x30: {  	[sflag:s20] =	ssyncadd.s32 $0xFFFFFFA0  }
0x31: {  	_ =	swait.ge [sflag:s26], $0x3000  }
0x32: {  	[sflag:s26] =	ssyncset.done $0x0  }
0x33: {  	[sflag:s26] =	ssyncadd.s32 $0xFFFFD000  }
0x34: {  	[spmem:s3] =	stream.indirect.scatter.add.f32 [tilespmem:s23], [sflag:$0x2], $0x80, s21, s22, $0xb8;
	[tilespmem:$0x19E00] =	vst v63  }
0x35: {  	_ = 	snop  }
0x36: {  	[tilespmem:s28], [sflag:$0x1] =	stream.indirect.gather [hbm4b:s2+s22], $0x80, s24, s22, $0xb8;
	[tilespmem:$0x19E00] =	vst v63  }
0x37: {  	_ =	swait.ge [sflag:s29], $0x3000  }
0x38: {  	[sflag:s29] =	ssyncset.done $0x0  }
0x39: {  	[sflag:s29] =	ssyncadd.s32 $0xFFFFD000  }
0x3a: {  	[tilespmem:s4], [sflag:$0x3] =	stream.linear.gather [hbm4b:s14+s4], $0x60, $0x38;
	[tilespmem:$0x19E00] =	vst v63  }
0x3b: {  	_ =	swait.ge [sflag:s20], $0x60  }
0x3c: {  	[sflag:s20] =	ssyncset.done $0x0  }
0x3d: {  	[sflag:s20] =	ssyncadd.s32 $0xFFFFFFA0  }
0x3e: {  	[tilespmem:s21], [sflag:$0x3] =	stream.linear.gather [hbm4b:s15+s4], $0x60, $0x38;
	[tilespmem:$0x19E00] =	vst v63  }
0x3f: {  	_ =	swait.ge [sflag:s20], $0x60  }
0x40: {  	[sflag:s20] =	ssyncset.done $0x0  }
0x41: {  	[sflag:s20] =	ssyncadd.s32 $0xFFFFFFA0  }
0x42: {  	_ =	swait.ge [sflag:s26], $0x3000  }
0x43: {  	[sflag:s26] =	ssyncset.done $0x0  }
0x44: {  	[sflag:s26] =	ssyncadd.s32 $0xFFFFD000  }
0x45: {  	[spmem:s3] =	stream.indirect.scatter.add.f32 [tilespmem:s28], [sflag:$0x2], $0x80, s25, s22, $0xb8;
	[tilespmem:$0x19E00] =	vst v63  }
0x46: {  	_ = 	snop  }
0x47: {  	[tilespmem:s23], [sflag:$0x1] =	stream.indirect.gather [hbm4b:s2+s22], $0x80, s4, s22, $0xb8;
	[tilespmem:$0x19E00] =	vst v63  }
0x48: {  	_ =	swait.ge [sflag:s29], $0x3000  }
0x49: {  	[sflag:s29] =	ssyncset.done $0x0  }
0x4a: {  	s1 =	sadd.s32 $0x0, s19;
	[sflag:s29] =	ssyncadd.s32 $0xFFFFD000  }
0x4b: {  	[tilespmem:s24], [sflag:$0x3] =	stream.linear.gather [hbm4b:s1+s4], $0x60, $0x38;
	[tilespmem:$0x19E00] =	vst v63  }
0x4c: {  	_ =	swait.ge [sflag:s20], $0x60  }
0x4d: {  	[sflag:s20] =	ssyncset.done $0x0  }
0x4e: {  	s5 =	sadd.s32 $0x0, s18;
	[sflag:s20] =	ssyncadd.s32 $0xFFFFFFA0  }
0x4f: {  	[tilespmem:s25], [sflag:$0x3] =	stream.linear.gather [hbm4b:s5+s4], $0x60, $0x38;
	[tilespmem:$0x19E00] =	vst v63  }
0x50: {  	_ =	swait.ge [sflag:s20], $0x60  }
0x51: {  	[sflag:s20] =	ssyncset.done $0x0  }
0x52: {  	[sflag:s20] =	ssyncadd.s32 $0xFFFFFFA0  }
0x53: {  	_ =	swait.ge [sflag:s26], $0x3000  }
0x54: {  	[sflag:s26] =	ssyncset.done $0x0  }
0x55: {  	[sflag:s26] =	ssyncadd.s32 $0xFFFFD000  }
0x56: {  	[spmem:s3] =	stream.indirect.scatter.add.f32 [tilespmem:s23], [sflag:$0x2], $0x80, s21, s22, $0xb8;
	[tilespmem:$0x19E00] =	vst v63  }
0x57: {  	_ = 	snop  }
0x58: {  	[tilespmem:s28], [sflag:$0x1] =	stream.indirect.gather [hbm4b:s2+s22], $0x80, s24, s22, $0xb8;
	[tilespmem:$0x19E00] =	vst v63  }
0x59: {  	_ =	swait.ge [sflag:s29], $0x3000  }
0x5a: {  	[sflag:s29] =	ssyncset.done $0x0  }
0x5b: {  	s1 =	sadd.s32 $0x0, s17;
	[sflag:s29] =	ssyncadd.s32 $0xFFFFD000  }
0x5c: {  	[tilespmem:s4], [sflag:$0x3] =	stream.linear.gather [hbm4b:s1+s4], $0x60, $0x38;
	[tilespmem:$0x19E00] =	vst v63  }
0x5d: {  	_ =	swait.ge [sflag:s20], $0x60  }
0x5e: {  	[sflag:s20] =	ssyncset.done $0x0  }
0x5f: {  	s5 =	sadd.s32 $0x0, s16;
	[sflag:s20] =	ssyncadd.s32 $0xFFFFFFA0  }
0x60: {  	[tilespmem:s21], [sflag:$0x3] =	stream.linear.gather [hbm4b:s5+s4], $0x60, $0x38;
	[tilespmem:$0x19E00] =	vst v63  }
0x61: {  	_ =	swait.ge [sflag:s20], $0x60  }
0x62: {  	[sflag:s20] =	ssyncset.done $0x0  }
0x63: {  	[sflag:s20] =	ssyncadd.s32 $0xFFFFFFA0  }
0x64: {  	_ =	swait.ge [sflag:s26], $0x3000  }
0x65: {  	[sflag:s26] =	ssyncset.done $0x0  }
0x66: {  	s0 =	simm.s32 $0x18;
	[sflag:s26] =	ssyncadd.s32 $0xFFFFD000  }
.LBB2_2:
0x67: {  	[spmem:s3] =	stream.indirect.scatter.add.f32 [tilespmem:s28], [sflag:$0x2], $0x80, s25, s22, $0xb8;
	[tilespmem:$0x19E00] =	vst v63  }
0x68: {  	p0 =	sne.s32 s0, $0x4B0;
	s1 =	smov.u32 s0;
	s0 =	sadd.s32 $0x18, s0  }
0x69: {  	[tilespmem:s23], [sflag:$0x1] =	stream.indirect.gather [hbm4b:s2+s22], $0x80, s4, s22, $0xb8;
	[tilespmem:$0x19E00] =	vst v63  }
0x6a: {  	_ =	swait.ge [sflag:s29], $0x3000  }
0x6b: {  	[sflag:s29] =	ssyncset.done $0x0  }
0x6c: {  	s5 =	sadd.s32 s1, s19;
	[sflag:s29] =	ssyncadd.s32 $0xFFFFD000  }
0x6d: {  	[tilespmem:s24], [sflag:$0x3] =	stream.linear.gather [hbm4b:s5+s4], $0x60, $0x38;
	[tilespmem:$0x19E00] =	vst v63  }
0x6e: {  	_ =	swait.ge [sflag:s20], $0x60  }
0x6f: {  	[sflag:s20] =	ssyncset.done $0x0  }
0x70: {  	s5 =	sadd.s32 s1, s18;
	[sflag:s20] =	ssyncadd.s32 $0xFFFFFFA0  }
0x71: {  	[tilespmem:s25], [sflag:$0x3] =	stream.linear.gather [hbm4b:s5+s4], $0x60, $0x38;
	[tilespmem:$0x19E00] =	vst v63  }
0x72: {  	_ =	swait.ge [sflag:s20], $0x60  }
0x73: {  	[sflag:s20] =	ssyncset.done $0x0  }
0x74: {  	[sflag:s20] =	ssyncadd.s32 $0xFFFFFFA0  }
0x75: {  	_ =	swait.ge [sflag:s26], $0x3000  }
0x76: {  	[sflag:s26] =	ssyncset.done $0x0  }
0x77: {  	[sflag:s26] =	ssyncadd.s32 $0xFFFFD000  }
0x78: {  	[spmem:s3] =	stream.indirect.scatter.add.f32 [tilespmem:s23], [sflag:$0x2], $0x80, s21, s22, $0xb8;
	[tilespmem:$0x19E00] =	vst v63  }
0x79: {  	_ = 	snop  }
0x7a: {  	[tilespmem:s28], [sflag:$0x1] =	stream.indirect.gather [hbm4b:s2+s22], $0x80, s24, s22, $0xb8;
	[tilespmem:$0x19E00] =	vst v63  }
0x7b: {  	_ =	swait.ge [sflag:s29], $0x3000  }
0x7c: {  	[sflag:s29] =	ssyncset.done $0x0  }
0x7d: {  	s5 =	sadd.s32 s1, s17;
	[sflag:s29] =	ssyncadd.s32 $0xFFFFD000  }
0x7e: {  	[tilespmem:s4], [sflag:$0x3] =	stream.linear.gather [hbm4b:s5+s4], $0x60, $0x38;
	[tilespmem:$0x19E00] =	vst v63  }
0x7f: {  	_ =	swait.ge [sflag:s20], $0x60  }
0x80: {  	[sflag:s20] =	ssyncset.done $0x0  }
0x81: {  	s1 =	sadd.s32 s1, s16;
	[sflag:s20] =	ssyncadd.s32 $0xFFFFFFA0  }
0x82: {  	[tilespmem:s21], [sflag:$0x3] =	stream.linear.gather [hbm4b:s1+s4], $0x60, $0x38;
	[tilespmem:$0x19E00] =	vst v63  }
0x83: {  	_ =	swait.ge [sflag:s20], $0x60  }
.Ltmp0:
0x84: {  	[sflag:s20] =	ssyncset.done $0x0;
	(pc) =	sbr.rel @p0 .LBB2_2-.Ltmp0, $4  }
0x85: {  	[sflag:s20] =	ssyncadd.s32 $0xFFFFFFA0  }
0x86: {  	_ =	swait.ge [sflag:s26], $0x3000  }
0x87: {  	[sflag:s26] =	ssyncset.done $0x0  }
0x88: {  	[sflag:s26] =	ssyncadd.s32 $0xFFFFD000  }
0x89: {  	[spmem:s3] =	stream.indirect.scatter.add.f32 [tilespmem:s28], [sflag:$0x2], $0x80, s25, s22, $0xb8;
	[tilespmem:$0x19E00] =	vst v63  }
0x8a: {  	_ = 	snop  }
0x8b: {  	[tilespmem:s23], [sflag:$0x1] =	stream.indirect.gather [hbm4b:s2+s22], $0x80, s4, s22, $0xb8;
	[tilespmem:$0x19E00] =	vst v63  }
0x8c: {  	_ =	swait.ge [sflag:s26], $0x3000  }
0x8d: {  	[sflag:s26] =	ssyncset.done $0x0  }
0x8e: {  	[sflag:s26] =	ssyncadd.s32 $0xFFFFD000  }
0x8f: {  	_ =	swait.ge [sflag:s29], $0x3000  }
0x90: {  	[sflag:s29] =	ssyncset.done $0x0  }
0x91: {  	[sflag:s29] =	ssyncadd.s32 $0xFFFFD000  }
0x92: {  	[spmem:s3] =	stream.indirect.scatter.add.f32 [tilespmem:s23], [sflag:$0x3], $0x80, s21, s22, $0xb8;
	[tilespmem:$0x19E00] =	vst v63  }
0x93: {  	_ =	swait.ge [sflag:s20], $0x3000  }
0x94: {  	s30 =	sadd.s32 $0x1, s30;
	[sflag:s20] =	ssyncset.done $0x0  }
0x95: {  	p0 =	sne.s32 s30, s11;
	[sflag:s20] =	ssyncadd.s32 $0xFFFFD000  }
.Ltmp1:
0x96: {  	[bflag:$0x0] =	sbarrier.arrive $0xFFFF;
	(pc) =	sbr.rel @p0 .LBB2_1-.Ltmp1, $4  }
0x97: {  	[hbm:s10], [sflag:s7] =	dma.local [spmem:s31], $0x2780  }
0x98: {  	_ =	swait.ge [sflag:s20], $0x2780  }
0x99: {  	[sflag:s20] =	ssyncset.done $0x0  }
0x9a: {  	[sflag:s20] =	ssyncadd.s32 $0xFFFFD880  }
0x9b: {  	_ =	sfence.sel $0x180000  }
0x9c: {  	[bflag:$0x0] =	sbarrier.arrive $0xFFFF  }
0x9d: {  	_ =	strace $0x90000056  }
0x9e: {  	s0 =	stileid.u32;
	[bflag:$0x2] =	sbarrier.arrive $0xFFFF  }
0x9f: {  	p0 =	sne.s32 s0, $0x0;
	s0 =	rddreg [dreg:$0x3]  }
0xa0: {  	s0 =	sadd.s32 @!p0 $0x100000, s0  }
0xa1: {  	[sflag:s0] =	ssyncadd.tile.s32 @!p0 $0x1;
	_ =	shalt  }
.Lfunc_end2:
_tile_overlayer_lowered:
.L_overlay_start_2:
0xa2: {  	(tag) =	ssettag $0x2  }
0xa3: {  	s0 =	rddreg [dreg:$0x0];
	s2 =	stileid.u32  }
0xa4: {  	s1 =	rddreg [dreg:$0x1];
	p0 =	sne.s32 s2, $0x0  }
0xa5: {  	s3 =	rddreg [dreg:$0x2];
	[bflag:$0x3] =	sbarrier.arrive $0xFFFF;
	s2 =	simm.s32 @!p0 $0x1C03  }
0xa6: {  	[timem:s3], [sflag:s2] =	dma.local @!p0 [hbm:s0], s1  }
0xa7: {  	s0 =	simm.s32 @!p0 $0x3  }
0xa8: {  	_ =	swait.ge @!p0 [sflag:s0], s1  }
0xa9: {  	s1 =	ssub.s32 @!p0 $0x0, s1;
	[sflag:s0] =	ssyncset.done @!p0 $0x0  }
0xaa: {  	[sflag:s0] =	ssyncadd.s32 @!p0 s1  }
0xab: {  	[bflag:$0x3] =	sbarrier.arrive $0xFFFF  }
0xac: {  	_ =	shalt  }

// kernel: kernel.27.cloned.1.call-start
scs
__scs_entry_jumppad:
0x0: {  	(pc) =	sbr.rel $0x88, $3  }
0x1: {  	(tag) =	ssettag $0x0;
	lr =	simm.s32 $0x1  }
0x2: {  	[smem:$0x3F8E] =	sst lr;
	_ =	strace $0xD0000000  }
0x3: {  	_ = 	snop  }
0x4: {  	_ = 	snop  }
0x5: {  	_ = 	snop  }
0x6: {  	_ = 	snop  }
0x7: {  	_ = 	snop  }
__scs_overlays_trampoline_lowered:
0x8: {  	[smem:$0x3F9D] =	sst s0  }
0x9: {  	[smem:$0x3F9E] =	sst s1  }
0xa: {  	[smem:$0x3F9F] =	sst s2  }
0xb: {  	[smem:$0x3FA0] =	sst s3  }
0xc: {  	[smem:$0x3FA1] =	sst s4  }
0xd: {  	[smem:$0x3FA2] =	sst s5  }
0xe: {  	[smem:$0x3FA3] =	sst s6  }
0xf: {  	[smem:$0x3FA4] =	sst s7  }
0x10: {  	[smem:$0x3FA5] =	sst s8  }
0x11: {  	[smem:$0x3FA6] =	sst s9;
	s0 =	simm.s32 @!p0 $0x0  }
0x12: {  	s1 =	sld [smem:$0x3F8C];
	s0 =	simm.s32 @p0 $0x1  }
0x13: {  	[smem:$0x3FA7] =	sst s0;
	s0 =	simm.s32 @!p1 $0x0  }
0x14: {  	s2 =	sld [smem:$0x3F8B];
	s0 =	simm.s32 @p1 $0x1  }
0x15: {  	[smem:$0x3FA8] =	sst s0;
	s0 =	simm.s32 @!p2 $0x0  }
0x16: {  	s3 =	sld [smem:$0x3FDB];
	s0 =	simm.s32 @p2 $0x1  }
0x17: {  	s4 =	simm.s32 $0x1BF5;
	[smem:$0x3FAA] =	sst s0  }
0x18: {  	s0 =	sld [smem:$0x3F8D];
	_ =	swait.ge [sflag:s4], $0x0  }
0x19: {  	s7 =	sld [smem:$0x3F8E]  }
0x1a: {  	s8 =	sadd.s32 $0xFFFFE003, lr  }
0x1b: {  	s9 =	sadd.s32 $0xFFFFFEF7, lr;
	s5 =	simm.s32 $0xFFFFFFFF;
	p2 =	slt.u32 s8, $0xFFFFF086  }
0x1c: {  	p1 =	slt.u32 s9, $0xF7A;
	s5 =	simm.s32 @!p2 $0x0  }
0x1d: {  	s5 =	simm.s32 @p1 $0x1;
	p0 =	seq.s32 s7, s2  }
0x1e: {  	s7 =	smul.u32 @!p0 $0xF7A, s2;
	p2 =	seq.s32 @!p0 s5, $0x0  }
0x1f: {  	s9 =	smul.u32 $0xF7A, s1;
	s8 =	simm.s32 @!p0 $0x1BF5;
	p2 =	por !p2, p0  }
0x20: {  	[sflag:s8] =	ssyncset.s32 @!p0 $0xFFFFF086;
	s6 =	sadd.s32 @!p0 s3, s7;
	s7 =	simm.s32 @!p0 $0x108  }
0x21: {  	s3 =	sadd.s32 s3, s9;
	s6 =	sadd.s32 @!p0 $0x88, s6;
	s7 =	simm.s32 @p2 $0x1082  }
0x22: {  	[simem:s7], [sflag:s8] =	dma.local @!p0 [hbm:s6], $0xF7A  }
0x23: {  	s9 =	sor.u32 $0xD0000000, s2;
	s6 =	simm.s32 $0x108;
	_ =	swait.ge @!p0 [sflag:s8], $0x0  }
0x24: {  	s3 =	sadd.s32 $0x88, s3;
	s6 =	simm.s32 @!p1 $0x1082;
	[sflag:s4] =	ssyncset.s32 $0xFFFFF086  }
0x25: {  	[simem:s6], [sflag:s4] =	dma.local [hbm:s3], $0xF7A  }
0x26: {  	[smem:$0x3F8E] =	sst s1;
	(tag) =	ssettag s2;
	_ =	strace s9  }
0x27: {  	s1 =	sld [smem:$0x3F9E]  }
0x28: {  	s2 =	sld [smem:$0x3F9F]  }
0x29: {  	s4 =	sld [smem:$0x3FA1]  }
0x2a: {  	p0 =	seq.s32 s5, $0x0;
	s5 =	sld [smem:$0x3FA2]  }
0x2b: {  	s6 =	sld [smem:$0x3FA3]  }
0x2c: {  	s7 =	sld [smem:$0x3FA4]  }
0x2d: {  	s3 =	simm.s32 $0x108;
	s8 =	sld [smem:$0x3FA5]  }
0x2e: {  	s3 =	simm.s32 @!p0 $0x1082;
	s9 =	sld [smem:$0x3FA6]  }
0x2f: {  	lr =	sadd.s32 s0, s3;
	s0 =	sld [smem:$0x3F9D]  }
0x30: {  	s3 =	sld [smem:$0x3FA0]  }
0x31: {  	[smem:$0x3FA9] =	sst s10  }
0x32: {  	s10 =	sld [smem:$0x3FA7];
	_ =	sdelay $0x3  }
0x33: {  	p0 =	seq.s32 s10, $0x1;
	s10 =	sld [smem:$0x3FA9];
	_ =	sdelay $0x3  }
0x34: {  	[smem:$0x3FA9] =	sst s10  }
0x35: {  	s10 =	sld [smem:$0x3FA8];
	_ =	sdelay $0x3  }
0x36: {  	p1 =	seq.s32 s10, $0x1;
	s10 =	sld [smem:$0x3FA9];
	_ =	sdelay $0x3  }
0x37: {  	[smem:$0x3FA9] =	sst s10  }
0x38: {  	s10 =	sld [smem:$0x3FAA]  }
0x39: {  	_ = 	snop;
	(pc) =	sbr.ind lr, $3  }
0x3a: {  	_ = 	snop  }
0x3b: {  	_ = 	snop  }
0x3c: {  	p2 =	seq.s32 s10, $0x1;
	s10 =	sld [smem:$0x3FA9]  }
0x3d: {  	_ =	shalt  }
0x3e: {  	_ =	shalt  }
0x3f: {  	_ =	shalt  }
0x40: {  	_ =	shalt  }
0x41: {  	_ =	shalt  }
0x42: {  	_ =	shalt  }
0x43: {  	_ =	shalt  }
0x44: {  	_ =	shalt  }
0x45: {  	_ =	shalt  }
0x46: {  	_ =	shalt  }
0x47: {  	_ =	shalt  }
0x48: {  	_ =	shalt  }
0x49: {  	_ =	shalt  }
0x4a: {  	_ =	shalt  }
0x4b: {  	_ =	shalt  }
0x4c: {  	_ =	shalt  }
0x4d: {  	_ =	shalt  }
0x4e: {  	_ =	shalt  }
0x4f: {  	_ =	shalt  }
0x50: {  	_ =	shalt  }
0x51: {  	_ =	shalt  }
0x52: {  	_ =	shalt  }
0x53: {  	_ =	shalt  }
0x54: {  	_ =	shalt  }
0x55: {  	_ =	shalt  }
0x56: {  	_ =	shalt  }
0x57: {  	_ =	shalt  }
0x58: {  	_ =	shalt  }
0x59: {  	_ =	shalt  }
0x5a: {  	_ =	shalt  }
0x5b: {  	_ =	shalt  }
0x5c: {  	_ =	shalt  }
0x5d: {  	_ =	shalt  }
0x5e: {  	_ =	shalt  }
0x5f: {  	_ =	shalt  }
0x60: {  	_ =	shalt  }
0x61: {  	_ =	shalt  }
0x62: {  	_ =	shalt  }
0x63: {  	_ =	shalt  }
0x64: {  	_ =	shalt  }
0x65: {  	_ =	shalt  }
0x66: {  	_ =	shalt  }
0x67: {  	_ =	shalt  }
0x68: {  	_ =	shalt  }
0x69: {  	_ =	shalt  }
0x6a: {  	_ =	shalt  }
0x6b: {  	_ =	shalt  }
0x6c: {  	_ =	shalt  }
0x6d: {  	_ =	shalt  }
0x6e: {  	_ =	shalt  }
0x6f: {  	_ =	shalt  }
0x70: {  	_ =	shalt  }
0x71: {  	_ =	shalt  }
0x72: {  	_ =	shalt  }
0x73: {  	_ =	shalt  }
0x74: {  	_ =	shalt  }
0x75: {  	_ =	shalt  }
0x76: {  	_ =	shalt  }
0x77: {  	_ =	shalt  }
0x78: {  	_ =	shalt  }
0x79: {  	_ =	shalt  }
0x7a: {  	_ =	shalt  }
0x7b: {  	_ =	shalt  }
0x7c: {  	_ =	shalt  }
0x7d: {  	_ =	shalt  }
0x7e: {  	_ =	shalt  }
0x7f: {  	_ =	shalt  }
0x80: {  	_ =	shalt  }
0x81: {  	_ =	shalt  }
0x82: {  	_ =	shalt  }
0x83: {  	_ =	shalt  }
0x84: {  	_ =	shalt  }
0x85: {  	_ =	shalt  }
0x86: {  	_ =	shalt  }
0x87: {  	_ =	shalt  }
.Lfunc_end0:
.L_simem_size_0:
called_computation.3_lowered:
.L_overlay_start_0:
0x88: {  	s2 =	sld [smem:$0x3FD9]  }
0x89: {  	s3 =	sld [smem:$0x3FFE];
	_ =	sdelay $0x1  }
0x8a: {  	s1 =	srdreg.scid  }
0x8b: {  	s0 =	sand.u32 $0x1, s1  }
0x8c: {  	s16 =	sshll.u32 s0, $0xA;
	s2 =	sadd.s32 s3, s2  }
0x8d: {  	s2 =	sadd.s32 s2, s16  }
0x8e: {  	[smem:$0x3FB5] =	sst s2  }
0x8f: {  	_ = 	snop  }
0x90: {  	(tm) =	ssettm $0x1  }
0x91: {  	s17 =	sld [smem:$0x3FFB];
	_ =	sdelay $0x3  }
0x92: {  	_ =	strace s17  }
0x93: {  	s2 =	sld [smem:$0x3FFC];
	_ =	sdelay $0x3  }
0x94: {  	_ =	strace s2  }
0x95: {  	s2 =	sld [smem:$0x3FFD];
	_ =	sdelay $0x3  }
0x96: {  	_ =	strace s2  }
0x97: {  	_ =	strace $0x8FFFFFFF  }
0x98: {  	s18 =	sld [smem:$0x3FDB];
	_ =	sdelay $0x1  }
0x99: {  	s19 =	simm.s32 $_scs_section_size  }
0x9a: {  	s4 =	simm.s32 $_size__tile_overlayer_lowered;
	s5 =	simm.s32 $_tile_overlayer_lowered  }
0x9b: {  	s22 =	simm.s32 $0x1BFF;
	s21 =	sshll.u32 s5, $0x1;
	s2 =	sadd.s32 s19, s18  }
0x9c: {  	s6 =	simm.s32 $0x0;
	s20 =	sshll.u32 s4, $0x1;
	s4 =	sadd.s32 s21, s2  }
0x9d: {  	[timem:s6], [sflag:s22] =	dma.local [hbm:s4], s20  }
0x9e: {  	_ =	swait.ge [sflag:s22], s20  }
0x9f: {  	s3 =	ssub.s32 $0x0, s20;
	[sflag:s22] =	ssyncset.done $0x0  }
0xa0: {  	[sflag:s22] =	ssyncadd.s32 s3;
	_ =	sdelay $0x1  }
0xa1: {  	s23 =	simm.s32 $0x1B8B  }
0xa2: {  	_ =	swait.ge [sflag:s23], $0x1  }
0xa3: {  	[sflag:s23] =	ssyncset.done $0x0  }
0xa4: {  	s25 =	simm.s32 $0x1B8E;
	s24 =	sld [smem:$0x3FFE];
	[sflag:s23] =	ssyncadd.s32 $0xFFFFFFFF  }
0xa5: {  	s26 =	simm.s32 $execute0_lowered;
	[smem:$0x3FD2] =	sst s25  }
0xa6: {  	s4 =	sshll.u32 s26, $0x1;
	_ =	strace $0x80000049;
	[dreg:$0x1] =	wrdreg $0xFFFFFFFF  }
0xa7: {  	s28 =	simm.s32 $_size_execute0_lowered;
	s2 =	sadd.s32 s2, s4;
	[dreg:$0x0] =	wrdreg $0x0  }
0xa8: {  	s4 =	sshll.u32 s28, $0x1;
	[dreg:$0x2] =	wrdreg s2  }
0xa9: {  	[dreg:$0x3] =	wrdreg s4  }
0xaa: {  	[dreg:$0x4] =	wrdreg $0xC0  }
0xab: {  	_ =	task [dreg:s6], $0x5FFFF  }
0xac: {  	[dreg:$0x1] =	wrdreg $0xFFFFFFFF  }
0xad: {  	[dreg:$0x0] =	wrdreg $0x60  }
0xae: {  	[dreg:$0x2] =	wrdreg s24  }
0xaf: {  	[dreg:$0x3] =	wrdreg $0x62000  }
0xb0: {  	[dreg:$0x4] =	wrdreg $0x9  }
0xb1: {  	_ =	task.clear_ibuf [dreg:s6], $0x5FFFF;
	_ =	strace $0x90000049  }
0xb2: {  	s29 =	simm.s32 $0x9;
	_ =	strace $0x8000004B  }
0xb3: {  	_ =	swait.ge [sflag:s29], $0x1  }
0xb4: {  	[sflag:s29] =	ssyncadd.s32 $0xFFFFFFFF  }
0xb5: {  	_ =	strace $0x9000004B  }
0xb6: {  	_ =	sfence  }
0xb7: {  	s30 =	sld [smem:$0x0];
	_ =	sdelay $0x2  }
0xb8: {  	s31 =	sshll.u32 s1, $0xD;
	s1 =	sshrl.u32 s1, $0x2  }
0xb9: {  	s3 =	sand.u32 $0x4000, s31;
	s1 =	sadd.s32 s1, s30  }
0xba: {  	s0 =	sor.u32 s3, s0;
	s1 =	sshll.u32 s1, $0x11  }
0xbb: {  	s0 =	sor.u32 s1, s0  }
0xbc: {  	s0 =	sadd.s32 $0x8F2B, s0  }
0xbd: {  	[sflag:s0] =	ssyncadd.remote.s32 $0x1  }
0xbe: {  	_ =	sfence.sel $0xFFFF  }
0xbf: {  	[dreg:$0x0] =	wrdreg $0xFFFFFFFF;
	(pc) =	sbr.abs _section_cstart, $3  }
0xc0: {  	[dreg:$0x1] =	wrdreg $0xFFFFFFFF  }
0xc1: {  	_ =	task.clear_ibuf [dreg:s6], $0x2FFFF;
	_ =	strace $0x9FFFFFFF  }
0xc2: {  	(tm) =	ssettm $0x7FFFFFFF  }
0xc3: {  	_ =	shalt  }
tec
execute0_lowered:
.L_overlay_start_1:
0x0: {  	(tag) =	ssettag $0x1  }
0x1: {  	s0 =	rddreg [dreg:$0x0]  }
0x2: {  	s2 =	rddreg [dreg:$0x1];
	s1 =	stileid.u32  }
0x3: {  	s4 =	srdreg.scid;
	s3 =	simm.s32 $0x0;
	s28 =	simm.s32 $0x3200  }
0x4: {  	s29 =	simm.s32 $0x2;
	s30 =	simm.s32 $0x0;
	s5 =	smul.u32 $0x13C00, s1  }
0x5: {  	s8 =	sand.u32 $0x1, s4;
	[smem:$0x7FF] =	sst s3;
	s9 =	smul.u32 $0x4F000, s1  }
0x6: {  	s4 =	sadd.s32 $0x6BA00, s0;
	s19 =	sadd.s32 $0x1CA00, s0;
	s15 =	smul.u32 $0x2760, s1  }
0x7: {  	s18 =	sadd.s32 $0x26800, s0;
	s24 =	sshll.u32 s1, $0x6;
	s6 =	smul.u32 $0x13C000, s8  }
0x8: {  	_ =	strace $0x8000004A;
	s20 =	ssub.s32 $0x2, s8;
	s10 =	sshll.u32 s8, $0x4  }
0x9: {  	s14 =	smul.u32 $0x27600, s8;
	s7 =	sshrl.u32 s5, $0x3;
	s21 =	sshrl.u32 s20, $0x1  }
0xa: {  	s10 =	sor.u32 s1, s10;
	s22 =	sshrl.u32 s9, $0x2;
	s5 =	sadd.s32 s5, s6  }
0xb: {  	s17 =	sadd.s32 s7, s0;
	s11 =	ssub.s32 s20, s21;
	s23 =	smul.u32 $0x2760, s10  }
0xc: {  	s7 =	sor.u32 $0x1C03, s24;
	s21 =	simm.s32 $0x80;
	s24 =	simm.s32 $0x100  }
0xd: {  	s5 =	sshrl.u32 s5, $0x3;
	s6 =	sadd.s32 $0x92C00, s17;
	s11 =	smax.u32 s11, $0x1  }
0xe: {  	s17 =	sadd.s32 s15, s14;
	s0 =	sadd.s32 s5, s0;
	s5 =	sadd.s32 s22, s2  }
0xf: {  	s13 =	sshrl.u32 s23, $0x3;
	s26 =	sadd.s32 $0x180, s17;
	s20 =	sadd.s32 $0x120, s17  }
0x10: {  	s22 =	simm.s32 $0x60;
	s23 =	simm.s32 $0x200;
	[dreg:$0x3] =	wrdreg s5  }
0x11: {  	s8 =	sadd.s32 s19, s13;
	s9 =	sadd.s32 s18, s13;
	s10 =	sadd.s32 $0xBA400, s0  }
0x12: {  	s25 =	sadd.s32 $0xC, s13;
	s16 =	sadd.s32 $0x18, s13;
	s0 =	sshrl.u32 s26, $0x3  }
0x13: {  	s31 =	sshrl.u32 s20, $0x3;
	s20 =	simm.s32 $0x3;
	s26 =	simm.s32 $0x1  }
0x14: {  	s12 =	sadd.s32 s19, s25;
	s13 =	sadd.s32 s18, s25;
	s14 =	sadd.s32 s19, s16  }
0x15: {  	s15 =	sadd.s32 s18, s16;
	s16 =	sadd.s32 s0, s18;
	s17 =	sadd.s32 s0, s19  }
0x16: {  	s18 =	sadd.s32 s31, s18;
	s19 =	sadd.s32 s31, s19;
	s25 =	simm.s32 $0x180  }
.LBB2_1:
0x17: {  	s0 =	rddreg [dreg:$0x3]  }
0x18: {  	s31 =	sshrl.u32 s0, $0x3  }
0x19: {  	[spmem:s31], [sflag:s7] =	dma.local [hbm:s6], $0x2780  }
0x1a: {  	_ =	swait.ge [sflag:s20], $0x2780  }
0x1b: {  	[sflag:s20] =	ssyncset.done $0x0  }
0x1c: {  	[sflag:s20] =	ssyncadd.s32 $0xFFFFD880  }
0x1d: {  	[bflag:$0x0] =	sbarrier.arrive $0xFFFF  }
0x1e: {  	[tilespmem:s3], [sflag:$0x3] =	stream.linear.gather [hbm4b:s8+s3], $0x60, $0x38;
	[tilespmem:$0x19E00] =	vst v63  }
0x1f: {  	_ =	swait.ge [sflag:s20], $0x60  }
0x20: {  	[sflag:s20] =	ssyncset.done $0x0  }
0x21: {  	[sflag:s20] =	ssyncadd.s32 $0xFFFFFFA0  }
0x22: {  	[tilespmem:s21], [sflag:$0x3] =	stream.linear.gather [hbm4b:s9+s3], $0x60, $0x38;
	[tilespmem:$0x19E00] =	vst v63  }
0x23: {  	_ =	swait.ge [sflag:s20], $0x60  }
0x24: {  	[sflag:s20] =	ssyncset.done $0x0  }
0x25: {  	[sflag:s20] =	ssyncadd.s32 $0xFFFFFFA0  }
0x26: {  	[tilespmem:s23], [sflag:$0x1] =	stream.indirect.gather [hbm4b:s4+s22], $0x80, s3, s22, $0xb8;
	[tilespmem:$0x19E00] =	vst v63  }
0x27: {  	_ = 	snop  }
0x28: {  	[tilespmem:s24], [sflag:$0x3] =	stream.linear.gather [hbm4b:s12+s3], $0x60, $0x38;
	[tilespmem:$0x19E00] =	vst v63  }
0x29: {  	_ =	swait.ge [sflag:s20], $0x60  }
0x2a: {  	[sflag:s20] =	ssyncset.done $0x0  }
0x2b: {  	[sflag:s20] =	ssyncadd.s32 $0xFFFFFFA0  }
0x2c: {  	[tilespmem:s25], [sflag:$0x3] =	stream.linear.gather [hbm4b:s13+s3], $0x60, $0x38;
	[tilespmem:$0x19E00] =	vst v63  }
0x2d: {  	_ =	swait.ge [sflag:s20], $0x60  }
0x2e: {  	[sflag:s20] =	ssyncset.done $0x0  }
0x2f: {  	[sflag:s20] =	ssyncadd.s32 $0xFFFFFFA0  }
0x30: {  	_ =	swait.ge [sflag:s26], $0x3000  }
0x31: {  	[sflag:s26] =	ssyncset.done $0x0  }
0x32: {  	[sflag:s26] =	ssyncadd.s32 $0xFFFFD000  }
0x33: {  	[spmem:s2] =	stream.indirect.scatter.add.f32 [tilespmem:s23], [sflag:$0x2], $0x80, s21, s22, $0xb8;
	[tilespmem:$0x19E00] =	vst v63  }
0x34: {  	_ = 	snop  }
0x35: {  	[tilespmem:s28], [sflag:$0x1] =	stream.indirect.gather [hbm4b:s4+s22], $0x80, s24, s22, $0xb8;
	[tilespmem:$0x19E00] =	vst v63  }
0x36: {  	_ =	swait.ge [sflag:s29], $0x3000  }
0x37: {  	[sflag:s29] =	ssyncset.done $0x0  }
0x38: {  	[sflag:s29] =	ssyncadd.s32 $0xFFFFD000  }
0x39: {  	[tilespmem:s3], [sflag:$0x3] =	stream.linear.gather [hbm4b:s14+s3], $0x60, $0x38;
	[tilespmem:$0x19E00] =	vst v63  }
0x3a: {  	_ =	swait.ge [sflag:s20], $0x60  }
0x3b: {  	[sflag:s20] =	ssyncset.done $0x0  }
0x3c: {  	[sflag:s20] =	ssyncadd.s32 $0xFFFFFFA0  }
0x3d: {  	[tilespmem:s21], [sflag:$0x3] =	stream.linear.gather [hbm4b:s15+s3], $0x60, $0x38;
	[tilespmem:$0x19E00] =	vst v63  }
0x3e: {  	_ =	swait.ge [sflag:s20], $0x60  }
0x3f: {  	[sflag:s20] =	ssyncset.done $0x0  }
0x40: {  	[sflag:s20] =	ssyncadd.s32 $0xFFFFFFA0  }
0x41: {  	_ =	swait.ge [sflag:s26], $0x3000  }
0x42: {  	[sflag:s26] =	ssyncset.done $0x0  }
0x43: {  	[sflag:s26] =	ssyncadd.s32 $0xFFFFD000  }
0x44: {  	[spmem:s2] =	stream.indirect.scatter.add.f32 [tilespmem:s28], [sflag:$0x2], $0x80, s25, s22, $0xb8;
	[tilespmem:$0x19E00] =	vst v63  }
0x45: {  	_ = 	snop  }
0x46: {  	[tilespmem:s23], [sflag:$0x1] =	stream.indirect.gather [hbm4b:s4+s22], $0x80, s3, s22, $0xb8;
	[tilespmem:$0x19E00] =	vst v63  }
0x47: {  	_ =	swait.ge [sflag:s29], $0x3000  }
0x48: {  	[sflag:s29] =	ssyncset.done $0x0  }
0x49: {  	s1 =	sadd.s32 $0x0, s19;
	[sflag:s29] =	ssyncadd.s32 $0xFFFFD000  }
0x4a: {  	[tilespmem:s24], [sflag:$0x3] =	stream.linear.gather [hbm4b:s1+s3], $0x60, $0x38;
	[tilespmem:$0x19E00] =	vst v63  }
0x4b: {  	_ =	swait.ge [sflag:s20], $0x60  }
0x4c: {  	[sflag:s20] =	ssyncset.done $0x0  }
0x4d: {  	s5 =	sadd.s32 $0x0, s18;
	[sflag:s20] =	ssyncadd.s32 $0xFFFFFFA0  }
0x4e: {  	[tilespmem:s25], [sflag:$0x3] =	stream.linear.gather [hbm4b:s5+s3], $0x60, $0x38;
	[tilespmem:$0x19E00] =	vst v63  }
0x4f: {  	_ =	swait.ge [sflag:s20], $0x60  }
0x50: {  	[sflag:s20] =	ssyncset.done $0x0  }
0x51: {  	[sflag:s20] =	ssyncadd.s32 $0xFFFFFFA0  }
0x52: {  	_ =	swait.ge [sflag:s26], $0x3000  }
0x53: {  	[sflag:s26] =	ssyncset.done $0x0  }
0x54: {  	[sflag:s26] =	ssyncadd.s32 $0xFFFFD000  }
0x55: {  	[spmem:s2] =	stream.indirect.scatter.add.f32 [tilespmem:s23], [sflag:$0x2], $0x80, s21, s22, $0xb8;
	[tilespmem:$0x19E00] =	vst v63  }
0x56: {  	_ = 	snop  }
0x57: {  	[tilespmem:s28], [sflag:$0x1] =	stream.indirect.gather [hbm4b:s4+s22], $0x80, s24, s22, $0xb8;
	[tilespmem:$0x19E00] =	vst v63  }
0x58: {  	_ =	swait.ge [sflag:s29], $0x3000  }
0x59: {  	[sflag:s29] =	ssyncset.done $0x0  }
0x5a: {  	s1 =	sadd.s32 $0x0, s17;
	[sflag:s29] =	ssyncadd.s32 $0xFFFFD000  }
0x5b: {  	[tilespmem:s3], [sflag:$0x3] =	stream.linear.gather [hbm4b:s1+s3], $0x60, $0x38;
	[tilespmem:$0x19E00] =	vst v63  }
0x5c: {  	_ =	swait.ge [sflag:s20], $0x60  }
0x5d: {  	[sflag:s20] =	ssyncset.done $0x0  }
0x5e: {  	s5 =	sadd.s32 $0x0, s16;
	[sflag:s20] =	ssyncadd.s32 $0xFFFFFFA0  }
0x5f: {  	[tilespmem:s21], [sflag:$0x3] =	stream.linear.gather [hbm4b:s5+s3], $0x60, $0x38;
	[tilespmem:$0x19E00] =	vst v63  }
0x60: {  	_ =	swait.ge [sflag:s20], $0x60  }
0x61: {  	[sflag:s20] =	ssyncset.done $0x0  }
0x62: {  	[sflag:s20] =	ssyncadd.s32 $0xFFFFFFA0  }
0x63: {  	_ =	swait.ge [sflag:s26], $0x3000  }
0x64: {  	[sflag:s26] =	ssyncset.done $0x0  }
0x65: {  	s0 =	simm.s32 $0x18;
	[sflag:s26] =	ssyncadd.s32 $0xFFFFD000  }
.LBB2_2:
0x66: {  	[spmem:s2] =	stream.indirect.scatter.add.f32 [tilespmem:s28], [sflag:$0x2], $0x80, s25, s22, $0xb8;
	[tilespmem:$0x19E00] =	vst v63  }
0x67: {  	p0 =	sne.s32 s0, $0x4B0;
	s1 =	smov.u32 s0;
	s0 =	sadd.s32 $0x18, s0  }
0x68: {  	[tilespmem:s23], [sflag:$0x1] =	stream.indirect.gather [hbm4b:s4+s22], $0x80, s3, s22, $0xb8;
	[tilespmem:$0x19E00] =	vst v63  }
0x69: {  	_ =	swait.ge [sflag:s29], $0x3000  }
0x6a: {  	[sflag:s29] =	ssyncset.done $0x0  }
0x6b: {  	s5 =	sadd.s32 s1, s19;
	[sflag:s29] =	ssyncadd.s32 $0xFFFFD000  }
0x6c: {  	[tilespmem:s24], [sflag:$0x3] =	stream.linear.gather [hbm4b:s5+s3], $0x60, $0x38;
	[tilespmem:$0x19E00] =	vst v63  }
0x6d: {  	_ =	swait.ge [sflag:s20], $0x60  }
0x6e: {  	[sflag:s20] =	ssyncset.done $0x0  }
0x6f: {  	s5 =	sadd.s32 s1, s18;
	[sflag:s20] =	ssyncadd.s32 $0xFFFFFFA0  }
0x70: {  	[tilespmem:s25], [sflag:$0x3] =	stream.linear.gather [hbm4b:s5+s3], $0x60, $0x38;
	[tilespmem:$0x19E00] =	vst v63  }
0x71: {  	_ =	swait.ge [sflag:s20], $0x60  }
0x72: {  	[sflag:s20] =	ssyncset.done $0x0  }
0x73: {  	[sflag:s20] =	ssyncadd.s32 $0xFFFFFFA0  }
0x74: {  	_ =	swait.ge [sflag:s26], $0x3000  }
0x75: {  	[sflag:s26] =	ssyncset.done $0x0  }
0x76: {  	[sflag:s26] =	ssyncadd.s32 $0xFFFFD000  }
0x77: {  	[spmem:s2] =	stream.indirect.scatter.add.f32 [tilespmem:s23], [sflag:$0x2], $0x80, s21, s22, $0xb8;
	[tilespmem:$0x19E00] =	vst v63  }
0x78: {  	_ = 	snop  }
0x79: {  	[tilespmem:s28], [sflag:$0x1] =	stream.indirect.gather [hbm4b:s4+s22], $0x80, s24, s22, $0xb8;
	[tilespmem:$0x19E00] =	vst v63  }
0x7a: {  	_ =	swait.ge [sflag:s29], $0x3000  }
0x7b: {  	[sflag:s29] =	ssyncset.done $0x0  }
0x7c: {  	s5 =	sadd.s32 s1, s17;
	[sflag:s29] =	ssyncadd.s32 $0xFFFFD000  }
0x7d: {  	[tilespmem:s3], [sflag:$0x3] =	stream.linear.gather [hbm4b:s5+s3], $0x60, $0x38;
	[tilespmem:$0x19E00] =	vst v63  }
0x7e: {  	_ =	swait.ge [sflag:s20], $0x60  }
0x7f: {  	[sflag:s20] =	ssyncset.done $0x0  }
0x80: {  	s1 =	sadd.s32 s1, s16;
	[sflag:s20] =	ssyncadd.s32 $0xFFFFFFA0  }
0x81: {  	[tilespmem:s21], [sflag:$0x3] =	stream.linear.gather [hbm4b:s1+s3], $0x60, $0x38;
	[tilespmem:$0x19E00] =	vst v63  }
0x82: {  	_ =	swait.ge [sflag:s20], $0x60  }
.Ltmp0:
0x83: {  	[sflag:s20] =	ssyncset.done $0x0;
	(pc) =	sbr.rel @p0 .LBB2_2-.Ltmp0, $4  }
0x84: {  	[sflag:s20] =	ssyncadd.s32 $0xFFFFFFA0  }
0x85: {  	_ =	swait.ge [sflag:s26], $0x3000  }
0x86: {  	[sflag:s26] =	ssyncset.done $0x0  }
0x87: {  	[sflag:s26] =	ssyncadd.s32 $0xFFFFD000  }
0x88: {  	[spmem:s2] =	stream.indirect.scatter.add.f32 [tilespmem:s28], [sflag:$0x2], $0x80, s25, s22, $0xb8;
	[tilespmem:$0x19E00] =	vst v63  }
0x89: {  	_ = 	snop  }
0x8a: {  	[tilespmem:s23], [sflag:$0x1] =	stream.indirect.gather [hbm4b:s4+s22], $0x80, s3, s22, $0xb8;
	[tilespmem:$0x19E00] =	vst v63  }
0x8b: {  	_ =	swait.ge [sflag:s26], $0x3000  }
0x8c: {  	[sflag:s26] =	ssyncset.done $0x0  }
0x8d: {  	[sflag:s26] =	ssyncadd.s32 $0xFFFFD000  }
0x8e: {  	_ =	swait.ge [sflag:s29], $0x3000  }
0x8f: {  	[sflag:s29] =	ssyncset.done $0x0  }
0x90: {  	[sflag:s29] =	ssyncadd.s32 $0xFFFFD000  }
0x91: {  	[spmem:s2] =	stream.indirect.scatter.add.f32 [tilespmem:s23], [sflag:$0x3], $0x80, s21, s22, $0xb8;
	[tilespmem:$0x19E00] =	vst v63  }
0x92: {  	_ =	swait.ge [sflag:s20], $0x3000  }
0x93: {  	s30 =	sadd.s32 $0x1, s30;
	[sflag:s20] =	ssyncset.done $0x0  }
0x94: {  	p0 =	sne.s32 s30, s11;
	[sflag:s20] =	ssyncadd.s32 $0xFFFFD000  }
.Ltmp1:
0x95: {  	[bflag:$0x0] =	sbarrier.arrive $0xFFFF;
	(pc) =	sbr.rel @p0 .LBB2_1-.Ltmp1, $4  }
0x96: {  	[hbm:s10], [sflag:s7] =	dma.local [spmem:s31], $0x2780  }
0x97: {  	_ =	swait.ge [sflag:s20], $0x2780  }
0x98: {  	[sflag:s20] =	ssyncset.done $0x0  }
0x99: {  	[sflag:s20] =	ssyncadd.s32 $0xFFFFD880  }
0x9a: {  	_ =	sfence.sel $0x180000  }
0x9b: {  	[bflag:$0x0] =	sbarrier.arrive $0xFFFF  }
0x9c: {  	_ =	strace $0x9000004A  }
0x9d: {  	s0 =	stileid.u32;
	[bflag:$0x2] =	sbarrier.arrive $0xFFFF  }
0x9e: {  	p0 =	sne.s32 s0, $0x0;
	s0 =	rddreg [dreg:$0x2]  }
0x9f: {  	s0 =	sadd.s32 @!p0 $0x100000, s0  }
0xa0: {  	[sflag:s0] =	ssyncadd.tile.s32 @!p0 $0x1;
	_ =	shalt  }
.Lfunc_end2:
_tile_overlayer_lowered:
.L_overlay_start_2:
0xa1: {  	(tag) =	ssettag $0x2  }
0xa2: {  	s0 =	rddreg [dreg:$0x0];
	s2 =	stileid.u32  }
0xa3: {  	s1 =	rddreg [dreg:$0x1];
	p0 =	sne.s32 s2, $0x0  }
0xa4: {  	s3 =	rddreg [dreg:$0x2];
	[bflag:$0x3] =	sbarrier.arrive $0xFFFF;
	s2 =	simm.s32 @!p0 $0x1C03  }
0xa5: {  	[timem:s3], [sflag:s2] =	dma.local @!p0 [hbm:s0], s1  }
0xa6: {  	s0 =	simm.s32 @!p0 $0x3  }
0xa7: {  	_ =	swait.ge @!p0 [sflag:s0], s1  }
0xa8: {  	s1 =	ssub.s32 @!p0 $0x0, s1;
	[sflag:s0] =	ssyncset.done @!p0 $0x0  }
0xa9: {  	[sflag:s0] =	ssyncadd.s32 @!p0 s1  }
0xaa: {  	[bflag:$0x3] =	sbarrier.arrive $0xFFFF  }
0xab: {  	_ =	shalt  }

// kernel: kernel.30.cloned.1.call-start
scs
__scs_entry_jumppad:
0x0: {  	(pc) =	sbr.rel $0x88, $3  }
0x1: {  	(tag) =	ssettag $0x0;
	lr =	simm.s32 $0x1  }
0x2: {  	[smem:$0x3F8E] =	sst lr;
	_ =	strace $0xD0000000  }
0x3: {  	_ = 	snop  }
0x4: {  	_ = 	snop  }
0x5: {  	_ = 	snop  }
0x6: {  	_ = 	snop  }
0x7: {  	_ = 	snop  }
__scs_overlays_trampoline_lowered:
0x8: {  	[smem:$0x3F9D] =	sst s0  }
0x9: {  	[smem:$0x3F9E] =	sst s1  }
0xa: {  	[smem:$0x3F9F] =	sst s2  }
0xb: {  	[smem:$0x3FA0] =	sst s3  }
0xc: {  	[smem:$0x3FA1] =	sst s4  }
0xd: {  	[smem:$0x3FA2] =	sst s5  }
0xe: {  	[smem:$0x3FA3] =	sst s6  }
0xf: {  	[smem:$0x3FA4] =	sst s7  }
0x10: {  	[smem:$0x3FA5] =	sst s8  }
0x11: {  	[smem:$0x3FA6] =	sst s9;
	s0 =	simm.s32 @!p0 $0x0  }
0x12: {  	s1 =	sld [smem:$0x3F8C];
	s0 =	simm.s32 @p0 $0x1  }
0x13: {  	[smem:$0x3FA7] =	sst s0;
	s0 =	simm.s32 @!p1 $0x0  }
0x14: {  	s2 =	sld [smem:$0x3F8B];
	s0 =	simm.s32 @p1 $0x1  }
0x15: {  	[smem:$0x3FA8] =	sst s0;
	s0 =	simm.s32 @!p2 $0x0  }
0x16: {  	s3 =	sld [smem:$0x3FDB];
	s0 =	simm.s32 @p2 $0x1  }
0x17: {  	s4 =	simm.s32 $0x1BF5;
	[smem:$0x3FAA] =	sst s0  }
0x18: {  	s0 =	sld [smem:$0x3F8D];
	_ =	swait.ge [sflag:s4], $0x0  }
0x19: {  	s7 =	sld [smem:$0x3F8E]  }
0x1a: {  	s8 =	sadd.s32 $0xFFFFE003, lr  }
0x1b: {  	s9 =	sadd.s32 $0xFFFFFEF7, lr;
	s5 =	simm.s32 $0xFFFFFFFF;
	p2 =	slt.u32 s8, $0xFFFFF086  }
0x1c: {  	p1 =	slt.u32 s9, $0xF7A;
	s5 =	simm.s32 @!p2 $0x0  }
0x1d: {  	s5 =	simm.s32 @p1 $0x1;
	p0 =	seq.s32 s7, s2  }
0x1e: {  	s7 =	smul.u32 @!p0 $0xF7A, s2;
	p2 =	seq.s32 @!p0 s5, $0x0  }
0x1f: {  	s9 =	smul.u32 $0xF7A, s1;
	s8 =	simm.s32 @!p0 $0x1BF5;
	p2 =	por !p2, p0  }
0x20: {  	[sflag:s8] =	ssyncset.s32 @!p0 $0xFFFFF086;
	s6 =	sadd.s32 @!p0 s3, s7;
	s7 =	simm.s32 @!p0 $0x108  }
0x21: {  	s3 =	sadd.s32 s3, s9;
	s6 =	sadd.s32 @!p0 $0x88, s6;
	s7 =	simm.s32 @p2 $0x1082  }
0x22: {  	[simem:s7], [sflag:s8] =	dma.local @!p0 [hbm:s6], $0xF7A  }
0x23: {  	s9 =	sor.u32 $0xD0000000, s2;
	s6 =	simm.s32 $0x108;
	_ =	swait.ge @!p0 [sflag:s8], $0x0  }
0x24: {  	s3 =	sadd.s32 $0x88, s3;
	s6 =	simm.s32 @!p1 $0x1082;
	[sflag:s4] =	ssyncset.s32 $0xFFFFF086  }
0x25: {  	[simem:s6], [sflag:s4] =	dma.local [hbm:s3], $0xF7A  }
0x26: {  	[smem:$0x3F8E] =	sst s1;
	(tag) =	ssettag s2;
	_ =	strace s9  }
0x27: {  	s1 =	sld [smem:$0x3F9E]  }
0x28: {  	s2 =	sld [smem:$0x3F9F]  }
0x29: {  	s4 =	sld [smem:$0x3FA1]  }
0x2a: {  	p0 =	seq.s32 s5, $0x0;
	s5 =	sld [smem:$0x3FA2]  }
0x2b: {  	s6 =	sld [smem:$0x3FA3]  }
0x2c: {  	s7 =	sld [smem:$0x3FA4]  }
0x2d: {  	s3 =	simm.s32 $0x108;
	s8 =	sld [smem:$0x3FA5]  }
0x2e: {  	s3 =	simm.s32 @!p0 $0x1082;
	s9 =	sld [smem:$0x3FA6]  }
0x2f: {  	lr =	sadd.s32 s0, s3;
	s0 =	sld [smem:$0x3F9D]  }
0x30: {  	s3 =	sld [smem:$0x3FA0]  }
0x31: {  	[smem:$0x3FA9] =	sst s10  }
0x32: {  	s10 =	sld [smem:$0x3FA7];
	_ =	sdelay $0x3  }
0x33: {  	p0 =	seq.s32 s10, $0x1;
	s10 =	sld [smem:$0x3FA9];
	_ =	sdelay $0x3  }
0x34: {  	[smem:$0x3FA9] =	sst s10  }
0x35: {  	s10 =	sld [smem:$0x3FA8];
	_ =	sdelay $0x3  }
0x36: {  	p1 =	seq.s32 s10, $0x1;
	s10 =	sld [smem:$0x3FA9];
	_ =	sdelay $0x3  }
0x37: {  	[smem:$0x3FA9] =	sst s10  }
0x38: {  	s10 =	sld [smem:$0x3FAA]  }
0x39: {  	_ = 	snop;
	(pc) =	sbr.ind lr, $3  }
0x3a: {  	_ = 	snop  }
0x3b: {  	_ = 	snop  }
0x3c: {  	p2 =	seq.s32 s10, $0x1;
	s10 =	sld [smem:$0x3FA9]  }
0x3d: {  	_ =	shalt  }
0x3e: {  	_ =	shalt  }
0x3f: {  	_ =	shalt  }
0x40: {  	_ =	shalt  }
0x41: {  	_ =	shalt  }
0x42: {  	_ =	shalt  }
0x43: {  	_ =	shalt  }
0x44: {  	_ =	shalt  }
0x45: {  	_ =	shalt  }
0x46: {  	_ =	shalt  }
0x47: {  	_ =	shalt  }
0x48: {  	_ =	shalt  }
0x49: {  	_ =	shalt  }
0x4a: {  	_ =	shalt  }
0x4b: {  	_ =	shalt  }
0x4c: {  	_ =	shalt  }
0x4d: {  	_ =	shalt  }
0x4e: {  	_ =	shalt  }
0x4f: {  	_ =	shalt  }
0x50: {  	_ =	shalt  }
0x51: {  	_ =	shalt  }
0x52: {  	_ =	shalt  }
0x53: {  	_ =	shalt  }
0x54: {  	_ =	shalt  }
0x55: {  	_ =	shalt  }
0x56: {  	_ =	shalt  }
0x57: {  	_ =	shalt  }
0x58: {  	_ =	shalt  }
0x59: {  	_ =	shalt  }
0x5a: {  	_ =	shalt  }
0x5b: {  	_ =	shalt  }
0x5c: {  	_ =	shalt  }
0x5d: {  	_ =	shalt  }
0x5e: {  	_ =	shalt  }
0x5f: {  	_ =	shalt  }
0x60: {  	_ =	shalt  }
0x61: {  	_ =	shalt  }
0x62: {  	_ =	shalt  }
0x63: {  	_ =	shalt  }
0x64: {  	_ =	shalt  }
0x65: {  	_ =	shalt  }
0x66: {  	_ =	shalt  }
0x67: {  	_ =	shalt  }
0x68: {  	_ =	shalt  }
0x69: {  	_ =	shalt  }
0x6a: {  	_ =	shalt  }
0x6b: {  	_ =	shalt  }
0x6c: {  	_ =	shalt  }
0x6d: {  	_ =	shalt  }
0x6e: {  	_ =	shalt  }
0x6f: {  	_ =	shalt  }
0x70: {  	_ =	shalt  }
0x71: {  	_ =	shalt  }
0x72: {  	_ =	shalt  }
0x73: {  	_ =	shalt  }
0x74: {  	_ =	shalt  }
0x75: {  	_ =	shalt  }
0x76: {  	_ =	shalt  }
0x77: {  	_ =	shalt  }
0x78: {  	_ =	shalt  }
0x79: {  	_ =	shalt  }
0x7a: {  	_ =	shalt  }
0x7b: {  	_ =	shalt  }
0x7c: {  	_ =	shalt  }
0x7d: {  	_ =	shalt  }
0x7e: {  	_ =	shalt  }
0x7f: {  	_ =	shalt  }
0x80: {  	_ =	shalt  }
0x81: {  	_ =	shalt  }
0x82: {  	_ =	shalt  }
0x83: {  	_ =	shalt  }
0x84: {  	_ =	shalt  }
0x85: {  	_ =	shalt  }
0x86: {  	_ =	shalt  }
0x87: {  	_ =	shalt  }
.Lfunc_end0:
.L_simem_size_0:
called_computation.4_lowered:
.L_overlay_start_0:
0x88: {  	s2 =	sld [smem:$0x3FD9]  }
0x89: {  	s3 =	sld [smem:$0x3FFE];
	_ =	sdelay $0x1  }
0x8a: {  	s1 =	srdreg.scid  }
0x8b: {  	s0 =	sand.u32 $0x1, s1  }
0x8c: {  	s16 =	sshll.u32 s0, $0xA;
	s2 =	sadd.s32 s3, s2  }
0x8d: {  	s2 =	sadd.s32 s2, s16  }
0x8e: {  	[smem:$0x3FB5] =	sst s2  }
0x8f: {  	_ = 	snop  }
0x90: {  	(tm) =	ssettm $0x1  }
0x91: {  	s17 =	sld [smem:$0x3FFB];
	_ =	sdelay $0x3  }
0x92: {  	_ =	strace s17  }
0x93: {  	s2 =	sld [smem:$0x3FFC];
	_ =	sdelay $0x3  }
0x94: {  	_ =	strace s2  }
0x95: {  	s2 =	sld [smem:$0x3FFD];
	_ =	sdelay $0x3  }
0x96: {  	_ =	strace s2  }
0x97: {  	_ =	strace $0x8FFFFFFF  }
0x98: {  	s18 =	sld [smem:$0x3FDB];
	_ =	sdelay $0x1  }
0x99: {  	s19 =	simm.s32 $_scs_section_size  }
0x9a: {  	s4 =	simm.s32 $_size__tile_overlayer_lowered;
	s5 =	simm.s32 $_tile_overlayer_lowered  }
0x9b: {  	s22 =	simm.s32 $0x1BFF;
	s21 =	sshll.u32 s5, $0x1;
	s2 =	sadd.s32 s19, s18  }
0x9c: {  	s6 =	simm.s32 $0x0;
	s20 =	sshll.u32 s4, $0x1;
	s4 =	sadd.s32 s21, s2  }
0x9d: {  	[timem:s6], [sflag:s22] =	dma.local [hbm:s4], s20  }
0x9e: {  	_ =	swait.ge [sflag:s22], s20  }
0x9f: {  	s3 =	ssub.s32 $0x0, s20;
	[sflag:s22] =	ssyncset.done $0x0  }
0xa0: {  	[sflag:s22] =	ssyncadd.s32 s3;
	_ =	sdelay $0x1  }
0xa1: {  	s23 =	simm.s32 $0x1B8B  }
0xa2: {  	_ =	swait.ge [sflag:s23], $0x1  }
0xa3: {  	[sflag:s23] =	ssyncset.done $0x0  }
0xa4: {  	s25 =	simm.s32 $0x1B8E;
	s24 =	sld [smem:$0x3FFE];
	[sflag:s23] =	ssyncadd.s32 $0xFFFFFFFF  }
0xa5: {  	s26 =	simm.s32 $execute0_lowered;
	[smem:$0x3FD2] =	sst s25  }
0xa6: {  	s4 =	sshll.u32 s26, $0x1;
	_ =	strace $0x8000004C;
	[dreg:$0x1] =	wrdreg $0xFFFFFFFF  }
0xa7: {  	s28 =	simm.s32 $_size_execute0_lowered;
	s2 =	sadd.s32 s2, s4;
	[dreg:$0x0] =	wrdreg $0x0  }
0xa8: {  	s4 =	sshll.u32 s28, $0x1;
	[dreg:$0x2] =	wrdreg s2  }
0xa9: {  	[dreg:$0x3] =	wrdreg s4  }
0xaa: {  	[dreg:$0x4] =	wrdreg $0xC0  }
0xab: {  	_ =	task [dreg:s6], $0x5FFFF  }
0xac: {  	[dreg:$0x1] =	wrdreg $0xFFFFFFFF  }
0xad: {  	[dreg:$0x0] =	wrdreg $0x60  }
0xae: {  	[dreg:$0x2] =	wrdreg s24  }
0xaf: {  	[dreg:$0x3] =	wrdreg $0x62000  }
0xb0: {  	[dreg:$0x4] =	wrdreg $0xA  }
0xb1: {  	_ =	task.clear_ibuf [dreg:s6], $0x5FFFF;
	_ =	strace $0x9000004C  }
0xb2: {  	s29 =	simm.s32 $0xA;
	_ =	strace $0x8000004E  }
0xb3: {  	_ =	swait.ge [sflag:s29], $0x1  }
0xb4: {  	[sflag:s29] =	ssyncadd.s32 $0xFFFFFFFF  }
0xb5: {  	_ =	strace $0x9000004E  }
0xb6: {  	_ =	sfence  }
0xb7: {  	s30 =	sld [smem:$0x0];
	_ =	sdelay $0x2  }
0xb8: {  	s31 =	sshll.u32 s1, $0xD;
	s1 =	sshrl.u32 s1, $0x2  }
0xb9: {  	s3 =	sand.u32 $0x4000, s31;
	s1 =	sadd.s32 s1, s30  }
0xba: {  	s0 =	sor.u32 s3, s0;
	s1 =	sshll.u32 s1, $0x11  }
0xbb: {  	s0 =	sor.u32 s1, s0  }
0xbc: {  	s0 =	sadd.s32 $0x8F2B, s0  }
0xbd: {  	[sflag:s0] =	ssyncadd.remote.s32 $0x1  }
0xbe: {  	_ =	sfence.sel $0xFFFF  }
0xbf: {  	[dreg:$0x0] =	wrdreg $0xFFFFFFFF;
	(pc) =	sbr.abs _section_cstart, $3  }
0xc0: {  	[dreg:$0x1] =	wrdreg $0xFFFFFFFF  }
0xc1: {  	_ =	task.clear_ibuf [dreg:s6], $0x2FFFF;
	_ =	strace $0x9FFFFFFF  }
0xc2: {  	(tm) =	ssettm $0x7FFFFFFF  }
0xc3: {  	_ =	shalt  }
tec
execute0_lowered:
.L_overlay_start_1:
0x0: {  	(tag) =	ssettag $0x1  }
0x1: {  	s0 =	rddreg [dreg:$0x0]  }
0x2: {  	s2 =	rddreg [dreg:$0x1];
	s1 =	stileid.u32  }
0x3: {  	s4 =	srdreg.scid;
	s3 =	simm.s32 $0x0;
	s28 =	simm.s32 $0x3200  }
0x4: {  	s29 =	simm.s32 $0x2;
	s30 =	simm.s32 $0x0;
	s5 =	smul.u32 $0x13C00, s1  }
0x5: {  	s8 =	sand.u32 $0x1, s4;
	[smem:$0x7FF] =	sst s3;
	s9 =	smul.u32 $0x4F000, s1  }
0x6: {  	s4 =	sadd.s32 $0x6BA00, s0;
	s19 =	sadd.s32 $0x3A400, s0;
	s15 =	smul.u32 $0x2760, s1  }
0x7: {  	s18 =	sadd.s32 $0x30600, s0;
	s24 =	sshll.u32 s1, $0x6;
	s6 =	smul.u32 $0x13C000, s8  }
0x8: {  	_ =	strace $0x8000004D;
	s20 =	ssub.s32 $0x2, s8;
	s10 =	sshll.u32 s8, $0x4  }
0x9: {  	s14 =	smul.u32 $0x27600, s8;
	s7 =	sshrl.u32 s5, $0x3;
	s21 =	sshrl.u32 s20, $0x1  }
0xa: {  	s10 =	sor.u32 s1, s10;
	s22 =	sshrl.u32 s9, $0x2;
	s5 =	sadd.s32 s5, s6  }
0xb: {  	s17 =	sadd.s32 s7, s0;
	s11 =	ssub.s32 s20, s21;
	s23 =	smul.u32 $0x2760, s10  }
0xc: {  	s7 =	sor.u32 $0x1C03, s24;
	s21 =	simm.s32 $0x80;
	s24 =	simm.s32 $0x100  }
0xd: {  	s5 =	sshrl.u32 s5, $0x3;
	s6 =	sadd.s32 $0x92C00, s17;
	s11 =	smax.u32 s11, $0x1  }
0xe: {  	s17 =	sadd.s32 s15, s14;
	s0 =	sadd.s32 s5, s0;
	s5 =	sadd.s32 s22, s2  }
0xf: {  	s13 =	sshrl.u32 s23, $0x3;
	s26 =	sadd.s32 $0x180, s17;
	s20 =	sadd.s32 $0x120, s17  }
0x10: {  	s22 =	simm.s32 $0x60;
	s23 =	simm.s32 $0x200;
	[dreg:$0x3] =	wrdreg s5  }
0x11: {  	s8 =	sadd.s32 s19, s13;
	s9 =	sadd.s32 s18, s13;
	s10 =	sadd.s32 $0xBA400, s0  }
0x12: {  	s25 =	sadd.s32 $0xC, s13;
	s16 =	sadd.s32 $0x18, s13;
	s0 =	sshrl.u32 s26, $0x3  }
0x13: {  	s31 =	sshrl.u32 s20, $0x3;
	s20 =	simm.s32 $0x3;
	s26 =	simm.s32 $0x1  }
0x14: {  	s12 =	sadd.s32 s19, s25;
	s13 =	sadd.s32 s18, s25;
	s14 =	sadd.s32 s19, s16  }
0x15: {  	s15 =	sadd.s32 s18, s16;
	s16 =	sadd.s32 s0, s18;
	s17 =	sadd.s32 s0, s19  }
0x16: {  	s18 =	sadd.s32 s31, s18;
	s19 =	sadd.s32 s31, s19;
	s25 =	simm.s32 $0x180  }
.LBB2_1:
0x17: {  	s0 =	rddreg [dreg:$0x3]  }
0x18: {  	s31 =	sshrl.u32 s0, $0x3  }
0x19: {  	[spmem:s31], [sflag:s7] =	dma.local [hbm:s6], $0x2780  }
0x1a: {  	_ =	swait.ge [sflag:s20], $0x2780  }
0x1b: {  	[sflag:s20] =	ssyncset.done $0x0  }
0x1c: {  	[sflag:s20] =	ssyncadd.s32 $0xFFFFD880  }
0x1d: {  	[bflag:$0x0] =	sbarrier.arrive $0xFFFF  }
0x1e: {  	[tilespmem:s3], [sflag:$0x3] =	stream.linear.gather [hbm4b:s8+s3], $0x60, $0x38;
	[tilespmem:$0x19E00] =	vst v63  }
0x1f: {  	_ =	swait.ge [sflag:s20], $0x60  }
0x20: {  	[sflag:s20] =	ssyncset.done $0x0  }
0x21: {  	[sflag:s20] =	ssyncadd.s32 $0xFFFFFFA0  }
0x22: {  	[tilespmem:s21], [sflag:$0x3] =	stream.linear.gather [hbm4b:s9+s3], $0x60, $0x38;
	[tilespmem:$0x19E00] =	vst v63  }
0x23: {  	_ =	swait.ge [sflag:s20], $0x60  }
0x24: {  	[sflag:s20] =	ssyncset.done $0x0  }
0x25: {  	[sflag:s20] =	ssyncadd.s32 $0xFFFFFFA0  }
0x26: {  	[tilespmem:s23], [sflag:$0x1] =	stream.indirect.gather [hbm4b:s4+s22], $0x80, s3, s22, $0xb8;
	[tilespmem:$0x19E00] =	vst v63  }
0x27: {  	_ = 	snop  }
0x28: {  	[tilespmem:s24], [sflag:$0x3] =	stream.linear.gather [hbm4b:s12+s3], $0x60, $0x38;
	[tilespmem:$0x19E00] =	vst v63  }
0x29: {  	_ =	swait.ge [sflag:s20], $0x60  }
0x2a: {  	[sflag:s20] =	ssyncset.done $0x0  }
0x2b: {  	[sflag:s20] =	ssyncadd.s32 $0xFFFFFFA0  }
0x2c: {  	[tilespmem:s25], [sflag:$0x3] =	stream.linear.gather [hbm4b:s13+s3], $0x60, $0x38;
	[tilespmem:$0x19E00] =	vst v63  }
0x2d: {  	_ =	swait.ge [sflag:s20], $0x60  }
0x2e: {  	[sflag:s20] =	ssyncset.done $0x0  }
0x2f: {  	[sflag:s20] =	ssyncadd.s32 $0xFFFFFFA0  }
0x30: {  	_ =	swait.ge [sflag:s26], $0x3000  }
0x31: {  	[sflag:s26] =	ssyncset.done $0x0  }
0x32: {  	[sflag:s26] =	ssyncadd.s32 $0xFFFFD000  }
0x33: {  	[spmem:s2] =	stream.indirect.scatter.add.f32 [tilespmem:s23], [sflag:$0x2], $0x80, s21, s22, $0xb8;
	[tilespmem:$0x19E00] =	vst v63  }
0x34: {  	_ = 	snop  }
0x35: {  	[tilespmem:s28], [sflag:$0x1] =	stream.indirect.gather [hbm4b:s4+s22], $0x80, s24, s22, $0xb8;
	[tilespmem:$0x19E00] =	vst v63  }
0x36: {  	_ =	swait.ge [sflag:s29], $0x3000  }
0x37: {  	[sflag:s29] =	ssyncset.done $0x0  }
0x38: {  	[sflag:s29] =	ssyncadd.s32 $0xFFFFD000  }
0x39: {  	[tilespmem:s3], [sflag:$0x3] =	stream.linear.gather [hbm4b:s14+s3], $0x60, $0x38;
	[tilespmem:$0x19E00] =	vst v63  }
0x3a: {  	_ =	swait.ge [sflag:s20], $0x60  }
0x3b: {  	[sflag:s20] =	ssyncset.done $0x0  }
0x3c: {  	[sflag:s20] =	ssyncadd.s32 $0xFFFFFFA0  }
0x3d: {  	[tilespmem:s21], [sflag:$0x3] =	stream.linear.gather [hbm4b:s15+s3], $0x60, $0x38;
	[tilespmem:$0x19E00] =	vst v63  }
0x3e: {  	_ =	swait.ge [sflag:s20], $0x60  }
0x3f: {  	[sflag:s20] =	ssyncset.done $0x0  }
0x40: {  	[sflag:s20] =	ssyncadd.s32 $0xFFFFFFA0  }
0x41: {  	_ =	swait.ge [sflag:s26], $0x3000  }
0x42: {  	[sflag:s26] =	ssyncset.done $0x0  }
0x43: {  	[sflag:s26] =	ssyncadd.s32 $0xFFFFD000  }
0x44: {  	[spmem:s2] =	stream.indirect.scatter.add.f32 [tilespmem:s28], [sflag:$0x2], $0x80, s25, s22, $0xb8;
	[tilespmem:$0x19E00] =	vst v63  }
0x45: {  	_ = 	snop  }
0x46: {  	[tilespmem:s23], [sflag:$0x1] =	stream.indirect.gather [hbm4b:s4+s22], $0x80, s3, s22, $0xb8;
	[tilespmem:$0x19E00] =	vst v63  }
0x47: {  	_ =	swait.ge [sflag:s29], $0x3000  }
0x48: {  	[sflag:s29] =	ssyncset.done $0x0  }
0x49: {  	s1 =	sadd.s32 $0x0, s19;
	[sflag:s29] =	ssyncadd.s32 $0xFFFFD000  }
0x4a: {  	[tilespmem:s24], [sflag:$0x3] =	stream.linear.gather [hbm4b:s1+s3], $0x60, $0x38;
	[tilespmem:$0x19E00] =	vst v63  }
0x4b: {  	_ =	swait.ge [sflag:s20], $0x60  }
0x4c: {  	[sflag:s20] =	ssyncset.done $0x0  }
0x4d: {  	s5 =	sadd.s32 $0x0, s18;
	[sflag:s20] =	ssyncadd.s32 $0xFFFFFFA0  }
0x4e: {  	[tilespmem:s25], [sflag:$0x3] =	stream.linear.gather [hbm4b:s5+s3], $0x60, $0x38;
	[tilespmem:$0x19E00] =	vst v63  }
0x4f: {  	_ =	swait.ge [sflag:s20], $0x60  }
0x50: {  	[sflag:s20] =	ssyncset.done $0x0  }
0x51: {  	[sflag:s20] =	ssyncadd.s32 $0xFFFFFFA0  }
0x52: {  	_ =	swait.ge [sflag:s26], $0x3000  }
0x53: {  	[sflag:s26] =	ssyncset.done $0x0  }
0x54: {  	[sflag:s26] =	ssyncadd.s32 $0xFFFFD000  }
0x55: {  	[spmem:s2] =	stream.indirect.scatter.add.f32 [tilespmem:s23], [sflag:$0x2], $0x80, s21, s22, $0xb8;
	[tilespmem:$0x19E00] =	vst v63  }
0x56: {  	_ = 	snop  }
0x57: {  	[tilespmem:s28], [sflag:$0x1] =	stream.indirect.gather [hbm4b:s4+s22], $0x80, s24, s22, $0xb8;
	[tilespmem:$0x19E00] =	vst v63  }
0x58: {  	_ =	swait.ge [sflag:s29], $0x3000  }
0x59: {  	[sflag:s29] =	ssyncset.done $0x0  }
0x5a: {  	s1 =	sadd.s32 $0x0, s17;
	[sflag:s29] =	ssyncadd.s32 $0xFFFFD000  }
0x5b: {  	[tilespmem:s3], [sflag:$0x3] =	stream.linear.gather [hbm4b:s1+s3], $0x60, $0x38;
	[tilespmem:$0x19E00] =	vst v63  }
0x5c: {  	_ =	swait.ge [sflag:s20], $0x60  }
0x5d: {  	[sflag:s20] =	ssyncset.done $0x0  }
0x5e: {  	s5 =	sadd.s32 $0x0, s16;
	[sflag:s20] =	ssyncadd.s32 $0xFFFFFFA0  }
0x5f: {  	[tilespmem:s21], [sflag:$0x3] =	stream.linear.gather [hbm4b:s5+s3], $0x60, $0x38;
	[tilespmem:$0x19E00] =	vst v63  }
0x60: {  	_ =	swait.ge [sflag:s20], $0x60  }
0x61: {  	[sflag:s20] =	ssyncset.done $0x0  }
0x62: {  	[sflag:s20] =	ssyncadd.s32 $0xFFFFFFA0  }
0x63: {  	_ =	swait.ge [sflag:s26], $0x3000  }
0x64: {  	[sflag:s26] =	ssyncset.done $0x0  }
0x65: {  	s0 =	simm.s32 $0x18;
	[sflag:s26] =	ssyncadd.s32 $0xFFFFD000  }
.LBB2_2:
0x66: {  	[spmem:s2] =	stream.indirect.scatter.add.f32 [tilespmem:s28], [sflag:$0x2], $0x80, s25, s22, $0xb8;
	[tilespmem:$0x19E00] =	vst v63  }
0x67: {  	p0 =	sne.s32 s0, $0x4B0;
	s1 =	smov.u32 s0;
	s0 =	sadd.s32 $0x18, s0  }
0x68: {  	[tilespmem:s23], [sflag:$0x1] =	stream.indirect.gather [hbm4b:s4+s22], $0x80, s3, s22, $0xb8;
	[tilespmem:$0x19E00] =	vst v63  }
0x69: {  	_ =	swait.ge [sflag:s29], $0x3000  }
0x6a: {  	[sflag:s29] =	ssyncset.done $0x0  }
0x6b: {  	s5 =	sadd.s32 s1, s19;
	[sflag:s29] =	ssyncadd.s32 $0xFFFFD000  }
0x6c: {  	[tilespmem:s24], [sflag:$0x3] =	stream.linear.gather [hbm4b:s5+s3], $0x60, $0x38;
	[tilespmem:$0x19E00] =	vst v63  }
0x6d: {  	_ =	swait.ge [sflag:s20], $0x60  }
0x6e: {  	[sflag:s20] =	ssyncset.done $0x0  }
0x6f: {  	s5 =	sadd.s32 s1, s18;
	[sflag:s20] =	ssyncadd.s32 $0xFFFFFFA0  }
0x70: {  	[tilespmem:s25], [sflag:$0x3] =	stream.linear.gather [hbm4b:s5+s3], $0x60, $0x38;
	[tilespmem:$0x19E00] =	vst v63  }
0x71: {  	_ =	swait.ge [sflag:s20], $0x60  }
0x72: {  	[sflag:s20] =	ssyncset.done $0x0  }
0x73: {  	[sflag:s20] =	ssyncadd.s32 $0xFFFFFFA0  }
0x74: {  	_ =	swait.ge [sflag:s26], $0x3000  }
0x75: {  	[sflag:s26] =	ssyncset.done $0x0  }
0x76: {  	[sflag:s26] =	ssyncadd.s32 $0xFFFFD000  }
0x77: {  	[spmem:s2] =	stream.indirect.scatter.add.f32 [tilespmem:s23], [sflag:$0x2], $0x80, s21, s22, $0xb8;
	[tilespmem:$0x19E00] =	vst v63  }
0x78: {  	_ = 	snop  }
0x79: {  	[tilespmem:s28], [sflag:$0x1] =	stream.indirect.gather [hbm4b:s4+s22], $0x80, s24, s22, $0xb8;
	[tilespmem:$0x19E00] =	vst v63  }
0x7a: {  	_ =	swait.ge [sflag:s29], $0x3000  }
0x7b: {  	[sflag:s29] =	ssyncset.done $0x0  }
0x7c: {  	s5 =	sadd.s32 s1, s17;
	[sflag:s29] =	ssyncadd.s32 $0xFFFFD000  }
0x7d: {  	[tilespmem:s3], [sflag:$0x3] =	stream.linear.gather [hbm4b:s5+s3], $0x60, $0x38;
	[tilespmem:$0x19E00] =	vst v63  }
0x7e: {  	_ =	swait.ge [sflag:s20], $0x60  }
0x7f: {  	[sflag:s20] =	ssyncset.done $0x0  }
0x80: {  	s1 =	sadd.s32 s1, s16;
	[sflag:s20] =	ssyncadd.s32 $0xFFFFFFA0  }
0x81: {  	[tilespmem:s21], [sflag:$0x3] =	stream.linear.gather [hbm4b:s1+s3], $0x60, $0x38;
	[tilespmem:$0x19E00] =	vst v63  }
0x82: {  	_ =	swait.ge [sflag:s20], $0x60  }
.Ltmp0:
0x83: {  	[sflag:s20] =	ssyncset.done $0x0;
	(pc) =	sbr.rel @p0 .LBB2_2-.Ltmp0, $4  }
0x84: {  	[sflag:s20] =	ssyncadd.s32 $0xFFFFFFA0  }
0x85: {  	_ =	swait.ge [sflag:s26], $0x3000  }
0x86: {  	[sflag:s26] =	ssyncset.done $0x0  }
0x87: {  	[sflag:s26] =	ssyncadd.s32 $0xFFFFD000  }
0x88: {  	[spmem:s2] =	stream.indirect.scatter.add.f32 [tilespmem:s28], [sflag:$0x2], $0x80, s25, s22, $0xb8;
	[tilespmem:$0x19E00] =	vst v63  }
0x89: {  	_ = 	snop  }
0x8a: {  	[tilespmem:s23], [sflag:$0x1] =	stream.indirect.gather [hbm4b:s4+s22], $0x80, s3, s22, $0xb8;
	[tilespmem:$0x19E00] =	vst v63  }
0x8b: {  	_ =	swait.ge [sflag:s26], $0x3000  }
0x8c: {  	[sflag:s26] =	ssyncset.done $0x0  }
0x8d: {  	[sflag:s26] =	ssyncadd.s32 $0xFFFFD000  }
0x8e: {  	_ =	swait.ge [sflag:s29], $0x3000  }
0x8f: {  	[sflag:s29] =	ssyncset.done $0x0  }
0x90: {  	[sflag:s29] =	ssyncadd.s32 $0xFFFFD000  }
0x91: {  	[spmem:s2] =	stream.indirect.scatter.add.f32 [tilespmem:s23], [sflag:$0x3], $0x80, s21, s22, $0xb8;
	[tilespmem:$0x19E00] =	vst v63  }
0x92: {  	_ =	swait.ge [sflag:s20], $0x3000  }
0x93: {  	s30 =	sadd.s32 $0x1, s30;
	[sflag:s20] =	ssyncset.done $0x0  }
0x94: {  	p0 =	sne.s32 s30, s11;
	[sflag:s20] =	ssyncadd.s32 $0xFFFFD000  }
.Ltmp1:
0x95: {  	[bflag:$0x0] =	sbarrier.arrive $0xFFFF;
	(pc) =	sbr.rel @p0 .LBB2_1-.Ltmp1, $4  }
0x96: {  	[hbm:s10], [sflag:s7] =	dma.local [spmem:s31], $0x2780  }
0x97: {  	_ =	swait.ge [sflag:s20], $0x2780  }
0x98: {  	[sflag:s20] =	ssyncset.done $0x0  }
0x99: {  	[sflag:s20] =	ssyncadd.s32 $0xFFFFD880  }
0x9a: {  	_ =	sfence.sel $0x180000  }
0x9b: {  	[bflag:$0x0] =	sbarrier.arrive $0xFFFF  }
0x9c: {  	_ =	strace $0x9000004D  }
0x9d: {  	s0 =	stileid.u32;
	[bflag:$0x2] =	sbarrier.arrive $0xFFFF  }
0x9e: {  	p0 =	sne.s32 s0, $0x0;
	s0 =	rddreg [dreg:$0x2]  }
0x9f: {  	s0 =	sadd.s32 @!p0 $0x100000, s0  }
0xa0: {  	[sflag:s0] =	ssyncadd.tile.s32 @!p0 $0x1;
	_ =	shalt  }
.Lfunc_end2:
_tile_overlayer_lowered:
.L_overlay_start_2:
0xa1: {  	(tag) =	ssettag $0x2  }
0xa2: {  	s0 =	rddreg [dreg:$0x0];
	s2 =	stileid.u32  }
0xa3: {  	s1 =	rddreg [dreg:$0x1];
	p0 =	sne.s32 s2, $0x0  }
0xa4: {  	s3 =	rddreg [dreg:$0x2];
	[bflag:$0x3] =	sbarrier.arrive $0xFFFF;
	s2 =	simm.s32 @!p0 $0x1C03  }
0xa5: {  	[timem:s3], [sflag:s2] =	dma.local @!p0 [hbm:s0], s1  }
0xa6: {  	s0 =	simm.s32 @!p0 $0x3  }
0xa7: {  	_ =	swait.ge @!p0 [sflag:s0], s1  }
0xa8: {  	s1 =	ssub.s32 @!p0 $0x0, s1;
	[sflag:s0] =	ssyncset.done @!p0 $0x0  }
0xa9: {  	[sflag:s0] =	ssyncadd.s32 @!p0 s1  }
0xaa: {  	[bflag:$0x3] =	sbarrier.arrive $0xFFFF  }
0xab: {  	_ =	shalt  }

// kernel: kernel.33.cloned.1.call-start
scs
__scs_entry_jumppad:
0x0: {  	(pc) =	sbr.rel $0x88, $3  }
0x1: {  	(tag) =	ssettag $0x0;
	lr =	simm.s32 $0x1  }
0x2: {  	[smem:$0x3F8E] =	sst lr;
	_ =	strace $0xD0000000  }
0x3: {  	_ = 	snop  }
0x4: {  	_ = 	snop  }
0x5: {  	_ = 	snop  }
0x6: {  	_ = 	snop  }
0x7: {  	_ = 	snop  }
__scs_overlays_trampoline_lowered:
0x8: {  	[smem:$0x3F9D] =	sst s0  }
0x9: {  	[smem:$0x3F9E] =	sst s1  }
0xa: {  	[smem:$0x3F9F] =	sst s2  }
0xb: {  	[smem:$0x3FA0] =	sst s3  }
0xc: {  	[smem:$0x3FA1] =	sst s4  }
0xd: {  	[smem:$0x3FA2] =	sst s5  }
0xe: {  	[smem:$0x3FA3] =	sst s6  }
0xf: {  	[smem:$0x3FA4] =	sst s7  }
0x10: {  	[smem:$0x3FA5] =	sst s8  }
0x11: {  	[smem:$0x3FA6] =	sst s9;
	s0 =	simm.s32 @!p0 $0x0  }
0x12: {  	s1 =	sld [smem:$0x3F8C];
	s0 =	simm.s32 @p0 $0x1  }
0x13: {  	[smem:$0x3FA7] =	sst s0;
	s0 =	simm.s32 @!p1 $0x0  }
0x14: {  	s2 =	sld [smem:$0x3F8B];
	s0 =	simm.s32 @p1 $0x1  }
0x15: {  	[smem:$0x3FA8] =	sst s0;
	s0 =	simm.s32 @!p2 $0x0  }
0x16: {  	s3 =	sld [smem:$0x3FDB];
	s0 =	simm.s32 @p2 $0x1  }
0x17: {  	s4 =	simm.s32 $0x1BF5;
	[smem:$0x3FAA] =	sst s0  }
0x18: {  	s0 =	sld [smem:$0x3F8D];
	_ =	swait.ge [sflag:s4], $0x0  }
0x19: {  	s7 =	sld [smem:$0x3F8E]  }
0x1a: {  	s8 =	sadd.s32 $0xFFFFE003, lr  }
0x1b: {  	s9 =	sadd.s32 $0xFFFFFEF7, lr;
	s5 =	simm.s32 $0xFFFFFFFF;
	p2 =	slt.u32 s8, $0xFFFFF086  }
0x1c: {  	p1 =	slt.u32 s9, $0xF7A;
	s5 =	simm.s32 @!p2 $0x0  }
0x1d: {  	s5 =	simm.s32 @p1 $0x1;
	p0 =	seq.s32 s7, s2  }
0x1e: {  	s7 =	smul.u32 @!p0 $0xF7A, s2;
	p2 =	seq.s32 @!p0 s5, $0x0  }
0x1f: {  	s9 =	smul.u32 $0xF7A, s1;
	s8 =	simm.s32 @!p0 $0x1BF5;
	p2 =	por !p2, p0  }
0x20: {  	[sflag:s8] =	ssyncset.s32 @!p0 $0xFFFFF086;
	s6 =	sadd.s32 @!p0 s3, s7;
	s7 =	simm.s32 @!p0 $0x108  }
0x21: {  	s3 =	sadd.s32 s3, s9;
	s6 =	sadd.s32 @!p0 $0x88, s6;
	s7 =	simm.s32 @p2 $0x1082  }
0x22: {  	[simem:s7], [sflag:s8] =	dma.local @!p0 [hbm:s6], $0xF7A  }
0x23: {  	s9 =	sor.u32 $0xD0000000, s2;
	s6 =	simm.s32 $0x108;
	_ =	swait.ge @!p0 [sflag:s8], $0x0  }
0x24: {  	s3 =	sadd.s32 $0x88, s3;
	s6 =	simm.s32 @!p1 $0x1082;
	[sflag:s4] =	ssyncset.s32 $0xFFFFF086  }
0x25: {  	[simem:s6], [sflag:s4] =	dma.local [hbm:s3], $0xF7A  }
0x26: {  	[smem:$0x3F8E] =	sst s1;
	(tag) =	ssettag s2;
	_ =	strace s9  }
0x27: {  	s1 =	sld [smem:$0x3F9E]  }
0x28: {  	s2 =	sld [smem:$0x3F9F]  }
0x29: {  	s4 =	sld [smem:$0x3FA1]  }
0x2a: {  	p0 =	seq.s32 s5, $0x0;
	s5 =	sld [smem:$0x3FA2]  }
0x2b: {  	s6 =	sld [smem:$0x3FA3]  }
0x2c: {  	s7 =	sld [smem:$0x3FA4]  }
0x2d: {  	s3 =	simm.s32 $0x108;
	s8 =	sld [smem:$0x3FA5]  }
0x2e: {  	s3 =	simm.s32 @!p0 $0x1082;
	s9 =	sld [smem:$0x3FA6]  }
0x2f: {  	lr =	sadd.s32 s0, s3;
	s0 =	sld [smem:$0x3F9D]  }
0x30: {  	s3 =	sld [smem:$0x3FA0]  }
0x31: {  	[smem:$0x3FA9] =	sst s10  }
0x32: {  	s10 =	sld [smem:$0x3FA7];
	_ =	sdelay $0x3  }
0x33: {  	p0 =	seq.s32 s10, $0x1;
	s10 =	sld [smem:$0x3FA9];
	_ =	sdelay $0x3  }
0x34: {  	[smem:$0x3FA9] =	sst s10  }
0x35: {  	s10 =	sld [smem:$0x3FA8];
	_ =	sdelay $0x3  }
0x36: {  	p1 =	seq.s32 s10, $0x1;
	s10 =	sld [smem:$0x3FA9];
	_ =	sdelay $0x3  }
0x37: {  	[smem:$0x3FA9] =	sst s10  }
0x38: {  	s10 =	sld [smem:$0x3FAA]  }
0x39: {  	_ = 	snop;
	(pc) =	sbr.ind lr, $3  }
0x3a: {  	_ = 	snop  }
0x3b: {  	_ = 	snop  }
0x3c: {  	p2 =	seq.s32 s10, $0x1;
	s10 =	sld [smem:$0x3FA9]  }
0x3d: {  	_ =	shalt  }
0x3e: {  	_ =	shalt  }
0x3f: {  	_ =	shalt  }
0x40: {  	_ =	shalt  }
0x41: {  	_ =	shalt  }
0x42: {  	_ =	shalt  }
0x43: {  	_ =	shalt  }
0x44: {  	_ =	shalt  }
0x45: {  	_ =	shalt  }
0x46: {  	_ =	shalt  }
0x47: {  	_ =	shalt  }
0x48: {  	_ =	shalt  }
0x49: {  	_ =	shalt  }
0x4a: {  	_ =	shalt  }
0x4b: {  	_ =	shalt  }
0x4c: {  	_ =	shalt  }
0x4d: {  	_ =	shalt  }
0x4e: {  	_ =	shalt  }
0x4f: {  	_ =	shalt  }
0x50: {  	_ =	shalt  }
0x51: {  	_ =	shalt  }
0x52: {  	_ =	shalt  }
0x53: {  	_ =	shalt  }
0x54: {  	_ =	shalt  }
0x55: {  	_ =	shalt  }
0x56: {  	_ =	shalt  }
0x57: {  	_ =	shalt  }
0x58: {  	_ =	shalt  }
0x59: {  	_ =	shalt  }
0x5a: {  	_ =	shalt  }
0x5b: {  	_ =	shalt  }
0x5c: {  	_ =	shalt  }
0x5d: {  	_ =	shalt  }
0x5e: {  	_ =	shalt  }
0x5f: {  	_ =	shalt  }
0x60: {  	_ =	shalt  }
0x61: {  	_ =	shalt  }
0x62: {  	_ =	shalt  }
0x63: {  	_ =	shalt  }
0x64: {  	_ =	shalt  }
0x65: {  	_ =	shalt  }
0x66: {  	_ =	shalt  }
0x67: {  	_ =	shalt  }
0x68: {  	_ =	shalt  }
0x69: {  	_ =	shalt  }
0x6a: {  	_ =	shalt  }
0x6b: {  	_ =	shalt  }
0x6c: {  	_ =	shalt  }
0x6d: {  	_ =	shalt  }
0x6e: {  	_ =	shalt  }
0x6f: {  	_ =	shalt  }
0x70: {  	_ =	shalt  }
0x71: {  	_ =	shalt  }
0x72: {  	_ =	shalt  }
0x73: {  	_ =	shalt  }
0x74: {  	_ =	shalt  }
0x75: {  	_ =	shalt  }
0x76: {  	_ =	shalt  }
0x77: {  	_ =	shalt  }
0x78: {  	_ =	shalt  }
0x79: {  	_ =	shalt  }
0x7a: {  	_ =	shalt  }
0x7b: {  	_ =	shalt  }
0x7c: {  	_ =	shalt  }
0x7d: {  	_ =	shalt  }
0x7e: {  	_ =	shalt  }
0x7f: {  	_ =	shalt  }
0x80: {  	_ =	shalt  }
0x81: {  	_ =	shalt  }
0x82: {  	_ =	shalt  }
0x83: {  	_ =	shalt  }
0x84: {  	_ =	shalt  }
0x85: {  	_ =	shalt  }
0x86: {  	_ =	shalt  }
0x87: {  	_ =	shalt  }
.Lfunc_end0:
.L_simem_size_0:
called_computation.5_lowered:
.L_overlay_start_0:
0x88: {  	s2 =	sld [smem:$0x3FD9]  }
0x89: {  	s3 =	sld [smem:$0x3FFE];
	_ =	sdelay $0x1  }
0x8a: {  	s1 =	srdreg.scid  }
0x8b: {  	s0 =	sand.u32 $0x1, s1  }
0x8c: {  	s17 =	sshll.u32 s0, $0xA;
	s2 =	sadd.s32 s3, s2  }
0x8d: {  	s2 =	sadd.s32 s2, s17  }
0x8e: {  	[smem:$0x3FB5] =	sst s2  }
0x8f: {  	_ = 	snop  }
0x90: {  	(tm) =	ssettm $0x1  }
0x91: {  	s18 =	sld [smem:$0x3FFB];
	_ =	sdelay $0x3  }
0x92: {  	_ =	strace s18  }
0x93: {  	s2 =	sld [smem:$0x3FFC];
	_ =	sdelay $0x3  }
0x94: {  	_ =	strace s2  }
0x95: {  	s2 =	sld [smem:$0x3FFD];
	_ =	sdelay $0x3  }
0x96: {  	_ =	strace s2  }
0x97: {  	_ =	strace $0x8FFFFFFF  }
0x98: {  	s19 =	sld [smem:$0x3FDB];
	_ =	sdelay $0x1  }
0x99: {  	s20 =	simm.s32 $_scs_section_size  }
0x9a: {  	s4 =	simm.s32 $_size__tile_overlayer_lowered;
	s5 =	simm.s32 $_tile_overlayer_lowered  }
0x9b: {  	s6 =	simm.s32 $0x1BFF;
	s21 =	sshll.u32 s5, $0x1;
	s3 =	sadd.s32 s20, s19  }
0x9c: {  	s22 =	simm.s32 $0x0;
	s4 =	sshll.u32 s4, $0x1;
	s5 =	sadd.s32 s21, s3  }
0x9d: {  	[timem:s22], [sflag:s6] =	dma.local [hbm:s5], s4  }
0x9e: {  	_ =	swait.ge [sflag:s6], s4  }
0x9f: {  	s4 =	ssub.s32 $0x0, s4;
	[sflag:s6] =	ssyncset.done $0x0  }
0xa0: {  	[sflag:s6] =	ssyncadd.s32 s4;
	_ =	sdelay $0x1  }
0xa1: {  	s23 =	simm.s32 $0x1B8B  }
0xa2: {  	_ =	swait.ge [sflag:s23], $0x1  }
0xa3: {  	[sflag:s23] =	ssyncset.done $0x0  }
0xa4: {  	[sflag:s23] =	ssyncadd.s32 $0xFFFFFFFF  }
0xa5: {  	s4 =	sld [smem:$0x0]  }
0xa6: {  	s5 =	sand.u32 $0xFFFFFFFE, s1  }
0xa7: {  	p0 =	sne.s32 s1, s5  }
0xa8: {  	s5 =	sshll.u32 @p0 s5, $0xE  }
0xa9: {  	s5 =	sadd.s32 @p0 $0x11B8D, s5;
	s6 =	sshll.u32 @p0 s4, $0x11  }
0xaa: {  	s5 =	sor.u32 @p0 s6, s5  }
0xab: {  	[sflag:s5] =	ssyncadd.remote.s32 @p0 $0x1;
	_ =	sdelay $0x1  }
0xac: {  	s5 =	simm.s32 @p0 $0x1B8D  }
0xad: {  	_ =	swait.eq @p0 [sflag:s5], $0x1  }
0xae: {  	[sflag:s5] =	ssyncadd.s32 @p0 $0xFFFFFFFF  }
0xaf: {  	s6 =	sshll.u32 @!p0 s1, $0xE  }
0xb0: {  	s6 =	sor.u32 @!p0 $0x4000, s6;
	s5 =	simm.s32 @!p0 $0x1B8D  }
0xb1: {  	s4 =	sshll.u32 @!p0 s4, $0x11;
	s6 =	sadd.s32 @!p0 $0x11B8D, s6;
	_ =	swait.eq @!p0 [sflag:s5], $0x1  }
0xb2: {  	s4 =	sor.u32 @!p0 s4, s6;
	[sflag:s5] =	ssyncadd.s32 @!p0 $0xFFFFFFFF  }
0xb3: {  	s25 =	simm.s32 $0x1B8E;
	s24 =	sld [smem:$0x3FFE];
	[sflag:s4] =	ssyncadd.remote.s32 @!p0 $0x1  }
0xb4: {  	s26 =	simm.s32 $execute0_lowered;
	[smem:$0x3FD2] =	sst s25  }
0xb5: {  	s5 =	sshll.u32 s26, $0x1;
	_ =	strace $0x80000052;
	[dreg:$0x1] =	wrdreg $0xFFFFFFFF  }
0xb6: {  	s28 =	simm.s32 $_size_execute0_lowered;
	s3 =	sadd.s32 s3, s5;
	[dreg:$0x0] =	wrdreg $0x0  }
0xb7: {  	s5 =	sshll.u32 s28, $0x1;
	[dreg:$0x2] =	wrdreg s3  }
0xb8: {  	[dreg:$0x3] =	wrdreg s5  }
0xb9: {  	[dreg:$0x4] =	wrdreg $0xC0  }
0xba: {  	_ =	task [dreg:s22], $0x5FFFF  }
0xbb: {  	[dreg:$0x1] =	wrdreg $0xFFFFFFFF  }
0xbc: {  	[dreg:$0x0] =	wrdreg $0x60  }
0xbd: {  	[dreg:$0x2] =	wrdreg s24  }
0xbe: {  	[dreg:$0x3] =	wrdreg $0x62000  }
0xbf: {  	[dreg:$0x4] =	wrdreg $0xA  }
0xc0: {  	_ =	task.clear_ibuf [dreg:s22], $0x5FFFF;
	_ =	strace $0x90000052  }
0xc1: {  	s29 =	simm.s32 $0xA;
	_ =	strace $0x80000054  }
0xc2: {  	_ =	swait.ge [sflag:s29], $0x1  }
0xc3: {  	[sflag:s29] =	ssyncadd.s32 $0xFFFFFFFF  }
0xc4: {  	_ =	strace $0x90000054  }
0xc5: {  	_ =	sfence  }
0xc6: {  	s30 =	sld [smem:$0x0];
	_ =	sdelay $0x2  }
0xc7: {  	s31 =	sshll.u32 s1, $0xD;
	s1 =	sshrl.u32 s1, $0x2  }
0xc8: {  	s4 =	sand.u32 $0x4000, s31;
	s1 =	sadd.s32 s1, s30  }
0xc9: {  	s0 =	sor.u32 s4, s0;
	s1 =	sshll.u32 s1, $0x11  }
0xca: {  	s0 =	sor.u32 s1, s0  }
0xcb: {  	s0 =	sadd.s32 $0x8F2B, s0  }
0xcc: {  	[sflag:s0] =	ssyncadd.remote.s32 $0x1  }
0xcd: {  	_ =	sfence.sel $0xFFFF  }
0xce: {  	[dreg:$0x0] =	wrdreg $0xFFFFFFFF;
	(pc) =	sbr.abs _section_cstart, $3  }
0xcf: {  	[dreg:$0x1] =	wrdreg $0xFFFFFFFF  }
0xd0: {  	_ =	task.clear_ibuf [dreg:s22], $0x2FFFF;
	_ =	strace $0x9FFFFFFF  }
0xd1: {  	(tm) =	ssettm $0x7FFFFFFF  }
tec
execute0_lowered:
.L_overlay_start_1:
0x0: {  	(tag) =	ssettag $0x1  }
0x1: {  	s0 =	rddreg [dreg:$0x0]  }
0x2: {  	s2 =	rddreg [dreg:$0x1];
	s1 =	stileid.u32  }
0x3: {  	s4 =	srdreg.scid;
	s3 =	simm.s32 $0x0;
	s28 =	simm.s32 $0x3200  }
0x4: {  	s29 =	simm.s32 $0x2;
	s30 =	simm.s32 $0x0;
	s5 =	smul.u32 $0x13C00, s1  }
0x5: {  	s8 =	sand.u32 $0x1, s4;
	[smem:$0x7FF] =	sst s3;
	s9 =	smul.u32 $0x4F000, s1  }
0x6: {  	s4 =	sadd.s32 $0x6BA00, s0;
	s19 =	sadd.s32 $0x1CA00, s0;
	s15 =	smul.u32 $0x2760, s1  }
0x7: {  	s18 =	sadd.s32 $0x26800, s0;
	s24 =	sshll.u32 s1, $0x6;
	s6 =	smul.u32 $0x13C000, s8  }
0x8: {  	_ =	strace $0x80000053;
	s20 =	ssub.s32 $0x2, s8;
	s10 =	sshll.u32 s8, $0x4  }
0x9: {  	s14 =	smul.u32 $0x27600, s8;
	s7 =	sshrl.u32 s5, $0x3;
	s21 =	sshrl.u32 s20, $0x1  }
0xa: {  	s10 =	sor.u32 s1, s10;
	s22 =	sshrl.u32 s9, $0x2;
	s5 =	sadd.s32 s5, s6  }
0xb: {  	s17 =	sadd.s32 s7, s0;
	s11 =	ssub.s32 s20, s21;
	s23 =	smul.u32 $0x2760, s10  }
0xc: {  	s7 =	sor.u32 $0x1C03, s24;
	s21 =	simm.s32 $0x80;
	s24 =	simm.s32 $0x100  }
0xd: {  	s5 =	sshrl.u32 s5, $0x3;
	s6 =	sadd.s32 $0x92C00, s17;
	s11 =	smax.u32 s11, $0x1  }
0xe: {  	s17 =	sadd.s32 s15, s14;
	s0 =	sadd.s32 s5, s0;
	s5 =	sadd.s32 s22, s2  }
0xf: {  	s13 =	sshrl.u32 s23, $0x3;
	s26 =	sadd.s32 $0x180, s17;
	s20 =	sadd.s32 $0x120, s17  }
0x10: {  	s22 =	simm.s32 $0x60;
	s23 =	simm.s32 $0x200;
	[dreg:$0x3] =	wrdreg s5  }
0x11: {  	s8 =	sadd.s32 s19, s13;
	s9 =	sadd.s32 s18, s13;
	s10 =	sadd.s32 $0xBA400, s0  }
0x12: {  	s25 =	sadd.s32 $0xC, s13;
	s16 =	sadd.s32 $0x18, s13;
	s0 =	sshrl.u32 s26, $0x3  }
0x13: {  	s31 =	sshrl.u32 s20, $0x3;
	s20 =	simm.s32 $0x3;
	s26 =	simm.s32 $0x1  }
0x14: {  	s12 =	sadd.s32 s19, s25;
	s13 =	sadd.s32 s18, s25;
	s14 =	sadd.s32 s19, s16  }
0x15: {  	s15 =	sadd.s32 s18, s16;
	s16 =	sadd.s32 s0, s18;
	s17 =	sadd.s32 s0, s19  }
0x16: {  	s18 =	sadd.s32 s31, s18;
	s19 =	sadd.s32 s31, s19;
	s25 =	simm.s32 $0x180  }
.LBB2_1:
0x17: {  	s0 =	rddreg [dreg:$0x3]  }
0x18: {  	s31 =	sshrl.u32 s0, $0x3  }
0x19: {  	[spmem:s31], [sflag:s7] =	dma.local [hbm:s6], $0x2780  }
0x1a: {  	_ =	swait.ge [sflag:s20], $0x2780  }
0x1b: {  	[sflag:s20] =	ssyncset.done $0x0  }
0x1c: {  	[sflag:s20] =	ssyncadd.s32 $0xFFFFD880  }
0x1d: {  	[bflag:$0x0] =	sbarrier.arrive $0xFFFF  }
0x1e: {  	[tilespmem:s3], [sflag:$0x3] =	stream.linear.gather [hbm4b:s8+s3], $0x60, $0x38;
	[tilespmem:$0x19E00] =	vst v63  }
0x1f: {  	_ =	swait.ge [sflag:s20], $0x60  }
0x20: {  	[sflag:s20] =	ssyncset.done $0x0  }
0x21: {  	[sflag:s20] =	ssyncadd.s32 $0xFFFFFFA0  }
0x22: {  	[tilespmem:s21], [sflag:$0x3] =	stream.linear.gather [hbm4b:s9+s3], $0x60, $0x38;
	[tilespmem:$0x19E00] =	vst v63  }
0x23: {  	_ =	swait.ge [sflag:s20], $0x60  }
0x24: {  	[sflag:s20] =	ssyncset.done $0x0  }
0x25: {  	[sflag:s20] =	ssyncadd.s32 $0xFFFFFFA0  }
0x26: {  	[tilespmem:s23], [sflag:$0x1] =	stream.indirect.gather [hbm4b:s4+s22], $0x80, s3, s22, $0xb8;
	[tilespmem:$0x19E00] =	vst v63  }
0x27: {  	_ = 	snop  }
0x28: {  	[tilespmem:s24], [sflag:$0x3] =	stream.linear.gather [hbm4b:s12+s3], $0x60, $0x38;
	[tilespmem:$0x19E00] =	vst v63  }
0x29: {  	_ =	swait.ge [sflag:s20], $0x60  }
0x2a: {  	[sflag:s20] =	ssyncset.done $0x0  }
0x2b: {  	[sflag:s20] =	ssyncadd.s32 $0xFFFFFFA0  }
0x2c: {  	[tilespmem:s25], [sflag:$0x3] =	stream.linear.gather [hbm4b:s13+s3], $0x60, $0x38;
	[tilespmem:$0x19E00] =	vst v63  }
0x2d: {  	_ =	swait.ge [sflag:s20], $0x60  }
0x2e: {  	[sflag:s20] =	ssyncset.done $0x0  }
0x2f: {  	[sflag:s20] =	ssyncadd.s32 $0xFFFFFFA0  }
0x30: {  	_ =	swait.ge [sflag:s26], $0x3000  }
0x31: {  	[sflag:s26] =	ssyncset.done $0x0  }
0x32: {  	[sflag:s26] =	ssyncadd.s32 $0xFFFFD000  }
0x33: {  	[spmem:s2] =	stream.indirect.scatter.add.f32 [tilespmem:s23], [sflag:$0x2], $0x80, s21, s22, $0xb8;
	[tilespmem:$0x19E00] =	vst v63  }
0x34: {  	_ = 	snop  }
0x35: {  	[tilespmem:s28], [sflag:$0x1] =	stream.indirect.gather [hbm4b:s4+s22], $0x80, s24, s22, $0xb8;
	[tilespmem:$0x19E00] =	vst v63  }
0x36: {  	_ =	swait.ge [sflag:s29], $0x3000  }
0x37: {  	[sflag:s29] =	ssyncset.done $0x0  }
0x38: {  	[sflag:s29] =	ssyncadd.s32 $0xFFFFD000  }
0x39: {  	[tilespmem:s3], [sflag:$0x3] =	stream.linear.gather [hbm4b:s14+s3], $0x60, $0x38;
	[tilespmem:$0x19E00] =	vst v63  }
0x3a: {  	_ =	swait.ge [sflag:s20], $0x60  }
0x3b: {  	[sflag:s20] =	ssyncset.done $0x0  }
0x3c: {  	[sflag:s20] =	ssyncadd.s32 $0xFFFFFFA0  }
0x3d: {  	[tilespmem:s21], [sflag:$0x3] =	stream.linear.gather [hbm4b:s15+s3], $0x60, $0x38;
	[tilespmem:$0x19E00] =	vst v63  }
0x3e: {  	_ =	swait.ge [sflag:s20], $0x60  }
0x3f: {  	[sflag:s20] =	ssyncset.done $0x0  }
0x40: {  	[sflag:s20] =	ssyncadd.s32 $0xFFFFFFA0  }
0x41: {  	_ =	swait.ge [sflag:s26], $0x3000  }
0x42: {  	[sflag:s26] =	ssyncset.done $0x0  }
0x43: {  	[sflag:s26] =	ssyncadd.s32 $0xFFFFD000  }
0x44: {  	[spmem:s2] =	stream.indirect.scatter.add.f32 [tilespmem:s28], [sflag:$0x2], $0x80, s25, s22, $0xb8;
	[tilespmem:$0x19E00] =	vst v63  }
0x45: {  	_ = 	snop  }
0x46: {  	[tilespmem:s23], [sflag:$0x1] =	stream.indirect.gather [hbm4b:s4+s22], $0x80, s3, s22, $0xb8;
	[tilespmem:$0x19E00] =	vst v63  }
0x47: {  	_ =	swait.ge [sflag:s29], $0x3000  }
0x48: {  	[sflag:s29] =	ssyncset.done $0x0  }
0x49: {  	s1 =	sadd.s32 $0x0, s19;
	[sflag:s29] =	ssyncadd.s32 $0xFFFFD000  }
0x4a: {  	[tilespmem:s24], [sflag:$0x3] =	stream.linear.gather [hbm4b:s1+s3], $0x60, $0x38;
	[tilespmem:$0x19E00] =	vst v63  }
0x4b: {  	_ =	swait.ge [sflag:s20], $0x60  }
0x4c: {  	[sflag:s20] =	ssyncset.done $0x0  }
0x4d: {  	s5 =	sadd.s32 $0x0, s18;
	[sflag:s20] =	ssyncadd.s32 $0xFFFFFFA0  }
0x4e: {  	[tilespmem:s25], [sflag:$0x3] =	stream.linear.gather [hbm4b:s5+s3], $0x60, $0x38;
	[tilespmem:$0x19E00] =	vst v63  }
0x4f: {  	_ =	swait.ge [sflag:s20], $0x60  }
0x50: {  	[sflag:s20] =	ssyncset.done $0x0  }
0x51: {  	[sflag:s20] =	ssyncadd.s32 $0xFFFFFFA0  }
0x52: {  	_ =	swait.ge [sflag:s26], $0x3000  }
0x53: {  	[sflag:s26] =	ssyncset.done $0x0  }
0x54: {  	[sflag:s26] =	ssyncadd.s32 $0xFFFFD000  }
0x55: {  	[spmem:s2] =	stream.indirect.scatter.add.f32 [tilespmem:s23], [sflag:$0x2], $0x80, s21, s22, $0xb8;
	[tilespmem:$0x19E00] =	vst v63  }
0x56: {  	_ = 	snop  }
0x57: {  	[tilespmem:s28], [sflag:$0x1] =	stream.indirect.gather [hbm4b:s4+s22], $0x80, s24, s22, $0xb8;
	[tilespmem:$0x19E00] =	vst v63  }
0x58: {  	_ =	swait.ge [sflag:s29], $0x3000  }
0x59: {  	[sflag:s29] =	ssyncset.done $0x0  }
0x5a: {  	s1 =	sadd.s32 $0x0, s17;
	[sflag:s29] =	ssyncadd.s32 $0xFFFFD000  }
0x5b: {  	[tilespmem:s3], [sflag:$0x3] =	stream.linear.gather [hbm4b:s1+s3], $0x60, $0x38;
	[tilespmem:$0x19E00] =	vst v63  }
0x5c: {  	_ =	swait.ge [sflag:s20], $0x60  }
0x5d: {  	[sflag:s20] =	ssyncset.done $0x0  }
0x5e: {  	s5 =	sadd.s32 $0x0, s16;
	[sflag:s20] =	ssyncadd.s32 $0xFFFFFFA0  }
0x5f: {  	[tilespmem:s21], [sflag:$0x3] =	stream.linear.gather [hbm4b:s5+s3], $0x60, $0x38;
	[tilespmem:$0x19E00] =	vst v63  }
0x60: {  	_ =	swait.ge [sflag:s20], $0x60  }
0x61: {  	[sflag:s20] =	ssyncset.done $0x0  }
0x62: {  	[sflag:s20] =	ssyncadd.s32 $0xFFFFFFA0  }
0x63: {  	_ =	swait.ge [sflag:s26], $0x3000  }
0x64: {  	[sflag:s26] =	ssyncset.done $0x0  }
0x65: {  	s0 =	simm.s32 $0x18;
	[sflag:s26] =	ssyncadd.s32 $0xFFFFD000  }
.LBB2_2:
0x66: {  	[spmem:s2] =	stream.indirect.scatter.add.f32 [tilespmem:s28], [sflag:$0x2], $0x80, s25, s22, $0xb8;
	[tilespmem:$0x19E00] =	vst v63  }
0x67: {  	p0 =	sne.s32 s0, $0x4B0;
	s1 =	smov.u32 s0;
	s0 =	sadd.s32 $0x18, s0  }
0x68: {  	[tilespmem:s23], [sflag:$0x1] =	stream.indirect.gather [hbm4b:s4+s22], $0x80, s3, s22, $0xb8;
	[tilespmem:$0x19E00] =	vst v63  }
0x69: {  	_ =	swait.ge [sflag:s29], $0x3000  }
0x6a: {  	[sflag:s29] =	ssyncset.done $0x0  }
0x6b: {  	s5 =	sadd.s32 s1, s19;
	[sflag:s29] =	ssyncadd.s32 $0xFFFFD000  }
0x6c: {  	[tilespmem:s24], [sflag:$0x3] =	stream.linear.gather [hbm4b:s5+s3], $0x60, $0x38;
	[tilespmem:$0x19E00] =	vst v63  }
0x6d: {  	_ =	swait.ge [sflag:s20], $0x60  }
0x6e: {  	[sflag:s20] =	ssyncset.done $0x0  }
0x6f: {  	s5 =	sadd.s32 s1, s18;
	[sflag:s20] =	ssyncadd.s32 $0xFFFFFFA0  }
0x70: {  	[tilespmem:s25], [sflag:$0x3] =	stream.linear.gather [hbm4b:s5+s3], $0x60, $0x38;
	[tilespmem:$0x19E00] =	vst v63  }
0x71: {  	_ =	swait.ge [sflag:s20], $0x60  }
0x72: {  	[sflag:s20] =	ssyncset.done $0x0  }
0x73: {  	[sflag:s20] =	ssyncadd.s32 $0xFFFFFFA0  }
0x74: {  	_ =	swait.ge [sflag:s26], $0x3000  }
0x75: {  	[sflag:s26] =	ssyncset.done $0x0  }
0x76: {  	[sflag:s26] =	ssyncadd.s32 $0xFFFFD000  }
0x77: {  	[spmem:s2] =	stream.indirect.scatter.add.f32 [tilespmem:s23], [sflag:$0x2], $0x80, s21, s22, $0xb8;
	[tilespmem:$0x19E00] =	vst v63  }
0x78: {  	_ = 	snop  }
0x79: {  	[tilespmem:s28], [sflag:$0x1] =	stream.indirect.gather [hbm4b:s4+s22], $0x80, s24, s22, $0xb8;
	[tilespmem:$0x19E00] =	vst v63  }
0x7a: {  	_ =	swait.ge [sflag:s29], $0x3000  }
0x7b: {  	[sflag:s29] =	ssyncset.done $0x0  }
0x7c: {  	s5 =	sadd.s32 s1, s17;
	[sflag:s29] =	ssyncadd.s32 $0xFFFFD000  }
0x7d: {  	[tilespmem:s3], [sflag:$0x3] =	stream.linear.gather [hbm4b:s5+s3], $0x60, $0x38;
	[tilespmem:$0x19E00] =	vst v63  }
0x7e: {  	_ =	swait.ge [sflag:s20], $0x60  }
0x7f: {  	[sflag:s20] =	ssyncset.done $0x0  }
0x80: {  	s1 =	sadd.s32 s1, s16;
	[sflag:s20] =	ssyncadd.s32 $0xFFFFFFA0  }
0x81: {  	[tilespmem:s21], [sflag:$0x3] =	stream.linear.gather [hbm4b:s1+s3], $0x60, $0x38;
	[tilespmem:$0x19E00] =	vst v63  }
0x82: {  	_ =	swait.ge [sflag:s20], $0x60  }
.Ltmp0:
0x83: {  	[sflag:s20] =	ssyncset.done $0x0;
	(pc) =	sbr.rel @p0 .LBB2_2-.Ltmp0, $4  }
0x84: {  	[sflag:s20] =	ssyncadd.s32 $0xFFFFFFA0  }
0x85: {  	_ =	swait.ge [sflag:s26], $0x3000  }
0x86: {  	[sflag:s26] =	ssyncset.done $0x0  }
0x87: {  	[sflag:s26] =	ssyncadd.s32 $0xFFFFD000  }
0x88: {  	[spmem:s2] =	stream.indirect.scatter.add.f32 [tilespmem:s28], [sflag:$0x2], $0x80, s25, s22, $0xb8;
	[tilespmem:$0x19E00] =	vst v63  }
0x89: {  	_ = 	snop  }
0x8a: {  	[tilespmem:s23], [sflag:$0x1] =	stream.indirect.gather [hbm4b:s4+s22], $0x80, s3, s22, $0xb8;
	[tilespmem:$0x19E00] =	vst v63  }
0x8b: {  	_ =	swait.ge [sflag:s26], $0x3000  }
0x8c: {  	[sflag:s26] =	ssyncset.done $0x0  }
0x8d: {  	[sflag:s26] =	ssyncadd.s32 $0xFFFFD000  }
0x8e: {  	_ =	swait.ge [sflag:s29], $0x3000  }
0x8f: {  	[sflag:s29] =	ssyncset.done $0x0  }
0x90: {  	[sflag:s29] =	ssyncadd.s32 $0xFFFFD000  }
0x91: {  	[spmem:s2] =	stream.indirect.scatter.add.f32 [tilespmem:s23], [sflag:$0x3], $0x80, s21, s22, $0xb8;
	[tilespmem:$0x19E00] =	vst v63  }
0x92: {  	_ =	swait.ge [sflag:s20], $0x3000  }
0x93: {  	s30 =	sadd.s32 $0x1, s30;
	[sflag:s20] =	ssyncset.done $0x0  }
0x94: {  	p0 =	sne.s32 s30, s11;
	[sflag:s20] =	ssyncadd.s32 $0xFFFFD000  }
.Ltmp1:
0x95: {  	[bflag:$0x0] =	sbarrier.arrive $0xFFFF;
	(pc) =	sbr.rel @p0 .LBB2_1-.Ltmp1, $4  }
0x96: {  	[hbm:s10], [sflag:s7] =	dma.local [spmem:s31], $0x2780  }
0x97: {  	_ =	swait.ge [sflag:s20], $0x2780  }
0x98: {  	[sflag:s20] =	ssyncset.done $0x0  }
0x99: {  	[sflag:s20] =	ssyncadd.s32 $0xFFFFD880  }
0x9a: {  	_ =	sfence.sel $0x180000  }
0x9b: {  	[bflag:$0x0] =	sbarrier.arrive $0xFFFF  }
0x9c: {  	_ =	strace $0x90000053  }
0x9d: {  	s0 =	stileid.u32;
	[bflag:$0x2] =	sbarrier.arrive $0xFFFF  }
0x9e: {  	p0 =	sne.s32 s0, $0x0;
	s0 =	rddreg [dreg:$0x2]  }
0x9f: {  	s0 =	sadd.s32 @!p0 $0x100000, s0  }
0xa0: {  	[sflag:s0] =	ssyncadd.tile.s32 @!p0 $0x1;
	_ =	shalt  }
.Lfunc_end2:
_tile_overlayer_lowered:
.L_overlay_start_2:
0xa1: {  	(tag) =	ssettag $0x2  }
0xa2: {  	s0 =	rddreg [dreg:$0x0];
	s2 =	stileid.u32  }
0xa3: {  	s1 =	rddreg [dreg:$0x1];
	p0 =	sne.s32 s2, $0x0  }
0xa4: {  	s3 =	rddreg [dreg:$0x2];
	[bflag:$0x3] =	sbarrier.arrive $0xFFFF;
	s2 =	simm.s32 @!p0 $0x1C03  }
0xa5: {  	[timem:s3], [sflag:s2] =	dma.local @!p0 [hbm:s0], s1  }
0xa6: {  	s0 =	simm.s32 @!p0 $0x3  }
0xa7: {  	_ =	swait.ge @!p0 [sflag:s0], s1  }
0xa8: {  	s1 =	ssub.s32 @!p0 $0x0, s1;
	[sflag:s0] =	ssyncset.done @!p0 $0x0  }
0xa9: {  	[sflag:s0] =	ssyncadd.s32 @!p0 s1  }
0xaa: {  	[bflag:$0x3] =	sbarrier.arrive $0xFFFF  }
0xab: {  	_ =	shalt  }

// kernel: kernel.36.cloned.1.call-start
scs
__scs_entry_jumppad:
0x0: {  	(pc) =	sbr.rel $0x88, $3  }
0x1: {  	(tag) =	ssettag $0x0;
	lr =	simm.s32 $0x1  }
0x2: {  	[smem:$0x3F8E] =	sst lr;
	_ =	strace $0xD0000000  }
0x3: {  	_ = 	snop  }
0x4: {  	_ = 	snop  }
0x5: {  	_ = 	snop  }
0x6: {  	_ = 	snop  }
0x7: {  	_ = 	snop  }
__scs_overlays_trampoline_lowered:
0x8: {  	[smem:$0x3F9D] =	sst s0  }
0x9: {  	[smem:$0x3F9E] =	sst s1  }
0xa: {  	[smem:$0x3F9F] =	sst s2  }
0xb: {  	[smem:$0x3FA0] =	sst s3  }
0xc: {  	[smem:$0x3FA1] =	sst s4  }
0xd: {  	[smem:$0x3FA2] =	sst s5  }
0xe: {  	[smem:$0x3FA3] =	sst s6  }
0xf: {  	[smem:$0x3FA4] =	sst s7  }
0x10: {  	[smem:$0x3FA5] =	sst s8  }
0x11: {  	[smem:$0x3FA6] =	sst s9;
	s0 =	simm.s32 @!p0 $0x0  }
0x12: {  	s1 =	sld [smem:$0x3F8C];
	s0 =	simm.s32 @p0 $0x1  }
0x13: {  	[smem:$0x3FA7] =	sst s0;
	s0 =	simm.s32 @!p1 $0x0  }
0x14: {  	s2 =	sld [smem:$0x3F8B];
	s0 =	simm.s32 @p1 $0x1  }
0x15: {  	[smem:$0x3FA8] =	sst s0;
	s0 =	simm.s32 @!p2 $0x0  }
0x16: {  	s3 =	sld [smem:$0x3FDB];
	s0 =	simm.s32 @p2 $0x1  }
0x17: {  	s4 =	simm.s32 $0x1BF5;
	[smem:$0x3FAA] =	sst s0  }
0x18: {  	s0 =	sld [smem:$0x3F8D];
	_ =	swait.ge [sflag:s4], $0x0  }
0x19: {  	s7 =	sld [smem:$0x3F8E]  }
0x1a: {  	s8 =	sadd.s32 $0xFFFFE003, lr  }
0x1b: {  	s9 =	sadd.s32 $0xFFFFFEF7, lr;
	s5 =	simm.s32 $0xFFFFFFFF;
	p2 =	slt.u32 s8, $0xFFFFF086  }
0x1c: {  	p1 =	slt.u32 s9, $0xF7A;
	s5 =	simm.s32 @!p2 $0x0  }
0x1d: {  	s5 =	simm.s32 @p1 $0x1;
	p0 =	seq.s32 s7, s2  }
0x1e: {  	s7 =	smul.u32 @!p0 $0xF7A, s2;
	p2 =	seq.s32 @!p0 s5, $0x0  }
0x1f: {  	s9 =	smul.u32 $0xF7A, s1;
	s8 =	simm.s32 @!p0 $0x1BF5;
	p2 =	por !p2, p0  }
0x20: {  	[sflag:s8] =	ssyncset.s32 @!p0 $0xFFFFF086;
	s6 =	sadd.s32 @!p0 s3, s7;
	s7 =	simm.s32 @!p0 $0x108  }
0x21: {  	s3 =	sadd.s32 s3, s9;
	s6 =	sadd.s32 @!p0 $0x88, s6;
	s7 =	simm.s32 @p2 $0x1082  }
0x22: {  	[simem:s7], [sflag:s8] =	dma.local @!p0 [hbm:s6], $0xF7A  }
0x23: {  	s9 =	sor.u32 $0xD0000000, s2;
	s6 =	simm.s32 $0x108;
	_ =	swait.ge @!p0 [sflag:s8], $0x0  }
0x24: {  	s3 =	sadd.s32 $0x88, s3;
	s6 =	simm.s32 @!p1 $0x1082;
	[sflag:s4] =	ssyncset.s32 $0xFFFFF086  }
0x25: {  	[simem:s6], [sflag:s4] =	dma.local [hbm:s3], $0xF7A  }
0x26: {  	[smem:$0x3F8E] =	sst s1;
	(tag) =	ssettag s2;
	_ =	strace s9  }
0x27: {  	s1 =	sld [smem:$0x3F9E]  }
0x28: {  	s2 =	sld [smem:$0x3F9F]  }
0x29: {  	s4 =	sld [smem:$0x3FA1]  }
0x2a: {  	p0 =	seq.s32 s5, $0x0;
	s5 =	sld [smem:$0x3FA2]  }
0x2b: {  	s6 =	sld [smem:$0x3FA3]  }
0x2c: {  	s7 =	sld [smem:$0x3FA4]  }
0x2d: {  	s3 =	simm.s32 $0x108;
	s8 =	sld [smem:$0x3FA5]  }
0x2e: {  	s3 =	simm.s32 @!p0 $0x1082;
	s9 =	sld [smem:$0x3FA6]  }
0x2f: {  	lr =	sadd.s32 s0, s3;
	s0 =	sld [smem:$0x3F9D]  }
0x30: {  	s3 =	sld [smem:$0x3FA0]  }
0x31: {  	[smem:$0x3FA9] =	sst s10  }
0x32: {  	s10 =	sld [smem:$0x3FA7];
	_ =	sdelay $0x3  }
0x33: {  	p0 =	seq.s32 s10, $0x1;
	s10 =	sld [smem:$0x3FA9];
	_ =	sdelay $0x3  }
0x34: {  	[smem:$0x3FA9] =	sst s10  }
0x35: {  	s10 =	sld [smem:$0x3FA8];
	_ =	sdelay $0x3  }
0x36: {  	p1 =	seq.s32 s10, $0x1;
	s10 =	sld [smem:$0x3FA9];
	_ =	sdelay $0x3  }
0x37: {  	[smem:$0x3FA9] =	sst s10  }
0x38: {  	s10 =	sld [smem:$0x3FAA]  }
0x39: {  	_ = 	snop;
	(pc) =	sbr.ind lr, $3  }
0x3a: {  	_ = 	snop  }
0x3b: {  	_ = 	snop  }
0x3c: {  	p2 =	seq.s32 s10, $0x1;
	s10 =	sld [smem:$0x3FA9]  }
0x3d: {  	_ =	shalt  }
0x3e: {  	_ =	shalt  }
0x3f: {  	_ =	shalt  }
0x40: {  	_ =	shalt  }
0x41: {  	_ =	shalt  }
0x42: {  	_ =	shalt  }
0x43: {  	_ =	shalt  }
0x44: {  	_ =	shalt  }
0x45: {  	_ =	shalt  }
0x46: {  	_ =	shalt  }
0x47: {  	_ =	shalt  }
0x48: {  	_ =	shalt  }
0x49: {  	_ =	shalt  }
0x4a: {  	_ =	shalt  }
0x4b: {  	_ =	shalt  }
0x4c: {  	_ =	shalt  }
0x4d: {  	_ =	shalt  }
0x4e: {  	_ =	shalt  }
0x4f: {  	_ =	shalt  }
0x50: {  	_ =	shalt  }
0x51: {  	_ =	shalt  }
0x52: {  	_ =	shalt  }
0x53: {  	_ =	shalt  }
0x54: {  	_ =	shalt  }
0x55: {  	_ =	shalt  }
0x56: {  	_ =	shalt  }
0x57: {  	_ =	shalt  }
0x58: {  	_ =	shalt  }
0x59: {  	_ =	shalt  }
0x5a: {  	_ =	shalt  }
0x5b: {  	_ =	shalt  }
0x5c: {  	_ =	shalt  }
0x5d: {  	_ =	shalt  }
0x5e: {  	_ =	shalt  }
0x5f: {  	_ =	shalt  }
0x60: {  	_ =	shalt  }
0x61: {  	_ =	shalt  }
0x62: {  	_ =	shalt  }
0x63: {  	_ =	shalt  }
0x64: {  	_ =	shalt  }
0x65: {  	_ =	shalt  }
0x66: {  	_ =	shalt  }
0x67: {  	_ =	shalt  }
0x68: {  	_ =	shalt  }
0x69: {  	_ =	shalt  }
0x6a: {  	_ =	shalt  }
0x6b: {  	_ =	shalt  }
0x6c: {  	_ =	shalt  }
0x6d: {  	_ =	shalt  }
0x6e: {  	_ =	shalt  }
0x6f: {  	_ =	shalt  }
0x70: {  	_ =	shalt  }
0x71: {  	_ =	shalt  }
0x72: {  	_ =	shalt  }
0x73: {  	_ =	shalt  }
0x74: {  	_ =	shalt  }
0x75: {  	_ =	shalt  }
0x76: {  	_ =	shalt  }
0x77: {  	_ =	shalt  }
0x78: {  	_ =	shalt  }
0x79: {  	_ =	shalt  }
0x7a: {  	_ =	shalt  }
0x7b: {  	_ =	shalt  }
0x7c: {  	_ =	shalt  }
0x7d: {  	_ =	shalt  }
0x7e: {  	_ =	shalt  }
0x7f: {  	_ =	shalt  }
0x80: {  	_ =	shalt  }
0x81: {  	_ =	shalt  }
0x82: {  	_ =	shalt  }
0x83: {  	_ =	shalt  }
0x84: {  	_ =	shalt  }
0x85: {  	_ =	shalt  }
0x86: {  	_ =	shalt  }
0x87: {  	_ =	shalt  }
.Lfunc_end0:
.L_simem_size_0:
called_computation.6_lowered:
.L_overlay_start_0:
0x88: {  	s2 =	sld [smem:$0x3FD9]  }
0x89: {  	s3 =	sld [smem:$0x3FFE];
	_ =	sdelay $0x1  }
0x8a: {  	s1 =	srdreg.scid  }
0x8b: {  	s0 =	sand.u32 $0x1, s1  }
0x8c: {  	s17 =	sshll.u32 s0, $0xA;
	s2 =	sadd.s32 s3, s2  }
0x8d: {  	s2 =	sadd.s32 s2, s17  }
0x8e: {  	[smem:$0x3FB5] =	sst s2  }
0x8f: {  	_ = 	snop  }
0x90: {  	(tm) =	ssettm $0x1  }
0x91: {  	s18 =	sld [smem:$0x3FFB];
	_ =	sdelay $0x3  }
0x92: {  	_ =	strace s18  }
0x93: {  	s2 =	sld [smem:$0x3FFC];
	_ =	sdelay $0x3  }
0x94: {  	_ =	strace s2  }
0x95: {  	s2 =	sld [smem:$0x3FFD];
	_ =	sdelay $0x3  }
0x96: {  	_ =	strace s2  }
0x97: {  	_ =	strace $0x8FFFFFFF  }
0x98: {  	s19 =	sld [smem:$0x3FDB];
	_ =	sdelay $0x1  }
0x99: {  	s20 =	simm.s32 $_scs_section_size  }
0x9a: {  	s4 =	simm.s32 $_size__tile_overlayer_lowered;
	s5 =	simm.s32 $_tile_overlayer_lowered  }
0x9b: {  	s6 =	simm.s32 $0x1BFF;
	s21 =	sshll.u32 s5, $0x1;
	s3 =	sadd.s32 s20, s19  }
0x9c: {  	s22 =	simm.s32 $0x0;
	s4 =	sshll.u32 s4, $0x1;
	s5 =	sadd.s32 s21, s3  }
0x9d: {  	[timem:s22], [sflag:s6] =	dma.local [hbm:s5], s4  }
0x9e: {  	_ =	swait.ge [sflag:s6], s4  }
0x9f: {  	s4 =	ssub.s32 $0x0, s4;
	[sflag:s6] =	ssyncset.done $0x0  }
0xa0: {  	[sflag:s6] =	ssyncadd.s32 s4;
	_ =	sdelay $0x1  }
0xa1: {  	s23 =	simm.s32 $0x1B8B  }
0xa2: {  	_ =	swait.ge [sflag:s23], $0x1  }
0xa3: {  	[sflag:s23] =	ssyncset.done $0x0  }
0xa4: {  	[sflag:s23] =	ssyncadd.s32 $0xFFFFFFFF  }
0xa5: {  	s4 =	sld [smem:$0x0]  }
0xa6: {  	s5 =	sand.u32 $0xFFFFFFFE, s1  }
0xa7: {  	p0 =	sne.s32 s1, s5  }
0xa8: {  	s5 =	sshll.u32 @p0 s5, $0xE  }
0xa9: {  	s5 =	sadd.s32 @p0 $0x11B8D, s5;
	s6 =	sshll.u32 @p0 s4, $0x11  }
0xaa: {  	s5 =	sor.u32 @p0 s6, s5  }
0xab: {  	[sflag:s5] =	ssyncadd.remote.s32 @p0 $0x1;
	_ =	sdelay $0x1  }
0xac: {  	s5 =	simm.s32 @p0 $0x1B8D  }
0xad: {  	_ =	swait.eq @p0 [sflag:s5], $0x1  }
0xae: {  	[sflag:s5] =	ssyncadd.s32 @p0 $0xFFFFFFFF  }
0xaf: {  	s6 =	sshll.u32 @!p0 s1, $0xE  }
0xb0: {  	s6 =	sor.u32 @!p0 $0x4000, s6;
	s5 =	simm.s32 @!p0 $0x1B8D  }
0xb1: {  	s4 =	sshll.u32 @!p0 s4, $0x11;
	s6 =	sadd.s32 @!p0 $0x11B8D, s6;
	_ =	swait.eq @!p0 [sflag:s5], $0x1  }
0xb2: {  	s4 =	sor.u32 @!p0 s4, s6;
	[sflag:s5] =	ssyncadd.s32 @!p0 $0xFFFFFFFF  }
0xb3: {  	s25 =	simm.s32 $0x1B8E;
	s24 =	sld [smem:$0x3FFE];
	[sflag:s4] =	ssyncadd.remote.s32 @!p0 $0x1  }
0xb4: {  	s26 =	simm.s32 $execute0_lowered;
	[smem:$0x3FD2] =	sst s25  }
0xb5: {  	s5 =	sshll.u32 s26, $0x1;
	_ =	strace $0x80000058;
	[dreg:$0x1] =	wrdreg $0xFFFFFFFF  }
0xb6: {  	s28 =	simm.s32 $_size_execute0_lowered;
	s3 =	sadd.s32 s3, s5;
	[dreg:$0x0] =	wrdreg $0x0  }
0xb7: {  	s5 =	sshll.u32 s28, $0x1;
	[dreg:$0x2] =	wrdreg s3  }
0xb8: {  	[dreg:$0x3] =	wrdreg s5  }
0xb9: {  	[dreg:$0x4] =	wrdreg $0xC0  }
0xba: {  	_ =	task [dreg:s22], $0x5FFFF  }
0xbb: {  	[dreg:$0x1] =	wrdreg $0xFFFFFFFF  }
0xbc: {  	[dreg:$0x0] =	wrdreg $0x60  }
0xbd: {  	[dreg:$0x2] =	wrdreg s24  }
0xbe: {  	[dreg:$0x3] =	wrdreg $0x62000  }
0xbf: {  	[dreg:$0x4] =	wrdreg $0xA  }
0xc0: {  	_ =	task.clear_ibuf [dreg:s22], $0x5FFFF;
	_ =	strace $0x90000058  }
0xc1: {  	s29 =	simm.s32 $0xA;
	_ =	strace $0x8000005A  }
0xc2: {  	_ =	swait.ge [sflag:s29], $0x1  }
0xc3: {  	[sflag:s29] =	ssyncadd.s32 $0xFFFFFFFF  }
0xc4: {  	_ =	strace $0x9000005A  }
0xc5: {  	_ =	sfence  }
0xc6: {  	s30 =	sld [smem:$0x0];
	_ =	sdelay $0x2  }
0xc7: {  	s31 =	sshll.u32 s1, $0xD;
	s1 =	sshrl.u32 s1, $0x2  }
0xc8: {  	s4 =	sand.u32 $0x4000, s31;
	s1 =	sadd.s32 s1, s30  }
0xc9: {  	s0 =	sor.u32 s4, s0;
	s1 =	sshll.u32 s1, $0x11  }
0xca: {  	s0 =	sor.u32 s1, s0  }
0xcb: {  	s0 =	sadd.s32 $0x8F2B, s0  }
0xcc: {  	[sflag:s0] =	ssyncadd.remote.s32 $0x1  }
0xcd: {  	_ =	sfence.sel $0xFFFF  }
0xce: {  	[dreg:$0x0] =	wrdreg $0xFFFFFFFF;
	(pc) =	sbr.abs _section_cstart, $3  }
0xcf: {  	[dreg:$0x1] =	wrdreg $0xFFFFFFFF  }
0xd0: {  	_ =	task.clear_ibuf [dreg:s22], $0x2FFFF;
	_ =	strace $0x9FFFFFFF  }
0xd1: {  	(tm) =	ssettm $0x7FFFFFFF  }
tec
execute0_lowered:
.L_overlay_start_1:
0x0: {  	(tag) =	ssettag $0x1  }
0x1: {  	s0 =	rddreg [dreg:$0x0]  }
0x2: {  	s2 =	rddreg [dreg:$0x1];
	s1 =	stileid.u32  }
0x3: {  	s4 =	srdreg.scid;
	s3 =	simm.s32 $0x0;
	s28 =	simm.s32 $0x3200  }
0x4: {  	s29 =	simm.s32 $0x2;
	s30 =	simm.s32 $0x0;
	s5 =	smul.u32 $0x13C00, s1  }
0x5: {  	s8 =	sand.u32 $0x1, s4;
	[smem:$0x7FF] =	sst s3;
	s9 =	smul.u32 $0x4F000, s1  }
0x6: {  	s4 =	sadd.s32 $0x44200, s0;
	s19 =	sadd.s32 $0x3A400, s0;
	s15 =	smul.u32 $0x2760, s1  }
0x7: {  	s18 =	sadd.s32 $0x30600, s0;
	s24 =	sshll.u32 s1, $0x6;
	s6 =	smul.u32 $0x13C000, s8  }
0x8: {  	_ =	strace $0x80000059;
	s20 =	ssub.s32 $0x2, s8;
	s10 =	sshll.u32 s8, $0x4  }
0x9: {  	s14 =	smul.u32 $0x27600, s8;
	s7 =	sshrl.u32 s5, $0x3;
	s21 =	sshrl.u32 s20, $0x1  }
0xa: {  	s10 =	sor.u32 s1, s10;
	s22 =	sshrl.u32 s9, $0x2;
	s5 =	sadd.s32 s5, s6  }
0xb: {  	s17 =	sadd.s32 s7, s0;
	s11 =	ssub.s32 s20, s21;
	s23 =	smul.u32 $0x2760, s10  }
0xc: {  	s7 =	sor.u32 $0x1C03, s24;
	s21 =	simm.s32 $0x80;
	s24 =	simm.s32 $0x100  }
0xd: {  	s5 =	sshrl.u32 s5, $0x3;
	s6 =	sadd.s32 $0x92C00, s17;
	s11 =	smax.u32 s11, $0x1  }
0xe: {  	s17 =	sadd.s32 s15, s14;
	s0 =	sadd.s32 s5, s0;
	s5 =	sadd.s32 s22, s2  }
0xf: {  	s13 =	sshrl.u32 s23, $0x3;
	s26 =	sadd.s32 $0x180, s17;
	s20 =	sadd.s32 $0x120, s17  }
0x10: {  	s22 =	simm.s32 $0x60;
	s23 =	simm.s32 $0x200;
	[dreg:$0x3] =	wrdreg s5  }
0x11: {  	s8 =	sadd.s32 s19, s13;
	s9 =	sadd.s32 s18, s13;
	s10 =	sadd.s32 $0xBA400, s0  }
0x12: {  	s25 =	sadd.s32 $0xC, s13;
	s16 =	sadd.s32 $0x18, s13;
	s0 =	sshrl.u32 s26, $0x3  }
0x13: {  	s31 =	sshrl.u32 s20, $0x3;
	s20 =	simm.s32 $0x3;
	s26 =	simm.s32 $0x1  }
0x14: {  	s12 =	sadd.s32 s19, s25;
	s13 =	sadd.s32 s18, s25;
	s14 =	sadd.s32 s19, s16  }
0x15: {  	s15 =	sadd.s32 s18, s16;
	s16 =	sadd.s32 s0, s18;
	s17 =	sadd.s32 s0, s19  }
0x16: {  	s18 =	sadd.s32 s31, s18;
	s19 =	sadd.s32 s31, s19;
	s25 =	simm.s32 $0x180  }
.LBB2_1:
0x17: {  	s0 =	rddreg [dreg:$0x3]  }
0x18: {  	s31 =	sshrl.u32 s0, $0x3  }
0x19: {  	[spmem:s31], [sflag:s7] =	dma.local [hbm:s6], $0x2780  }
0x1a: {  	_ =	swait.ge [sflag:s20], $0x2780  }
0x1b: {  	[sflag:s20] =	ssyncset.done $0x0  }
0x1c: {  	[sflag:s20] =	ssyncadd.s32 $0xFFFFD880  }
0x1d: {  	[bflag:$0x0] =	sbarrier.arrive $0xFFFF  }
0x1e: {  	[tilespmem:s3], [sflag:$0x3] =	stream.linear.gather [hbm4b:s8+s3], $0x60, $0x38;
	[tilespmem:$0x19E00] =	vst v63  }
0x1f: {  	_ =	swait.ge [sflag:s20], $0x60  }
0x20: {  	[sflag:s20] =	ssyncset.done $0x0  }
0x21: {  	[sflag:s20] =	ssyncadd.s32 $0xFFFFFFA0  }
0x22: {  	[tilespmem:s21], [sflag:$0x3] =	stream.linear.gather [hbm4b:s9+s3], $0x60, $0x38;
	[tilespmem:$0x19E00] =	vst v63  }
0x23: {  	_ =	swait.ge [sflag:s20], $0x60  }
0x24: {  	[sflag:s20] =	ssyncset.done $0x0  }
0x25: {  	[sflag:s20] =	ssyncadd.s32 $0xFFFFFFA0  }
0x26: {  	[tilespmem:s23], [sflag:$0x1] =	stream.indirect.gather [hbm4b:s4+s22], $0x80, s3, s22, $0xb8;
	[tilespmem:$0x19E00] =	vst v63  }
0x27: {  	_ = 	snop  }
0x28: {  	[tilespmem:s24], [sflag:$0x3] =	stream.linear.gather [hbm4b:s12+s3], $0x60, $0x38;
	[tilespmem:$0x19E00] =	vst v63  }
0x29: {  	_ =	swait.ge [sflag:s20], $0x60  }
0x2a: {  	[sflag:s20] =	ssyncset.done $0x0  }
0x2b: {  	[sflag:s20] =	ssyncadd.s32 $0xFFFFFFA0  }
0x2c: {  	[tilespmem:s25], [sflag:$0x3] =	stream.linear.gather [hbm4b:s13+s3], $0x60, $0x38;
	[tilespmem:$0x19E00] =	vst v63  }
0x2d: {  	_ =	swait.ge [sflag:s20], $0x60  }
0x2e: {  	[sflag:s20] =	ssyncset.done $0x0  }
0x2f: {  	[sflag:s20] =	ssyncadd.s32 $0xFFFFFFA0  }
0x30: {  	_ =	swait.ge [sflag:s26], $0x3000  }
0x31: {  	[sflag:s26] =	ssyncset.done $0x0  }
0x32: {  	[sflag:s26] =	ssyncadd.s32 $0xFFFFD000  }
0x33: {  	[spmem:s2] =	stream.indirect.scatter.add.f32 [tilespmem:s23], [sflag:$0x2], $0x80, s21, s22, $0xb8;
	[tilespmem:$0x19E00] =	vst v63  }
0x34: {  	_ = 	snop  }
0x35: {  	[tilespmem:s28], [sflag:$0x1] =	stream.indirect.gather [hbm4b:s4+s22], $0x80, s24, s22, $0xb8;
	[tilespmem:$0x19E00] =	vst v63  }
0x36: {  	_ =	swait.ge [sflag:s29], $0x3000  }
0x37: {  	[sflag:s29] =	ssyncset.done $0x0  }
0x38: {  	[sflag:s29] =	ssyncadd.s32 $0xFFFFD000  }
0x39: {  	[tilespmem:s3], [sflag:$0x3] =	stream.linear.gather [hbm4b:s14+s3], $0x60, $0x38;
	[tilespmem:$0x19E00] =	vst v63  }
0x3a: {  	_ =	swait.ge [sflag:s20], $0x60  }
0x3b: {  	[sflag:s20] =	ssyncset.done $0x0  }
0x3c: {  	[sflag:s20] =	ssyncadd.s32 $0xFFFFFFA0  }
0x3d: {  	[tilespmem:s21], [sflag:$0x3] =	stream.linear.gather [hbm4b:s15+s3], $0x60, $0x38;
	[tilespmem:$0x19E00] =	vst v63  }
0x3e: {  	_ =	swait.ge [sflag:s20], $0x60  }
0x3f: {  	[sflag:s20] =	ssyncset.done $0x0  }
0x40: {  	[sflag:s20] =	ssyncadd.s32 $0xFFFFFFA0  }
0x41: {  	_ =	swait.ge [sflag:s26], $0x3000  }
0x42: {  	[sflag:s26] =	ssyncset.done $0x0  }
0x43: {  	[sflag:s26] =	ssyncadd.s32 $0xFFFFD000  }
0x44: {  	[spmem:s2] =	stream.indirect.scatter.add.f32 [tilespmem:s28], [sflag:$0x2], $0x80, s25, s22, $0xb8;
	[tilespmem:$0x19E00] =	vst v63  }
0x45: {  	_ = 	snop  }
0x46: {  	[tilespmem:s23], [sflag:$0x1] =	stream.indirect.gather [hbm4b:s4+s22], $0x80, s3, s22, $0xb8;
	[tilespmem:$0x19E00] =	vst v63  }
0x47: {  	_ =	swait.ge [sflag:s29], $0x3000  }
0x48: {  	[sflag:s29] =	ssyncset.done $0x0  }
0x49: {  	s1 =	sadd.s32 $0x0, s19;
	[sflag:s29] =	ssyncadd.s32 $0xFFFFD000  }
0x4a: {  	[tilespmem:s24], [sflag:$0x3] =	stream.linear.gather [hbm4b:s1+s3], $0x60, $0x38;
	[tilespmem:$0x19E00] =	vst v63  }
0x4b: {  	_ =	swait.ge [sflag:s20], $0x60  }
0x4c: {  	[sflag:s20] =	ssyncset.done $0x0  }
0x4d: {  	s5 =	sadd.s32 $0x0, s18;
	[sflag:s20] =	ssyncadd.s32 $0xFFFFFFA0  }
0x4e: {  	[tilespmem:s25], [sflag:$0x3] =	stream.linear.gather [hbm4b:s5+s3], $0x60, $0x38;
	[tilespmem:$0x19E00] =	vst v63  }
0x4f: {  	_ =	swait.ge [sflag:s20], $0x60  }
0x50: {  	[sflag:s20] =	ssyncset.done $0x0  }
0x51: {  	[sflag:s20] =	ssyncadd.s32 $0xFFFFFFA0  }
0x52: {  	_ =	swait.ge [sflag:s26], $0x3000  }
0x53: {  	[sflag:s26] =	ssyncset.done $0x0  }
0x54: {  	[sflag:s26] =	ssyncadd.s32 $0xFFFFD000  }
0x55: {  	[spmem:s2] =	stream.indirect.scatter.add.f32 [tilespmem:s23], [sflag:$0x2], $0x80, s21, s22, $0xb8;
	[tilespmem:$0x19E00] =	vst v63  }
0x56: {  	_ = 	snop  }
0x57: {  	[tilespmem:s28], [sflag:$0x1] =	stream.indirect.gather [hbm4b:s4+s22], $0x80, s24, s22, $0xb8;
	[tilespmem:$0x19E00] =	vst v63  }
0x58: {  	_ =	swait.ge [sflag:s29], $0x3000  }
0x59: {  	[sflag:s29] =	ssyncset.done $0x0  }
0x5a: {  	s1 =	sadd.s32 $0x0, s17;
	[sflag:s29] =	ssyncadd.s32 $0xFFFFD000  }
0x5b: {  	[tilespmem:s3], [sflag:$0x3] =	stream.linear.gather [hbm4b:s1+s3], $0x60, $0x38;
	[tilespmem:$0x19E00] =	vst v63  }
0x5c: {  	_ =	swait.ge [sflag:s20], $0x60  }
0x5d: {  	[sflag:s20] =	ssyncset.done $0x0  }
0x5e: {  	s5 =	sadd.s32 $0x0, s16;
	[sflag:s20] =	ssyncadd.s32 $0xFFFFFFA0  }
0x5f: {  	[tilespmem:s21], [sflag:$0x3] =	stream.linear.gather [hbm4b:s5+s3], $0x60, $0x38;
	[tilespmem:$0x19E00] =	vst v63  }
0x60: {  	_ =	swait.ge [sflag:s20], $0x60  }
0x61: {  	[sflag:s20] =	ssyncset.done $0x0  }
0x62: {  	[sflag:s20] =	ssyncadd.s32 $0xFFFFFFA0  }
0x63: {  	_ =	swait.ge [sflag:s26], $0x3000  }
0x64: {  	[sflag:s26] =	ssyncset.done $0x0  }
0x65: {  	s0 =	simm.s32 $0x18;
	[sflag:s26] =	ssyncadd.s32 $0xFFFFD000  }
.LBB2_2:
0x66: {  	[spmem:s2] =	stream.indirect.scatter.add.f32 [tilespmem:s28], [sflag:$0x2], $0x80, s25, s22, $0xb8;
	[tilespmem:$0x19E00] =	vst v63  }
0x67: {  	p0 =	sne.s32 s0, $0x4B0;
	s1 =	smov.u32 s0;
	s0 =	sadd.s32 $0x18, s0  }
0x68: {  	[tilespmem:s23], [sflag:$0x1] =	stream.indirect.gather [hbm4b:s4+s22], $0x80, s3, s22, $0xb8;
	[tilespmem:$0x19E00] =	vst v63  }
0x69: {  	_ =	swait.ge [sflag:s29], $0x3000  }
0x6a: {  	[sflag:s29] =	ssyncset.done $0x0  }
0x6b: {  	s5 =	sadd.s32 s1, s19;
	[sflag:s29] =	ssyncadd.s32 $0xFFFFD000  }
0x6c: {  	[tilespmem:s24], [sflag:$0x3] =	stream.linear.gather [hbm4b:s5+s3], $0x60, $0x38;
	[tilespmem:$0x19E00] =	vst v63  }
0x6d: {  	_ =	swait.ge [sflag:s20], $0x60  }
0x6e: {  	[sflag:s20] =	ssyncset.done $0x0  }
0x6f: {  	s5 =	sadd.s32 s1, s18;
	[sflag:s20] =	ssyncadd.s32 $0xFFFFFFA0  }
0x70: {  	[tilespmem:s25], [sflag:$0x3] =	stream.linear.gather [hbm4b:s5+s3], $0x60, $0x38;
	[tilespmem:$0x19E00] =	vst v63  }
0x71: {  	_ =	swait.ge [sflag:s20], $0x60  }
0x72: {  	[sflag:s20] =	ssyncset.done $0x0  }
0x73: {  	[sflag:s20] =	ssyncadd.s32 $0xFFFFFFA0  }
0x74: {  	_ =	swait.ge [sflag:s26], $0x3000  }
0x75: {  	[sflag:s26] =	ssyncset.done $0x0  }
0x76: {  	[sflag:s26] =	ssyncadd.s32 $0xFFFFD000  }
0x77: {  	[spmem:s2] =	stream.indirect.scatter.add.f32 [tilespmem:s23], [sflag:$0x2], $0x80, s21, s22, $0xb8;
	[tilespmem:$0x19E00] =	vst v63  }
0x78: {  	_ = 	snop  }
0x79: {  	[tilespmem:s28], [sflag:$0x1] =	stream.indirect.gather [hbm4b:s4+s22], $0x80, s24, s22, $0xb8;
	[tilespmem:$0x19E00] =	vst v63  }
0x7a: {  	_ =	swait.ge [sflag:s29], $0x3000  }
0x7b: {  	[sflag:s29] =	ssyncset.done $0x0  }
0x7c: {  	s5 =	sadd.s32 s1, s17;
	[sflag:s29] =	ssyncadd.s32 $0xFFFFD000  }
0x7d: {  	[tilespmem:s3], [sflag:$0x3] =	stream.linear.gather [hbm4b:s5+s3], $0x60, $0x38;
	[tilespmem:$0x19E00] =	vst v63  }
0x7e: {  	_ =	swait.ge [sflag:s20], $0x60  }
0x7f: {  	[sflag:s20] =	ssyncset.done $0x0  }
0x80: {  	s1 =	sadd.s32 s1, s16;
	[sflag:s20] =	ssyncadd.s32 $0xFFFFFFA0  }
0x81: {  	[tilespmem:s21], [sflag:$0x3] =	stream.linear.gather [hbm4b:s1+s3], $0x60, $0x38;
	[tilespmem:$0x19E00] =	vst v63  }
0x82: {  	_ =	swait.ge [sflag:s20], $0x60  }
.Ltmp0:
0x83: {  	[sflag:s20] =	ssyncset.done $0x0;
	(pc) =	sbr.rel @p0 .LBB2_2-.Ltmp0, $4  }
0x84: {  	[sflag:s20] =	ssyncadd.s32 $0xFFFFFFA0  }
0x85: {  	_ =	swait.ge [sflag:s26], $0x3000  }
0x86: {  	[sflag:s26] =	ssyncset.done $0x0  }
0x87: {  	[sflag:s26] =	ssyncadd.s32 $0xFFFFD000  }
0x88: {  	[spmem:s2] =	stream.indirect.scatter.add.f32 [tilespmem:s28], [sflag:$0x2], $0x80, s25, s22, $0xb8;
	[tilespmem:$0x19E00] =	vst v63  }
0x89: {  	_ = 	snop  }
0x8a: {  	[tilespmem:s23], [sflag:$0x1] =	stream.indirect.gather [hbm4b:s4+s22], $0x80, s3, s22, $0xb8;
	[tilespmem:$0x19E00] =	vst v63  }
0x8b: {  	_ =	swait.ge [sflag:s26], $0x3000  }
0x8c: {  	[sflag:s26] =	ssyncset.done $0x0  }
0x8d: {  	[sflag:s26] =	ssyncadd.s32 $0xFFFFD000  }
0x8e: {  	_ =	swait.ge [sflag:s29], $0x3000  }
0x8f: {  	[sflag:s29] =	ssyncset.done $0x0  }
0x90: {  	[sflag:s29] =	ssyncadd.s32 $0xFFFFD000  }
0x91: {  	[spmem:s2] =	stream.indirect.scatter.add.f32 [tilespmem:s23], [sflag:$0x3], $0x80, s21, s22, $0xb8;
	[tilespmem:$0x19E00] =	vst v63  }
0x92: {  	_ =	swait.ge [sflag:s20], $0x3000  }
0x93: {  	s30 =	sadd.s32 $0x1, s30;
	[sflag:s20] =	ssyncset.done $0x0  }
0x94: {  	p0 =	sne.s32 s30, s11;
	[sflag:s20] =	ssyncadd.s32 $0xFFFFD000  }
.Ltmp1:
0x95: {  	[bflag:$0x0] =	sbarrier.arrive $0xFFFF;
	(pc) =	sbr.rel @p0 .LBB2_1-.Ltmp1, $4  }
0x96: {  	[hbm:s10], [sflag:s7] =	dma.local [spmem:s31], $0x2780  }
0x97: {  	_ =	swait.ge [sflag:s20], $0x2780  }
0x98: {  	[sflag:s20] =	ssyncset.done $0x0  }
0x99: {  	[sflag:s20] =	ssyncadd.s32 $0xFFFFD880  }
0x9a: {  	_ =	sfence.sel $0x180000  }
0x9b: {  	[bflag:$0x0] =	sbarrier.arrive $0xFFFF  }
0x9c: {  	_ =	strace $0x90000059  }
0x9d: {  	s0 =	stileid.u32;
	[bflag:$0x2] =	sbarrier.arrive $0xFFFF  }
0x9e: {  	p0 =	sne.s32 s0, $0x0;
	s0 =	rddreg [dreg:$0x2]  }
0x9f: {  	s0 =	sadd.s32 @!p0 $0x100000, s0  }
0xa0: {  	[sflag:s0] =	ssyncadd.tile.s32 @!p0 $0x1;
	_ =	shalt  }
.Lfunc_end2:
_tile_overlayer_lowered:
.L_overlay_start_2:
0xa1: {  	(tag) =	ssettag $0x2  }
0xa2: {  	s0 =	rddreg [dreg:$0x0];
	s2 =	stileid.u32  }
0xa3: {  	s1 =	rddreg [dreg:$0x1];
	p0 =	sne.s32 s2, $0x0  }
0xa4: {  	s3 =	rddreg [dreg:$0x2];
	[bflag:$0x3] =	sbarrier.arrive $0xFFFF;
	s2 =	simm.s32 @!p0 $0x1C03  }
0xa5: {  	[timem:s3], [sflag:s2] =	dma.local @!p0 [hbm:s0], s1  }
0xa6: {  	s0 =	simm.s32 @!p0 $0x3  }
0xa7: {  	_ =	swait.ge @!p0 [sflag:s0], s1  }
0xa8: {  	s1 =	ssub.s32 @!p0 $0x0, s1;
	[sflag:s0] =	ssyncset.done @!p0 $0x0  }
0xa9: {  	[sflag:s0] =	ssyncadd.s32 @!p0 s1  }
0xaa: {  	[bflag:$0x3] =	sbarrier.arrive $0xFFFF  }
0xab: {  	_ =	shalt  }

</sc_bundles>
